<compile_context>
chip_gen: v7x
topology: tpu7x:2x2x1
jax: 0.10.2.dev20260603
libtpu: 0.0.44.dev20260713+nightly
codegen_flags: <defaults>
</compile_context>

<pallas_src>
import functools

import jax
import jax.numpy as jnp
from jax import lax
from jax.experimental import pallas as pl
from jax.experimental.pallas import tpu as pltpu
from jax.experimental.pallas import tpu_sc as plsc

_B, _N, _S = 16, 4096, 1024
_C1, _C2 = 256, 512
_TNK = 512
_TNM = 512
_NW = 32
_CH = 32


def _knn_body(c1t_ref, c2_ref, gi0_ref, gi1_ref, gi2_ref,
              w0_ref, w1_ref):
    b = pl.program_id(0)
    c1 = c1t_ref[0]
    c2 = c2_ref[0]
    prod = lax.dot_general(c1, c2, (((1,), (0,)), ((), ())),
                           preferred_element_type=jnp.float32)
    sq1 = jnp.sum(c1 * c1, axis=1, keepdims=True)
    sq2 = jnp.sum(c2 * c2, axis=0, keepdims=True)
    d = sq1 - 2.0 * prod + sq2
    lanes = lax.broadcasted_iota(jnp.int32, d.shape, 1)
    big = jnp.int32(2 ** 30)
    idxs, vals = [], []
    for k in range(3):
        m = jnp.min(d, axis=1, keepdims=True)
        i = jnp.min(jnp.where(d == m, lanes, big), axis=1, keepdims=True)
        idxs.append(i)
        vals.append(m)
        if k < 2:
            d = jnp.where(lanes == i, jnp.float32(jnp.inf), d)
    r0 = 1.0 / (vals[0] + 1e-8)
    r1 = 1.0 / (vals[1] + 1e-8)
    r2 = 1.0 / (vals[2] + 1e-8)
    norm = r0 + r1 + r2
    gi0_ref[0] = idxs[0] + b * _S
    gi1_ref[0] = idxs[1] + b * _S
    gi2_ref[0] = idxs[2] + b * _S
    shp = (c1.shape[0], 16)
    w0_ref[0] = jnp.broadcast_to(r0 / norm, shp)
    w1_ref[0] = jnp.broadcast_to(r1 / norm, shp)


def _knn(c1t, coord2):
    B, N, _ = c1t.shape
    S = coord2.shape[2]
    nt = N // _TNK
    return pl.pallas_call(
        _knn_body,
        grid=(B, nt),
        in_specs=[
            pl.BlockSpec((1, _TNK, 3), lambda b, i: (b, i, 0)),
            pl.BlockSpec((1, 3, S), lambda b, i: (b, 0, 0)),
        ],
        out_specs=[
            pl.BlockSpec((1, _TNK, 1), lambda b, i: (b, i, 0)),
            pl.BlockSpec((1, _TNK, 1), lambda b, i: (b, i, 0)),
            pl.BlockSpec((1, _TNK, 1), lambda b, i: (b, i, 0)),
            pl.BlockSpec((1, _TNK, 16), lambda b, i: (b, i, 0)),
            pl.BlockSpec((1, _TNK, 16), lambda b, i: (b, i, 0)),
        ],
        out_shape=[
            jax.ShapeDtypeStruct((B, N, 1), jnp.int32),
            jax.ShapeDtypeStruct((B, N, 1), jnp.int32),
            jax.ShapeDtypeStruct((B, N, 1), jnp.int32),
            jax.ShapeDtypeStruct((B, N, 16), jnp.float32),
            jax.ShapeDtypeStruct((B, N, 16), jnp.float32),
        ],
    )(c1t, coord2)


def _transpose_body(f2_ref, out_ref):
    y = f2_ref[0].T
    h = y.shape[1] // 2
    lo = lax.bitcast_convert_type(y[:, :h].astype(jnp.bfloat16), jnp.uint16)
    hi = lax.bitcast_convert_type(y[:, h:].astype(jnp.bfloat16), jnp.uint16)
    word = (lo.astype(jnp.uint32) | (hi.astype(jnp.uint32) << 16))
    out_ref[0] = lax.bitcast_convert_type(word, jnp.int32)


def _transpose_f2(feature2):
    B, C2, S = feature2.shape
    return pl.pallas_call(
        _transpose_body,
        grid=(B,),
        in_specs=[pl.BlockSpec((1, C2, S), lambda b: (b, 0, 0))],
        out_specs=pl.BlockSpec((1, S, C2 // 2), lambda b: (b, 0, 0)),
        out_shape=jax.ShapeDtypeStruct((B, S, C2 // 2), jnp.int32),
    )(feature2)


def _interp_call(f2t, gi0, gi1, gi2, w0, w1):
    P = w0.shape[0]
    CW = f2t.shape[1]
    pw = P // _NW
    nch = pw // _CH
    mesh = plsc.VectorSubcoreMesh(core_axis_name="c", subcore_axis_name="s")

    @functools.partial(
        pl.kernel,
        out_type=jax.ShapeDtypeStruct((P, CW), jnp.int32),
        mesh=mesh,
        scratch_types=[
            pltpu.VMEM((2, 3, _CH), jnp.int32),
            pltpu.VMEM((2, _CH, CW), jnp.int32),
            pltpu.VMEM((2, _CH, CW), jnp.int32),
            pltpu.VMEM((2, _CH, CW), jnp.int32),
            pltpu.VMEM((2, _CH, 16), jnp.float32),
            pltpu.VMEM((2, _CH, 16), jnp.float32),
            pltpu.SemaphoreType.DMA,
            pltpu.SemaphoreType.DMA,
        ],
    )
    def interp_k(f2t_hbm, gi0_hbm, gi1_hbm, gi2_hbm, w0_hbm, w1_hbm,
                 out_hbm, idx_v, r0_v, r1_v, r2_v, w0_v, w1_v,
                 sem0, sem1):
        wid = lax.axis_index("s") * 2 + lax.axis_index("c")
        sems = (sem0, sem1)
        gis = (gi0_hbm, gi1_hbm, gi2_hbm)
        ws = (w0_hbm, w1_hbm)
        rows = (r0_v, r1_v, r2_v)
        wv = (w0_v, w1_v)

        def issue(c, buf):
            base = wid * pw + c * _CH
            for k in range(3):
                pltpu.sync_copy(gis[k].at[pl.ds(base, _CH)],
                                idx_v.at[buf, k])
                pltpu.async_copy(f2t_hbm.at[idx_v.at[buf, k]],
                                 rows[k].at[buf], sems[buf])
            for k in range(2):
                pltpu.sync_copy(ws[k].at[pl.ds(base, _CH)], wv[k].at[buf])

        def compute(c, buf):
            base = wid * pw + c * _CH
            for k in range(3):
                pltpu.make_async_copy(f2t_hbm.at[idx_v.at[buf, k]],
                                      rows[k].at[buf], sems[buf]).wait()

            def point(p, _):
                f32 = jnp.float32
                i32 = jnp.int32
                hmask = jnp.int32(-65536)
                a0 = w0_v[buf, p]
                a1 = w1_v[buf, p]
                a2 = 1.0 - a0 - a1

                def halves(w):
                    lo = lax.bitcast_convert_type(w << 16, f32)
                    hi = lax.bitcast_convert_type(w & hmask, f32)
                    return lo, hi

                for g in range(CW // 16):
                    sl = pl.ds(g * 16, 16)
                    l0, h0 = halves(r0_v[buf, p, sl])
                    l1, h1 = halves(r1_v[buf, p, sl])
                    l2, h2 = halves(r2_v[buf, p, sl])
                    rnd = jnp.int32(32768)
                    alo = lax.bitcast_convert_type(
                        a0 * l0 + a1 * l1 + a2 * l2, i32) + rnd
                    ahi = lax.bitcast_convert_type(
                        a0 * h0 + a1 * h1 + a2 * h2, i32) + rnd
                    r0_v[buf, p, sl] = (
                        lax.shift_right_logical(alo, 16) | (ahi & hmask))
                return 0

            lax.fori_loop(0, _CH, point, 0)
            pltpu.sync_copy(r0_v.at[buf], out_hbm.at[pl.ds(base, _CH)])

        issue(0, 0)

        def pair(t, _):
            c0 = 2 * t
            issue(c0 + 1, 1)
            compute(c0, 0)

            @pl.when(c0 + 2 < nch)
            def _():
                issue(c0 + 2, 0)

            compute(c0 + 1, 1)
            return 0

        lax.fori_loop(0, nch // 2, pair, 0)

    return interp_k(f2t, gi0, gi1, gi2, w0, w1)


def _mlp1_body(f1_ref, itp_ref, w1a_ref, w1b_ref, b1_ref,
               y_ref, ps_ref, pq_ref):
    f1b = f1_ref[0].astype(jnp.bfloat16)
    w = lax.bitcast_convert_type(itp_ref[0], jnp.uint32)
    lo = lax.bitcast_convert_type(
        (w & 0xFFFF).astype(jnp.uint16), jnp.bfloat16)
    hi = lax.bitcast_convert_type(
        (w >> 16).astype(jnp.uint16), jnp.bfloat16)
    itp = jnp.concatenate([lo, hi], axis=1)
    ya = lax.dot_general(w1a_ref[...], f1b, (((1,), (0,)), ((), ())),
                         preferred_element_type=jnp.float32)
    yb = lax.dot_general(w1b_ref[...], itp, (((1,), (1,)), ((), ())),
                         preferred_element_type=jnp.float32)
    y = ya + yb + b1_ref[...]
    y_ref[0] = y
    ps_ref[0, 0] = jnp.sum(y, axis=1, keepdims=True)
    pq_ref[0, 0] = jnp.sum(y * y, axis=1, keepdims=True)


def _mlp1(feature1, interp, W1a, W1b, b1c):
    B, C1, N = feature1.shape
    C2 = interp.shape[2] * 2
    d1 = W1a.shape[0]
    nt = N // _TNM
    return pl.pallas_call(
        _mlp1_body,
        grid=(B, nt),
        in_specs=[
            pl.BlockSpec((1, C1, _TNM), lambda b, i: (b, 0, i)),
            pl.BlockSpec((1, _TNM, C2 // 2), lambda b, i: (b, i, 0)),
            pl.BlockSpec((d1, C1), lambda b, i: (0, 0)),
            pl.BlockSpec((d1, C2), lambda b, i: (0, 0)),
            pl.BlockSpec((d1, 1), lambda b, i: (0, 0)),
        ],
        out_specs=[
            pl.BlockSpec((1, d1, _TNM), lambda b, i: (b, 0, i)),
            pl.BlockSpec((1, 1, d1, 1), lambda b, i: (b, i, 0, 0)),
            pl.BlockSpec((1, 1, d1, 1), lambda b, i: (b, i, 0, 0)),
        ],
        out_shape=[
            jax.ShapeDtypeStruct((B, d1, N), jnp.float32),
            jax.ShapeDtypeStruct((B, nt, d1, 1), jnp.float32),
            jax.ShapeDtypeStruct((B, nt, d1, 1), jnp.float32),
        ],
    )(feature1, interp, W1a, W1b, b1c)


def _mlp2_body(y1_ref, sc_ref, sh_ref, w2_ref, b2_ref,
               y_ref, ps_ref, pq_ref):
    z = jnp.maximum(y1_ref[0] * sc_ref[...] + sh_ref[...], 0.0)
    y = lax.dot_general(w2_ref[...], z.astype(jnp.bfloat16),
                        (((1,), (0,)), ((), ())),
                        preferred_element_type=jnp.float32) + b2_ref[...]
    y_ref[0] = y
    ps_ref[0, 0] = jnp.sum(y, axis=1, keepdims=True)
    pq_ref[0, 0] = jnp.sum(y * y, axis=1, keepdims=True)


def _mlp2(y1, scale1, shift1, W2, b2c):
    B, d1, N = y1.shape
    d2 = W2.shape[0]
    nt = N // _TNM
    return pl.pallas_call(
        _mlp2_body,
        grid=(B, nt),
        in_specs=[
            pl.BlockSpec((1, d1, _TNM), lambda b, i: (b, 0, i)),
            pl.BlockSpec((d1, 1), lambda b, i: (0, 0)),
            pl.BlockSpec((d1, 1), lambda b, i: (0, 0)),
            pl.BlockSpec((d2, d1), lambda b, i: (0, 0)),
            pl.BlockSpec((d2, 1), lambda b, i: (0, 0)),
        ],
        out_specs=[
            pl.BlockSpec((1, d2, _TNM), lambda b, i: (b, 0, i)),
            pl.BlockSpec((1, 1, d2, 1), lambda b, i: (b, i, 0, 0)),
            pl.BlockSpec((1, 1, d2, 1), lambda b, i: (b, i, 0, 0)),
        ],
        out_shape=[
            jax.ShapeDtypeStruct((B, d2, N), jnp.float32),
            jax.ShapeDtypeStruct((B, nt, d2, 1), jnp.float32),
            jax.ShapeDtypeStruct((B, nt, d2, 1), jnp.float32),
        ],
    )(y1, scale1, shift1, W2, b2c)


def _finish_body(y2_ref, sc_ref, sh_ref, out_ref):
    out_ref[0] = jnp.maximum(y2_ref[0] * sc_ref[...] + sh_ref[...], 0.0)


def _finish(y2, scale2, shift2):
    B, d2, N = y2.shape
    nt = N // _TNM
    return pl.pallas_call(
        _finish_body,
        grid=(B, nt),
        in_specs=[
            pl.BlockSpec((1, d2, _TNM), lambda b, i: (b, 0, i)),
            pl.BlockSpec((d2, 1), lambda b, i: (0, 0)),
            pl.BlockSpec((d2, 1), lambda b, i: (0, 0)),
        ],
        out_specs=pl.BlockSpec((1, d2, _TNM), lambda b, i: (b, 0, i)),
        out_shape=jax.ShapeDtypeStruct((B, d2, N), jnp.float32),
    )(y2, scale2, shift2)


def _stats(ps, pq, g, be, count):
    s = jnp.sum(ps, axis=(0, 1))
    q = jnp.sum(pq, axis=(0, 1))
    mean = s / count
    var = q / count - mean * mean
    scale = g[:, None] * lax.rsqrt(var + 1e-5)
    shift = be[:, None] - mean * scale
    return scale, shift


def kernel(feature1, coord1, feature2, coord2, W1, b1, g1, be1, W2, b2, g2, be2):
    B, C1, N = feature1.shape
    _, C2, S = feature2.shape
    assert (B, C1, N, C2, S) == (_B, _C1, _N, _C2, _S)
    P = B * N
    d1 = W1.shape[0]
    d2 = W2.shape[0]

    c1t = jnp.transpose(coord1, (0, 2, 1))
    gi0, gi1, gi2, w0, w1 = _knn(c1t, coord2)
    f2t = _transpose_f2(feature2)

    interp_w = _interp_call(
        f2t.reshape(B * S, C2 // 2),
        gi0.reshape(P), gi1.reshape(P), gi2.reshape(P),
        w0.reshape(P, 16), w1.reshape(P, 16),
    )

    y1, ps1, pq1 = _mlp1(feature1, interp_w.reshape(B, N, C2 // 2),
                         W1[:, :C1].astype(jnp.bfloat16),
                         W1[:, C1:].astype(jnp.bfloat16), b1[:, None])
    scale1, shift1 = _stats(ps1, pq1, g1, be1, float(P))
    y2, ps2, pq2 = _mlp2(y1, scale1, shift1, W2.astype(jnp.bfloat16),
                         b2[:, None])
    scale2, shift2 = _stats(ps2, pq2, g2, be2, float(P))
    return _finish(y2, scale2, shift2)

# --- scband reference (transcript-rebuilt; emitter-appended) ---
"""Pipeline reference for scband-point-net-feature-propagation-21182778704779 (READ-ONLY COPY).

The authoritative reference and input builder live on the scoring server;
editing this copy changes nothing except your own understanding.
"""

import jax, jax.numpy as jnp
import numpy as np


def _square_distance(src, dst):
    # src [B,N,C], dst [B,S,C] -> [B,N,S]
    d = -2.0 * jnp.einsum('bnc,bsc->bns', src, dst)
    d = d + jnp.sum(src ** 2, axis=-1)[:, :, None]
    d = d + jnp.sum(dst ** 2, axis=-1)[:, None, :]
    return d


def _index_points(points, idx):
    # points [B,S,C], idx [B,N,K] -> [B,N,K,C]
    return jax.vmap(lambda p, i: p[i])(points, idx)


def _mlp_layer(x, W, b, gamma, beta):
    # Conv1d kernel_size=1 + BatchNorm1d (training mode, biased var) + ReLU
    y = jnp.einsum('oc,bcn->bon', W, x) + b[None, :, None]
    mean = jnp.mean(y, axis=(0, 2), keepdims=True)
    var = jnp.var(y, axis=(0, 2), keepdims=True)
    y = (y - mean) / jnp.sqrt(var + 1e-5)
    y = y * gamma[None, :, None] + beta[None, :, None]
    return jax.nn.relu(y)


def setup_inputs(seed: int = 0):
    key = jax.random.key(seed)
    ks = jax.random.split(key, 6)
    B, N, S = 16, 4096, 1024
    C1, C2 = 256, 512
    d0, d1, d2 = C1 + C2, 512, 512
    inp = {}
    inp['feature1'] = jax.random.normal(ks[0], (B, C1, N), dtype=jnp.float32)
    inp['coord1'] = jax.random.normal(ks[1], (B, 3, N), dtype=jnp.float32)
    inp['feature2'] = jax.random.normal(ks[2], (B, C2, S), dtype=jnp.float32)
    inp['coord2'] = jax.random.normal(ks[3], (B, 3, S), dtype=jnp.float32)
    inp['W1'] = jax.random.normal(ks[4], (d1, d0), dtype=jnp.float32) * (1.0 / np.sqrt(d0))
    inp['b1'] = jnp.zeros((d1,), dtype=jnp.float32)
    inp['g1'] = jnp.ones((d1,), dtype=jnp.float32)
    inp['be1'] = jnp.zeros((d1,), dtype=jnp.float32)
    inp['W2'] = jax.random.normal(ks[5], (d2, d1), dtype=jnp.float32) * (1.0 / np.sqrt(d1))
    inp['b2'] = jnp.zeros((d2,), dtype=jnp.float32)
    inp['g2'] = jnp.ones((d2,), dtype=jnp.float32)
    inp['be2'] = jnp.zeros((d2,), dtype=jnp.float32)
    return inp


def reference(feature1, coord1, feature2, coord2, W1, b1, g1, be1, W2, b2, g2, be2):
    c1 = jnp.transpose(coord1, (0, 2, 1))  # [B,N,3]
    c2 = jnp.transpose(coord2, (0, 2, 1))  # [B,S,3]
    f2 = jnp.transpose(feature2, (0, 2, 1))  # [B,S,C2]
    dists = _square_distance(c1, c2)  # [B,N,S]
    neg, idx = jax.lax.top_k(-dists, 3)  # 3 smallest distances
    d3 = -neg  # [B,N,3]
    dist_recip = 1.0 / (d3 + 1e-8)
    norm = jnp.sum(dist_recip, axis=2, keepdims=True)
    weight = dist_recip / norm  # [B,N,3]
    gathered = _index_points(f2, idx)  # [B,N,3,C2]
    interp = jnp.sum(gathered * weight[..., None], axis=2)  # [B,N,C2]
    f1 = jnp.transpose(feature1, (0, 2, 1))  # [B,N,C1]
    feat = jnp.concatenate([f1, interp], axis=-1)  # [B,N,C1+C2]
    x = jnp.transpose(feat, (0, 2, 1))  # [B,C,N]
    x = _mlp_layer(x, W1, b1, g1, be1)
    x = _mlp_layer(x, W2, b2, g2, be2)
    return x

if __name__ == "__main__":
    import jax
    _d = setup_inputs()
    print(jax.jit(kernel)(*tuple(_d.values())))

</pallas_src>

<mosaic_0001>
#map = affine_map<(d0, d1) -> (0, 0)>
#map1 = affine_map<(d0, d1) -> (0)>
module attributes {stable_mosaic.version = 14 : i64} {
  func.func @interp_k(%arg0: i32, %arg1: i32, %arg2: memref<16384x256xi32, #tpu.memory_space<hbm>>, %arg3: memref<65536xi32, #tpu.memory_space<hbm>>, %arg4: memref<65536xi32, #tpu.memory_space<hbm>>, %arg5: memref<65536xi32, #tpu.memory_space<hbm>>, %arg6: memref<65536x16xf32, #tpu.memory_space<hbm>>, %arg7: memref<65536x16xf32, #tpu.memory_space<hbm>>, %arg8: memref<65536x256xi32, #tpu.memory_space<hbm>>, %arg9: memref<2x3x32xi32, #tpu.memory_space<vmem>>, %arg10: memref<2x32x256xi32, #tpu.memory_space<vmem>>, %arg11: memref<2x32x256xi32, #tpu.memory_space<vmem>>, %arg12: memref<2x32x256xi32, #tpu.memory_space<vmem>>, %arg13: memref<2x32x16xf32, #tpu.memory_space<vmem>>, %arg14: memref<2x32x16xf32, #tpu.memory_space<vmem>>, %arg15: memref<!tpu.dma_semaphore, #tpu.memory_space<semaphore_mem>>, %arg16: memref<!tpu.dma_semaphore, #tpu.memory_space<semaphore_mem>>) attributes {dimension_semantics = [#tpu.dimension_semantics<core_parallel>, #tpu.dimension_semantics<subcore_parallel>], iteration_bounds = array<i64: 2, 16>, scalar_prefetch = 0 : i64, scratch_operands = 8 : i64, tpu.core_type = #tpu.core_type<sc_vector_subcore>, window_params = [{transform_indices = #map}, {transform_indices = #map1}, {transform_indices = #map1}, {transform_indices = #map1}, {transform_indices = #map}, {transform_indices = #map}, {transform_indices = #map}]} {
    %mul3A = arith.constant 2 : i32
    %mul3A_0 = arith.muli %arg1, %mul3A : i32
    %add3A = arith.addi %mul3A_0, %arg0 : i32
    %mul3A_1 = arith.constant 2048 : i32
    %mul3A_2 = arith.muli %add3A, %mul3A_1 : i32
    %add3A_3 = arith.constant 0 : i32
    %add3A_4 = arith.addi %mul3A_2, %add3A_3 : i32
    %run_scoped3A = arith.constant 0 : i32
    %run_scoped3A_5 = arith.constant 0 : i32
    "tpu.region"() ({
      %run_scoped3A_56 = tpu.sem_alloc : memref<!tpu.dma_semaphore, #tpu.memory_space<semaphore_mem>>
      %dma_start3A_57 = arith.constant 0 : i32
      %dma_start3A_58 = tpu.memref_slice %arg9[%run_scoped3A, %run_scoped3A_5, %dma_start3A_57] : memref<2x3x32xi32, #tpu.memory_space<vmem>> -> memref<1x1x32xi32, #tpu.memory_space<vmem>>
      %dma_start3A_59 = tpu.memref_squeeze %dma_start3A_58 : memref<1x1x32xi32, #tpu.memory_space<vmem>> -> memref<32xi32, #tpu.memory_space<vmem>>
      %dma_start3A_60 = tpu.memref_slice %arg3[%add3A_4] : memref<65536xi32, #tpu.memory_space<hbm>> -> memref<32xi32, #tpu.memory_space<hbm>>
      %dma_start3A_61 = arith.constant 0 : i32
      %dma_start3A_62 = tpu.memref_slice %arg9[%run_scoped3A, %run_scoped3A_5, %dma_start3A_61] : memref<2x3x32xi32, #tpu.memory_space<vmem>> -> memref<1x1x32xi32, #tpu.memory_space<vmem>>
      %dma_start3A_63 = tpu.memref_squeeze %dma_start3A_62 : memref<1x1x32xi32, #tpu.memory_space<vmem>> -> memref<32xi32, #tpu.memory_space<vmem>>
      %dma_start3A_64 = tpu.memref_slice %arg3[%add3A_4] : memref<65536xi32, #tpu.memory_space<hbm>> -> memref<32xi32, #tpu.memory_space<hbm>>
      tpu.enqueue_dma source(%dma_start3A_64 : memref<32xi32, #tpu.memory_space<hbm>>) target(%dma_start3A_63 : memref<32xi32, #tpu.memory_space<vmem>>) target_semaphore(%run_scoped3A_56 : memref<!tpu.dma_semaphore, #tpu.memory_space<semaphore_mem>>)
      %dma_wait3A = arith.constant 0 : i32
      %dma_wait3A_65 = tpu.memref_slice %arg9[%run_scoped3A, %run_scoped3A_5, %dma_wait3A] : memref<2x3x32xi32, #tpu.memory_space<vmem>> -> memref<1x1x32xi32, #tpu.memory_space<vmem>>
      %dma_wait3A_66 = tpu.memref_squeeze %dma_wait3A_65 : memref<1x1x32xi32, #tpu.memory_space<vmem>> -> memref<32xi32, #tpu.memory_space<vmem>>
      %dma_wait3A_67 = tpu.memref_slice %arg3[%add3A_4] : memref<65536xi32, #tpu.memory_space<hbm>> -> memref<32xi32, #tpu.memory_space<hbm>>
      %dma_wait3A_68 = arith.constant 0 : i32
      %dma_wait3A_69 = tpu.memref_slice %arg9[%run_scoped3A, %run_scoped3A_5, %dma_wait3A_68] : memref<2x3x32xi32, #tpu.memory_space<vmem>> -> memref<1x1x32xi32, #tpu.memory_space<vmem>>
      %dma_wait3A_70 = tpu.memref_squeeze %dma_wait3A_69 : memref<1x1x32xi32, #tpu.memory_space<vmem>> -> memref<32xi32, #tpu.memory_space<vmem>>
      %dma_wait3A_71 = tpu.memref_slice %arg3[%add3A_4] : memref<65536xi32, #tpu.memory_space<hbm>> -> memref<32xi32, #tpu.memory_space<hbm>>
      tpu.wait_dma2 semaphore(%run_scoped3A_56 : memref<!tpu.dma_semaphore, #tpu.memory_space<semaphore_mem>>) src(%dma_wait3A_71 : memref<32xi32, #tpu.memory_space<hbm>>) dst(%dma_wait3A_70 : memref<32xi32, #tpu.memory_space<vmem>>)
      tpu.yield
    }) : () -> ()
    %dma_start3A = arith.constant 0 : i32
    %dma_start3A_6 = arith.constant 0 : i32
    %dma_start3A_7 = arith.constant 0 : i32
    %dma_start3A_8 = arith.constant 0 : i32
    %dma_start3A_9 = arith.constant 0 : i32
    %dma_start3A_10 = tpu.memref_slice %arg10[%dma_start3A_7, %dma_start3A_8, %dma_start3A_9] : memref<2x32x256xi32, #tpu.memory_space<vmem>> -> memref<1x32x256xi32, #tpu.memory_space<vmem>>
    %dma_start3A_11 = tpu.memref_squeeze %dma_start3A_10 : memref<1x32x256xi32, #tpu.memory_space<vmem>> -> memref<32x256xi32, #tpu.memory_space<vmem>>
    %dma_start3A_12 = arith.constant 0 : i32
    %dma_start3A_13 = tpu.memref_slice %arg9[%dma_start3A, %dma_start3A_6, %dma_start3A_12] : memref<2x3x32xi32, #tpu.memory_space<vmem>> -> memref<1x1x32xi32, #tpu.memory_space<vmem>>
    %dma_start3A_14 = tpu.memref_squeeze %dma_start3A_13 : memref<1x1x32xi32, #tpu.memory_space<vmem>> -> memref<32xi32, #tpu.memory_space<vmem>>
    %dma_start3A_15 = arith.constant 0 : i32
    %dma_start3A_16 = arith.constant 0 : i32
    %dma_start3A_17 = tpu.memref_slice %arg2[%dma_start3A_15, %dma_start3A_16] : memref<16384x256xi32, #tpu.memory_space<hbm>> -> memref<16384x256xi32, #tpu.memory_space<hbm>>
    tpu.enqueue_indirect_dma source(%dma_start3A_17 : memref<16384x256xi32, #tpu.memory_space<hbm>>) target(%dma_start3A_11 : memref<32x256xi32, #tpu.memory_space<vmem>>) offsets(%dma_start3A_14 : memref<32xi32, #tpu.memory_space<vmem>>) semaphore(%arg15 : memref<!tpu.dma_semaphore, #tpu.memory_space<semaphore_mem>>)
    %run_scoped3A_18 = arith.constant 0 : i32
    %run_scoped3A_19 = arith.constant 1 : i32
    "tpu.region"() ({
      %run_scoped3A_56 = tpu.sem_alloc : memref<!tpu.dma_semaphore, #tpu.memory_space<semaphore_mem>>
      %dma_start3A_57 = arith.constant 0 : i32
      %dma_start3A_58 = tpu.memref_slice %arg9[%run_scoped3A_18, %run_scoped3A_19, %dma_start3A_57] : memref<2x3x32xi32, #tpu.memory_space<vmem>> -> memref<1x1x32xi32, #tpu.memory_space<vmem>>
      %dma_start3A_59 = tpu.memref_squeeze %dma_start3A_58 : memref<1x1x32xi32, #tpu.memory_space<vmem>> -> memref<32xi32, #tpu.memory_space<vmem>>
      %dma_start3A_60 = tpu.memref_slice %arg4[%add3A_4] : memref<65536xi32, #tpu.memory_space<hbm>> -> memref<32xi32, #tpu.memory_space<hbm>>
      %dma_start3A_61 = arith.constant 0 : i32
      %dma_start3A_62 = tpu.memref_slice %arg9[%run_scoped3A_18, %run_scoped3A_19, %dma_start3A_61] : memref<2x3x32xi32, #tpu.memory_space<vmem>> -> memref<1x1x32xi32, #tpu.memory_space<vmem>>
      %dma_start3A_63 = tpu.memref_squeeze %dma_start3A_62 : memref<1x1x32xi32, #tpu.memory_space<vmem>> -> memref<32xi32, #tpu.memory_space<vmem>>
      %dma_start3A_64 = tpu.memref_slice %arg4[%add3A_4] : memref<65536xi32, #tpu.memory_space<hbm>> -> memref<32xi32, #tpu.memory_space<hbm>>
      tpu.enqueue_dma source(%dma_start3A_64 : memref<32xi32, #tpu.memory_space<hbm>>) target(%dma_start3A_63 : memref<32xi32, #tpu.memory_space<vmem>>) target_semaphore(%run_scoped3A_56 : memref<!tpu.dma_semaphore, #tpu.memory_space<semaphore_mem>>)
      %dma_wait3A = arith.constant 0 : i32
      %dma_wait3A_65 = tpu.memref_slice %arg9[%run_scoped3A_18, %run_scoped3A_19, %dma_wait3A] : memref<2x3x32xi32, #tpu.memory_space<vmem>> -> memref<1x1x32xi32, #tpu.memory_space<vmem>>
      %dma_wait3A_66 = tpu.memref_squeeze %dma_wait3A_65 : memref<1x1x32xi32, #tpu.memory_space<vmem>> -> memref<32xi32, #tpu.memory_space<vmem>>
      %dma_wait3A_67 = tpu.memref_slice %arg4[%add3A_4] : memref<65536xi32, #tpu.memory_space<hbm>> -> memref<32xi32, #tpu.memory_space<hbm>>
      %dma_wait3A_68 = arith.constant 0 : i32
      %dma_wait3A_69 = tpu.memref_slice %arg9[%run_scoped3A_18, %run_scoped3A_19, %dma_wait3A_68] : memref<2x3x32xi32, #tpu.memory_space<vmem>> -> memref<1x1x32xi32, #tpu.memory_space<vmem>>
      %dma_wait3A_70 = tpu.memref_squeeze %dma_wait3A_69 : memref<1x1x32xi32, #tpu.memory_space<vmem>> -> memref<32xi32, #tpu.memory_space<vmem>>
      %dma_wait3A_71 = tpu.memref_slice %arg4[%add3A_4] : memref<65536xi32, #tpu.memory_space<hbm>> -> memref<32xi32, #tpu.memory_space<hbm>>
      tpu.wait_dma2 semaphore(%run_scoped3A_56 : memref<!tpu.dma_semaphore, #tpu.memory_space<semaphore_mem>>) src(%dma_wait3A_71 : memref<32xi32, #tpu.memory_space<hbm>>) dst(%dma_wait3A_70 : memref<32xi32, #tpu.memory_space<vmem>>)
      tpu.yield
    }) : () -> ()
    %dma_start3A_20 = arith.constant 0 : i32
    %dma_start3A_21 = arith.constant 1 : i32
    %dma_start3A_22 = arith.constant 0 : i32
    %dma_start3A_23 = arith.constant 0 : i32
    %dma_start3A_24 = arith.constant 0 : i32
    %dma_start3A_25 = tpu.memref_slice %arg11[%dma_start3A_22, %dma_start3A_23, %dma_start3A_24] : memref<2x32x256xi32, #tpu.memory_space<vmem>> -> memref<1x32x256xi32, #tpu.memory_space<vmem>>
    %dma_start3A_26 = tpu.memref_squeeze %dma_start3A_25 : memref<1x32x256xi32, #tpu.memory_space<vmem>> -> memref<32x256xi32, #tpu.memory_space<vmem>>
    %dma_start3A_27 = arith.constant 0 : i32
    %dma_start3A_28 = tpu.memref_slice %arg9[%dma_start3A_20, %dma_start3A_21, %dma_start3A_27] : memref<2x3x32xi32, #tpu.memory_space<vmem>> -> memref<1x1x32xi32, #tpu.memory_space<vmem>>
    %dma_start3A_29 = tpu.memref_squeeze %dma_start3A_28 : memref<1x1x32xi32, #tpu.memory_space<vmem>> -> memref<32xi32, #tpu.memory_space<vmem>>
    %dma_start3A_30 = arith.constant 0 : i32
    %dma_start3A_31 = arith.constant 0 : i32
    %dma_start3A_32 = tpu.memref_slice %arg2[%dma_start3A_30, %dma_start3A_31] : memref<16384x256xi32, #tpu.memory_space<hbm>> -> memref<16384x256xi32, #tpu.memory_space<hbm>>
    tpu.enqueue_indirect_dma source(%dma_start3A_32 : memref<16384x256xi32, #tpu.memory_space<hbm>>) target(%dma_start3A_26 : memref<32x256xi32, #tpu.memory_space<vmem>>) offsets(%dma_start3A_29 : memref<32xi32, #tpu.memory_space<vmem>>) semaphore(%arg15 : memref<!tpu.dma_semaphore, #tpu.memory_space<semaphore_mem>>)
    %run_scoped3A_33 = arith.constant 0 : i32
    %run_scoped3A_34 = arith.constant 2 : i32
    "tpu.region"() ({
      %run_scoped3A_56 = tpu.sem_alloc : memref<!tpu.dma_semaphore, #tpu.memory_space<semaphore_mem>>
      %dma_start3A_57 = arith.constant 0 : i32
      %dma_start3A_58 = tpu.memref_slice %arg9[%run_scoped3A_33, %run_scoped3A_34, %dma_start3A_57] : memref<2x3x32xi32, #tpu.memory_space<vmem>> -> memref<1x1x32xi32, #tpu.memory_space<vmem>>
      %dma_start3A_59 = tpu.memref_squeeze %dma_start3A_58 : memref<1x1x32xi32, #tpu.memory_space<vmem>> -> memref<32xi32, #tpu.memory_space<vmem>>
      %dma_start3A_60 = tpu.memref_slice %arg5[%add3A_4] : memref<65536xi32, #tpu.memory_space<hbm>> -> memref<32xi32, #tpu.memory_space<hbm>>
      %dma_start3A_61 = arith.constant 0 : i32
      %dma_start3A_62 = tpu.memref_slice %arg9[%run_scoped3A_33, %run_scoped3A_34, %dma_start3A_61] : memref<2x3x32xi32, #tpu.memory_space<vmem>> -> memref<1x1x32xi32, #tpu.memory_space<vmem>>
      %dma_start3A_63 = tpu.memref_squeeze %dma_start3A_62 : memref<1x1x32xi32, #tpu.memory_space<vmem>> -> memref<32xi32, #tpu.memory_space<vmem>>
      %dma_start3A_64 = tpu.memref_slice %arg5[%add3A_4] : memref<65536xi32, #tpu.memory_space<hbm>> -> memref<32xi32, #tpu.memory_space<hbm>>
      tpu.enqueue_dma source(%dma_start3A_64 : memref<32xi32, #tpu.memory_space<hbm>>) target(%dma_start3A_63 : memref<32xi32, #tpu.memory_space<vmem>>) target_semaphore(%run_scoped3A_56 : memref<!tpu.dma_semaphore, #tpu.memory_space<semaphore_mem>>)
      %dma_wait3A = arith.constant 0 : i32
      %dma_wait3A_65 = tpu.memref_slice %arg9[%run_scoped3A_33, %run_scoped3A_34, %dma_wait3A] : memref<2x3x32xi32, #tpu.memory_space<vmem>> -> memref<1x1x32xi32, #tpu.memory_space<vmem>>
      %dma_wait3A_66 = tpu.memref_squeeze %dma_wait3A_65 : memref<1x1x32xi32, #tpu.memory_space<vmem>> -> memref<32xi32, #tpu.memory_space<vmem>>
      %dma_wait3A_67 = tpu.memref_slice %arg5[%add3A_4] : memref<65536xi32, #tpu.memory_space<hbm>> -> memref<32xi32, #tpu.memory_space<hbm>>
      %dma_wait3A_68 = arith.constant 0 : i32
      %dma_wait3A_69 = tpu.memref_slice %arg9[%run_scoped3A_33, %run_scoped3A_34, %dma_wait3A_68] : memref<2x3x32xi32, #tpu.memory_space<vmem>> -> memref<1x1x32xi32, #tpu.memory_space<vmem>>
      %dma_wait3A_70 = tpu.memref_squeeze %dma_wait3A_69 : memref<1x1x32xi32, #tpu.memory_space<vmem>> -> memref<32xi32, #tpu.memory_space<vmem>>
      %dma_wait3A_71 = tpu.memref_slice %arg5[%add3A_4] : memref<65536xi32, #tpu.memory_space<hbm>> -> memref<32xi32, #tpu.memory_space<hbm>>
      tpu.wait_dma2 semaphore(%run_scoped3A_56 : memref<!tpu.dma_semaphore, #tpu.memory_space<semaphore_mem>>) src(%dma_wait3A_71 : memref<32xi32, #tpu.memory_space<hbm>>) dst(%dma_wait3A_70 : memref<32xi32, #tpu.memory_space<vmem>>)
      tpu.yield
    }) : () -> ()
    %dma_start3A_35 = arith.constant 0 : i32
    %dma_start3A_36 = arith.constant 2 : i32
    %dma_start3A_37 = arith.constant 0 : i32
    %dma_start3A_38 = arith.constant 0 : i32
    %dma_start3A_39 = arith.constant 0 : i32
    %dma_start3A_40 = tpu.memref_slice %arg12[%dma_start3A_37, %dma_start3A_38, %dma_start3A_39] : memref<2x32x256xi32, #tpu.memory_space<vmem>> -> memref<1x32x256xi32, #tpu.memory_space<vmem>>
    %dma_start3A_41 = tpu.memref_squeeze %dma_start3A_40 : memref<1x32x256xi32, #tpu.memory_space<vmem>> -> memref<32x256xi32, #tpu.memory_space<vmem>>
    %dma_start3A_42 = arith.constant 0 : i32
    %dma_start3A_43 = tpu.memref_slice %arg9[%dma_start3A_35, %dma_start3A_36, %dma_start3A_42] : memref<2x3x32xi32, #tpu.memory_space<vmem>> -> memref<1x1x32xi32, #tpu.memory_space<vmem>>
    %dma_start3A_44 = tpu.memref_squeeze %dma_start3A_43 : memref<1x1x32xi32, #tpu.memory_space<vmem>> -> memref<32xi32, #tpu.memory_space<vmem>>
    %dma_start3A_45 = arith.constant 0 : i32
    %dma_start3A_46 = arith.constant 0 : i32
    %dma_start3A_47 = tpu.memref_slice %arg2[%dma_start3A_45, %dma_start3A_46] : memref<16384x256xi32, #tpu.memory_space<hbm>> -> memref<16384x256xi32, #tpu.memory_space<hbm>>
    tpu.enqueue_indirect_dma source(%dma_start3A_47 : memref<16384x256xi32, #tpu.memory_space<hbm>>) target(%dma_start3A_41 : memref<32x256xi32, #tpu.memory_space<vmem>>) offsets(%dma_start3A_44 : memref<32xi32, #tpu.memory_space<vmem>>) semaphore(%arg15 : memref<!tpu.dma_semaphore, #tpu.memory_space<semaphore_mem>>)
    %run_scoped3A_48 = arith.constant 0 : i32
    "tpu.region"() ({
      %run_scoped3A_56 = tpu.sem_alloc : memref<!tpu.dma_semaphore, #tpu.memory_space<semaphore_mem>>
      %dma_start3A_57 = arith.constant 0 : i32
      %dma_start3A_58 = arith.constant 0 : i32
      %dma_start3A_59 = tpu.memref_slice %arg13[%run_scoped3A_48, %dma_start3A_57, %dma_start3A_58] : memref<2x32x16xf32, #tpu.memory_space<vmem>> -> memref<1x32x16xf32, #tpu.memory_space<vmem>>
      %dma_start3A_60 = tpu.memref_squeeze %dma_start3A_59 : memref<1x32x16xf32, #tpu.memory_space<vmem>> -> memref<32x16xf32, #tpu.memory_space<vmem>>
      %dma_start3A_61 = arith.constant 0 : i32
      %dma_start3A_62 = tpu.memref_slice %arg6[%add3A_4, %dma_start3A_61] : memref<65536x16xf32, #tpu.memory_space<hbm>> -> memref<32x16xf32, #tpu.memory_space<hbm>>
      %dma_start3A_63 = arith.constant 0 : i32
      %dma_start3A_64 = arith.constant 0 : i32
      %dma_start3A_65 = tpu.memref_slice %arg13[%run_scoped3A_48, %dma_start3A_63, %dma_start3A_64] : memref<2x32x16xf32, #tpu.memory_space<vmem>> -> memref<1x32x16xf32, #tpu.memory_space<vmem>>
      %dma_start3A_66 = tpu.memref_squeeze %dma_start3A_65 : memref<1x32x16xf32, #tpu.memory_space<vmem>> -> memref<32x16xf32, #tpu.memory_space<vmem>>
      %dma_start3A_67 = arith.constant 0 : i32
      %dma_start3A_68 = tpu.memref_slice %arg6[%add3A_4, %dma_start3A_67] : memref<65536x16xf32, #tpu.memory_space<hbm>> -> memref<32x16xf32, #tpu.memory_space<hbm>>
      tpu.enqueue_dma source(%dma_start3A_68 : memref<32x16xf32, #tpu.memory_space<hbm>>) target(%dma_start3A_66 : memref<32x16xf32, #tpu.memory_space<vmem>>) target_semaphore(%run_scoped3A_56 : memref<!tpu.dma_semaphore, #tpu.memory_space<semaphore_mem>>)
      %dma_wait3A = arith.constant 0 : i32
      %dma_wait3A_69 = arith.constant 0 : i32
      %dma_wait3A_70 = tpu.memref_slice %arg13[%run_scoped3A_48, %dma_wait3A, %dma_wait3A_69] : memref<2x32x16xf32, #tpu.memory_space<vmem>> -> memref<1x32x16xf32, #tpu.memory_space<vmem>>
      %dma_wait3A_71 = tpu.memref_squeeze %dma_wait3A_70 : memref<1x32x16xf32, #tpu.memory_space<vmem>> -> memref<32x16xf32, #tpu.memory_space<vmem>>
      %dma_wait3A_72 = arith.constant 0 : i32
      %dma_wait3A_73 = tpu.memref_slice %arg6[%add3A_4, %dma_wait3A_72] : memref<65536x16xf32, #tpu.memory_space<hbm>> -> memref<32x16xf32, #tpu.memory_space<hbm>>
      %dma_wait3A_74 = arith.constant 0 : i32
      %dma_wait3A_75 = arith.constant 0 : i32
      %dma_wait3A_76 = tpu.memref_slice %arg13[%run_scoped3A_48, %dma_wait3A_74, %dma_wait3A_75] : memref<2x32x16xf32, #tpu.memory_space<vmem>> -> memref<1x32x16xf32, #tpu.memory_space<vmem>>
      %dma_wait3A_77 = tpu.memref_squeeze %dma_wait3A_76 : memref<1x32x16xf32, #tpu.memory_space<vmem>> -> memref<32x16xf32, #tpu.memory_space<vmem>>
      %dma_wait3A_78 = arith.constant 0 : i32
      %dma_wait3A_79 = tpu.memref_slice %arg6[%add3A_4, %dma_wait3A_78] : memref<65536x16xf32, #tpu.memory_space<hbm>> -> memref<32x16xf32, #tpu.memory_space<hbm>>
      tpu.wait_dma2 semaphore(%run_scoped3A_56 : memref<!tpu.dma_semaphore, #tpu.memory_space<semaphore_mem>>) src(%dma_wait3A_79 : memref<32x16xf32, #tpu.memory_space<hbm>>) dst(%dma_wait3A_77 : memref<32x16xf32, #tpu.memory_space<vmem>>)
      tpu.yield
    }) : () -> ()
    %run_scoped3A_49 = arith.constant 0 : i32
    "tpu.region"() ({
      %run_scoped3A_56 = tpu.sem_alloc : memref<!tpu.dma_semaphore, #tpu.memory_space<semaphore_mem>>
      %dma_start3A_57 = arith.constant 0 : i32
      %dma_start3A_58 = arith.constant 0 : i32
      %dma_start3A_59 = tpu.memref_slice %arg14[%run_scoped3A_49, %dma_start3A_57, %dma_start3A_58] : memref<2x32x16xf32, #tpu.memory_space<vmem>> -> memref<1x32x16xf32, #tpu.memory_space<vmem>>
      %dma_start3A_60 = tpu.memref_squeeze %dma_start3A_59 : memref<1x32x16xf32, #tpu.memory_space<vmem>> -> memref<32x16xf32, #tpu.memory_space<vmem>>
      %dma_start3A_61 = arith.constant 0 : i32
      %dma_start3A_62 = tpu.memref_slice %arg7[%add3A_4, %dma_start3A_61] : memref<65536x16xf32, #tpu.memory_space<hbm>> -> memref<32x16xf32, #tpu.memory_space<hbm>>
      %dma_start3A_63 = arith.constant 0 : i32
      %dma_start3A_64 = arith.constant 0 : i32
      %dma_start3A_65 = tpu.memref_slice %arg14[%run_scoped3A_49, %dma_start3A_63, %dma_start3A_64] : memref<2x32x16xf32, #tpu.memory_space<vmem>> -> memref<1x32x16xf32, #tpu.memory_space<vmem>>
      %dma_start3A_66 = tpu.memref_squeeze %dma_start3A_65 : memref<1x32x16xf32, #tpu.memory_space<vmem>> -> memref<32x16xf32, #tpu.memory_space<vmem>>
      %dma_start3A_67 = arith.constant 0 : i32
      %dma_start3A_68 = tpu.memref_slice %arg7[%add3A_4, %dma_start3A_67] : memref<65536x16xf32, #tpu.memory_space<hbm>> -> memref<32x16xf32, #tpu.memory_space<hbm>>
      tpu.enqueue_dma source(%dma_start3A_68 : memref<32x16xf32, #tpu.memory_space<hbm>>) target(%dma_start3A_66 : memref<32x16xf32, #tpu.memory_space<vmem>>) target_semaphore(%run_scoped3A_56 : memref<!tpu.dma_semaphore, #tpu.memory_space<semaphore_mem>>)
      %dma_wait3A = arith.constant 0 : i32
      %dma_wait3A_69 = arith.constant 0 : i32
      %dma_wait3A_70 = tpu.memref_slice %arg14[%run_scoped3A_49, %dma_wait3A, %dma_wait3A_69] : memref<2x32x16xf32, #tpu.memory_space<vmem>> -> memref<1x32x16xf32, #tpu.memory_space<vmem>>
      %dma_wait3A_71 = tpu.memref_squeeze %dma_wait3A_70 : memref<1x32x16xf32, #tpu.memory_space<vmem>> -> memref<32x16xf32, #tpu.memory_space<vmem>>
      %dma_wait3A_72 = arith.constant 0 : i32
      %dma_wait3A_73 = tpu.memref_slice %arg7[%add3A_4, %dma_wait3A_72] : memref<65536x16xf32, #tpu.memory_space<hbm>> -> memref<32x16xf32, #tpu.memory_space<hbm>>
      %dma_wait3A_74 = arith.constant 0 : i32
      %dma_wait3A_75 = arith.constant 0 : i32
      %dma_wait3A_76 = tpu.memref_slice %arg14[%run_scoped3A_49, %dma_wait3A_74, %dma_wait3A_75] : memref<2x32x16xf32, #tpu.memory_space<vmem>> -> memref<1x32x16xf32, #tpu.memory_space<vmem>>
      %dma_wait3A_77 = tpu.memref_squeeze %dma_wait3A_76 : memref<1x32x16xf32, #tpu.memory_space<vmem>> -> memref<32x16xf32, #tpu.memory_space<vmem>>
      %dma_wait3A_78 = arith.constant 0 : i32
      %dma_wait3A_79 = tpu.memref_slice %arg7[%add3A_4, %dma_wait3A_78] : memref<65536x16xf32, #tpu.memory_space<hbm>> -> memref<32x16xf32, #tpu.memory_space<hbm>>
      tpu.wait_dma2 semaphore(%run_scoped3A_56 : memref<!tpu.dma_semaphore, #tpu.memory_space<semaphore_mem>>) src(%dma_wait3A_79 : memref<32x16xf32, #tpu.memory_space<hbm>>) dst(%dma_wait3A_77 : memref<32x16xf32, #tpu.memory_space<vmem>>)
      tpu.yield
    }) : () -> ()
    %scan3A = arith.constant 0 : i32
    %scan3A_50 = arith.constant 0 : i32
    %scan3A_51 = arith.constant 32 : i32
    %scan3A_52 = arith.addi %scan3A_50, %scan3A_51 : i32
    %scan3A_53 = arith.constant 1 : i32
    %scan3A_54 = scf.for %scan3A_56 = %scan3A_50 to %scan3A_52 step %scan3A_53 iter_args(%scan3A_57 = %scan3A) -> (i32)  : i32 {
      %mul3A_58 = arith.constant 2 : i32
      %mul3A_59 = arith.muli %mul3A_58, %scan3A_56 : i32
      %add3A_60 = arith.constant 1 : i32
      %add3A_61 = arith.addi %mul3A_59, %add3A_60 : i32
      %mul3A_62 = arith.constant 2048 : i32
      %mul3A_63 = arith.muli %add3A, %mul3A_62 : i32
      %mul3A_64 = arith.constant 32 : i32
      %mul3A_65 = arith.muli %add3A_61, %mul3A_64 : i32
      %add3A_66 = arith.addi %mul3A_63, %mul3A_65 : i32
      %run_scoped3A_67 = arith.constant 1 : i32
      %run_scoped3A_68 = arith.constant 0 : i32
      "tpu.region"() ({
        %run_scoped3A_224 = tpu.sem_alloc : memref<!tpu.dma_semaphore, #tpu.memory_space<semaphore_mem>>
        %dma_start3A_225 = arith.constant 0 : i32
        %dma_start3A_226 = tpu.memref_slice %arg9[%run_scoped3A_67, %run_scoped3A_68, %dma_start3A_225] : memref<2x3x32xi32, #tpu.memory_space<vmem>> -> memref<1x1x32xi32, #tpu.memory_space<vmem>>
        %dma_start3A_227 = tpu.memref_squeeze %dma_start3A_226 : memref<1x1x32xi32, #tpu.memory_space<vmem>> -> memref<32xi32, #tpu.memory_space<vmem>>
        %dma_start3A_228 = tpu.memref_slice %arg3[%add3A_66] : memref<65536xi32, #tpu.memory_space<hbm>> -> memref<32xi32, #tpu.memory_space<hbm>>
        %dma_start3A_229 = arith.constant 0 : i32
        %dma_start3A_230 = tpu.memref_slice %arg9[%run_scoped3A_67, %run_scoped3A_68, %dma_start3A_229] : memref<2x3x32xi32, #tpu.memory_space<vmem>> -> memref<1x1x32xi32, #tpu.memory_space<vmem>>
        %dma_start3A_231 = tpu.memref_squeeze %dma_start3A_230 : memref<1x1x32xi32, #tpu.memory_space<vmem>> -> memref<32xi32, #tpu.memory_space<vmem>>
        %dma_start3A_232 = tpu.memref_slice %arg3[%add3A_66] : memref<65536xi32, #tpu.memory_space<hbm>> -> memref<32xi32, #tpu.memory_space<hbm>>
        tpu.enqueue_dma source(%dma_start3A_232 : memref<32xi32, #tpu.memory_space<hbm>>) target(%dma_start3A_231 : memref<32xi32, #tpu.memory_space<vmem>>) target_semaphore(%run_scoped3A_224 : memref<!tpu.dma_semaphore, #tpu.memory_space<semaphore_mem>>)
        %dma_wait3A_233 = arith.constant 0 : i32
        %dma_wait3A_234 = tpu.memref_slice %arg9[%run_scoped3A_67, %run_scoped3A_68, %dma_wait3A_233] : memref<2x3x32xi32, #tpu.memory_space<vmem>> -> memref<1x1x32xi32, #tpu.memory_space<vmem>>
        %dma_wait3A_235 = tpu.memref_squeeze %dma_wait3A_234 : memref<1x1x32xi32, #tpu.memory_space<vmem>> -> memref<32xi32, #tpu.memory_space<vmem>>
        %dma_wait3A_236 = tpu.memref_slice %arg3[%add3A_66] : memref<65536xi32, #tpu.memory_space<hbm>> -> memref<32xi32, #tpu.memory_space<hbm>>
        %dma_wait3A_237 = arith.constant 0 : i32
        %dma_wait3A_238 = tpu.memref_slice %arg9[%run_scoped3A_67, %run_scoped3A_68, %dma_wait3A_237] : memref<2x3x32xi32, #tpu.memory_space<vmem>> -> memref<1x1x32xi32, #tpu.memory_space<vmem>>
        %dma_wait3A_239 = tpu.memref_squeeze %dma_wait3A_238 : memref<1x1x32xi32, #tpu.memory_space<vmem>> -> memref<32xi32, #tpu.memory_space<vmem>>
        %dma_wait3A_240 = tpu.memref_slice %arg3[%add3A_66] : memref<65536xi32, #tpu.memory_space<hbm>> -> memref<32xi32, #tpu.memory_space<hbm>>
        tpu.wait_dma2 semaphore(%run_scoped3A_224 : memref<!tpu.dma_semaphore, #tpu.memory_space<semaphore_mem>>) src(%dma_wait3A_240 : memref<32xi32, #tpu.memory_space<hbm>>) dst(%dma_wait3A_239 : memref<32xi32, #tpu.memory_space<vmem>>)
        tpu.yield
      }) : () -> ()
      %dma_start3A_69 = arith.constant 1 : i32
      %dma_start3A_70 = arith.constant 0 : i32
      %dma_start3A_71 = arith.constant 1 : i32
      %dma_start3A_72 = arith.constant 0 : i32
      %dma_start3A_73 = arith.constant 0 : i32
      %dma_start3A_74 = tpu.memref_slice %arg10[%dma_start3A_71, %dma_start3A_72, %dma_start3A_73] : memref<2x32x256xi32, #tpu.memory_space<vmem>> -> memref<1x32x256xi32, #tpu.memory_space<vmem>>
      %dma_start3A_75 = tpu.memref_squeeze %dma_start3A_74 : memref<1x32x256xi32, #tpu.memory_space<vmem>> -> memref<32x256xi32, #tpu.memory_space<vmem>>
      %dma_start3A_76 = arith.constant 0 : i32
      %dma_start3A_77 = tpu.memref_slice %arg9[%dma_start3A_69, %dma_start3A_70, %dma_start3A_76] : memref<2x3x32xi32, #tpu.memory_space<vmem>> -> memref<1x1x32xi32, #tpu.memory_space<vmem>>
      %dma_start3A_78 = tpu.memref_squeeze %dma_start3A_77 : memref<1x1x32xi32, #tpu.memory_space<vmem>> -> memref<32xi32, #tpu.memory_space<vmem>>
      %dma_start3A_79 = arith.constant 0 : i32
      %dma_start3A_80 = arith.constant 0 : i32
      %dma_start3A_81 = tpu.memref_slice %arg2[%dma_start3A_79, %dma_start3A_80] : memref<16384x256xi32, #tpu.memory_space<hbm>> -> memref<16384x256xi32, #tpu.memory_space<hbm>>
      tpu.enqueue_indirect_dma source(%dma_start3A_81 : memref<16384x256xi32, #tpu.memory_space<hbm>>) target(%dma_start3A_75 : memref<32x256xi32, #tpu.memory_space<vmem>>) offsets(%dma_start3A_78 : memref<32xi32, #tpu.memory_space<vmem>>) semaphore(%arg16 : memref<!tpu.dma_semaphore, #tpu.memory_space<semaphore_mem>>)
      %run_scoped3A_82 = arith.constant 1 : i32
      %run_scoped3A_83 = arith.constant 1 : i32
      "tpu.region"() ({
        %run_scoped3A_224 = tpu.sem_alloc : memref<!tpu.dma_semaphore, #tpu.memory_space<semaphore_mem>>
        %dma_start3A_225 = arith.constant 0 : i32
        %dma_start3A_226 = tpu.memref_slice %arg9[%run_scoped3A_82, %run_scoped3A_83, %dma_start3A_225] : memref<2x3x32xi32, #tpu.memory_space<vmem>> -> memref<1x1x32xi32, #tpu.memory_space<vmem>>
        %dma_start3A_227 = tpu.memref_squeeze %dma_start3A_226 : memref<1x1x32xi32, #tpu.memory_space<vmem>> -> memref<32xi32, #tpu.memory_space<vmem>>
        %dma_start3A_228 = tpu.memref_slice %arg4[%add3A_66] : memref<65536xi32, #tpu.memory_space<hbm>> -> memref<32xi32, #tpu.memory_space<hbm>>
        %dma_start3A_229 = arith.constant 0 : i32
        %dma_start3A_230 = tpu.memref_slice %arg9[%run_scoped3A_82, %run_scoped3A_83, %dma_start3A_229] : memref<2x3x32xi32, #tpu.memory_space<vmem>> -> memref<1x1x32xi32, #tpu.memory_space<vmem>>
        %dma_start3A_231 = tpu.memref_squeeze %dma_start3A_230 : memref<1x1x32xi32, #tpu.memory_space<vmem>> -> memref<32xi32, #tpu.memory_space<vmem>>
        %dma_start3A_232 = tpu.memref_slice %arg4[%add3A_66] : memref<65536xi32, #tpu.memory_space<hbm>> -> memref<32xi32, #tpu.memory_space<hbm>>
        tpu.enqueue_dma source(%dma_start3A_232 : memref<32xi32, #tpu.memory_space<hbm>>) target(%dma_start3A_231 : memref<32xi32, #tpu.memory_space<vmem>>) target_semaphore(%run_scoped3A_224 : memref<!tpu.dma_semaphore, #tpu.memory_space<semaphore_mem>>)
        %dma_wait3A_233 = arith.constant 0 : i32
        %dma_wait3A_234 = tpu.memref_slice %arg9[%run_scoped3A_82, %run_scoped3A_83, %dma_wait3A_233] : memref<2x3x32xi32, #tpu.memory_space<vmem>> -> memref<1x1x32xi32, #tpu.memory_space<vmem>>
        %dma_wait3A_235 = tpu.memref_squeeze %dma_wait3A_234 : memref<1x1x32xi32, #tpu.memory_space<vmem>> -> memref<32xi32, #tpu.memory_space<vmem>>
        %dma_wait3A_236 = tpu.memref_slice %arg4[%add3A_66] : memref<65536xi32, #tpu.memory_space<hbm>> -> memref<32xi32, #tpu.memory_space<hbm>>
        %dma_wait3A_237 = arith.constant 0 : i32
        %dma_wait3A_238 = tpu.memref_slice %arg9[%run_scoped3A_82, %run_scoped3A_83, %dma_wait3A_237] : memref<2x3x32xi32, #tpu.memory_space<vmem>> -> memref<1x1x32xi32, #tpu.memory_space<vmem>>
        %dma_wait3A_239 = tpu.memref_squeeze %dma_wait3A_238 : memref<1x1x32xi32, #tpu.memory_space<vmem>> -> memref<32xi32, #tpu.memory_space<vmem>>
        %dma_wait3A_240 = tpu.memref_slice %arg4[%add3A_66] : memref<65536xi32, #tpu.memory_space<hbm>> -> memref<32xi32, #tpu.memory_space<hbm>>
        tpu.wait_dma2 semaphore(%run_scoped3A_224 : memref<!tpu.dma_semaphore, #tpu.memory_space<semaphore_mem>>) src(%dma_wait3A_240 : memref<32xi32, #tpu.memory_space<hbm>>) dst(%dma_wait3A_239 : memref<32xi32, #tpu.memory_space<vmem>>)
        tpu.yield
      }) : () -> ()
      %dma_start3A_84 = arith.constant 1 : i32
      %dma_start3A_85 = arith.constant 1 : i32
      %dma_start3A_86 = arith.constant 1 : i32
      %dma_start3A_87 = arith.constant 0 : i32
      %dma_start3A_88 = arith.constant 0 : i32
      %dma_start3A_89 = tpu.memref_slice %arg11[%dma_start3A_86, %dma_start3A_87, %dma_start3A_88] : memref<2x32x256xi32, #tpu.memory_space<vmem>> -> memref<1x32x256xi32, #tpu.memory_space<vmem>>
      %dma_start3A_90 = tpu.memref_squeeze %dma_start3A_89 : memref<1x32x256xi32, #tpu.memory_space<vmem>> -> memref<32x256xi32, #tpu.memory_space<vmem>>
      %dma_start3A_91 = arith.constant 0 : i32
      %dma_start3A_92 = tpu.memref_slice %arg9[%dma_start3A_84, %dma_start3A_85, %dma_start3A_91] : memref<2x3x32xi32, #tpu.memory_space<vmem>> -> memref<1x1x32xi32, #tpu.memory_space<vmem>>
      %dma_start3A_93 = tpu.memref_squeeze %dma_start3A_92 : memref<1x1x32xi32, #tpu.memory_space<vmem>> -> memref<32xi32, #tpu.memory_space<vmem>>
      %dma_start3A_94 = arith.constant 0 : i32
      %dma_start3A_95 = arith.constant 0 : i32
      %dma_start3A_96 = tpu.memref_slice %arg2[%dma_start3A_94, %dma_start3A_95] : memref<16384x256xi32, #tpu.memory_space<hbm>> -> memref<16384x256xi32, #tpu.memory_space<hbm>>
      tpu.enqueue_indirect_dma source(%dma_start3A_96 : memref<16384x256xi32, #tpu.memory_space<hbm>>) target(%dma_start3A_90 : memref<32x256xi32, #tpu.memory_space<vmem>>) offsets(%dma_start3A_93 : memref<32xi32, #tpu.memory_space<vmem>>) semaphore(%arg16 : memref<!tpu.dma_semaphore, #tpu.memory_space<semaphore_mem>>)
      %run_scoped3A_97 = arith.constant 1 : i32
      %run_scoped3A_98 = arith.constant 2 : i32
      "tpu.region"() ({
        %run_scoped3A_224 = tpu.sem_alloc : memref<!tpu.dma_semaphore, #tpu.memory_space<semaphore_mem>>
        %dma_start3A_225 = arith.constant 0 : i32
        %dma_start3A_226 = tpu.memref_slice %arg9[%run_scoped3A_97, %run_scoped3A_98, %dma_start3A_225] : memref<2x3x32xi32, #tpu.memory_space<vmem>> -> memref<1x1x32xi32, #tpu.memory_space<vmem>>
        %dma_start3A_227 = tpu.memref_squeeze %dma_start3A_226 : memref<1x1x32xi32, #tpu.memory_space<vmem>> -> memref<32xi32, #tpu.memory_space<vmem>>
        %dma_start3A_228 = tpu.memref_slice %arg5[%add3A_66] : memref<65536xi32, #tpu.memory_space<hbm>> -> memref<32xi32, #tpu.memory_space<hbm>>
        %dma_start3A_229 = arith.constant 0 : i32
        %dma_start3A_230 = tpu.memref_slice %arg9[%run_scoped3A_97, %run_scoped3A_98, %dma_start3A_229] : memref<2x3x32xi32, #tpu.memory_space<vmem>> -> memref<1x1x32xi32, #tpu.memory_space<vmem>>
        %dma_start3A_231 = tpu.memref_squeeze %dma_start3A_230 : memref<1x1x32xi32, #tpu.memory_space<vmem>> -> memref<32xi32, #tpu.memory_space<vmem>>
        %dma_start3A_232 = tpu.memref_slice %arg5[%add3A_66] : memref<65536xi32, #tpu.memory_space<hbm>> -> memref<32xi32, #tpu.memory_space<hbm>>
        tpu.enqueue_dma source(%dma_start3A_232 : memref<32xi32, #tpu.memory_space<hbm>>) target(%dma_start3A_231 : memref<32xi32, #tpu.memory_space<vmem>>) target_semaphore(%run_scoped3A_224 : memref<!tpu.dma_semaphore, #tpu.memory_space<semaphore_mem>>)
        %dma_wait3A_233 = arith.constant 0 : i32
        %dma_wait3A_234 = tpu.memref_slice %arg9[%run_scoped3A_97, %run_scoped3A_98, %dma_wait3A_233] : memref<2x3x32xi32, #tpu.memory_space<vmem>> -> memref<1x1x32xi32, #tpu.memory_space<vmem>>
        %dma_wait3A_235 = tpu.memref_squeeze %dma_wait3A_234 : memref<1x1x32xi32, #tpu.memory_space<vmem>> -> memref<32xi32, #tpu.memory_space<vmem>>
        %dma_wait3A_236 = tpu.memref_slice %arg5[%add3A_66] : memref<65536xi32, #tpu.memory_space<hbm>> -> memref<32xi32, #tpu.memory_space<hbm>>
        %dma_wait3A_237 = arith.constant 0 : i32
        %dma_wait3A_238 = tpu.memref_slice %arg9[%run_scoped3A_97, %run_scoped3A_98, %dma_wait3A_237] : memref<2x3x32xi32, #tpu.memory_space<vmem>> -> memref<1x1x32xi32, #tpu.memory_space<vmem>>
        %dma_wait3A_239 = tpu.memref_squeeze %dma_wait3A_238 : memref<1x1x32xi32, #tpu.memory_space<vmem>> -> memref<32xi32, #tpu.memory_space<vmem>>
        %dma_wait3A_240 = tpu.memref_slice %arg5[%add3A_66] : memref<65536xi32, #tpu.memory_space<hbm>> -> memref<32xi32, #tpu.memory_space<hbm>>
        tpu.wait_dma2 semaphore(%run_scoped3A_224 : memref<!tpu.dma_semaphore, #tpu.memory_space<semaphore_mem>>) src(%dma_wait3A_240 : memref<32xi32, #tpu.memory_space<hbm>>) dst(%dma_wait3A_239 : memref<32xi32, #tpu.memory_space<vmem>>)
        tpu.yield
      }) : () -> ()
      %dma_start3A_99 = arith.constant 1 : i32
      %dma_start3A_100 = arith.constant 2 : i32
      %dma_start3A_101 = arith.constant 1 : i32
      %dma_start3A_102 = arith.constant 0 : i32
      %dma_start3A_103 = arith.constant 0 : i32
      %dma_start3A_104 = tpu.memref_slice %arg12[%dma_start3A_101, %dma_start3A_102, %dma_start3A_103] : memref<2x32x256xi32, #tpu.memory_space<vmem>> -> memref<1x32x256xi32, #tpu.memory_space<vmem>>
      %dma_start3A_105 = tpu.memref_squeeze %dma_start3A_104 : memref<1x32x256xi32, #tpu.memory_space<vmem>> -> memref<32x256xi32, #tpu.memory_space<vmem>>
      %dma_start3A_106 = arith.constant 0 : i32
      %dma_start3A_107 = tpu.memref_slice %arg9[%dma_start3A_99, %dma_start3A_100, %dma_start3A_106] : memref<2x3x32xi32, #tpu.memory_space<vmem>> -> memref<1x1x32xi32, #tpu.memory_space<vmem>>
      %dma_start3A_108 = tpu.memref_squeeze %dma_start3A_107 : memref<1x1x32xi32, #tpu.memory_space<vmem>> -> memref<32xi32, #tpu.memory_space<vmem>>
      %dma_start3A_109 = arith.constant 0 : i32
      %dma_start3A_110 = arith.constant 0 : i32
      %dma_start3A_111 = tpu.memref_slice %arg2[%dma_start3A_109, %dma_start3A_110] : memref<16384x256xi32, #tpu.memory_space<hbm>> -> memref<16384x256xi32, #tpu.memory_space<hbm>>
      tpu.enqueue_indirect_dma source(%dma_start3A_111 : memref<16384x256xi32, #tpu.memory_space<hbm>>) target(%dma_start3A_105 : memref<32x256xi32, #tpu.memory_space<vmem>>) offsets(%dma_start3A_108 : memref<32xi32, #tpu.memory_space<vmem>>) semaphore(%arg16 : memref<!tpu.dma_semaphore, #tpu.memory_space<semaphore_mem>>)
      %run_scoped3A_112 = arith.constant 1 : i32
      "tpu.region"() ({
        %run_scoped3A_224 = tpu.sem_alloc : memref<!tpu.dma_semaphore, #tpu.memory_space<semaphore_mem>>
        %dma_start3A_225 = arith.constant 0 : i32
        %dma_start3A_226 = arith.constant 0 : i32
        %dma_start3A_227 = tpu.memref_slice %arg13[%run_scoped3A_112, %dma_start3A_225, %dma_start3A_226] : memref<2x32x16xf32, #tpu.memory_space<vmem>> -> memref<1x32x16xf32, #tpu.memory_space<vmem>>
        %dma_start3A_228 = tpu.memref_squeeze %dma_start3A_227 : memref<1x32x16xf32, #tpu.memory_space<vmem>> -> memref<32x16xf32, #tpu.memory_space<vmem>>
        %dma_start3A_229 = arith.constant 0 : i32
        %dma_start3A_230 = tpu.memref_slice %arg6[%add3A_66, %dma_start3A_229] : memref<65536x16xf32, #tpu.memory_space<hbm>> -> memref<32x16xf32, #tpu.memory_space<hbm>>
        %dma_start3A_231 = arith.constant 0 : i32
        %dma_start3A_232 = arith.constant 0 : i32
        %dma_start3A_233 = tpu.memref_slice %arg13[%run_scoped3A_112, %dma_start3A_231, %dma_start3A_232] : memref<2x32x16xf32, #tpu.memory_space<vmem>> -> memref<1x32x16xf32, #tpu.memory_space<vmem>>
        %dma_start3A_234 = tpu.memref_squeeze %dma_start3A_233 : memref<1x32x16xf32, #tpu.memory_space<vmem>> -> memref<32x16xf32, #tpu.memory_space<vmem>>
        %dma_start3A_235 = arith.constant 0 : i32
        %dma_start3A_236 = tpu.memref_slice %arg6[%add3A_66, %dma_start3A_235] : memref<65536x16xf32, #tpu.memory_space<hbm>> -> memref<32x16xf32, #tpu.memory_space<hbm>>
        tpu.enqueue_dma source(%dma_start3A_236 : memref<32x16xf32, #tpu.memory_space<hbm>>) target(%dma_start3A_234 : memref<32x16xf32, #tpu.memory_space<vmem>>) target_semaphore(%run_scoped3A_224 : memref<!tpu.dma_semaphore, #tpu.memory_space<semaphore_mem>>)
        %dma_wait3A_237 = arith.constant 0 : i32
        %dma_wait3A_238 = arith.constant 0 : i32
        %dma_wait3A_239 = tpu.memref_slice %arg13[%run_scoped3A_112, %dma_wait3A_237, %dma_wait3A_238] : memref<2x32x16xf32, #tpu.memory_space<vmem>> -> memref<1x32x16xf32, #tpu.memory_space<vmem>>
        %dma_wait3A_240 = tpu.memref_squeeze %dma_wait3A_239 : memref<1x32x16xf32, #tpu.memory_space<vmem>> -> memref<32x16xf32, #tpu.memory_space<vmem>>
        %dma_wait3A_241 = arith.constant 0 : i32
        %dma_wait3A_242 = tpu.memref_slice %arg6[%add3A_66, %dma_wait3A_241] : memref<65536x16xf32, #tpu.memory_space<hbm>> -> memref<32x16xf32, #tpu.memory_space<hbm>>
        %dma_wait3A_243 = arith.constant 0 : i32
        %dma_wait3A_244 = arith.constant 0 : i32
        %dma_wait3A_245 = tpu.memref_slice %arg13[%run_scoped3A_112, %dma_wait3A_243, %dma_wait3A_244] : memref<2x32x16xf32, #tpu.memory_space<vmem>> -> memref<1x32x16xf32, #tpu.memory_space<vmem>>
        %dma_wait3A_246 = tpu.memref_squeeze %dma_wait3A_245 : memref<1x32x16xf32, #tpu.memory_space<vmem>> -> memref<32x16xf32, #tpu.memory_space<vmem>>
        %dma_wait3A_247 = arith.constant 0 : i32
        %dma_wait3A_248 = tpu.memref_slice %arg6[%add3A_66, %dma_wait3A_247] : memref<65536x16xf32, #tpu.memory_space<hbm>> -> memref<32x16xf32, #tpu.memory_space<hbm>>
        tpu.wait_dma2 semaphore(%run_scoped3A_224 : memref<!tpu.dma_semaphore, #tpu.memory_space<semaphore_mem>>) src(%dma_wait3A_248 : memref<32x16xf32, #tpu.memory_space<hbm>>) dst(%dma_wait3A_246 : memref<32x16xf32, #tpu.memory_space<vmem>>)
        tpu.yield
      }) : () -> ()
      %run_scoped3A_113 = arith.constant 1 : i32
      "tpu.region"() ({
        %run_scoped3A_224 = tpu.sem_alloc : memref<!tpu.dma_semaphore, #tpu.memory_space<semaphore_mem>>
        %dma_start3A_225 = arith.constant 0 : i32
        %dma_start3A_226 = arith.constant 0 : i32
        %dma_start3A_227 = tpu.memref_slice %arg14[%run_scoped3A_113, %dma_start3A_225, %dma_start3A_226] : memref<2x32x16xf32, #tpu.memory_space<vmem>> -> memref<1x32x16xf32, #tpu.memory_space<vmem>>
        %dma_start3A_228 = tpu.memref_squeeze %dma_start3A_227 : memref<1x32x16xf32, #tpu.memory_space<vmem>> -> memref<32x16xf32, #tpu.memory_space<vmem>>
        %dma_start3A_229 = arith.constant 0 : i32
        %dma_start3A_230 = tpu.memref_slice %arg7[%add3A_66, %dma_start3A_229] : memref<65536x16xf32, #tpu.memory_space<hbm>> -> memref<32x16xf32, #tpu.memory_space<hbm>>
        %dma_start3A_231 = arith.constant 0 : i32
        %dma_start3A_232 = arith.constant 0 : i32
        %dma_start3A_233 = tpu.memref_slice %arg14[%run_scoped3A_113, %dma_start3A_231, %dma_start3A_232] : memref<2x32x16xf32, #tpu.memory_space<vmem>> -> memref<1x32x16xf32, #tpu.memory_space<vmem>>
        %dma_start3A_234 = tpu.memref_squeeze %dma_start3A_233 : memref<1x32x16xf32, #tpu.memory_space<vmem>> -> memref<32x16xf32, #tpu.memory_space<vmem>>
        %dma_start3A_235 = arith.constant 0 : i32
        %dma_start3A_236 = tpu.memref_slice %arg7[%add3A_66, %dma_start3A_235] : memref<65536x16xf32, #tpu.memory_space<hbm>> -> memref<32x16xf32, #tpu.memory_space<hbm>>
        tpu.enqueue_dma source(%dma_start3A_236 : memref<32x16xf32, #tpu.memory_space<hbm>>) target(%dma_start3A_234 : memref<32x16xf32, #tpu.memory_space<vmem>>) target_semaphore(%run_scoped3A_224 : memref<!tpu.dma_semaphore, #tpu.memory_space<semaphore_mem>>)
        %dma_wait3A_237 = arith.constant 0 : i32
        %dma_wait3A_238 = arith.constant 0 : i32
        %dma_wait3A_239 = tpu.memref_slice %arg14[%run_scoped3A_113, %dma_wait3A_237, %dma_wait3A_238] : memref<2x32x16xf32, #tpu.memory_space<vmem>> -> memref<1x32x16xf32, #tpu.memory_space<vmem>>
        %dma_wait3A_240 = tpu.memref_squeeze %dma_wait3A_239 : memref<1x32x16xf32, #tpu.memory_space<vmem>> -> memref<32x16xf32, #tpu.memory_space<vmem>>
        %dma_wait3A_241 = arith.constant 0 : i32
        %dma_wait3A_242 = tpu.memref_slice %arg7[%add3A_66, %dma_wait3A_241] : memref<65536x16xf32, #tpu.memory_space<hbm>> -> memref<32x16xf32, #tpu.memory_space<hbm>>
        %dma_wait3A_243 = arith.constant 0 : i32
        %dma_wait3A_244 = arith.constant 0 : i32
        %dma_wait3A_245 = tpu.memref_slice %arg14[%run_scoped3A_113, %dma_wait3A_243, %dma_wait3A_244] : memref<2x32x16xf32, #tpu.memory_space<vmem>> -> memref<1x32x16xf32, #tpu.memory_space<vmem>>
        %dma_wait3A_246 = tpu.memref_squeeze %dma_wait3A_245 : memref<1x32x16xf32, #tpu.memory_space<vmem>> -> memref<32x16xf32, #tpu.memory_space<vmem>>
        %dma_wait3A_247 = arith.constant 0 : i32
        %dma_wait3A_248 = tpu.memref_slice %arg7[%add3A_66, %dma_wait3A_247] : memref<65536x16xf32, #tpu.memory_space<hbm>> -> memref<32x16xf32, #tpu.memory_space<hbm>>
        tpu.wait_dma2 semaphore(%run_scoped3A_224 : memref<!tpu.dma_semaphore, #tpu.memory_space<semaphore_mem>>) src(%dma_wait3A_248 : memref<32x16xf32, #tpu.memory_space<hbm>>) dst(%dma_wait3A_246 : memref<32x16xf32, #tpu.memory_space<vmem>>)
        tpu.yield
      }) : () -> ()
      %mul3A_114 = arith.constant 2048 : i32
      %mul3A_115 = arith.muli %add3A, %mul3A_114 : i32
      %mul3A_116 = arith.constant 32 : i32
      %mul3A_117 = arith.muli %mul3A_59, %mul3A_116 : i32
      %add3A_118 = arith.addi %mul3A_115, %mul3A_117 : i32
      %dma_wait3A = arith.constant 0 : i32
      %dma_wait3A_119 = arith.constant 0 : i32
      %dma_wait3A_120 = arith.constant 0 : i32
      %dma_wait3A_121 = arith.constant 0 : i32
      %dma_wait3A_122 = arith.constant 0 : i32
      %dma_wait3A_123 = tpu.memref_slice %arg10[%dma_wait3A_120, %dma_wait3A_121, %dma_wait3A_122] : memref<2x32x256xi32, #tpu.memory_space<vmem>> -> memref<1x32x256xi32, #tpu.memory_space<vmem>>
      %dma_wait3A_124 = tpu.memref_squeeze %dma_wait3A_123 : memref<1x32x256xi32, #tpu.memory_space<vmem>> -> memref<32x256xi32, #tpu.memory_space<vmem>>
      %dma_wait3A_125 = arith.constant 0 : i32
      %dma_wait3A_126 = tpu.memref_slice %arg9[%dma_wait3A, %dma_wait3A_119, %dma_wait3A_125] : memref<2x3x32xi32, #tpu.memory_space<vmem>> -> memref<1x1x32xi32, #tpu.memory_space<vmem>>
      %dma_wait3A_127 = tpu.memref_squeeze %dma_wait3A_126 : memref<1x1x32xi32, #tpu.memory_space<vmem>> -> memref<32xi32, #tpu.memory_space<vmem>>
      %dma_wait3A_128 = arith.constant 0 : i32
      %dma_wait3A_129 = arith.constant 0 : i32
      %dma_wait3A_130 = tpu.memref_slice %arg2[%dma_wait3A_128, %dma_wait3A_129] : memref<16384x256xi32, #tpu.memory_space<hbm>> -> memref<16384x256xi32, #tpu.memory_space<hbm>>
      tpu.wait_indirect_dma semaphore(%arg15 : memref<!tpu.dma_semaphore, #tpu.memory_space<semaphore_mem>>) src(%dma_wait3A_130 : memref<16384x256xi32, #tpu.memory_space<hbm>>) dst(%dma_wait3A_124 : memref<32x256xi32, #tpu.memory_space<vmem>>)
      %dma_wait3A_131 = arith.constant 0 : i32
      %dma_wait3A_132 = arith.constant 1 : i32
      %dma_wait3A_133 = arith.constant 0 : i32
      %dma_wait3A_134 = arith.constant 0 : i32
      %dma_wait3A_135 = arith.constant 0 : i32
      %dma_wait3A_136 = tpu.memref_slice %arg11[%dma_wait3A_133, %dma_wait3A_134, %dma_wait3A_135] : memref<2x32x256xi32, #tpu.memory_space<vmem>> -> memref<1x32x256xi32, #tpu.memory_space<vmem>>
      %dma_wait3A_137 = tpu.memref_squeeze %dma_wait3A_136 : memref<1x32x256xi32, #tpu.memory_space<vmem>> -> memref<32x256xi32, #tpu.memory_space<vmem>>
      %dma_wait3A_138 = arith.constant 0 : i32
      %dma_wait3A_139 = tpu.memref_slice %arg9[%dma_wait3A_131, %dma_wait3A_132, %dma_wait3A_138] : memref<2x3x32xi32, #tpu.memory_space<vmem>> -> memref<1x1x32xi32, #tpu.memory_space<vmem>>
      %dma_wait3A_140 = tpu.memref_squeeze %dma_wait3A_139 : memref<1x1x32xi32, #tpu.memory_space<vmem>> -> memref<32xi32, #tpu.memory_space<vmem>>
      %dma_wait3A_141 = arith.constant 0 : i32
      %dma_wait3A_142 = arith.constant 0 : i32
      %dma_wait3A_143 = tpu.memref_slice %arg2[%dma_wait3A_141, %dma_wait3A_142] : memref<16384x256xi32, #tpu.memory_space<hbm>> -> memref<16384x256xi32, #tpu.memory_space<hbm>>
      tpu.wait_indirect_dma semaphore(%arg15 : memref<!tpu.dma_semaphore, #tpu.memory_space<semaphore_mem>>) src(%dma_wait3A_143 : memref<16384x256xi32, #tpu.memory_space<hbm>>) dst(%dma_wait3A_137 : memref<32x256xi32, #tpu.memory_space<vmem>>)
      %dma_wait3A_144 = arith.constant 0 : i32
      %dma_wait3A_145 = arith.constant 2 : i32
      %dma_wait3A_146 = arith.constant 0 : i32
      %dma_wait3A_147 = arith.constant 0 : i32
      %dma_wait3A_148 = arith.constant 0 : i32
      %dma_wait3A_149 = tpu.memref_slice %arg12[%dma_wait3A_146, %dma_wait3A_147, %dma_wait3A_148] : memref<2x32x256xi32, #tpu.memory_space<vmem>> -> memref<1x32x256xi32, #tpu.memory_space<vmem>>
      %dma_wait3A_150 = tpu.memref_squeeze %dma_wait3A_149 : memref<1x32x256xi32, #tpu.memory_space<vmem>> -> memref<32x256xi32, #tpu.memory_space<vmem>>
      %dma_wait3A_151 = arith.constant 0 : i32
      %dma_wait3A_152 = tpu.memref_slice %arg9[%dma_wait3A_144, %dma_wait3A_145, %dma_wait3A_151] : memref<2x3x32xi32, #tpu.memory_space<vmem>> -> memref<1x1x32xi32, #tpu.memory_space<vmem>>
      %dma_wait3A_153 = tpu.memref_squeeze %dma_wait3A_152 : memref<1x1x32xi32, #tpu.memory_space<vmem>> -> memref<32xi32, #tpu.memory_space<vmem>>
      %dma_wait3A_154 = arith.constant 0 : i32
      %dma_wait3A_155 = arith.constant 0 : i32
      %dma_wait3A_156 = tpu.memref_slice %arg2[%dma_wait3A_154, %dma_wait3A_155] : memref<16384x256xi32, #tpu.memory_space<hbm>> -> memref<16384x256xi32, #tpu.memory_space<hbm>>
      tpu.wait_indirect_dma semaphore(%arg15 : memref<!tpu.dma_semaphore, #tpu.memory_space<semaphore_mem>>) src(%dma_wait3A_156 : memref<16384x256xi32, #tpu.memory_space<hbm>>) dst(%dma_wait3A_150 : memref<32x256xi32, #tpu.memory_space<vmem>>)
      %scan3A_157 = arith.constant 0 : i32
      %scan3A_158 = arith.constant 0 : i32
      %scan3A_159 = arith.constant 32 : i32
      %scan3A_160 = arith.addi %scan3A_158, %scan3A_159 : i32
      %scan3A_161 = arith.constant 1 : i32
      %scan3A_162 = scf.for %scan3A_224 = %scan3A_158 to %scan3A_160 step %scan3A_161 iter_args(%scan3A_225 = %scan3A_157) -> (i32)  : i32 {
        %get3A = arith.constant 0 : i32
        %get3A_226 = arith.index_cast %get3A : i32 to index
        %get3A_227 = arith.index_cast %scan3A_224 : i32 to index
        %get3A_228 = arith.constant 0 : index
        %get3A_229 = tpu.vector_load %arg13[%get3A_226, %get3A_227, %get3A_228] {strides = array<i32>} : memref<2x32x16xf32, #tpu.memory_space<vmem>>, vector<1x1x16xf32>,
        %get3A_230 = vector.shape_cast %get3A_229 : vector<1x1x16xf32> to vector<16xf32>
        %get3A_231 = arith.constant 0 : i32
        %get3A_232 = arith.index_cast %get3A_231 : i32 to index
        %get3A_233 = arith.index_cast %scan3A_224 : i32 to index
        %get3A_234 = arith.constant 0 : index
        %get3A_235 = tpu.vector_load %arg14[%get3A_232, %get3A_233, %get3A_234] {strides = array<i32>} : memref<2x32x16xf32, #tpu.memory_space<vmem>>, vector<1x1x16xf32>,
        %get3A_236 = vector.shape_cast %get3A_235 : vector<1x1x16xf32> to vector<16xf32>
        %sub3A = arith.constant 1.000000e+00 : f32
        %sub3A_237 = vector.broadcast %sub3A : f32 to vector<16xf32>
        %sub3A_238 = arith.subf %sub3A_237, %get3A_230 : vector<16xf32>
        %sub3A_239 = arith.subf %sub3A_238, %get3A_236 : vector<16xf32>
        %get3A_240 = arith.constant 0 : i32
        %get3A_241 = arith.index_cast %get3A_240 : i32 to index
        %get3A_242 = arith.index_cast %scan3A_224 : i32 to index
        %get3A_243 = arith.constant 0 : index
        %get3A_244 = tpu.vector_load %arg10[%get3A_241, %get3A_242, %get3A_243] {strides = array<i32>} : memref<2x32x256xi32, #tpu.memory_space<vmem>>, vector<1x1x16xi32>,
        %get3A_245 = vector.shape_cast %get3A_244 : vector<1x1x16xi32> to vector<16xi32>
        %shift_left3A = arith.constant 16 : i32
        %shift_left3A_246 = vector.broadcast %shift_left3A : i32 to vector<16xi32>
        %shift_left3A_247 = arith.shli %get3A_245, %shift_left3A_246 : vector<16xi32>
        %bitcast_convert_type3A = tpu.bitcast %shift_left3A_247 : vector<16xi32> -> vector<16xf32>
        %and3A = arith.constant -65536 : i32
        %and3A_248 = vector.broadcast %and3A : i32 to vector<16xi32>
        %and3A_249 = arith.andi %get3A_245, %and3A_248 : vector<16xi32>
        %bitcast_convert_type3A_250 = tpu.bitcast %and3A_249 : vector<16xi32> -> vector<16xf32>
        %get3A_251 = arith.constant 0 : i32
        %get3A_252 = arith.index_cast %get3A_251 : i32 to index
        %get3A_253 = arith.index_cast %scan3A_224 : i32 to index
        %get3A_254 = arith.constant 0 : index
        %get3A_255 = tpu.vector_load %arg11[%get3A_252, %get3A_253, %get3A_254] {strides = array<i32>} : memref<2x32x256xi32, #tpu.memory_space<vmem>>, vector<1x1x16xi32>,
        %get3A_256 = vector.shape_cast %get3A_255 : vector<1x1x16xi32> to vector<16xi32>
        %shift_left3A_257 = arith.constant 16 : i32
        %shift_left3A_258 = vector.broadcast %shift_left3A_257 : i32 to vector<16xi32>
        %shift_left3A_259 = arith.shli %get3A_256, %shift_left3A_258 : vector<16xi32>
        %bitcast_convert_type3A_260 = tpu.bitcast %shift_left3A_259 : vector<16xi32> -> vector<16xf32>
        %and3A_261 = arith.constant -65536 : i32
        %and3A_262 = vector.broadcast %and3A_261 : i32 to vector<16xi32>
        %and3A_263 = arith.andi %get3A_256, %and3A_262 : vector<16xi32>
        %bitcast_convert_type3A_264 = tpu.bitcast %and3A_263 : vector<16xi32> -> vector<16xf32>
        %get3A_265 = arith.constant 0 : i32
        %get3A_266 = arith.index_cast %get3A_265 : i32 to index
        %get3A_267 = arith.index_cast %scan3A_224 : i32 to index
        %get3A_268 = arith.constant 0 : index
        %get3A_269 = tpu.vector_load %arg12[%get3A_266, %get3A_267, %get3A_268] {strides = array<i32>} : memref<2x32x256xi32, #tpu.memory_space<vmem>>, vector<1x1x16xi32>,
        %get3A_270 = vector.shape_cast %get3A_269 : vector<1x1x16xi32> to vector<16xi32>
        %shift_left3A_271 = arith.constant 16 : i32
        %shift_left3A_272 = vector.broadcast %shift_left3A_271 : i32 to vector<16xi32>
        %shift_left3A_273 = arith.shli %get3A_270, %shift_left3A_272 : vector<16xi32>
        %bitcast_convert_type3A_274 = tpu.bitcast %shift_left3A_273 : vector<16xi32> -> vector<16xf32>
        %and3A_275 = arith.constant -65536 : i32
        %and3A_276 = vector.broadcast %and3A_275 : i32 to vector<16xi32>
        %and3A_277 = arith.andi %get3A_270, %and3A_276 : vector<16xi32>
        %bitcast_convert_type3A_278 = tpu.bitcast %and3A_277 : vector<16xi32> -> vector<16xf32>
        %mul3A_279 = arith.mulf %get3A_230, %bitcast_convert_type3A : vector<16xf32>
        %mul3A_280 = arith.mulf %get3A_236, %bitcast_convert_type3A_260 : vector<16xf32>
        %add3A_281 = arith.addf %mul3A_279, %mul3A_280 : vector<16xf32>
        %mul3A_282 = arith.mulf %sub3A_239, %bitcast_convert_type3A_274 : vector<16xf32>
        %add3A_283 = arith.addf %add3A_281, %mul3A_282 : vector<16xf32>
        %bitcast_convert_type3A_284 = tpu.bitcast %add3A_283 : vector<16xf32> -> vector<16xi32>
        %add3A_285 = arith.constant 32768 : i32
        %add3A_286 = vector.broadcast %add3A_285 : i32 to vector<16xi32>
        %add3A_287 = arith.addi %bitcast_convert_type3A_284, %add3A_286 : vector<16xi32>
        %mul3A_288 = arith.mulf %get3A_230, %bitcast_convert_type3A_250 : vector<16xf32>
        %mul3A_289 = arith.mulf %get3A_236, %bitcast_convert_type3A_264 : vector<16xf32>
        %add3A_290 = arith.addf %mul3A_288, %mul3A_289 : vector<16xf32>
        %mul3A_291 = arith.mulf %sub3A_239, %bitcast_convert_type3A_278 : vector<16xf32>
        %add3A_292 = arith.addf %add3A_290, %mul3A_291 : vector<16xf32>
        %bitcast_convert_type3A_293 = tpu.bitcast %add3A_292 : vector<16xf32> -> vector<16xi32>
        %add3A_294 = arith.constant 32768 : i32
        %add3A_295 = vector.broadcast %add3A_294 : i32 to vector<16xi32>
        %add3A_296 = arith.addi %bitcast_convert_type3A_293, %add3A_295 : vector<16xi32>
        %shift_right_logical3A = arith.constant 16 : i32
        %shift_right_logical3A_297 = vector.broadcast %shift_right_logical3A : i32 to vector<16xi32>
        %shift_right_logical3A_298 = arith.shrui %add3A_287, %shift_right_logical3A_297 : vector<16xi32>
        %and3A_299 = arith.constant -65536 : i32
        %and3A_300 = vector.broadcast %and3A_299 : i32 to vector<16xi32>
        %and3A_301 = arith.andi %add3A_296, %and3A_300 : vector<16xi32>
        %or3A = arith.ori %shift_right_logical3A_298, %and3A_301 : vector<16xi32>
        %swap3A = arith.constant 0 : i32
        %swap3A_302 = arith.index_cast %swap3A : i32 to index
        %swap3A_303 = arith.index_cast %scan3A_224 : i32 to index
        %swap3A_304 = arith.constant 0 : index
        %swap3A_305 = tpu.vector_load %arg10[%swap3A_302, %swap3A_303, %swap3A_304] {strides = array<i32>} : memref<2x32x256xi32, #tpu.memory_space<vmem>>, vector<1x1x16xi32>,
        %swap3A_306 = vector.shape_cast %swap3A_305 : vector<1x1x16xi32> to vector<16xi32>
        %swap3A_307 = vector.shape_cast %or3A : vector<16xi32> to vector<1x1x16xi32>
        tpu.vector_store %arg10[%swap3A_302, %swap3A_303, %swap3A_304], %swap3A_307 {strides = array<i32>} : memref<2x32x256xi32, #tpu.memory_space<vmem>>, vector<1x1x16xi32>,
        %get3A_308 = arith.constant 0 : i32
        %get3A_309 = arith.index_cast %get3A_308 : i32 to index
        %get3A_310 = arith.index_cast %scan3A_224 : i32 to index
        %get3A_311 = arith.constant 16 : index
        %get3A_312 = tpu.vector_load %arg10[%get3A_309, %get3A_310, %get3A_311] {strides = array<i32>} : memref<2x32x256xi32, #tpu.memory_space<vmem>>, vector<1x1x16xi32>,
        %get3A_313 = vector.shape_cast %get3A_312 : vector<1x1x16xi32> to vector<16xi32>
        %shift_left3A_314 = arith.constant 16 : i32
        %shift_left3A_315 = vector.broadcast %shift_left3A_314 : i32 to vector<16xi32>
        %shift_left3A_316 = arith.shli %get3A_313, %shift_left3A_315 : vector<16xi32>
        %bitcast_convert_type3A_317 = tpu.bitcast %shift_left3A_316 : vector<16xi32> -> vector<16xf32>
        %and3A_318 = arith.constant -65536 : i32
        %and3A_319 = vector.broadcast %and3A_318 : i32 to vector<16xi32>
        %and3A_320 = arith.andi %get3A_313, %and3A_319 : vector<16xi32>
        %bitcast_convert_type3A_321 = tpu.bitcast %and3A_320 : vector<16xi32> -> vector<16xf32>
        %get3A_322 = arith.constant 0 : i32
        %get3A_323 = arith.index_cast %get3A_322 : i32 to index
        %get3A_324 = arith.index_cast %scan3A_224 : i32 to index
        %get3A_325 = arith.constant 16 : index
        %get3A_326 = tpu.vector_load %arg11[%get3A_323, %get3A_324, %get3A_325] {strides = array<i32>} : memref<2x32x256xi32, #tpu.memory_space<vmem>>, vector<1x1x16xi32>,
        %get3A_327 = vector.shape_cast %get3A_326 : vector<1x1x16xi32> to vector<16xi32>
        %shift_left3A_328 = arith.constant 16 : i32
        %shift_left3A_329 = vector.broadcast %shift_left3A_328 : i32 to vector<16xi32>
        %shift_left3A_330 = arith.shli %get3A_327, %shift_left3A_329 : vector<16xi32>
        %bitcast_convert_type3A_331 = tpu.bitcast %shift_left3A_330 : vector<16xi32> -> vector<16xf32>
        %and3A_332 = arith.constant -65536 : i32
        %and3A_333 = vector.broadcast %and3A_332 : i32 to vector<16xi32>
        %and3A_334 = arith.andi %get3A_327, %and3A_333 : vector<16xi32>
        %bitcast_convert_type3A_335 = tpu.bitcast %and3A_334 : vector<16xi32> -> vector<16xf32>
        %get3A_336 = arith.constant 0 : i32
        %get3A_337 = arith.index_cast %get3A_336 : i32 to index
        %get3A_338 = arith.index_cast %scan3A_224 : i32 to index
        %get3A_339 = arith.constant 16 : index
        %get3A_340 = tpu.vector_load %arg12[%get3A_337, %get3A_338, %get3A_339] {strides = array<i32>} : memref<2x32x256xi32, #tpu.memory_space<vmem>>, vector<1x1x16xi32>,
        %get3A_341 = vector.shape_cast %get3A_340 : vector<1x1x16xi32> to vector<16xi32>
        %shift_left3A_342 = arith.constant 16 : i32
        %shift_left3A_343 = vector.broadcast %shift_left3A_342 : i32 to vector<16xi32>
        %shift_left3A_344 = arith.shli %get3A_341, %shift_left3A_343 : vector<16xi32>
        %bitcast_convert_type3A_345 = tpu.bitcast %shift_left3A_344 : vector<16xi32> -> vector<16xf32>
        %and3A_346 = arith.constant -65536 : i32
        %and3A_347 = vector.broadcast %and3A_346 : i32 to vector<16xi32>
        %and3A_348 = arith.andi %get3A_341, %and3A_347 : vector<16xi32>
        %bitcast_convert_type3A_349 = tpu.bitcast %and3A_348 : vector<16xi32> -> vector<16xf32>
        %mul3A_350 = arith.mulf %get3A_230, %bitcast_convert_type3A_317 : vector<16xf32>
        %mul3A_351 = arith.mulf %get3A_236, %bitcast_convert_type3A_331 : vector<16xf32>
        %add3A_352 = arith.addf %mul3A_350, %mul3A_351 : vector<16xf32>
        %mul3A_353 = arith.mulf %sub3A_239, %bitcast_convert_type3A_345 : vector<16xf32>
        %add3A_354 = arith.addf %add3A_352, %mul3A_353 : vector<16xf32>
        %bitcast_convert_type3A_355 = tpu.bitcast %add3A_354 : vector<16xf32> -> vector<16xi32>
        %add3A_356 = arith.constant 32768 : i32
        %add3A_357 = vector.broadcast %add3A_356 : i32 to vector<16xi32>
        %add3A_358 = arith.addi %bitcast_convert_type3A_355, %add3A_357 : vector<16xi32>
        %mul3A_359 = arith.mulf %get3A_230, %bitcast_convert_type3A_321 : vector<16xf32>
        %mul3A_360 = arith.mulf %get3A_236, %bitcast_convert_type3A_335 : vector<16xf32>
        %add3A_361 = arith.addf %mul3A_359, %mul3A_360 : vector<16xf32>
        %mul3A_362 = arith.mulf %sub3A_239, %bitcast_convert_type3A_349 : vector<16xf32>
        %add3A_363 = arith.addf %add3A_361, %mul3A_362 : vector<16xf32>
        %bitcast_convert_type3A_364 = tpu.bitcast %add3A_363 : vector<16xf32> -> vector<16xi32>
        %add3A_365 = arith.constant 32768 : i32
        %add3A_366 = vector.broadcast %add3A_365 : i32 to vector<16xi32>
        %add3A_367 = arith.addi %bitcast_convert_type3A_364, %add3A_366 : vector<16xi32>
        %shift_right_logical3A_368 = arith.constant 16 : i32
        %shift_right_logical3A_369 = vector.broadcast %shift_right_logical3A_368 : i32 to vector<16xi32>
        %shift_right_logical3A_370 = arith.shrui %add3A_358, %shift_right_logical3A_369 : vector<16xi32>
        %and3A_371 = arith.constant -65536 : i32
        %and3A_372 = vector.broadcast %and3A_371 : i32 to vector<16xi32>
        %and3A_373 = arith.andi %add3A_367, %and3A_372 : vector<16xi32>
        %or3A_374 = arith.ori %shift_right_logical3A_370, %and3A_373 : vector<16xi32>
        %swap3A_375 = arith.constant 0 : i32
        %swap3A_376 = arith.index_cast %swap3A_375 : i32 to index
        %swap3A_377 = arith.index_cast %scan3A_224 : i32 to index
        %swap3A_378 = arith.constant 16 : index
        %swap3A_379 = tpu.vector_load %arg10[%swap3A_376, %swap3A_377, %swap3A_378] {strides = array<i32>} : memref<2x32x256xi32, #tpu.memory_space<vmem>>, vector<1x1x16xi32>,
        %swap3A_380 = vector.shape_cast %swap3A_379 : vector<1x1x16xi32> to vector<16xi32>
        %swap3A_381 = vector.shape_cast %or3A_374 : vector<16xi32> to vector<1x1x16xi32>
        tpu.vector_store %arg10[%swap3A_376, %swap3A_377, %swap3A_378], %swap3A_381 {strides = array<i32>} : memref<2x32x256xi32, #tpu.memory_space<vmem>>, vector<1x1x16xi32>,
        %get3A_382 = arith.constant 0 : i32
        %get3A_383 = arith.index_cast %get3A_382 : i32 to index
        %get3A_384 = arith.index_cast %scan3A_224 : i32 to index
        %get3A_385 = arith.constant 32 : index
        %get3A_386 = tpu.vector_load %arg10[%get3A_383, %get3A_384, %get3A_385] {strides = array<i32>} : memref<2x32x256xi32, #tpu.memory_space<vmem>>, vector<1x1x16xi32>,
        %get3A_387 = vector.shape_cast %get3A_386 : vector<1x1x16xi32> to vector<16xi32>
        %shift_left3A_388 = arith.constant 16 : i32
        %shift_left3A_389 = vector.broadcast %shift_left3A_388 : i32 to vector<16xi32>
        %shift_left3A_390 = arith.shli %get3A_387, %shift_left3A_389 : vector<16xi32>
        %bitcast_convert_type3A_391 = tpu.bitcast %shift_left3A_390 : vector<16xi32> -> vector<16xf32>
        %and3A_392 = arith.constant -65536 : i32
        %and3A_393 = vector.broadcast %and3A_392 : i32 to vector<16xi32>
        %and3A_394 = arith.andi %get3A_387, %and3A_393 : vector<16xi32>
        %bitcast_convert_type3A_395 = tpu.bitcast %and3A_394 : vector<16xi32> -> vector<16xf32>
        %get3A_396 = arith.constant 0 : i32
        %get3A_397 = arith.index_cast %get3A_396 : i32 to index
        %get3A_398 = arith.index_cast %scan3A_224 : i32 to index
        %get3A_399 = arith.constant 32 : index
        %get3A_400 = tpu.vector_load %arg11[%get3A_397, %get3A_398, %get3A_399] {strides = array<i32>} : memref<2x32x256xi32, #tpu.memory_space<vmem>>, vector<1x1x16xi32>,
        %get3A_401 = vector.shape_cast %get3A_400 : vector<1x1x16xi32> to vector<16xi32>
        %shift_left3A_402 = arith.constant 16 : i32
        %shift_left3A_403 = vector.broadcast %shift_left3A_402 : i32 to vector<16xi32>
        %shift_left3A_404 = arith.shli %get3A_401, %shift_left3A_403 : vector<16xi32>
        %bitcast_convert_type3A_405 = tpu.bitcast %shift_left3A_404 : vector<16xi32> -> vector<16xf32>
        %and3A_406 = arith.constant -65536 : i32
        %and3A_407 = vector.broadcast %and3A_406 : i32 to vector<16xi32>
        %and3A_408 = arith.andi %get3A_401, %and3A_407 : vector<16xi32>
        %bitcast_convert_type3A_409 = tpu.bitcast %and3A_408 : vector<16xi32> -> vector<16xf32>
        %get3A_410 = arith.constant 0 : i32
        %get3A_411 = arith.index_cast %get3A_410 : i32 to index
        %get3A_412 = arith.index_cast %scan3A_224 : i32 to index
        %get3A_413 = arith.constant 32 : index
        %get3A_414 = tpu.vector_load %arg12[%get3A_411, %get3A_412, %get3A_413] {strides = array<i32>} : memref<2x32x256xi32, #tpu.memory_space<vmem>>, vector<1x1x16xi32>,
        %get3A_415 = vector.shape_cast %get3A_414 : vector<1x1x16xi32> to vector<16xi32>
        %shift_left3A_416 = arith.constant 16 : i32
        %shift_left3A_417 = vector.broadcast %shift_left3A_416 : i32 to vector<16xi32>
        %shift_left3A_418 = arith.shli %get3A_415, %shift_left3A_417 : vector<16xi32>
        %bitcast_convert_type3A_419 = tpu.bitcast %shift_left3A_418 : vector<16xi32> -> vector<16xf32>
        %and3A_420 = arith.constant -65536 : i32
        %and3A_421 = vector.broadcast %and3A_420 : i32 to vector<16xi32>
        %and3A_422 = arith.andi %get3A_415, %and3A_421 : vector<16xi32>
        %bitcast_convert_type3A_423 = tpu.bitcast %and3A_422 : vector<16xi32> -> vector<16xf32>
        %mul3A_424 = arith.mulf %get3A_230, %bitcast_convert_type3A_391 : vector<16xf32>
        %mul3A_425 = arith.mulf %get3A_236, %bitcast_convert_type3A_405 : vector<16xf32>
        %add3A_426 = arith.addf %mul3A_424, %mul3A_425 : vector<16xf32>
        %mul3A_427 = arith.mulf %sub3A_239, %bitcast_convert_type3A_419 : vector<16xf32>
        %add3A_428 = arith.addf %add3A_426, %mul3A_427 : vector<16xf32>
        %bitcast_convert_type3A_429 = tpu.bitcast %add3A_428 : vector<16xf32> -> vector<16xi32>
        %add3A_430 = arith.constant 32768 : i32
        %add3A_431 = vector.broadcast %add3A_430 : i32 to vector<16xi32>
        %add3A_432 = arith.addi %bitcast_convert_type3A_429, %add3A_431 : vector<16xi32>
        %mul3A_433 = arith.mulf %get3A_230, %bitcast_convert_type3A_395 : vector<16xf32>
        %mul3A_434 = arith.mulf %get3A_236, %bitcast_convert_type3A_409 : vector<16xf32>
        %add3A_435 = arith.addf %mul3A_433, %mul3A_434 : vector<16xf32>
        %mul3A_436 = arith.mulf %sub3A_239, %bitcast_convert_type3A_423 : vector<16xf32>
        %add3A_437 = arith.addf %add3A_435, %mul3A_436 : vector<16xf32>
        %bitcast_convert_type3A_438 = tpu.bitcast %add3A_437 : vector<16xf32> -> vector<16xi32>
        %add3A_439 = arith.constant 32768 : i32
        %add3A_440 = vector.broadcast %add3A_439 : i32 to vector<16xi32>
        %add3A_441 = arith.addi %bitcast_convert_type3A_438, %add3A_440 : vector<16xi32>
        %shift_right_logical3A_442 = arith.constant 16 : i32
        %shift_right_logical3A_443 = vector.broadcast %shift_right_logical3A_442 : i32 to vector<16xi32>
        %shift_right_logical3A_444 = arith.shrui %add3A_432, %shift_right_logical3A_443 : vector<16xi32>
        %and3A_445 = arith.constant -65536 : i32
        %and3A_446 = vector.broadcast %and3A_445 : i32 to vector<16xi32>
        %and3A_447 = arith.andi %add3A_441, %and3A_446 : vector<16xi32>
        %or3A_448 = arith.ori %shift_right_logical3A_444, %and3A_447 : vector<16xi32>
        %swap3A_449 = arith.constant 0 : i32
        %swap3A_450 = arith.index_cast %swap3A_449 : i32 to index
        %swap3A_451 = arith.index_cast %scan3A_224 : i32 to index
        %swap3A_452 = arith.constant 32 : index
        %swap3A_453 = tpu.vector_load %arg10[%swap3A_450, %swap3A_451, %swap3A_452] {strides = array<i32>} : memref<2x32x256xi32, #tpu.memory_space<vmem>>, vector<1x1x16xi32>,
        %swap3A_454 = vector.shape_cast %swap3A_453 : vector<1x1x16xi32> to vector<16xi32>
        %swap3A_455 = vector.shape_cast %or3A_448 : vector<16xi32> to vector<1x1x16xi32>
        tpu.vector_store %arg10[%swap3A_450, %swap3A_451, %swap3A_452], %swap3A_455 {strides = array<i32>} : memref<2x32x256xi32, #tpu.memory_space<vmem>>, vector<1x1x16xi32>,
        %get3A_456 = arith.constant 0 : i32
        %get3A_457 = arith.index_cast %get3A_456 : i32 to index
        %get3A_458 = arith.index_cast %scan3A_224 : i32 to index
        %get3A_459 = arith.constant 48 : index
        %get3A_460 = tpu.vector_load %arg10[%get3A_457, %get3A_458, %get3A_459] {strides = array<i32>} : memref<2x32x256xi32, #tpu.memory_space<vmem>>, vector<1x1x16xi32>,
        %get3A_461 = vector.shape_cast %get3A_460 : vector<1x1x16xi32> to vector<16xi32>
        %shift_left3A_462 = arith.constant 16 : i32
        %shift_left3A_463 = vector.broadcast %shift_left3A_462 : i32 to vector<16xi32>
        %shift_left3A_464 = arith.shli %get3A_461, %shift_left3A_463 : vector<16xi32>
        %bitcast_convert_type3A_465 = tpu.bitcast %shift_left3A_464 : vector<16xi32> -> vector<16xf32>
        %and3A_466 = arith.constant -65536 : i32
        %and3A_467 = vector.broadcast %and3A_466 : i32 to vector<16xi32>
        %and3A_468 = arith.andi %get3A_461, %and3A_467 : vector<16xi32>
        %bitcast_convert_type3A_469 = tpu.bitcast %and3A_468 : vector<16xi32> -> vector<16xf32>
        %get3A_470 = arith.constant 0 : i32
        %get3A_471 = arith.index_cast %get3A_470 : i32 to index
        %get3A_472 = arith.index_cast %scan3A_224 : i32 to index
        %get3A_473 = arith.constant 48 : index
        %get3A_474 = tpu.vector_load %arg11[%get3A_471, %get3A_472, %get3A_473] {strides = array<i32>} : memref<2x32x256xi32, #tpu.memory_space<vmem>>, vector<1x1x16xi32>,
        %get3A_475 = vector.shape_cast %get3A_474 : vector<1x1x16xi32> to vector<16xi32>
        %shift_left3A_476 = arith.constant 16 : i32
        %shift_left3A_477 = vector.broadcast %shift_left3A_476 : i32 to vector<16xi32>
        %shift_left3A_478 = arith.shli %get3A_475, %shift_left3A_477 : vector<16xi32>
        %bitcast_convert_type3A_479 = tpu.bitcast %shift_left3A_478 : vector<16xi32> -> vector<16xf32>
        %and3A_480 = arith.constant -65536 : i32
        %and3A_481 = vector.broadcast %and3A_480 : i32 to vector<16xi32>
        %and3A_482 = arith.andi %get3A_475, %and3A_481 : vector<16xi32>
        %bitcast_convert_type3A_483 = tpu.bitcast %and3A_482 : vector<16xi32> -> vector<16xf32>
        %get3A_484 = arith.constant 0 : i32
        %get3A_485 = arith.index_cast %get3A_484 : i32 to index
        %get3A_486 = arith.index_cast %scan3A_224 : i32 to index
        %get3A_487 = arith.constant 48 : index
        %get3A_488 = tpu.vector_load %arg12[%get3A_485, %get3A_486, %get3A_487] {strides = array<i32>} : memref<2x32x256xi32, #tpu.memory_space<vmem>>, vector<1x1x16xi32>,
        %get3A_489 = vector.shape_cast %get3A_488 : vector<1x1x16xi32> to vector<16xi32>
        %shift_left3A_490 = arith.constant 16 : i32
        %shift_left3A_491 = vector.broadcast %shift_left3A_490 : i32 to vector<16xi32>
        %shift_left3A_492 = arith.shli %get3A_489, %shift_left3A_491 : vector<16xi32>
        %bitcast_convert_type3A_493 = tpu.bitcast %shift_left3A_492 : vector<16xi32> -> vector<16xf32>
        %and3A_494 = arith.constant -65536 : i32
        %and3A_495 = vector.broadcast %and3A_494 : i32 to vector<16xi32>
        %and3A_496 = arith.andi %get3A_489, %and3A_495 : vector<16xi32>
        %bitcast_convert_type3A_497 = tpu.bitcast %and3A_496 : vector<16xi32> -> vector<16xf32>
        %mul3A_498 = arith.mulf %get3A_230, %bitcast_convert_type3A_465 : vector<16xf32>
        %mul3A_499 = arith.mulf %get3A_236, %bitcast_convert_type3A_479 : vector<16xf32>
        %add3A_500 = arith.addf %mul3A_498, %mul3A_499 : vector<16xf32>
        %mul3A_501 = arith.mulf %sub3A_239, %bitcast_convert_type3A_493 : vector<16xf32>
        %add3A_502 = arith.addf %add3A_500, %mul3A_501 : vector<16xf32>
        %bitcast_convert_type3A_503 = tpu.bitcast %add3A_502 : vector<16xf32> -> vector<16xi32>
        %add3A_504 = arith.constant 32768 : i32
        %add3A_505 = vector.broadcast %add3A_504 : i32 to vector<16xi32>
        %add3A_506 = arith.addi %bitcast_convert_type3A_503, %add3A_505 : vector<16xi32>
        %mul3A_507 = arith.mulf %get3A_230, %bitcast_convert_type3A_469 : vector<16xf32>
        %mul3A_508 = arith.mulf %get3A_236, %bitcast_convert_type3A_483 : vector<16xf32>
        %add3A_509 = arith.addf %mul3A_507, %mul3A_508 : vector<16xf32>
        %mul3A_510 = arith.mulf %sub3A_239, %bitcast_convert_type3A_497 : vector<16xf32>
        %add3A_511 = arith.addf %add3A_509, %mul3A_510 : vector<16xf32>
        %bitcast_convert_type3A_512 = tpu.bitcast %add3A_511 : vector<16xf32> -> vector<16xi32>
        %add3A_513 = arith.constant 32768 : i32
        %add3A_514 = vector.broadcast %add3A_513 : i32 to vector<16xi32>
        %add3A_515 = arith.addi %bitcast_convert_type3A_512, %add3A_514 : vector<16xi32>
        %shift_right_logical3A_516 = arith.constant 16 : i32
        %shift_right_logical3A_517 = vector.broadcast %shift_right_logical3A_516 : i32 to vector<16xi32>
        %shift_right_logical3A_518 = arith.shrui %add3A_506, %shift_right_logical3A_517 : vector<16xi32>
        %and3A_519 = arith.constant -65536 : i32
        %and3A_520 = vector.broadcast %and3A_519 : i32 to vector<16xi32>
        %and3A_521 = arith.andi %add3A_515, %and3A_520 : vector<16xi32>
        %or3A_522 = arith.ori %shift_right_logical3A_518, %and3A_521 : vector<16xi32>
        %swap3A_523 = arith.constant 0 : i32
        %swap3A_524 = arith.index_cast %swap3A_523 : i32 to index
        %swap3A_525 = arith.index_cast %scan3A_224 : i32 to index
        %swap3A_526 = arith.constant 48 : index
        %swap3A_527 = tpu.vector_load %arg10[%swap3A_524, %swap3A_525, %swap3A_526] {strides = array<i32>} : memref<2x32x256xi32, #tpu.memory_space<vmem>>, vector<1x1x16xi32>,
        %swap3A_528 = vector.shape_cast %swap3A_527 : vector<1x1x16xi32> to vector<16xi32>
        %swap3A_529 = vector.shape_cast %or3A_522 : vector<16xi32> to vector<1x1x16xi32>
        tpu.vector_store %arg10[%swap3A_524, %swap3A_525, %swap3A_526], %swap3A_529 {strides = array<i32>} : memref<2x32x256xi32, #tpu.memory_space<vmem>>, vector<1x1x16xi32>,
        %get3A_530 = arith.constant 0 : i32
        %get3A_531 = arith.index_cast %get3A_530 : i32 to index
        %get3A_532 = arith.index_cast %scan3A_224 : i32 to index
        %get3A_533 = arith.constant 64 : index
        %get3A_534 = tpu.vector_load %arg10[%get3A_531, %get3A_532, %get3A_533] {strides = array<i32>} : memref<2x32x256xi32, #tpu.memory_space<vmem>>, vector<1x1x16xi32>,
        %get3A_535 = vector.shape_cast %get3A_534 : vector<1x1x16xi32> to vector<16xi32>
        %shift_left3A_536 = arith.constant 16 : i32
        %shift_left3A_537 = vector.broadcast %shift_left3A_536 : i32 to vector<16xi32>
        %shift_left3A_538 = arith.shli %get3A_535, %shift_left3A_537 : vector<16xi32>
        %bitcast_convert_type3A_539 = tpu.bitcast %shift_left3A_538 : vector<16xi32> -> vector<16xf32>
        %and3A_540 = arith.constant -65536 : i32
        %and3A_541 = vector.broadcast %and3A_540 : i32 to vector<16xi32>
        %and3A_542 = arith.andi %get3A_535, %and3A_541 : vector<16xi32>
        %bitcast_convert_type3A_543 = tpu.bitcast %and3A_542 : vector<16xi32> -> vector<16xf32>
        %get3A_544 = arith.constant 0 : i32
        %get3A_545 = arith.index_cast %get3A_544 : i32 to index
        %get3A_546 = arith.index_cast %scan3A_224 : i32 to index
        %get3A_547 = arith.constant 64 : index
        %get3A_548 = tpu.vector_load %arg11[%get3A_545, %get3A_546, %get3A_547] {strides = array<i32>} : memref<2x32x256xi32, #tpu.memory_space<vmem>>, vector<1x1x16xi32>,
        %get3A_549 = vector.shape_cast %get3A_548 : vector<1x1x16xi32> to vector<16xi32>
        %shift_left3A_550 = arith.constant 16 : i32
        %shift_left3A_551 = vector.broadcast %shift_left3A_550 : i32 to vector<16xi32>
        %shift_left3A_552 = arith.shli %get3A_549, %shift_left3A_551 : vector<16xi32>
        %bitcast_convert_type3A_553 = tpu.bitcast %shift_left3A_552 : vector<16xi32> -> vector<16xf32>
        %and3A_554 = arith.constant -65536 : i32
        %and3A_555 = vector.broadcast %and3A_554 : i32 to vector<16xi32>
        %and3A_556 = arith.andi %get3A_549, %and3A_555 : vector<16xi32>
        %bitcast_convert_type3A_557 = tpu.bitcast %and3A_556 : vector<16xi32> -> vector<16xf32>
        %get3A_558 = arith.constant 0 : i32
        %get3A_559 = arith.index_cast %get3A_558 : i32 to index
        %get3A_560 = arith.index_cast %scan3A_224 : i32 to index
        %get3A_561 = arith.constant 64 : index
        %get3A_562 = tpu.vector_load %arg12[%get3A_559, %get3A_560, %get3A_561] {strides = array<i32>} : memref<2x32x256xi32, #tpu.memory_space<vmem>>, vector<1x1x16xi32>,
        %get3A_563 = vector.shape_cast %get3A_562 : vector<1x1x16xi32> to vector<16xi32>
        %shift_left3A_564 = arith.constant 16 : i32
        %shift_left3A_565 = vector.broadcast %shift_left3A_564 : i32 to vector<16xi32>
        %shift_left3A_566 = arith.shli %get3A_563, %shift_left3A_565 : vector<16xi32>
        %bitcast_convert_type3A_567 = tpu.bitcast %shift_left3A_566 : vector<16xi32> -> vector<16xf32>
        %and3A_568 = arith.constant -65536 : i32
        %and3A_569 = vector.broadcast %and3A_568 : i32 to vector<16xi32>
        %and3A_570 = arith.andi %get3A_563, %and3A_569 : vector<16xi32>
        %bitcast_convert_type3A_571 = tpu.bitcast %and3A_570 : vector<16xi32> -> vector<16xf32>
        %mul3A_572 = arith.mulf %get3A_230, %bitcast_convert_type3A_539 : vector<16xf32>
        %mul3A_573 = arith.mulf %get3A_236, %bitcast_convert_type3A_553 : vector<16xf32>
        %add3A_574 = arith.addf %mul3A_572, %mul3A_573 : vector<16xf32>
        %mul3A_575 = arith.mulf %sub3A_239, %bitcast_convert_type3A_567 : vector<16xf32>
        %add3A_576 = arith.addf %add3A_574, %mul3A_575 : vector<16xf32>
        %bitcast_convert_type3A_577 = tpu.bitcast %add3A_576 : vector<16xf32> -> vector<16xi32>
        %add3A_578 = arith.constant 32768 : i32
        %add3A_579 = vector.broadcast %add3A_578 : i32 to vector<16xi32>
        %add3A_580 = arith.addi %bitcast_convert_type3A_577, %add3A_579 : vector<16xi32>
        %mul3A_581 = arith.mulf %get3A_230, %bitcast_convert_type3A_543 : vector<16xf32>
        %mul3A_582 = arith.mulf %get3A_236, %bitcast_convert_type3A_557 : vector<16xf32>
        %add3A_583 = arith.addf %mul3A_581, %mul3A_582 : vector<16xf32>
        %mul3A_584 = arith.mulf %sub3A_239, %bitcast_convert_type3A_571 : vector<16xf32>
        %add3A_585 = arith.addf %add3A_583, %mul3A_584 : vector<16xf32>
        %bitcast_convert_type3A_586 = tpu.bitcast %add3A_585 : vector<16xf32> -> vector<16xi32>
        %add3A_587 = arith.constant 32768 : i32
        %add3A_588 = vector.broadcast %add3A_587 : i32 to vector<16xi32>
        %add3A_589 = arith.addi %bitcast_convert_type3A_586, %add3A_588 : vector<16xi32>
        %shift_right_logical3A_590 = arith.constant 16 : i32
        %shift_right_logical3A_591 = vector.broadcast %shift_right_logical3A_590 : i32 to vector<16xi32>
        %shift_right_logical3A_592 = arith.shrui %add3A_580, %shift_right_logical3A_591 : vector<16xi32>
        %and3A_593 = arith.constant -65536 : i32
        %and3A_594 = vector.broadcast %and3A_593 : i32 to vector<16xi32>
        %and3A_595 = arith.andi %add3A_589, %and3A_594 : vector<16xi32>
        %or3A_596 = arith.ori %shift_right_logical3A_592, %and3A_595 : vector<16xi32>
        %swap3A_597 = arith.constant 0 : i32
        %swap3A_598 = arith.index_cast %swap3A_597 : i32 to index
        %swap3A_599 = arith.index_cast %scan3A_224 : i32 to index
        %swap3A_600 = arith.constant 64 : index
        %swap3A_601 = tpu.vector_load %arg10[%swap3A_598, %swap3A_599, %swap3A_600] {strides = array<i32>} : memref<2x32x256xi32, #tpu.memory_space<vmem>>, vector<1x1x16xi32>,
        %swap3A_602 = vector.shape_cast %swap3A_601 : vector<1x1x16xi32> to vector<16xi32>
        %swap3A_603 = vector.shape_cast %or3A_596 : vector<16xi32> to vector<1x1x16xi32>
        tpu.vector_store %arg10[%swap3A_598, %swap3A_599, %swap3A_600], %swap3A_603 {strides = array<i32>} : memref<2x32x256xi32, #tpu.memory_space<vmem>>, vector<1x1x16xi32>,
        %get3A_604 = arith.constant 0 : i32
        %get3A_605 = arith.index_cast %get3A_604 : i32 to index
        %get3A_606 = arith.index_cast %scan3A_224 : i32 to index
        %get3A_607 = arith.constant 80 : index
        %get3A_608 = tpu.vector_load %arg10[%get3A_605, %get3A_606, %get3A_607] {strides = array<i32>} : memref<2x32x256xi32, #tpu.memory_space<vmem>>, vector<1x1x16xi32>,
        %get3A_609 = vector.shape_cast %get3A_608 : vector<1x1x16xi32> to vector<16xi32>
        %shift_left3A_610 = arith.constant 16 : i32
        %shift_left3A_611 = vector.broadcast %shift_left3A_610 : i32 to vector<16xi32>
        %shift_left3A_612 = arith.shli %get3A_609, %shift_left3A_611 : vector<16xi32>
        %bitcast_convert_type3A_613 = tpu.bitcast %shift_left3A_612 : vector<16xi32> -> vector<16xf32>
        %and3A_614 = arith.constant -65536 : i32
        %and3A_615 = vector.broadcast %and3A_614 : i32 to vector<16xi32>
        %and3A_616 = arith.andi %get3A_609, %and3A_615 : vector<16xi32>
        %bitcast_convert_type3A_617 = tpu.bitcast %and3A_616 : vector<16xi32> -> vector<16xf32>
        %get3A_618 = arith.constant 0 : i32
        %get3A_619 = arith.index_cast %get3A_618 : i32 to index
        %get3A_620 = arith.index_cast %scan3A_224 : i32 to index
        %get3A_621 = arith.constant 80 : index
        %get3A_622 = tpu.vector_load %arg11[%get3A_619, %get3A_620, %get3A_621] {strides = array<i32>} : memref<2x32x256xi32, #tpu.memory_space<vmem>>, vector<1x1x16xi32>,
        %get3A_623 = vector.shape_cast %get3A_622 : vector<1x1x16xi32> to vector<16xi32>
        %shift_left3A_624 = arith.constant 16 : i32
        %shift_left3A_625 = vector.broadcast %shift_left3A_624 : i32 to vector<16xi32>
        %shift_left3A_626 = arith.shli %get3A_623, %shift_left3A_625 : vector<16xi32>
        %bitcast_convert_type3A_627 = tpu.bitcast %shift_left3A_626 : vector<16xi32> -> vector<16xf32>
        %and3A_628 = arith.constant -65536 : i32
        %and3A_629 = vector.broadcast %and3A_628 : i32 to vector<16xi32>
        %and3A_630 = arith.andi %get3A_623, %and3A_629 : vector<16xi32>
        %bitcast_convert_type3A_631 = tpu.bitcast %and3A_630 : vector<16xi32> -> vector<16xf32>
        %get3A_632 = arith.constant 0 : i32
        %get3A_633 = arith.index_cast %get3A_632 : i32 to index
        %get3A_634 = arith.index_cast %scan3A_224 : i32 to index
        %get3A_635 = arith.constant 80 : index
        %get3A_636 = tpu.vector_load %arg12[%get3A_633, %get3A_634, %get3A_635] {strides = array<i32>} : memref<2x32x256xi32, #tpu.memory_space<vmem>>, vector<1x1x16xi32>,
        %get3A_637 = vector.shape_cast %get3A_636 : vector<1x1x16xi32> to vector<16xi32>
        %shift_left3A_638 = arith.constant 16 : i32
        %shift_left3A_639 = vector.broadcast %shift_left3A_638 : i32 to vector<16xi32>
        %shift_left3A_640 = arith.shli %get3A_637, %shift_left3A_639 : vector<16xi32>
        %bitcast_convert_type3A_641 = tpu.bitcast %shift_left3A_640 : vector<16xi32> -> vector<16xf32>
        %and3A_642 = arith.constant -65536 : i32
        %and3A_643 = vector.broadcast %and3A_642 : i32 to vector<16xi32>
        %and3A_644 = arith.andi %get3A_637, %and3A_643 : vector<16xi32>
        %bitcast_convert_type3A_645 = tpu.bitcast %and3A_644 : vector<16xi32> -> vector<16xf32>
        %mul3A_646 = arith.mulf %get3A_230, %bitcast_convert_type3A_613 : vector<16xf32>
        %mul3A_647 = arith.mulf %get3A_236, %bitcast_convert_type3A_627 : vector<16xf32>
        %add3A_648 = arith.addf %mul3A_646, %mul3A_647 : vector<16xf32>
        %mul3A_649 = arith.mulf %sub3A_239, %bitcast_convert_type3A_641 : vector<16xf32>
        %add3A_650 = arith.addf %add3A_648, %mul3A_649 : vector<16xf32>
        %bitcast_convert_type3A_651 = tpu.bitcast %add3A_650 : vector<16xf32> -> vector<16xi32>
        %add3A_652 = arith.constant 32768 : i32
        %add3A_653 = vector.broadcast %add3A_652 : i32 to vector<16xi32>
        %add3A_654 = arith.addi %bitcast_convert_type3A_651, %add3A_653 : vector<16xi32>
        %mul3A_655 = arith.mulf %get3A_230, %bitcast_convert_type3A_617 : vector<16xf32>
        %mul3A_656 = arith.mulf %get3A_236, %bitcast_convert_type3A_631 : vector<16xf32>
        %add3A_657 = arith.addf %mul3A_655, %mul3A_656 : vector<16xf32>
        %mul3A_658 = arith.mulf %sub3A_239, %bitcast_convert_type3A_645 : vector<16xf32>
        %add3A_659 = arith.addf %add3A_657, %mul3A_658 : vector<16xf32>
        %bitcast_convert_type3A_660 = tpu.bitcast %add3A_659 : vector<16xf32> -> vector<16xi32>
        %add3A_661 = arith.constant 32768 : i32
        %add3A_662 = vector.broadcast %add3A_661 : i32 to vector<16xi32>
        %add3A_663 = arith.addi %bitcast_convert_type3A_660, %add3A_662 : vector<16xi32>
        %shift_right_logical3A_664 = arith.constant 16 : i32
        %shift_right_logical3A_665 = vector.broadcast %shift_right_logical3A_664 : i32 to vector<16xi32>
        %shift_right_logical3A_666 = arith.shrui %add3A_654, %shift_right_logical3A_665 : vector<16xi32>
        %and3A_667 = arith.constant -65536 : i32
        %and3A_668 = vector.broadcast %and3A_667 : i32 to vector<16xi32>
        %and3A_669 = arith.andi %add3A_663, %and3A_668 : vector<16xi32>
        %or3A_670 = arith.ori %shift_right_logical3A_666, %and3A_669 : vector<16xi32>
        %swap3A_671 = arith.constant 0 : i32
        %swap3A_672 = arith.index_cast %swap3A_671 : i32 to index
        %swap3A_673 = arith.index_cast %scan3A_224 : i32 to index
        %swap3A_674 = arith.constant 80 : index
        %swap3A_675 = tpu.vector_load %arg10[%swap3A_672, %swap3A_673, %swap3A_674] {strides = array<i32>} : memref<2x32x256xi32, #tpu.memory_space<vmem>>, vector<1x1x16xi32>,
        %swap3A_676 = vector.shape_cast %swap3A_675 : vector<1x1x16xi32> to vector<16xi32>
        %swap3A_677 = vector.shape_cast %or3A_670 : vector<16xi32> to vector<1x1x16xi32>
        tpu.vector_store %arg10[%swap3A_672, %swap3A_673, %swap3A_674], %swap3A_677 {strides = array<i32>} : memref<2x32x256xi32, #tpu.memory_space<vmem>>, vector<1x1x16xi32>,
        %get3A_678 = arith.constant 0 : i32
        %get3A_679 = arith.index_cast %get3A_678 : i32 to index
        %get3A_680 = arith.index_cast %scan3A_224 : i32 to index
        %get3A_681 = arith.constant 96 : index
        %get3A_682 = tpu.vector_load %arg10[%get3A_679, %get3A_680, %get3A_681] {strides = array<i32>} : memref<2x32x256xi32, #tpu.memory_space<vmem>>, vector<1x1x16xi32>,
        %get3A_683 = vector.shape_cast %get3A_682 : vector<1x1x16xi32> to vector<16xi32>
        %shift_left3A_684 = arith.constant 16 : i32
        %shift_left3A_685 = vector.broadcast %shift_left3A_684 : i32 to vector<16xi32>
        %shift_left3A_686 = arith.shli %get3A_683, %shift_left3A_685 : vector<16xi32>
        %bitcast_convert_type3A_687 = tpu.bitcast %shift_left3A_686 : vector<16xi32> -> vector<16xf32>
        %and3A_688 = arith.constant -65536 : i32
        %and3A_689 = vector.broadcast %and3A_688 : i32 to vector<16xi32>
        %and3A_690 = arith.andi %get3A_683, %and3A_689 : vector<16xi32>
        %bitcast_convert_type3A_691 = tpu.bitcast %and3A_690 : vector<16xi32> -> vector<16xf32>
        %get3A_692 = arith.constant 0 : i32
        %get3A_693 = arith.index_cast %get3A_692 : i32 to index
        %get3A_694 = arith.index_cast %scan3A_224 : i32 to index
        %get3A_695 = arith.constant 96 : index
        %get3A_696 = tpu.vector_load %arg11[%get3A_693, %get3A_694, %get3A_695] {strides = array<i32>} : memref<2x32x256xi32, #tpu.memory_space<vmem>>, vector<1x1x16xi32>,
        %get3A_697 = vector.shape_cast %get3A_696 : vector<1x1x16xi32> to vector<16xi32>
        %shift_left3A_698 = arith.constant 16 : i32
        %shift_left3A_699 = vector.broadcast %shift_left3A_698 : i32 to vector<16xi32>
        %shift_left3A_700 = arith.shli %get3A_697, %shift_left3A_699 : vector<16xi32>
        %bitcast_convert_type3A_701 = tpu.bitcast %shift_left3A_700 : vector<16xi32> -> vector<16xf32>
        %and3A_702 = arith.constant -65536 : i32
        %and3A_703 = vector.broadcast %and3A_702 : i32 to vector<16xi32>
        %and3A_704 = arith.andi %get3A_697, %and3A_703 : vector<16xi32>
        %bitcast_convert_type3A_705 = tpu.bitcast %and3A_704 : vector<16xi32> -> vector<16xf32>
        %get3A_706 = arith.constant 0 : i32
        %get3A_707 = arith.index_cast %get3A_706 : i32 to index
        %get3A_708 = arith.index_cast %scan3A_224 : i32 to index
        %get3A_709 = arith.constant 96 : index
        %get3A_710 = tpu.vector_load %arg12[%get3A_707, %get3A_708, %get3A_709] {strides = array<i32>} : memref<2x32x256xi32, #tpu.memory_space<vmem>>, vector<1x1x16xi32>,
        %get3A_711 = vector.shape_cast %get3A_710 : vector<1x1x16xi32> to vector<16xi32>
        %shift_left3A_712 = arith.constant 16 : i32
        %shift_left3A_713 = vector.broadcast %shift_left3A_712 : i32 to vector<16xi32>
        %shift_left3A_714 = arith.shli %get3A_711, %shift_left3A_713 : vector<16xi32>
        %bitcast_convert_type3A_715 = tpu.bitcast %shift_left3A_714 : vector<16xi32> -> vector<16xf32>
        %and3A_716 = arith.constant -65536 : i32
        %and3A_717 = vector.broadcast %and3A_716 : i32 to vector<16xi32>
        %and3A_718 = arith.andi %get3A_711, %and3A_717 : vector<16xi32>
        %bitcast_convert_type3A_719 = tpu.bitcast %and3A_718 : vector<16xi32> -> vector<16xf32>
        %mul3A_720 = arith.mulf %get3A_230, %bitcast_convert_type3A_687 : vector<16xf32>
        %mul3A_721 = arith.mulf %get3A_236, %bitcast_convert_type3A_701 : vector<16xf32>
        %add3A_722 = arith.addf %mul3A_720, %mul3A_721 : vector<16xf32>
        %mul3A_723 = arith.mulf %sub3A_239, %bitcast_convert_type3A_715 : vector<16xf32>
        %add3A_724 = arith.addf %add3A_722, %mul3A_723 : vector<16xf32>
        %bitcast_convert_type3A_725 = tpu.bitcast %add3A_724 : vector<16xf32> -> vector<16xi32>
        %add3A_726 = arith.constant 32768 : i32
        %add3A_727 = vector.broadcast %add3A_726 : i32 to vector<16xi32>
        %add3A_728 = arith.addi %bitcast_convert_type3A_725, %add3A_727 : vector<16xi32>
        %mul3A_729 = arith.mulf %get3A_230, %bitcast_convert_type3A_691 : vector<16xf32>
        %mul3A_730 = arith.mulf %get3A_236, %bitcast_convert_type3A_705 : vector<16xf32>
        %add3A_731 = arith.addf %mul3A_729, %mul3A_730 : vector<16xf32>
        %mul3A_732 = arith.mulf %sub3A_239, %bitcast_convert_type3A_719 : vector<16xf32>
        %add3A_733 = arith.addf %add3A_731, %mul3A_732 : vector<16xf32>
        %bitcast_convert_type3A_734 = tpu.bitcast %add3A_733 : vector<16xf32> -> vector<16xi32>
        %add3A_735 = arith.constant 32768 : i32
        %add3A_736 = vector.broadcast %add3A_735 : i32 to vector<16xi32>
        %add3A_737 = arith.addi %bitcast_convert_type3A_734, %add3A_736 : vector<16xi32>
        %shift_right_logical3A_738 = arith.constant 16 : i32
        %shift_right_logical3A_739 = vector.broadcast %shift_right_logical3A_738 : i32 to vector<16xi32>
        %shift_right_logical3A_740 = arith.shrui %add3A_728, %shift_right_logical3A_739 : vector<16xi32>
        %and3A_741 = arith.constant -65536 : i32
        %and3A_742 = vector.broadcast %and3A_741 : i32 to vector<16xi32>
        %and3A_743 = arith.andi %add3A_737, %and3A_742 : vector<16xi32>
        %or3A_744 = arith.ori %shift_right_logical3A_740, %and3A_743 : vector<16xi32>
        %swap3A_745 = arith.constant 0 : i32
        %swap3A_746 = arith.index_cast %swap3A_745 : i32 to index
        %swap3A_747 = arith.index_cast %scan3A_224 : i32 to index
        %swap3A_748 = arith.constant 96 : index
        %swap3A_749 = tpu.vector_load %arg10[%swap3A_746, %swap3A_747, %swap3A_748] {strides = array<i32>} : memref<2x32x256xi32, #tpu.memory_space<vmem>>, vector<1x1x16xi32>,
        %swap3A_750 = vector.shape_cast %swap3A_749 : vector<1x1x16xi32> to vector<16xi32>
        %swap3A_751 = vector.shape_cast %or3A_744 : vector<16xi32> to vector<1x1x16xi32>
        tpu.vector_store %arg10[%swap3A_746, %swap3A_747, %swap3A_748], %swap3A_751 {strides = array<i32>} : memref<2x32x256xi32, #tpu.memory_space<vmem>>, vector<1x1x16xi32>,
        %get3A_752 = arith.constant 0 : i32
        %get3A_753 = arith.index_cast %get3A_752 : i32 to index
        %get3A_754 = arith.index_cast %scan3A_224 : i32 to index
        %get3A_755 = arith.constant 112 : index
        %get3A_756 = tpu.vector_load %arg10[%get3A_753, %get3A_754, %get3A_755] {strides = array<i32>} : memref<2x32x256xi32, #tpu.memory_space<vmem>>, vector<1x1x16xi32>,
        %get3A_757 = vector.shape_cast %get3A_756 : vector<1x1x16xi32> to vector<16xi32>
        %shift_left3A_758 = arith.constant 16 : i32
        %shift_left3A_759 = vector.broadcast %shift_left3A_758 : i32 to vector<16xi32>
        %shift_left3A_760 = arith.shli %get3A_757, %shift_left3A_759 : vector<16xi32>
        %bitcast_convert_type3A_761 = tpu.bitcast %shift_left3A_760 : vector<16xi32> -> vector<16xf32>
        %and3A_762 = arith.constant -65536 : i32
        %and3A_763 = vector.broadcast %and3A_762 : i32 to vector<16xi32>
        %and3A_764 = arith.andi %get3A_757, %and3A_763 : vector<16xi32>
        %bitcast_convert_type3A_765 = tpu.bitcast %and3A_764 : vector<16xi32> -> vector<16xf32>
        %get3A_766 = arith.constant 0 : i32
        %get3A_767 = arith.index_cast %get3A_766 : i32 to index
        %get3A_768 = arith.index_cast %scan3A_224 : i32 to index
        %get3A_769 = arith.constant 112 : index
        %get3A_770 = tpu.vector_load %arg11[%get3A_767, %get3A_768, %get3A_769] {strides = array<i32>} : memref<2x32x256xi32, #tpu.memory_space<vmem>>, vector<1x1x16xi32>,
        %get3A_771 = vector.shape_cast %get3A_770 : vector<1x1x16xi32> to vector<16xi32>
        %shift_left3A_772 = arith.constant 16 : i32
        %shift_left3A_773 = vector.broadcast %shift_left3A_772 : i32 to vector<16xi32>
        %shift_left3A_774 = arith.shli %get3A_771, %shift_left3A_773 : vector<16xi32>
        %bitcast_convert_type3A_775 = tpu.bitcast %shift_left3A_774 : vector<16xi32> -> vector<16xf32>
        %and3A_776 = arith.constant -65536 : i32
        %and3A_777 = vector.broadcast %and3A_776 : i32 to vector<16xi32>
        %and3A_778 = arith.andi %get3A_771, %and3A_777 : vector<16xi32>
        %bitcast_convert_type3A_779 = tpu.bitcast %and3A_778 : vector<16xi32> -> vector<16xf32>
        %get3A_780 = arith.constant 0 : i32
        %get3A_781 = arith.index_cast %get3A_780 : i32 to index
        %get3A_782 = arith.index_cast %scan3A_224 : i32 to index
        %get3A_783 = arith.constant 112 : index
        %get3A_784 = tpu.vector_load %arg12[%get3A_781, %get3A_782, %get3A_783] {strides = array<i32>} : memref<2x32x256xi32, #tpu.memory_space<vmem>>, vector<1x1x16xi32>,
        %get3A_785 = vector.shape_cast %get3A_784 : vector<1x1x16xi32> to vector<16xi32>
        %shift_left3A_786 = arith.constant 16 : i32
        %shift_left3A_787 = vector.broadcast %shift_left3A_786 : i32 to vector<16xi32>
        %shift_left3A_788 = arith.shli %get3A_785, %shift_left3A_787 : vector<16xi32>
        %bitcast_convert_type3A_789 = tpu.bitcast %shift_left3A_788 : vector<16xi32> -> vector<16xf32>
        %and3A_790 = arith.constant -65536 : i32
        %and3A_791 = vector.broadcast %and3A_790 : i32 to vector<16xi32>
        %and3A_792 = arith.andi %get3A_785, %and3A_791 : vector<16xi32>
        %bitcast_convert_type3A_793 = tpu.bitcast %and3A_792 : vector<16xi32> -> vector<16xf32>
        %mul3A_794 = arith.mulf %get3A_230, %bitcast_convert_type3A_761 : vector<16xf32>
        %mul3A_795 = arith.mulf %get3A_236, %bitcast_convert_type3A_775 : vector<16xf32>
        %add3A_796 = arith.addf %mul3A_794, %mul3A_795 : vector<16xf32>
        %mul3A_797 = arith.mulf %sub3A_239, %bitcast_convert_type3A_789 : vector<16xf32>
        %add3A_798 = arith.addf %add3A_796, %mul3A_797 : vector<16xf32>
        %bitcast_convert_type3A_799 = tpu.bitcast %add3A_798 : vector<16xf32> -> vector<16xi32>
        %add3A_800 = arith.constant 32768 : i32
        %add3A_801 = vector.broadcast %add3A_800 : i32 to vector<16xi32>
        %add3A_802 = arith.addi %bitcast_convert_type3A_799, %add3A_801 : vector<16xi32>
        %mul3A_803 = arith.mulf %get3A_230, %bitcast_convert_type3A_765 : vector<16xf32>
        %mul3A_804 = arith.mulf %get3A_236, %bitcast_convert_type3A_779 : vector<16xf32>
        %add3A_805 = arith.addf %mul3A_803, %mul3A_804 : vector<16xf32>
        %mul3A_806 = arith.mulf %sub3A_239, %bitcast_convert_type3A_793 : vector<16xf32>
        %add3A_807 = arith.addf %add3A_805, %mul3A_806 : vector<16xf32>
        %bitcast_convert_type3A_808 = tpu.bitcast %add3A_807 : vector<16xf32> -> vector<16xi32>
        %add3A_809 = arith.constant 32768 : i32
        %add3A_810 = vector.broadcast %add3A_809 : i32 to vector<16xi32>
        %add3A_811 = arith.addi %bitcast_convert_type3A_808, %add3A_810 : vector<16xi32>
        %shift_right_logical3A_812 = arith.constant 16 : i32
        %shift_right_logical3A_813 = vector.broadcast %shift_right_logical3A_812 : i32 to vector<16xi32>
        %shift_right_logical3A_814 = arith.shrui %add3A_802, %shift_right_logical3A_813 : vector<16xi32>
        %and3A_815 = arith.constant -65536 : i32
        %and3A_816 = vector.broadcast %and3A_815 : i32 to vector<16xi32>
        %and3A_817 = arith.andi %add3A_811, %and3A_816 : vector<16xi32>
        %or3A_818 = arith.ori %shift_right_logical3A_814, %and3A_817 : vector<16xi32>
        %swap3A_819 = arith.constant 0 : i32
        %swap3A_820 = arith.index_cast %swap3A_819 : i32 to index
        %swap3A_821 = arith.index_cast %scan3A_224 : i32 to index
        %swap3A_822 = arith.constant 112 : index
        %swap3A_823 = tpu.vector_load %arg10[%swap3A_820, %swap3A_821, %swap3A_822] {strides = array<i32>} : memref<2x32x256xi32, #tpu.memory_space<vmem>>, vector<1x1x16xi32>,
        %swap3A_824 = vector.shape_cast %swap3A_823 : vector<1x1x16xi32> to vector<16xi32>
        %swap3A_825 = vector.shape_cast %or3A_818 : vector<16xi32> to vector<1x1x16xi32>
        tpu.vector_store %arg10[%swap3A_820, %swap3A_821, %swap3A_822], %swap3A_825 {strides = array<i32>} : memref<2x32x256xi32, #tpu.memory_space<vmem>>, vector<1x1x16xi32>,
        %get3A_826 = arith.constant 0 : i32
        %get3A_827 = arith.index_cast %get3A_826 : i32 to index
        %get3A_828 = arith.index_cast %scan3A_224 : i32 to index
        %get3A_829 = arith.constant 128 : index
        %get3A_830 = tpu.vector_load %arg10[%get3A_827, %get3A_828, %get3A_829] {strides = array<i32>} : memref<2x32x256xi32, #tpu.memory_space<vmem>>, vector<1x1x16xi32>,
        %get3A_831 = vector.shape_cast %get3A_830 : vector<1x1x16xi32> to vector<16xi32>
        %shift_left3A_832 = arith.constant 16 : i32
        %shift_left3A_833 = vector.broadcast %shift_left3A_832 : i32 to vector<16xi32>
        %shift_left3A_834 = arith.shli %get3A_831, %shift_left3A_833 : vector<16xi32>
        %bitcast_convert_type3A_835 = tpu.bitcast %shift_left3A_834 : vector<16xi32> -> vector<16xf32>
        %and3A_836 = arith.constant -65536 : i32
        %and3A_837 = vector.broadcast %and3A_836 : i32 to vector<16xi32>
        %and3A_838 = arith.andi %get3A_831, %and3A_837 : vector<16xi32>
        %bitcast_convert_type3A_839 = tpu.bitcast %and3A_838 : vector<16xi32> -> vector<16xf32>
        %get3A_840 = arith.constant 0 : i32
        %get3A_841 = arith.index_cast %get3A_840 : i32 to index
        %get3A_842 = arith.index_cast %scan3A_224 : i32 to index
        %get3A_843 = arith.constant 128 : index
        %get3A_844 = tpu.vector_load %arg11[%get3A_841, %get3A_842, %get3A_843] {strides = array<i32>} : memref<2x32x256xi32, #tpu.memory_space<vmem>>, vector<1x1x16xi32>,
        %get3A_845 = vector.shape_cast %get3A_844 : vector<1x1x16xi32> to vector<16xi32>
        %shift_left3A_846 = arith.constant 16 : i32
        %shift_left3A_847 = vector.broadcast %shift_left3A_846 : i32 to vector<16xi32>
        %shift_left3A_848 = arith.shli %get3A_845, %shift_left3A_847 : vector<16xi32>
        %bitcast_convert_type3A_849 = tpu.bitcast %shift_left3A_848 : vector<16xi32> -> vector<16xf32>
        %and3A_850 = arith.constant -65536 : i32
        %and3A_851 = vector.broadcast %and3A_850 : i32 to vector<16xi32>
        %and3A_852 = arith.andi %get3A_845, %and3A_851 : vector<16xi32>
        %bitcast_convert_type3A_853 = tpu.bitcast %and3A_852 : vector<16xi32> -> vector<16xf32>
        %get3A_854 = arith.constant 0 : i32
        %get3A_855 = arith.index_cast %get3A_854 : i32 to index
        %get3A_856 = arith.index_cast %scan3A_224 : i32 to index
        %get3A_857 = arith.constant 128 : index
        %get3A_858 = tpu.vector_load %arg12[%get3A_855, %get3A_856, %get3A_857] {strides = array<i32>} : memref<2x32x256xi32, #tpu.memory_space<vmem>>, vector<1x1x16xi32>,
        %get3A_859 = vector.shape_cast %get3A_858 : vector<1x1x16xi32> to vector<16xi32>
        %shift_left3A_860 = arith.constant 16 : i32
        %shift_left3A_861 = vector.broadcast %shift_left3A_860 : i32 to vector<16xi32>
        %shift_left3A_862 = arith.shli %get3A_859, %shift_left3A_861 : vector<16xi32>
        %bitcast_convert_type3A_863 = tpu.bitcast %shift_left3A_862 : vector<16xi32> -> vector<16xf32>
        %and3A_864 = arith.constant -65536 : i32
        %and3A_865 = vector.broadcast %and3A_864 : i32 to vector<16xi32>
        %and3A_866 = arith.andi %get3A_859, %and3A_865 : vector<16xi32>
        %bitcast_convert_type3A_867 = tpu.bitcast %and3A_866 : vector<16xi32> -> vector<16xf32>
        %mul3A_868 = arith.mulf %get3A_230, %bitcast_convert_type3A_835 : vector<16xf32>
        %mul3A_869 = arith.mulf %get3A_236, %bitcast_convert_type3A_849 : vector<16xf32>
        %add3A_870 = arith.addf %mul3A_868, %mul3A_869 : vector<16xf32>
        %mul3A_871 = arith.mulf %sub3A_239, %bitcast_convert_type3A_863 : vector<16xf32>
        %add3A_872 = arith.addf %add3A_870, %mul3A_871 : vector<16xf32>
        %bitcast_convert_type3A_873 = tpu.bitcast %add3A_872 : vector<16xf32> -> vector<16xi32>
        %add3A_874 = arith.constant 32768 : i32
        %add3A_875 = vector.broadcast %add3A_874 : i32 to vector<16xi32>
        %add3A_876 = arith.addi %bitcast_convert_type3A_873, %add3A_875 : vector<16xi32>
        %mul3A_877 = arith.mulf %get3A_230, %bitcast_convert_type3A_839 : vector<16xf32>
        %mul3A_878 = arith.mulf %get3A_236, %bitcast_convert_type3A_853 : vector<16xf32>
        %add3A_879 = arith.addf %mul3A_877, %mul3A_878 : vector<16xf32>
        %mul3A_880 = arith.mulf %sub3A_239, %bitcast_convert_type3A_867 : vector<16xf32>
        %add3A_881 = arith.addf %add3A_879, %mul3A_880 : vector<16xf32>
        %bitcast_convert_type3A_882 = tpu.bitcast %add3A_881 : vector<16xf32> -> vector<16xi32>
        %add3A_883 = arith.constant 32768 : i32
        %add3A_884 = vector.broadcast %add3A_883 : i32 to vector<16xi32>
        %add3A_885 = arith.addi %bitcast_convert_type3A_882, %add3A_884 : vector<16xi32>
        %shift_right_logical3A_886 = arith.constant 16 : i32
        %shift_right_logical3A_887 = vector.broadcast %shift_right_logical3A_886 : i32 to vector<16xi32>
        %shift_right_logical3A_888 = arith.shrui %add3A_876, %shift_right_logical3A_887 : vector<16xi32>
        %and3A_889 = arith.constant -65536 : i32
        %and3A_890 = vector.broadcast %and3A_889 : i32 to vector<16xi32>
        %and3A_891 = arith.andi %add3A_885, %and3A_890 : vector<16xi32>
        %or3A_892 = arith.ori %shift_right_logical3A_888, %and3A_891 : vector<16xi32>
        %swap3A_893 = arith.constant 0 : i32
        %swap3A_894 = arith.index_cast %swap3A_893 : i32 to index
        %swap3A_895 = arith.index_cast %scan3A_224 : i32 to index
        %swap3A_896 = arith.constant 128 : index
        %swap3A_897 = tpu.vector_load %arg10[%swap3A_894, %swap3A_895, %swap3A_896] {strides = array<i32>} : memref<2x32x256xi32, #tpu.memory_space<vmem>>, vector<1x1x16xi32>,
        %swap3A_898 = vector.shape_cast %swap3A_897 : vector<1x1x16xi32> to vector<16xi32>
        %swap3A_899 = vector.shape_cast %or3A_892 : vector<16xi32> to vector<1x1x16xi32>
        tpu.vector_store %arg10[%swap3A_894, %swap3A_895, %swap3A_896], %swap3A_899 {strides = array<i32>} : memref<2x32x256xi32, #tpu.memory_space<vmem>>, vector<1x1x16xi32>,
        %get3A_900 = arith.constant 0 : i32
        %get3A_901 = arith.index_cast %get3A_900 : i32 to index
        %get3A_902 = arith.index_cast %scan3A_224 : i32 to index
        %get3A_903 = arith.constant 144 : index
        %get3A_904 = tpu.vector_load %arg10[%get3A_901, %get3A_902, %get3A_903] {strides = array<i32>} : memref<2x32x256xi32, #tpu.memory_space<vmem>>, vector<1x1x16xi32>,
        %get3A_905 = vector.shape_cast %get3A_904 : vector<1x1x16xi32> to vector<16xi32>
        %shift_left3A_906 = arith.constant 16 : i32
        %shift_left3A_907 = vector.broadcast %shift_left3A_906 : i32 to vector<16xi32>
        %shift_left3A_908 = arith.shli %get3A_905, %shift_left3A_907 : vector<16xi32>
        %bitcast_convert_type3A_909 = tpu.bitcast %shift_left3A_908 : vector<16xi32> -> vector<16xf32>
        %and3A_910 = arith.constant -65536 : i32
        %and3A_911 = vector.broadcast %and3A_910 : i32 to vector<16xi32>
        %and3A_912 = arith.andi %get3A_905, %and3A_911 : vector<16xi32>
        %bitcast_convert_type3A_913 = tpu.bitcast %and3A_912 : vector<16xi32> -> vector<16xf32>
        %get3A_914 = arith.constant 0 : i32
        %get3A_915 = arith.index_cast %get3A_914 : i32 to index
        %get3A_916 = arith.index_cast %scan3A_224 : i32 to index
        %get3A_917 = arith.constant 144 : index
        %get3A_918 = tpu.vector_load %arg11[%get3A_915, %get3A_916, %get3A_917] {strides = array<i32>} : memref<2x32x256xi32, #tpu.memory_space<vmem>>, vector<1x1x16xi32>,
        %get3A_919 = vector.shape_cast %get3A_918 : vector<1x1x16xi32> to vector<16xi32>
        %shift_left3A_920 = arith.constant 16 : i32
        %shift_left3A_921 = vector.broadcast %shift_left3A_920 : i32 to vector<16xi32>
        %shift_left3A_922 = arith.shli %get3A_919, %shift_left3A_921 : vector<16xi32>
        %bitcast_convert_type3A_923 = tpu.bitcast %shift_left3A_922 : vector<16xi32> -> vector<16xf32>
        %and3A_924 = arith.constant -65536 : i32
        %and3A_925 = vector.broadcast %and3A_924 : i32 to vector<16xi32>
        %and3A_926 = arith.andi %get3A_919, %and3A_925 : vector<16xi32>
        %bitcast_convert_type3A_927 = tpu.bitcast %and3A_926 : vector<16xi32> -> vector<16xf32>
        %get3A_928 = arith.constant 0 : i32
        %get3A_929 = arith.index_cast %get3A_928 : i32 to index
        %get3A_930 = arith.index_cast %scan3A_224 : i32 to index
        %get3A_931 = arith.constant 144 : index
        %get3A_932 = tpu.vector_load %arg12[%get3A_929, %get3A_930, %get3A_931] {strides = array<i32>} : memref<2x32x256xi32, #tpu.memory_space<vmem>>, vector<1x1x16xi32>,
        %get3A_933 = vector.shape_cast %get3A_932 : vector<1x1x16xi32> to vector<16xi32>
        %shift_left3A_934 = arith.constant 16 : i32
        %shift_left3A_935 = vector.broadcast %shift_left3A_934 : i32 to vector<16xi32>
        %shift_left3A_936 = arith.shli %get3A_933, %shift_left3A_935 : vector<16xi32>
        %bitcast_convert_type3A_937 = tpu.bitcast %shift_left3A_936 : vector<16xi32> -> vector<16xf32>
        %and3A_938 = arith.constant -65536 : i32
        %and3A_939 = vector.broadcast %and3A_938 : i32 to vector<16xi32>
        %and3A_940 = arith.andi %get3A_933, %and3A_939 : vector<16xi32>
        %bitcast_convert_type3A_941 = tpu.bitcast %and3A_940 : vector<16xi32> -> vector<16xf32>
        %mul3A_942 = arith.mulf %get3A_230, %bitcast_convert_type3A_909 : vector<16xf32>
        %mul3A_943 = arith.mulf %get3A_236, %bitcast_convert_type3A_923 : vector<16xf32>
        %add3A_944 = arith.addf %mul3A_942, %mul3A_943 : vector<16xf32>
        %mul3A_945 = arith.mulf %sub3A_239, %bitcast_convert_type3A_937 : vector<16xf32>
        %add3A_946 = arith.addf %add3A_944, %mul3A_945 : vector<16xf32>
        %bitcast_convert_type3A_947 = tpu.bitcast %add3A_946 : vector<16xf32> -> vector<16xi32>
        %add3A_948 = arith.constant 32768 : i32
        %add3A_949 = vector.broadcast %add3A_948 : i32 to vector<16xi32>
        %add3A_950 = arith.addi %bitcast_convert_type3A_947, %add3A_949 : vector<16xi32>
        %mul3A_951 = arith.mulf %get3A_230, %bitcast_convert_type3A_913 : vector<16xf32>
        %mul3A_952 = arith.mulf %get3A_236, %bitcast_convert_type3A_927 : vector<16xf32>
        %add3A_953 = arith.addf %mul3A_951, %mul3A_952 : vector<16xf32>
        %mul3A_954 = arith.mulf %sub3A_239, %bitcast_convert_type3A_941 : vector<16xf32>
        %add3A_955 = arith.addf %add3A_953, %mul3A_954 : vector<16xf32>
        %bitcast_convert_type3A_956 = tpu.bitcast %add3A_955 : vector<16xf32> -> vector<16xi32>
        %add3A_957 = arith.constant 32768 : i32
        %add3A_958 = vector.broadcast %add3A_957 : i32 to vector<16xi32>
        %add3A_959 = arith.addi %bitcast_convert_type3A_956, %add3A_958 : vector<16xi32>
        %shift_right_logical3A_960 = arith.constant 16 : i32
        %shift_right_logical3A_961 = vector.broadcast %shift_right_logical3A_960 : i32 to vector<16xi32>
        %shift_right_logical3A_962 = arith.shrui %add3A_950, %shift_right_logical3A_961 : vector<16xi32>
        %and3A_963 = arith.constant -65536 : i32
        %and3A_964 = vector.broadcast %and3A_963 : i32 to vector<16xi32>
        %and3A_965 = arith.andi %add3A_959, %and3A_964 : vector<16xi32>
        %or3A_966 = arith.ori %shift_right_logical3A_962, %and3A_965 : vector<16xi32>
        %swap3A_967 = arith.constant 0 : i32
        %swap3A_968 = arith.index_cast %swap3A_967 : i32 to index
        %swap3A_969 = arith.index_cast %scan3A_224 : i32 to index
        %swap3A_970 = arith.constant 144 : index
        %swap3A_971 = tpu.vector_load %arg10[%swap3A_968, %swap3A_969, %swap3A_970] {strides = array<i32>} : memref<2x32x256xi32, #tpu.memory_space<vmem>>, vector<1x1x16xi32>,
        %swap3A_972 = vector.shape_cast %swap3A_971 : vector<1x1x16xi32> to vector<16xi32>
        %swap3A_973 = vector.shape_cast %or3A_966 : vector<16xi32> to vector<1x1x16xi32>
        tpu.vector_store %arg10[%swap3A_968, %swap3A_969, %swap3A_970], %swap3A_973 {strides = array<i32>} : memref<2x32x256xi32, #tpu.memory_space<vmem>>, vector<1x1x16xi32>,
        %get3A_974 = arith.constant 0 : i32
        %get3A_975 = arith.index_cast %get3A_974 : i32 to index
        %get3A_976 = arith.index_cast %scan3A_224 : i32 to index
        %get3A_977 = arith.constant 160 : index
        %get3A_978 = tpu.vector_load %arg10[%get3A_975, %get3A_976, %get3A_977] {strides = array<i32>} : memref<2x32x256xi32, #tpu.memory_space<vmem>>, vector<1x1x16xi32>,
        %get3A_979 = vector.shape_cast %get3A_978 : vector<1x1x16xi32> to vector<16xi32>
        %shift_left3A_980 = arith.constant 16 : i32
        %shift_left3A_981 = vector.broadcast %shift_left3A_980 : i32 to vector<16xi32>
        %shift_left3A_982 = arith.shli %get3A_979, %shift_left3A_981 : vector<16xi32>
        %bitcast_convert_type3A_983 = tpu.bitcast %shift_left3A_982 : vector<16xi32> -> vector<16xf32>
        %and3A_984 = arith.constant -65536 : i32
        %and3A_985 = vector.broadcast %and3A_984 : i32 to vector<16xi32>
        %and3A_986 = arith.andi %get3A_979, %and3A_985 : vector<16xi32>
        %bitcast_convert_type3A_987 = tpu.bitcast %and3A_986 : vector<16xi32> -> vector<16xf32>
        %get3A_988 = arith.constant 0 : i32
        %get3A_989 = arith.index_cast %get3A_988 : i32 to index
        %get3A_990 = arith.index_cast %scan3A_224 : i32 to index
        %get3A_991 = arith.constant 160 : index
        %get3A_992 = tpu.vector_load %arg11[%get3A_989, %get3A_990, %get3A_991] {strides = array<i32>} : memref<2x32x256xi32, #tpu.memory_space<vmem>>, vector<1x1x16xi32>,
        %get3A_993 = vector.shape_cast %get3A_992 : vector<1x1x16xi32> to vector<16xi32>
        %shift_left3A_994 = arith.constant 16 : i32
        %shift_left3A_995 = vector.broadcast %shift_left3A_994 : i32 to vector<16xi32>
        %shift_left3A_996 = arith.shli %get3A_993, %shift_left3A_995 : vector<16xi32>
        %bitcast_convert_type3A_997 = tpu.bitcast %shift_left3A_996 : vector<16xi32> -> vector<16xf32>
        %and3A_998 = arith.constant -65536 : i32
        %and3A_999 = vector.broadcast %and3A_998 : i32 to vector<16xi32>
        %and3A_1000 = arith.andi %get3A_993, %and3A_999 : vector<16xi32>
        %bitcast_convert_type3A_1001 = tpu.bitcast %and3A_1000 : vector<16xi32> -> vector<16xf32>
        %get3A_1002 = arith.constant 0 : i32
        %get3A_1003 = arith.index_cast %get3A_1002 : i32 to index
        %get3A_1004 = arith.index_cast %scan3A_224 : i32 to index
        %get3A_1005 = arith.constant 160 : index
        %get3A_1006 = tpu.vector_load %arg12[%get3A_1003, %get3A_1004, %get3A_1005] {strides = array<i32>} : memref<2x32x256xi32, #tpu.memory_space<vmem>>, vector<1x1x16xi32>,
        %get3A_1007 = vector.shape_cast %get3A_1006 : vector<1x1x16xi32> to vector<16xi32>
        %shift_left3A_1008 = arith.constant 16 : i32
        %shift_left3A_1009 = vector.broadcast %shift_left3A_1008 : i32 to vector<16xi32>
        %shift_left3A_1010 = arith.shli %get3A_1007, %shift_left3A_1009 : vector<16xi32>
        %bitcast_convert_type3A_1011 = tpu.bitcast %shift_left3A_1010 : vector<16xi32> -> vector<16xf32>
        %and3A_1012 = arith.constant -65536 : i32
        %and3A_1013 = vector.broadcast %and3A_1012 : i32 to vector<16xi32>
        %and3A_1014 = arith.andi %get3A_1007, %and3A_1013 : vector<16xi32>
        %bitcast_convert_type3A_1015 = tpu.bitcast %and3A_1014 : vector<16xi32> -> vector<16xf32>
        %mul3A_1016 = arith.mulf %get3A_230, %bitcast_convert_type3A_983 : vector<16xf32>
        %mul3A_1017 = arith.mulf %get3A_236, %bitcast_convert_type3A_997 : vector<16xf32>
        %add3A_1018 = arith.addf %mul3A_1016, %mul3A_1017 : vector<16xf32>
        %mul3A_1019 = arith.mulf %sub3A_239, %bitcast_convert_type3A_1011 : vector<16xf32>
        %add3A_1020 = arith.addf %add3A_1018, %mul3A_1019 : vector<16xf32>
        %bitcast_convert_type3A_1021 = tpu.bitcast %add3A_1020 : vector<16xf32> -> vector<16xi32>
        %add3A_1022 = arith.constant 32768 : i32
        %add3A_1023 = vector.broadcast %add3A_1022 : i32 to vector<16xi32>
        %add3A_1024 = arith.addi %bitcast_convert_type3A_1021, %add3A_1023 : vector<16xi32>
        %mul3A_1025 = arith.mulf %get3A_230, %bitcast_convert_type3A_987 : vector<16xf32>
        %mul3A_1026 = arith.mulf %get3A_236, %bitcast_convert_type3A_1001 : vector<16xf32>
        %add3A_1027 = arith.addf %mul3A_1025, %mul3A_1026 : vector<16xf32>
        %mul3A_1028 = arith.mulf %sub3A_239, %bitcast_convert_type3A_1015 : vector<16xf32>
        %add3A_1029 = arith.addf %add3A_1027, %mul3A_1028 : vector<16xf32>
        %bitcast_convert_type3A_1030 = tpu.bitcast %add3A_1029 : vector<16xf32> -> vector<16xi32>
        %add3A_1031 = arith.constant 32768 : i32
        %add3A_1032 = vector.broadcast %add3A_1031 : i32 to vector<16xi32>
        %add3A_1033 = arith.addi %bitcast_convert_type3A_1030, %add3A_1032 : vector<16xi32>
        %shift_right_logical3A_1034 = arith.constant 16 : i32
        %shift_right_logical3A_1035 = vector.broadcast %shift_right_logical3A_1034 : i32 to vector<16xi32>
        %shift_right_logical3A_1036 = arith.shrui %add3A_1024, %shift_right_logical3A_1035 : vector<16xi32>
        %and3A_1037 = arith.constant -65536 : i32
        %and3A_1038 = vector.broadcast %and3A_1037 : i32 to vector<16xi32>
        %and3A_1039 = arith.andi %add3A_1033, %and3A_1038 : vector<16xi32>
        %or3A_1040 = arith.ori %shift_right_logical3A_1036, %and3A_1039 : vector<16xi32>
        %swap3A_1041 = arith.constant 0 : i32
        %swap3A_1042 = arith.index_cast %swap3A_1041 : i32 to index
        %swap3A_1043 = arith.index_cast %scan3A_224 : i32 to index
        %swap3A_1044 = arith.constant 160 : index
        %swap3A_1045 = tpu.vector_load %arg10[%swap3A_1042, %swap3A_1043, %swap3A_1044] {strides = array<i32>} : memref<2x32x256xi32, #tpu.memory_space<vmem>>, vector<1x1x16xi32>,
        %swap3A_1046 = vector.shape_cast %swap3A_1045 : vector<1x1x16xi32> to vector<16xi32>
        %swap3A_1047 = vector.shape_cast %or3A_1040 : vector<16xi32> to vector<1x1x16xi32>
        tpu.vector_store %arg10[%swap3A_1042, %swap3A_1043, %swap3A_1044], %swap3A_1047 {strides = array<i32>} : memref<2x32x256xi32, #tpu.memory_space<vmem>>, vector<1x1x16xi32>,
        %get3A_1048 = arith.constant 0 : i32
        %get3A_1049 = arith.index_cast %get3A_1048 : i32 to index
        %get3A_1050 = arith.index_cast %scan3A_224 : i32 to index
        %get3A_1051 = arith.constant 176 : index
        %get3A_1052 = tpu.vector_load %arg10[%get3A_1049, %get3A_1050, %get3A_1051] {strides = array<i32>} : memref<2x32x256xi32, #tpu.memory_space<vmem>>, vector<1x1x16xi32>,
        %get3A_1053 = vector.shape_cast %get3A_1052 : vector<1x1x16xi32> to vector<16xi32>
        %shift_left3A_1054 = arith.constant 16 : i32
        %shift_left3A_1055 = vector.broadcast %shift_left3A_1054 : i32 to vector<16xi32>
        %shift_left3A_1056 = arith.shli %get3A_1053, %shift_left3A_1055 : vector<16xi32>
        %bitcast_convert_type3A_1057 = tpu.bitcast %shift_left3A_1056 : vector<16xi32> -> vector<16xf32>
        %and3A_1058 = arith.constant -65536 : i32
        %and3A_1059 = vector.broadcast %and3A_1058 : i32 to vector<16xi32>
        %and3A_1060 = arith.andi %get3A_1053, %and3A_1059 : vector<16xi32>
        %bitcast_convert_type3A_1061 = tpu.bitcast %and3A_1060 : vector<16xi32> -> vector<16xf32>
        %get3A_1062 = arith.constant 0 : i32
        %get3A_1063 = arith.index_cast %get3A_1062 : i32 to index
        %get3A_1064 = arith.index_cast %scan3A_224 : i32 to index
        %get3A_1065 = arith.constant 176 : index
        %get3A_1066 = tpu.vector_load %arg11[%get3A_1063, %get3A_1064, %get3A_1065] {strides = array<i32>} : memref<2x32x256xi32, #tpu.memory_space<vmem>>, vector<1x1x16xi32>,
        %get3A_1067 = vector.shape_cast %get3A_1066 : vector<1x1x16xi32> to vector<16xi32>
        %shift_left3A_1068 = arith.constant 16 : i32
        %shift_left3A_1069 = vector.broadcast %shift_left3A_1068 : i32 to vector<16xi32>
        %shift_left3A_1070 = arith.shli %get3A_1067, %shift_left3A_1069 : vector<16xi32>
        %bitcast_convert_type3A_1071 = tpu.bitcast %shift_left3A_1070 : vector<16xi32> -> vector<16xf32>
        %and3A_1072 = arith.constant -65536 : i32
        %and3A_1073 = vector.broadcast %and3A_1072 : i32 to vector<16xi32>
        %and3A_1074 = arith.andi %get3A_1067, %and3A_1073 : vector<16xi32>
        %bitcast_convert_type3A_1075 = tpu.bitcast %and3A_1074 : vector<16xi32> -> vector<16xf32>
        %get3A_1076 = arith.constant 0 : i32
        %get3A_1077 = arith.index_cast %get3A_1076 : i32 to index
        %get3A_1078 = arith.index_cast %scan3A_224 : i32 to index
        %get3A_1079 = arith.constant 176 : index
        %get3A_1080 = tpu.vector_load %arg12[%get3A_1077, %get3A_1078, %get3A_1079] {strides = array<i32>} : memref<2x32x256xi32, #tpu.memory_space<vmem>>, vector<1x1x16xi32>,
        %get3A_1081 = vector.shape_cast %get3A_1080 : vector<1x1x16xi32> to vector<16xi32>
        %shift_left3A_1082 = arith.constant 16 : i32
        %shift_left3A_1083 = vector.broadcast %shift_left3A_1082 : i32 to vector<16xi32>
        %shift_left3A_1084 = arith.shli %get3A_1081, %shift_left3A_1083 : vector<16xi32>
        %bitcast_convert_type3A_1085 = tpu.bitcast %shift_left3A_1084 : vector<16xi32> -> vector<16xf32>
        %and3A_1086 = arith.constant -65536 : i32
        %and3A_1087 = vector.broadcast %and3A_1086 : i32 to vector<16xi32>
        %and3A_1088 = arith.andi %get3A_1081, %and3A_1087 : vector<16xi32>
        %bitcast_convert_type3A_1089 = tpu.bitcast %and3A_1088 : vector<16xi32> -> vector<16xf32>
        %mul3A_1090 = arith.mulf %get3A_230, %bitcast_convert_type3A_1057 : vector<16xf32>
        %mul3A_1091 = arith.mulf %get3A_236, %bitcast_convert_type3A_1071 : vector<16xf32>
        %add3A_1092 = arith.addf %mul3A_1090, %mul3A_1091 : vector<16xf32>
        %mul3A_1093 = arith.mulf %sub3A_239, %bitcast_convert_type3A_1085 : vector<16xf32>
        %add3A_1094 = arith.addf %add3A_1092, %mul3A_1093 : vector<16xf32>
        %bitcast_convert_type3A_1095 = tpu.bitcast %add3A_1094 : vector<16xf32> -> vector<16xi32>
        %add3A_1096 = arith.constant 32768 : i32
        %add3A_1097 = vector.broadcast %add3A_1096 : i32 to vector<16xi32>
        %add3A_1098 = arith.addi %bitcast_convert_type3A_1095, %add3A_1097 : vector<16xi32>
        %mul3A_1099 = arith.mulf %get3A_230, %bitcast_convert_type3A_1061 : vector<16xf32>
        %mul3A_1100 = arith.mulf %get3A_236, %bitcast_convert_type3A_1075 : vector<16xf32>
        %add3A_1101 = arith.addf %mul3A_1099, %mul3A_1100 : vector<16xf32>
        %mul3A_1102 = arith.mulf %sub3A_239, %bitcast_convert_type3A_1089 : vector<16xf32>
        %add3A_1103 = arith.addf %add3A_1101, %mul3A_1102 : vector<16xf32>
        %bitcast_convert_type3A_1104 = tpu.bitcast %add3A_1103 : vector<16xf32> -> vector<16xi32>
        %add3A_1105 = arith.constant 32768 : i32
        %add3A_1106 = vector.broadcast %add3A_1105 : i32 to vector<16xi32>
        %add3A_1107 = arith.addi %bitcast_convert_type3A_1104, %add3A_1106 : vector<16xi32>
        %shift_right_logical3A_1108 = arith.constant 16 : i32
        %shift_right_logical3A_1109 = vector.broadcast %shift_right_logical3A_1108 : i32 to vector<16xi32>
        %shift_right_logical3A_1110 = arith.shrui %add3A_1098, %shift_right_logical3A_1109 : vector<16xi32>
        %and3A_1111 = arith.constant -65536 : i32
        %and3A_1112 = vector.broadcast %and3A_1111 : i32 to vector<16xi32>
        %and3A_1113 = arith.andi %add3A_1107, %and3A_1112 : vector<16xi32>
        %or3A_1114 = arith.ori %shift_right_logical3A_1110, %and3A_1113 : vector<16xi32>
        %swap3A_1115 = arith.constant 0 : i32
        %swap3A_1116 = arith.index_cast %swap3A_1115 : i32 to index
        %swap3A_1117 = arith.index_cast %scan3A_224 : i32 to index
        %swap3A_1118 = arith.constant 176 : index
        %swap3A_1119 = tpu.vector_load %arg10[%swap3A_1116, %swap3A_1117, %swap3A_1118] {strides = array<i32>} : memref<2x32x256xi32, #tpu.memory_space<vmem>>, vector<1x1x16xi32>,
        %swap3A_1120 = vector.shape_cast %swap3A_1119 : vector<1x1x16xi32> to vector<16xi32>
        %swap3A_1121 = vector.shape_cast %or3A_1114 : vector<16xi32> to vector<1x1x16xi32>
        tpu.vector_store %arg10[%swap3A_1116, %swap3A_1117, %swap3A_1118], %swap3A_1121 {strides = array<i32>} : memref<2x32x256xi32, #tpu.memory_space<vmem>>, vector<1x1x16xi32>,
        %get3A_1122 = arith.constant 0 : i32
        %get3A_1123 = arith.index_cast %get3A_1122 : i32 to index
        %get3A_1124 = arith.index_cast %scan3A_224 : i32 to index
        %get3A_1125 = arith.constant 192 : index
        %get3A_1126 = tpu.vector_load %arg10[%get3A_1123, %get3A_1124, %get3A_1125] {strides = array<i32>} : memref<2x32x256xi32, #tpu.memory_space<vmem>>, vector<1x1x16xi32>,
        %get3A_1127 = vector.shape_cast %get3A_1126 : vector<1x1x16xi32> to vector<16xi32>
        %shift_left3A_1128 = arith.constant 16 : i32
        %shift_left3A_1129 = vector.broadcast %shift_left3A_1128 : i32 to vector<16xi32>
        %shift_left3A_1130 = arith.shli %get3A_1127, %shift_left3A_1129 : vector<16xi32>
        %bitcast_convert_type3A_1131 = tpu.bitcast %shift_left3A_1130 : vector<16xi32> -> vector<16xf32>
        %and3A_1132 = arith.constant -65536 : i32
        %and3A_1133 = vector.broadcast %and3A_1132 : i32 to vector<16xi32>
        %and3A_1134 = arith.andi %get3A_1127, %and3A_1133 : vector<16xi32>
        %bitcast_convert_type3A_1135 = tpu.bitcast %and3A_1134 : vector<16xi32> -> vector<16xf32>
        %get3A_1136 = arith.constant 0 : i32
        %get3A_1137 = arith.index_cast %get3A_1136 : i32 to index
        %get3A_1138 = arith.index_cast %scan3A_224 : i32 to index
        %get3A_1139 = arith.constant 192 : index
        %get3A_1140 = tpu.vector_load %arg11[%get3A_1137, %get3A_1138, %get3A_1139] {strides = array<i32>} : memref<2x32x256xi32, #tpu.memory_space<vmem>>, vector<1x1x16xi32>,
        %get3A_1141 = vector.shape_cast %get3A_1140 : vector<1x1x16xi32> to vector<16xi32>
        %shift_left3A_1142 = arith.constant 16 : i32
        %shift_left3A_1143 = vector.broadcast %shift_left3A_1142 : i32 to vector<16xi32>
        %shift_left3A_1144 = arith.shli %get3A_1141, %shift_left3A_1143 : vector<16xi32>
        %bitcast_convert_type3A_1145 = tpu.bitcast %shift_left3A_1144 : vector<16xi32> -> vector<16xf32>
        %and3A_1146 = arith.constant -65536 : i32
        %and3A_1147 = vector.broadcast %and3A_1146 : i32 to vector<16xi32>
        %and3A_1148 = arith.andi %get3A_1141, %and3A_1147 : vector<16xi32>
        %bitcast_convert_type3A_1149 = tpu.bitcast %and3A_1148 : vector<16xi32> -> vector<16xf32>
        %get3A_1150 = arith.constant 0 : i32
        %get3A_1151 = arith.index_cast %get3A_1150 : i32 to index
        %get3A_1152 = arith.index_cast %scan3A_224 : i32 to index
        %get3A_1153 = arith.constant 192 : index
        %get3A_1154 = tpu.vector_load %arg12[%get3A_1151, %get3A_1152, %get3A_1153] {strides = array<i32>} : memref<2x32x256xi32, #tpu.memory_space<vmem>>, vector<1x1x16xi32>,
        %get3A_1155 = vector.shape_cast %get3A_1154 : vector<1x1x16xi32> to vector<16xi32>
        %shift_left3A_1156 = arith.constant 16 : i32
        %shift_left3A_1157 = vector.broadcast %shift_left3A_1156 : i32 to vector<16xi32>
        %shift_left3A_1158 = arith.shli %get3A_1155, %shift_left3A_1157 : vector<16xi32>
        %bitcast_convert_type3A_1159 = tpu.bitcast %shift_left3A_1158 : vector<16xi32> -> vector<16xf32>
        %and3A_1160 = arith.constant -65536 : i32
        %and3A_1161 = vector.broadcast %and3A_1160 : i32 to vector<16xi32>
        %and3A_1162 = arith.andi %get3A_1155, %and3A_1161 : vector<16xi32>
        %bitcast_convert_type3A_1163 = tpu.bitcast %and3A_1162 : vector<16xi32> -> vector<16xf32>
        %mul3A_1164 = arith.mulf %get3A_230, %bitcast_convert_type3A_1131 : vector<16xf32>
        %mul3A_1165 = arith.mulf %get3A_236, %bitcast_convert_type3A_1145 : vector<16xf32>
        %add3A_1166 = arith.addf %mul3A_1164, %mul3A_1165 : vector<16xf32>
        %mul3A_1167 = arith.mulf %sub3A_239, %bitcast_convert_type3A_1159 : vector<16xf32>
        %add3A_1168 = arith.addf %add3A_1166, %mul3A_1167 : vector<16xf32>
        %bitcast_convert_type3A_1169 = tpu.bitcast %add3A_1168 : vector<16xf32> -> vector<16xi32>
        %add3A_1170 = arith.constant 32768 : i32
        %add3A_1171 = vector.broadcast %add3A_1170 : i32 to vector<16xi32>
        %add3A_1172 = arith.addi %bitcast_convert_type3A_1169, %add3A_1171 : vector<16xi32>
        %mul3A_1173 = arith.mulf %get3A_230, %bitcast_convert_type3A_1135 : vector<16xf32>
        %mul3A_1174 = arith.mulf %get3A_236, %bitcast_convert_type3A_1149 : vector<16xf32>
        %add3A_1175 = arith.addf %mul3A_1173, %mul3A_1174 : vector<16xf32>
        %mul3A_1176 = arith.mulf %sub3A_239, %bitcast_convert_type3A_1163 : vector<16xf32>
        %add3A_1177 = arith.addf %add3A_1175, %mul3A_1176 : vector<16xf32>
        %bitcast_convert_type3A_1178 = tpu.bitcast %add3A_1177 : vector<16xf32> -> vector<16xi32>
        %add3A_1179 = arith.constant 32768 : i32
        %add3A_1180 = vector.broadcast %add3A_1179 : i32 to vector<16xi32>
        %add3A_1181 = arith.addi %bitcast_convert_type3A_1178, %add3A_1180 : vector<16xi32>
        %shift_right_logical3A_1182 = arith.constant 16 : i32
        %shift_right_logical3A_1183 = vector.broadcast %shift_right_logical3A_1182 : i32 to vector<16xi32>
        %shift_right_logical3A_1184 = arith.shrui %add3A_1172, %shift_right_logical3A_1183 : vector<16xi32>
        %and3A_1185 = arith.constant -65536 : i32
        %and3A_1186 = vector.broadcast %and3A_1185 : i32 to vector<16xi32>
        %and3A_1187 = arith.andi %add3A_1181, %and3A_1186 : vector<16xi32>
        %or3A_1188 = arith.ori %shift_right_logical3A_1184, %and3A_1187 : vector<16xi32>
        %swap3A_1189 = arith.constant 0 : i32
        %swap3A_1190 = arith.index_cast %swap3A_1189 : i32 to index
        %swap3A_1191 = arith.index_cast %scan3A_224 : i32 to index
        %swap3A_1192 = arith.constant 192 : index
        %swap3A_1193 = tpu.vector_load %arg10[%swap3A_1190, %swap3A_1191, %swap3A_1192] {strides = array<i32>} : memref<2x32x256xi32, #tpu.memory_space<vmem>>, vector<1x1x16xi32>,
        %swap3A_1194 = vector.shape_cast %swap3A_1193 : vector<1x1x16xi32> to vector<16xi32>
        %swap3A_1195 = vector.shape_cast %or3A_1188 : vector<16xi32> to vector<1x1x16xi32>
        tpu.vector_store %arg10[%swap3A_1190, %swap3A_1191, %swap3A_1192], %swap3A_1195 {strides = array<i32>} : memref<2x32x256xi32, #tpu.memory_space<vmem>>, vector<1x1x16xi32>,
        %get3A_1196 = arith.constant 0 : i32
        %get3A_1197 = arith.index_cast %get3A_1196 : i32 to index
        %get3A_1198 = arith.index_cast %scan3A_224 : i32 to index
        %get3A_1199 = arith.constant 208 : index
        %get3A_1200 = tpu.vector_load %arg10[%get3A_1197, %get3A_1198, %get3A_1199] {strides = array<i32>} : memref<2x32x256xi32, #tpu.memory_space<vmem>>, vector<1x1x16xi32>,
        %get3A_1201 = vector.shape_cast %get3A_1200 : vector<1x1x16xi32> to vector<16xi32>
        %shift_left3A_1202 = arith.constant 16 : i32
        %shift_left3A_1203 = vector.broadcast %shift_left3A_1202 : i32 to vector<16xi32>
        %shift_left3A_1204 = arith.shli %get3A_1201, %shift_left3A_1203 : vector<16xi32>
        %bitcast_convert_type3A_1205 = tpu.bitcast %shift_left3A_1204 : vector<16xi32> -> vector<16xf32>
        %and3A_1206 = arith.constant -65536 : i32
        %and3A_1207 = vector.broadcast %and3A_1206 : i32 to vector<16xi32>
        %and3A_1208 = arith.andi %get3A_1201, %and3A_1207 : vector<16xi32>
        %bitcast_convert_type3A_1209 = tpu.bitcast %and3A_1208 : vector<16xi32> -> vector<16xf32>
        %get3A_1210 = arith.constant 0 : i32
        %get3A_1211 = arith.index_cast %get3A_1210 : i32 to index
        %get3A_1212 = arith.index_cast %scan3A_224 : i32 to index
        %get3A_1213 = arith.constant 208 : index
        %get3A_1214 = tpu.vector_load %arg11[%get3A_1211, %get3A_1212, %get3A_1213] {strides = array<i32>} : memref<2x32x256xi32, #tpu.memory_space<vmem>>, vector<1x1x16xi32>,
        %get3A_1215 = vector.shape_cast %get3A_1214 : vector<1x1x16xi32> to vector<16xi32>
        %shift_left3A_1216 = arith.constant 16 : i32
        %shift_left3A_1217 = vector.broadcast %shift_left3A_1216 : i32 to vector<16xi32>
        %shift_left3A_1218 = arith.shli %get3A_1215, %shift_left3A_1217 : vector<16xi32>
        %bitcast_convert_type3A_1219 = tpu.bitcast %shift_left3A_1218 : vector<16xi32> -> vector<16xf32>
        %and3A_1220 = arith.constant -65536 : i32
        %and3A_1221 = vector.broadcast %and3A_1220 : i32 to vector<16xi32>
        %and3A_1222 = arith.andi %get3A_1215, %and3A_1221 : vector<16xi32>
        %bitcast_convert_type3A_1223 = tpu.bitcast %and3A_1222 : vector<16xi32> -> vector<16xf32>
        %get3A_1224 = arith.constant 0 : i32
        %get3A_1225 = arith.index_cast %get3A_1224 : i32 to index
        %get3A_1226 = arith.index_cast %scan3A_224 : i32 to index
        %get3A_1227 = arith.constant 208 : index
        %get3A_1228 = tpu.vector_load %arg12[%get3A_1225, %get3A_1226, %get3A_1227] {strides = array<i32>} : memref<2x32x256xi32, #tpu.memory_space<vmem>>, vector<1x1x16xi32>,
        %get3A_1229 = vector.shape_cast %get3A_1228 : vector<1x1x16xi32> to vector<16xi32>
        %shift_left3A_1230 = arith.constant 16 : i32
        %shift_left3A_1231 = vector.broadcast %shift_left3A_1230 : i32 to vector<16xi32>
        %shift_left3A_1232 = arith.shli %get3A_1229, %shift_left3A_1231 : vector<16xi32>
        %bitcast_convert_type3A_1233 = tpu.bitcast %shift_left3A_1232 : vector<16xi32> -> vector<16xf32>
        %and3A_1234 = arith.constant -65536 : i32
        %and3A_1235 = vector.broadcast %and3A_1234 : i32 to vector<16xi32>
        %and3A_1236 = arith.andi %get3A_1229, %and3A_1235 : vector<16xi32>
        %bitcast_convert_type3A_1237 = tpu.bitcast %and3A_1236 : vector<16xi32> -> vector<16xf32>
        %mul3A_1238 = arith.mulf %get3A_230, %bitcast_convert_type3A_1205 : vector<16xf32>
        %mul3A_1239 = arith.mulf %get3A_236, %bitcast_convert_type3A_1219 : vector<16xf32>
        %add3A_1240 = arith.addf %mul3A_1238, %mul3A_1239 : vector<16xf32>
        %mul3A_1241 = arith.mulf %sub3A_239, %bitcast_convert_type3A_1233 : vector<16xf32>
        %add3A_1242 = arith.addf %add3A_1240, %mul3A_1241 : vector<16xf32>
        %bitcast_convert_type3A_1243 = tpu.bitcast %add3A_1242 : vector<16xf32> -> vector<16xi32>
        %add3A_1244 = arith.constant 32768 : i32
        %add3A_1245 = vector.broadcast %add3A_1244 : i32 to vector<16xi32>
        %add3A_1246 = arith.addi %bitcast_convert_type3A_1243, %add3A_1245 : vector<16xi32>
        %mul3A_1247 = arith.mulf %get3A_230, %bitcast_convert_type3A_1209 : vector<16xf32>
        %mul3A_1248 = arith.mulf %get3A_236, %bitcast_convert_type3A_1223 : vector<16xf32>
        %add3A_1249 = arith.addf %mul3A_1247, %mul3A_1248 : vector<16xf32>
        %mul3A_1250 = arith.mulf %sub3A_239, %bitcast_convert_type3A_1237 : vector<16xf32>
        %add3A_1251 = arith.addf %add3A_1249, %mul3A_1250 : vector<16xf32>
        %bitcast_convert_type3A_1252 = tpu.bitcast %add3A_1251 : vector<16xf32> -> vector<16xi32>
        %add3A_1253 = arith.constant 32768 : i32
        %add3A_1254 = vector.broadcast %add3A_1253 : i32 to vector<16xi32>
        %add3A_1255 = arith.addi %bitcast_convert_type3A_1252, %add3A_1254 : vector<16xi32>
        %shift_right_logical3A_1256 = arith.constant 16 : i32
        %shift_right_logical3A_1257 = vector.broadcast %shift_right_logical3A_1256 : i32 to vector<16xi32>
        %shift_right_logical3A_1258 = arith.shrui %add3A_1246, %shift_right_logical3A_1257 : vector<16xi32>
        %and3A_1259 = arith.constant -65536 : i32
        %and3A_1260 = vector.broadcast %and3A_1259 : i32 to vector<16xi32>
        %and3A_1261 = arith.andi %add3A_1255, %and3A_1260 : vector<16xi32>
        %or3A_1262 = arith.ori %shift_right_logical3A_1258, %and3A_1261 : vector<16xi32>
        %swap3A_1263 = arith.constant 0 : i32
        %swap3A_1264 = arith.index_cast %swap3A_1263 : i32 to index
        %swap3A_1265 = arith.index_cast %scan3A_224 : i32 to index
        %swap3A_1266 = arith.constant 208 : index
        %swap3A_1267 = tpu.vector_load %arg10[%swap3A_1264, %swap3A_1265, %swap3A_1266] {strides = array<i32>} : memref<2x32x256xi32, #tpu.memory_space<vmem>>, vector<1x1x16xi32>,
        %swap3A_1268 = vector.shape_cast %swap3A_1267 : vector<1x1x16xi32> to vector<16xi32>
        %swap3A_1269 = vector.shape_cast %or3A_1262 : vector<16xi32> to vector<1x1x16xi32>
        tpu.vector_store %arg10[%swap3A_1264, %swap3A_1265, %swap3A_1266], %swap3A_1269 {strides = array<i32>} : memref<2x32x256xi32, #tpu.memory_space<vmem>>, vector<1x1x16xi32>,
        %get3A_1270 = arith.constant 0 : i32
        %get3A_1271 = arith.index_cast %get3A_1270 : i32 to index
        %get3A_1272 = arith.index_cast %scan3A_224 : i32 to index
        %get3A_1273 = arith.constant 224 : index
        %get3A_1274 = tpu.vector_load %arg10[%get3A_1271, %get3A_1272, %get3A_1273] {strides = array<i32>} : memref<2x32x256xi32, #tpu.memory_space<vmem>>, vector<1x1x16xi32>,
        %get3A_1275 = vector.shape_cast %get3A_1274 : vector<1x1x16xi32> to vector<16xi32>
        %shift_left3A_1276 = arith.constant 16 : i32
        %shift_left3A_1277 = vector.broadcast %shift_left3A_1276 : i32 to vector<16xi32>
        %shift_left3A_1278 = arith.shli %get3A_1275, %shift_left3A_1277 : vector<16xi32>
        %bitcast_convert_type3A_1279 = tpu.bitcast %shift_left3A_1278 : vector<16xi32> -> vector<16xf32>
        %and3A_1280 = arith.constant -65536 : i32
        %and3A_1281 = vector.broadcast %and3A_1280 : i32 to vector<16xi32>
        %and3A_1282 = arith.andi %get3A_1275, %and3A_1281 : vector<16xi32>
        %bitcast_convert_type3A_1283 = tpu.bitcast %and3A_1282 : vector<16xi32> -> vector<16xf32>
        %get3A_1284 = arith.constant 0 : i32
        %get3A_1285 = arith.index_cast %get3A_1284 : i32 to index
        %get3A_1286 = arith.index_cast %scan3A_224 : i32 to index
        %get3A_1287 = arith.constant 224 : index
        %get3A_1288 = tpu.vector_load %arg11[%get3A_1285, %get3A_1286, %get3A_1287] {strides = array<i32>} : memref<2x32x256xi32, #tpu.memory_space<vmem>>, vector<1x1x16xi32>,
        %get3A_1289 = vector.shape_cast %get3A_1288 : vector<1x1x16xi32> to vector<16xi32>
        %shift_left3A_1290 = arith.constant 16 : i32
        %shift_left3A_1291 = vector.broadcast %shift_left3A_1290 : i32 to vector<16xi32>
        %shift_left3A_1292 = arith.shli %get3A_1289, %shift_left3A_1291 : vector<16xi32>
        %bitcast_convert_type3A_1293 = tpu.bitcast %shift_left3A_1292 : vector<16xi32> -> vector<16xf32>
        %and3A_1294 = arith.constant -65536 : i32
        %and3A_1295 = vector.broadcast %and3A_1294 : i32 to vector<16xi32>
        %and3A_1296 = arith.andi %get3A_1289, %and3A_1295 : vector<16xi32>
        %bitcast_convert_type3A_1297 = tpu.bitcast %and3A_1296 : vector<16xi32> -> vector<16xf32>
        %get3A_1298 = arith.constant 0 : i32
        %get3A_1299 = arith.index_cast %get3A_1298 : i32 to index
        %get3A_1300 = arith.index_cast %scan3A_224 : i32 to index
        %get3A_1301 = arith.constant 224 : index
        %get3A_1302 = tpu.vector_load %arg12[%get3A_1299, %get3A_1300, %get3A_1301] {strides = array<i32>} : memref<2x32x256xi32, #tpu.memory_space<vmem>>, vector<1x1x16xi32>,
        %get3A_1303 = vector.shape_cast %get3A_1302 : vector<1x1x16xi32> to vector<16xi32>
        %shift_left3A_1304 = arith.constant 16 : i32
        %shift_left3A_1305 = vector.broadcast %shift_left3A_1304 : i32 to vector<16xi32>
        %shift_left3A_1306 = arith.shli %get3A_1303, %shift_left3A_1305 : vector<16xi32>
        %bitcast_convert_type3A_1307 = tpu.bitcast %shift_left3A_1306 : vector<16xi32> -> vector<16xf32>
        %and3A_1308 = arith.constant -65536 : i32
        %and3A_1309 = vector.broadcast %and3A_1308 : i32 to vector<16xi32>
        %and3A_1310 = arith.andi %get3A_1303, %and3A_1309 : vector<16xi32>
        %bitcast_convert_type3A_1311 = tpu.bitcast %and3A_1310 : vector<16xi32> -> vector<16xf32>
        %mul3A_1312 = arith.mulf %get3A_230, %bitcast_convert_type3A_1279 : vector<16xf32>
        %mul3A_1313 = arith.mulf %get3A_236, %bitcast_convert_type3A_1293 : vector<16xf32>
        %add3A_1314 = arith.addf %mul3A_1312, %mul3A_1313 : vector<16xf32>
        %mul3A_1315 = arith.mulf %sub3A_239, %bitcast_convert_type3A_1307 : vector<16xf32>
        %add3A_1316 = arith.addf %add3A_1314, %mul3A_1315 : vector<16xf32>
        %bitcast_convert_type3A_1317 = tpu.bitcast %add3A_1316 : vector<16xf32> -> vector<16xi32>
        %add3A_1318 = arith.constant 32768 : i32
        %add3A_1319 = vector.broadcast %add3A_1318 : i32 to vector<16xi32>
        %add3A_1320 = arith.addi %bitcast_convert_type3A_1317, %add3A_1319 : vector<16xi32>
        %mul3A_1321 = arith.mulf %get3A_230, %bitcast_convert_type3A_1283 : vector<16xf32>
        %mul3A_1322 = arith.mulf %get3A_236, %bitcast_convert_type3A_1297 : vector<16xf32>
        %add3A_1323 = arith.addf %mul3A_1321, %mul3A_1322 : vector<16xf32>
        %mul3A_1324 = arith.mulf %sub3A_239, %bitcast_convert_type3A_1311 : vector<16xf32>
        %add3A_1325 = arith.addf %add3A_1323, %mul3A_1324 : vector<16xf32>
        %bitcast_convert_type3A_1326 = tpu.bitcast %add3A_1325 : vector<16xf32> -> vector<16xi32>
        %add3A_1327 = arith.constant 32768 : i32
        %add3A_1328 = vector.broadcast %add3A_1327 : i32 to vector<16xi32>
        %add3A_1329 = arith.addi %bitcast_convert_type3A_1326, %add3A_1328 : vector<16xi32>
        %shift_right_logical3A_1330 = arith.constant 16 : i32
        %shift_right_logical3A_1331 = vector.broadcast %shift_right_logical3A_1330 : i32 to vector<16xi32>
        %shift_right_logical3A_1332 = arith.shrui %add3A_1320, %shift_right_logical3A_1331 : vector<16xi32>
        %and3A_1333 = arith.constant -65536 : i32
        %and3A_1334 = vector.broadcast %and3A_1333 : i32 to vector<16xi32>
        %and3A_1335 = arith.andi %add3A_1329, %and3A_1334 : vector<16xi32>
        %or3A_1336 = arith.ori %shift_right_logical3A_1332, %and3A_1335 : vector<16xi32>
        %swap3A_1337 = arith.constant 0 : i32
        %swap3A_1338 = arith.index_cast %swap3A_1337 : i32 to index
        %swap3A_1339 = arith.index_cast %scan3A_224 : i32 to index
        %swap3A_1340 = arith.constant 224 : index
        %swap3A_1341 = tpu.vector_load %arg10[%swap3A_1338, %swap3A_1339, %swap3A_1340] {strides = array<i32>} : memref<2x32x256xi32, #tpu.memory_space<vmem>>, vector<1x1x16xi32>,
        %swap3A_1342 = vector.shape_cast %swap3A_1341 : vector<1x1x16xi32> to vector<16xi32>
        %swap3A_1343 = vector.shape_cast %or3A_1336 : vector<16xi32> to vector<1x1x16xi32>
        tpu.vector_store %arg10[%swap3A_1338, %swap3A_1339, %swap3A_1340], %swap3A_1343 {strides = array<i32>} : memref<2x32x256xi32, #tpu.memory_space<vmem>>, vector<1x1x16xi32>,
        %get3A_1344 = arith.constant 0 : i32
        %get3A_1345 = arith.index_cast %get3A_1344 : i32 to index
        %get3A_1346 = arith.index_cast %scan3A_224 : i32 to index
        %get3A_1347 = arith.constant 240 : index
        %get3A_1348 = tpu.vector_load %arg10[%get3A_1345, %get3A_1346, %get3A_1347] {strides = array<i32>} : memref<2x32x256xi32, #tpu.memory_space<vmem>>, vector<1x1x16xi32>,
        %get3A_1349 = vector.shape_cast %get3A_1348 : vector<1x1x16xi32> to vector<16xi32>
        %shift_left3A_1350 = arith.constant 16 : i32
        %shift_left3A_1351 = vector.broadcast %shift_left3A_1350 : i32 to vector<16xi32>
        %shift_left3A_1352 = arith.shli %get3A_1349, %shift_left3A_1351 : vector<16xi32>
        %bitcast_convert_type3A_1353 = tpu.bitcast %shift_left3A_1352 : vector<16xi32> -> vector<16xf32>
        %and3A_1354 = arith.constant -65536 : i32
        %and3A_1355 = vector.broadcast %and3A_1354 : i32 to vector<16xi32>
        %and3A_1356 = arith.andi %get3A_1349, %and3A_1355 : vector<16xi32>
        %bitcast_convert_type3A_1357 = tpu.bitcast %and3A_1356 : vector<16xi32> -> vector<16xf32>
        %get3A_1358 = arith.constant 0 : i32
        %get3A_1359 = arith.index_cast %get3A_1358 : i32 to index
        %get3A_1360 = arith.index_cast %scan3A_224 : i32 to index
        %get3A_1361 = arith.constant 240 : index
        %get3A_1362 = tpu.vector_load %arg11[%get3A_1359, %get3A_1360, %get3A_1361] {strides = array<i32>} : memref<2x32x256xi32, #tpu.memory_space<vmem>>, vector<1x1x16xi32>,
        %get3A_1363 = vector.shape_cast %get3A_1362 : vector<1x1x16xi32> to vector<16xi32>
        %shift_left3A_1364 = arith.constant 16 : i32
        %shift_left3A_1365 = vector.broadcast %shift_left3A_1364 : i32 to vector<16xi32>
        %shift_left3A_1366 = arith.shli %get3A_1363, %shift_left3A_1365 : vector<16xi32>
        %bitcast_convert_type3A_1367 = tpu.bitcast %shift_left3A_1366 : vector<16xi32> -> vector<16xf32>
        %and3A_1368 = arith.constant -65536 : i32
        %and3A_1369 = vector.broadcast %and3A_1368 : i32 to vector<16xi32>
        %and3A_1370 = arith.andi %get3A_1363, %and3A_1369 : vector<16xi32>
        %bitcast_convert_type3A_1371 = tpu.bitcast %and3A_1370 : vector<16xi32> -> vector<16xf32>
        %get3A_1372 = arith.constant 0 : i32
        %get3A_1373 = arith.index_cast %get3A_1372 : i32 to index
        %get3A_1374 = arith.index_cast %scan3A_224 : i32 to index
        %get3A_1375 = arith.constant 240 : index
        %get3A_1376 = tpu.vector_load %arg12[%get3A_1373, %get3A_1374, %get3A_1375] {strides = array<i32>} : memref<2x32x256xi32, #tpu.memory_space<vmem>>, vector<1x1x16xi32>,
        %get3A_1377 = vector.shape_cast %get3A_1376 : vector<1x1x16xi32> to vector<16xi32>
        %shift_left3A_1378 = arith.constant 16 : i32
        %shift_left3A_1379 = vector.broadcast %shift_left3A_1378 : i32 to vector<16xi32>
        %shift_left3A_1380 = arith.shli %get3A_1377, %shift_left3A_1379 : vector<16xi32>
        %bitcast_convert_type3A_1381 = tpu.bitcast %shift_left3A_1380 : vector<16xi32> -> vector<16xf32>
        %and3A_1382 = arith.constant -65536 : i32
        %and3A_1383 = vector.broadcast %and3A_1382 : i32 to vector<16xi32>
        %and3A_1384 = arith.andi %get3A_1377, %and3A_1383 : vector<16xi32>
        %bitcast_convert_type3A_1385 = tpu.bitcast %and3A_1384 : vector<16xi32> -> vector<16xf32>
        %mul3A_1386 = arith.mulf %get3A_230, %bitcast_convert_type3A_1353 : vector<16xf32>
        %mul3A_1387 = arith.mulf %get3A_236, %bitcast_convert_type3A_1367 : vector<16xf32>
        %add3A_1388 = arith.addf %mul3A_1386, %mul3A_1387 : vector<16xf32>
        %mul3A_1389 = arith.mulf %sub3A_239, %bitcast_convert_type3A_1381 : vector<16xf32>
        %add3A_1390 = arith.addf %add3A_1388, %mul3A_1389 : vector<16xf32>
        %bitcast_convert_type3A_1391 = tpu.bitcast %add3A_1390 : vector<16xf32> -> vector<16xi32>
        %add3A_1392 = arith.constant 32768 : i32
        %add3A_1393 = vector.broadcast %add3A_1392 : i32 to vector<16xi32>
        %add3A_1394 = arith.addi %bitcast_convert_type3A_1391, %add3A_1393 : vector<16xi32>
        %mul3A_1395 = arith.mulf %get3A_230, %bitcast_convert_type3A_1357 : vector<16xf32>
        %mul3A_1396 = arith.mulf %get3A_236, %bitcast_convert_type3A_1371 : vector<16xf32>
        %add3A_1397 = arith.addf %mul3A_1395, %mul3A_1396 : vector<16xf32>
        %mul3A_1398 = arith.mulf %sub3A_239, %bitcast_convert_type3A_1385 : vector<16xf32>
        %add3A_1399 = arith.addf %add3A_1397, %mul3A_1398 : vector<16xf32>
        %bitcast_convert_type3A_1400 = tpu.bitcast %add3A_1399 : vector<16xf32> -> vector<16xi32>
        %add3A_1401 = arith.constant 32768 : i32
        %add3A_1402 = vector.broadcast %add3A_1401 : i32 to vector<16xi32>
        %add3A_1403 = arith.addi %bitcast_convert_type3A_1400, %add3A_1402 : vector<16xi32>
        %shift_right_logical3A_1404 = arith.constant 16 : i32
        %shift_right_logical3A_1405 = vector.broadcast %shift_right_logical3A_1404 : i32 to vector<16xi32>
        %shift_right_logical3A_1406 = arith.shrui %add3A_1394, %shift_right_logical3A_1405 : vector<16xi32>
        %and3A_1407 = arith.constant -65536 : i32
        %and3A_1408 = vector.broadcast %and3A_1407 : i32 to vector<16xi32>
        %and3A_1409 = arith.andi %add3A_1403, %and3A_1408 : vector<16xi32>
        %or3A_1410 = arith.ori %shift_right_logical3A_1406, %and3A_1409 : vector<16xi32>
        %swap3A_1411 = arith.constant 0 : i32
        %swap3A_1412 = arith.index_cast %swap3A_1411 : i32 to index
        %swap3A_1413 = arith.index_cast %scan3A_224 : i32 to index
        %swap3A_1414 = arith.constant 240 : index
        %swap3A_1415 = tpu.vector_load %arg10[%swap3A_1412, %swap3A_1413, %swap3A_1414] {strides = array<i32>} : memref<2x32x256xi32, #tpu.memory_space<vmem>>, vector<1x1x16xi32>,
        %swap3A_1416 = vector.shape_cast %swap3A_1415 : vector<1x1x16xi32> to vector<16xi32>
        %swap3A_1417 = vector.shape_cast %or3A_1410 : vector<16xi32> to vector<1x1x16xi32>
        tpu.vector_store %arg10[%swap3A_1412, %swap3A_1413, %swap3A_1414], %swap3A_1417 {strides = array<i32>} : memref<2x32x256xi32, #tpu.memory_space<vmem>>, vector<1x1x16xi32>,
        %scan3A_1418 = arith.constant 0 : i32
        scf.yield %scan3A_1418 : i32
      }
      %scan3A_163 = arith.constant 32 : i32
      %run_scoped3A_164 = arith.constant 0 : i32
      "tpu.region"() ({
        %run_scoped3A_224 = tpu.sem_alloc : memref<!tpu.dma_semaphore, #tpu.memory_space<semaphore_mem>>
        %dma_start3A_225 = arith.constant 0 : i32
        %dma_start3A_226 = arith.constant 0 : i32
        %dma_start3A_227 = tpu.memref_slice %arg10[%run_scoped3A_164, %dma_start3A_225, %dma_start3A_226] : memref<2x32x256xi32, #tpu.memory_space<vmem>> -> memref<1x32x256xi32, #tpu.memory_space<vmem>>
        %dma_start3A_228 = tpu.memref_squeeze %dma_start3A_227 : memref<1x32x256xi32, #tpu.memory_space<vmem>> -> memref<32x256xi32, #tpu.memory_space<vmem>>
        %dma_start3A_229 = arith.constant 0 : i32
        %dma_start3A_230 = tpu.memref_slice %arg8[%add3A_118, %dma_start3A_229] : memref<65536x256xi32, #tpu.memory_space<hbm>> -> memref<32x256xi32, #tpu.memory_space<hbm>>
        %dma_start3A_231 = arith.constant 0 : i32
        %dma_start3A_232 = tpu.memref_slice %arg8[%add3A_118, %dma_start3A_231] : memref<65536x256xi32, #tpu.memory_space<hbm>> -> memref<32x256xi32, #tpu.memory_space<hbm>>
        %dma_start3A_233 = arith.constant 0 : i32
        %dma_start3A_234 = arith.constant 0 : i32
        %dma_start3A_235 = tpu.memref_slice %arg10[%run_scoped3A_164, %dma_start3A_233, %dma_start3A_234] : memref<2x32x256xi32, #tpu.memory_space<vmem>> -> memref<1x32x256xi32, #tpu.memory_space<vmem>>
        %dma_start3A_236 = tpu.memref_squeeze %dma_start3A_235 : memref<1x32x256xi32, #tpu.memory_space<vmem>> -> memref<32x256xi32, #tpu.memory_space<vmem>>
        tpu.enqueue_dma source(%dma_start3A_236 : memref<32x256xi32, #tpu.memory_space<vmem>>) target(%dma_start3A_232 : memref<32x256xi32, #tpu.memory_space<hbm>>) target_semaphore(%run_scoped3A_224 : memref<!tpu.dma_semaphore, #tpu.memory_space<semaphore_mem>>)
        %dma_wait3A_237 = arith.constant 0 : i32
        %dma_wait3A_238 = arith.constant 0 : i32
        %dma_wait3A_239 = tpu.memref_slice %arg10[%run_scoped3A_164, %dma_wait3A_237, %dma_wait3A_238] : memref<2x32x256xi32, #tpu.memory_space<vmem>> -> memref<1x32x256xi32, #tpu.memory_space<vmem>>
        %dma_wait3A_240 = tpu.memref_squeeze %dma_wait3A_239 : memref<1x32x256xi32, #tpu.memory_space<vmem>> -> memref<32x256xi32, #tpu.memory_space<vmem>>
        %dma_wait3A_241 = arith.constant 0 : i32
        %dma_wait3A_242 = tpu.memref_slice %arg8[%add3A_118, %dma_wait3A_241] : memref<65536x256xi32, #tpu.memory_space<hbm>> -> memref<32x256xi32, #tpu.memory_space<hbm>>
        %dma_wait3A_243 = arith.constant 0 : i32
        %dma_wait3A_244 = tpu.memref_slice %arg8[%add3A_118, %dma_wait3A_243] : memref<65536x256xi32, #tpu.memory_space<hbm>> -> memref<32x256xi32, #tpu.memory_space<hbm>>
        %dma_wait3A_245 = arith.constant 0 : i32
        %dma_wait3A_246 = arith.constant 0 : i32
        %dma_wait3A_247 = tpu.memref_slice %arg10[%run_scoped3A_164, %dma_wait3A_245, %dma_wait3A_246] : memref<2x32x256xi32, #tpu.memory_space<vmem>> -> memref<1x32x256xi32, #tpu.memory_space<vmem>>
        %dma_wait3A_248 = tpu.memref_squeeze %dma_wait3A_247 : memref<1x32x256xi32, #tpu.memory_space<vmem>> -> memref<32x256xi32, #tpu.memory_space<vmem>>
        tpu.wait_dma2 semaphore(%run_scoped3A_224 : memref<!tpu.dma_semaphore, #tpu.memory_space<semaphore_mem>>) src(%dma_wait3A_248 : memref<32x256xi32, #tpu.memory_space<vmem>>) dst(%dma_wait3A_244 : memref<32x256xi32, #tpu.memory_space<hbm>>)
        tpu.yield
      }) : () -> ()
      %add3A_165 = arith.constant 2 : i32
      %add3A_166 = arith.addi %mul3A_59, %add3A_165 : i32
      %lt3A = arith.constant 64 : i32
      %lt3A_167 = arith.cmpi slt, %add3A_166, %lt3A : i32
      %convert_element_type3A = arith.extui %lt3A_167 : i1 to i32
      %cond3A = arith.constant 0 : i32
      %cond3A_168 = arith.cmpi ne, %convert_element_type3A, %cond3A : i32
      scf.if %cond3A_168 {
        %add3A_224 = arith.constant 2 : i32
        %add3A_225 = arith.addi %mul3A_59, %add3A_224 : i32
        %mul3A_226 = arith.constant 2048 : i32
        %mul3A_227 = arith.muli %add3A, %mul3A_226 : i32
        %mul3A_228 = arith.constant 32 : i32
        %mul3A_229 = arith.muli %add3A_225, %mul3A_228 : i32
        %add3A_230 = arith.addi %mul3A_227, %mul3A_229 : i32
        %run_scoped3A_231 = arith.constant 0 : i32
        %run_scoped3A_232 = arith.constant 0 : i32
        "tpu.region"() ({
          %run_scoped3A_278 = tpu.sem_alloc : memref<!tpu.dma_semaphore, #tpu.memory_space<semaphore_mem>>
          %dma_start3A_279 = arith.constant 0 : i32
          %dma_start3A_280 = tpu.memref_slice %arg9[%run_scoped3A_231, %run_scoped3A_232, %dma_start3A_279] : memref<2x3x32xi32, #tpu.memory_space<vmem>> -> memref<1x1x32xi32, #tpu.memory_space<vmem>>
          %dma_start3A_281 = tpu.memref_squeeze %dma_start3A_280 : memref<1x1x32xi32, #tpu.memory_space<vmem>> -> memref<32xi32, #tpu.memory_space<vmem>>
          %dma_start3A_282 = tpu.memref_slice %arg3[%add3A_230] : memref<65536xi32, #tpu.memory_space<hbm>> -> memref<32xi32, #tpu.memory_space<hbm>>
          %dma_start3A_283 = arith.constant 0 : i32
          %dma_start3A_284 = tpu.memref_slice %arg9[%run_scoped3A_231, %run_scoped3A_232, %dma_start3A_283] : memref<2x3x32xi32, #tpu.memory_space<vmem>> -> memref<1x1x32xi32, #tpu.memory_space<vmem>>
          %dma_start3A_285 = tpu.memref_squeeze %dma_start3A_284 : memref<1x1x32xi32, #tpu.memory_space<vmem>> -> memref<32xi32, #tpu.memory_space<vmem>>
          %dma_start3A_286 = tpu.memref_slice %arg3[%add3A_230] : memref<65536xi32, #tpu.memory_space<hbm>> -> memref<32xi32, #tpu.memory_space<hbm>>
          tpu.enqueue_dma source(%dma_start3A_286 : memref<32xi32, #tpu.memory_space<hbm>>) target(%dma_start3A_285 : memref<32xi32, #tpu.memory_space<vmem>>) target_semaphore(%run_scoped3A_278 : memref<!tpu.dma_semaphore, #tpu.memory_space<semaphore_mem>>)
          %dma_wait3A_287 = arith.constant 0 : i32
          %dma_wait3A_288 = tpu.memref_slice %arg9[%run_scoped3A_231, %run_scoped3A_232, %dma_wait3A_287] : memref<2x3x32xi32, #tpu.memory_space<vmem>> -> memref<1x1x32xi32, #tpu.memory_space<vmem>>
          %dma_wait3A_289 = tpu.memref_squeeze %dma_wait3A_288 : memref<1x1x32xi32, #tpu.memory_space<vmem>> -> memref<32xi32, #tpu.memory_space<vmem>>
          %dma_wait3A_290 = tpu.memref_slice %arg3[%add3A_230] : memref<65536xi32, #tpu.memory_space<hbm>> -> memref<32xi32, #tpu.memory_space<hbm>>
          %dma_wait3A_291 = arith.constant 0 : i32
          %dma_wait3A_292 = tpu.memref_slice %arg9[%run_scoped3A_231, %run_scoped3A_232, %dma_wait3A_291] : memref<2x3x32xi32, #tpu.memory_space<vmem>> -> memref<1x1x32xi32, #tpu.memory_space<vmem>>
          %dma_wait3A_293 = tpu.memref_squeeze %dma_wait3A_292 : memref<1x1x32xi32, #tpu.memory_space<vmem>> -> memref<32xi32, #tpu.memory_space<vmem>>
          %dma_wait3A_294 = tpu.memref_slice %arg3[%add3A_230] : memref<65536xi32, #tpu.memory_space<hbm>> -> memref<32xi32, #tpu.memory_space<hbm>>
          tpu.wait_dma2 semaphore(%run_scoped3A_278 : memref<!tpu.dma_semaphore, #tpu.memory_space<semaphore_mem>>) src(%dma_wait3A_294 : memref<32xi32, #tpu.memory_space<hbm>>) dst(%dma_wait3A_293 : memref<32xi32, #tpu.memory_space<vmem>>)
          tpu.yield
        }) : () -> ()
        %dma_start3A_233 = arith.constant 0 : i32
        %dma_start3A_234 = arith.constant 0 : i32
        %dma_start3A_235 = arith.constant 0 : i32
        %dma_start3A_236 = arith.constant 0 : i32
        %dma_start3A_237 = arith.constant 0 : i32
        %dma_start3A_238 = tpu.memref_slice %arg10[%dma_start3A_235, %dma_start3A_236, %dma_start3A_237] : memref<2x32x256xi32, #tpu.memory_space<vmem>> -> memref<1x32x256xi32, #tpu.memory_space<vmem>>
        %dma_start3A_239 = tpu.memref_squeeze %dma_start3A_238 : memref<1x32x256xi32, #tpu.memory_space<vmem>> -> memref<32x256xi32, #tpu.memory_space<vmem>>
        %dma_start3A_240 = arith.constant 0 : i32
        %dma_start3A_241 = tpu.memref_slice %arg9[%dma_start3A_233, %dma_start3A_234, %dma_start3A_240] : memref<2x3x32xi32, #tpu.memory_space<vmem>> -> memref<1x1x32xi32, #tpu.memory_space<vmem>>
        %dma_start3A_242 = tpu.memref_squeeze %dma_start3A_241 : memref<1x1x32xi32, #tpu.memory_space<vmem>> -> memref<32xi32, #tpu.memory_space<vmem>>
        %dma_start3A_243 = arith.constant 0 : i32
        %dma_start3A_244 = arith.constant 0 : i32
        %dma_start3A_245 = tpu.memref_slice %arg2[%dma_start3A_243, %dma_start3A_244] : memref<16384x256xi32, #tpu.memory_space<hbm>> -> memref<16384x256xi32, #tpu.memory_space<hbm>>
        tpu.enqueue_indirect_dma source(%dma_start3A_245 : memref<16384x256xi32, #tpu.memory_space<hbm>>) target(%dma_start3A_239 : memref<32x256xi32, #tpu.memory_space<vmem>>) offsets(%dma_start3A_242 : memref<32xi32, #tpu.memory_space<vmem>>) semaphore(%arg15 : memref<!tpu.dma_semaphore, #tpu.memory_space<semaphore_mem>>)
        %run_scoped3A_246 = arith.constant 0 : i32
        %run_scoped3A_247 = arith.constant 1 : i32
        "tpu.region"() ({
          %run_scoped3A_278 = tpu.sem_alloc : memref<!tpu.dma_semaphore, #tpu.memory_space<semaphore_mem>>
          %dma_start3A_279 = arith.constant 0 : i32
          %dma_start3A_280 = tpu.memref_slice %arg9[%run_scoped3A_246, %run_scoped3A_247, %dma_start3A_279] : memref<2x3x32xi32, #tpu.memory_space<vmem>> -> memref<1x1x32xi32, #tpu.memory_space<vmem>>
          %dma_start3A_281 = tpu.memref_squeeze %dma_start3A_280 : memref<1x1x32xi32, #tpu.memory_space<vmem>> -> memref<32xi32, #tpu.memory_space<vmem>>
          %dma_start3A_282 = tpu.memref_slice %arg4[%add3A_230] : memref<65536xi32, #tpu.memory_space<hbm>> -> memref<32xi32, #tpu.memory_space<hbm>>
          %dma_start3A_283 = arith.constant 0 : i32
          %dma_start3A_284 = tpu.memref_slice %arg9[%run_scoped3A_246, %run_scoped3A_247, %dma_start3A_283] : memref<2x3x32xi32, #tpu.memory_space<vmem>> -> memref<1x1x32xi32, #tpu.memory_space<vmem>>
          %dma_start3A_285 = tpu.memref_squeeze %dma_start3A_284 : memref<1x1x32xi32, #tpu.memory_space<vmem>> -> memref<32xi32, #tpu.memory_space<vmem>>
          %dma_start3A_286 = tpu.memref_slice %arg4[%add3A_230] : memref<65536xi32, #tpu.memory_space<hbm>> -> memref<32xi32, #tpu.memory_space<hbm>>
          tpu.enqueue_dma source(%dma_start3A_286 : memref<32xi32, #tpu.memory_space<hbm>>) target(%dma_start3A_285 : memref<32xi32, #tpu.memory_space<vmem>>) target_semaphore(%run_scoped3A_278 : memref<!tpu.dma_semaphore, #tpu.memory_space<semaphore_mem>>)
          %dma_wait3A_287 = arith.constant 0 : i32
          %dma_wait3A_288 = tpu.memref_slice %arg9[%run_scoped3A_246, %run_scoped3A_247, %dma_wait3A_287] : memref<2x3x32xi32, #tpu.memory_space<vmem>> -> memref<1x1x32xi32, #tpu.memory_space<vmem>>
          %dma_wait3A_289 = tpu.memref_squeeze %dma_wait3A_288 : memref<1x1x32xi32, #tpu.memory_space<vmem>> -> memref<32xi32, #tpu.memory_space<vmem>>
          %dma_wait3A_290 = tpu.memref_slice %arg4[%add3A_230] : memref<65536xi32, #tpu.memory_space<hbm>> -> memref<32xi32, #tpu.memory_space<hbm>>
          %dma_wait3A_291 = arith.constant 0 : i32
          %dma_wait3A_292 = tpu.memref_slice %arg9[%run_scoped3A_246, %run_scoped3A_247, %dma_wait3A_291] : memref<2x3x32xi32, #tpu.memory_space<vmem>> -> memref<1x1x32xi32, #tpu.memory_space<vmem>>
          %dma_wait3A_293 = tpu.memref_squeeze %dma_wait3A_292 : memref<1x1x32xi32, #tpu.memory_space<vmem>> -> memref<32xi32, #tpu.memory_space<vmem>>
          %dma_wait3A_294 = tpu.memref_slice %arg4[%add3A_230] : memref<65536xi32, #tpu.memory_space<hbm>> -> memref<32xi32, #tpu.memory_space<hbm>>
          tpu.wait_dma2 semaphore(%run_scoped3A_278 : memref<!tpu.dma_semaphore, #tpu.memory_space<semaphore_mem>>) src(%dma_wait3A_294 : memref<32xi32, #tpu.memory_space<hbm>>) dst(%dma_wait3A_293 : memref<32xi32, #tpu.memory_space<vmem>>)
          tpu.yield
        }) : () -> ()
        %dma_start3A_248 = arith.constant 0 : i32
        %dma_start3A_249 = arith.constant 1 : i32
        %dma_start3A_250 = arith.constant 0 : i32
        %dma_start3A_251 = arith.constant 0 : i32
        %dma_start3A_252 = arith.constant 0 : i32
        %dma_start3A_253 = tpu.memref_slice %arg11[%dma_start3A_250, %dma_start3A_251, %dma_start3A_252] : memref<2x32x256xi32, #tpu.memory_space<vmem>> -> memref<1x32x256xi32, #tpu.memory_space<vmem>>
        %dma_start3A_254 = tpu.memref_squeeze %dma_start3A_253 : memref<1x32x256xi32, #tpu.memory_space<vmem>> -> memref<32x256xi32, #tpu.memory_space<vmem>>
        %dma_start3A_255 = arith.constant 0 : i32
        %dma_start3A_256 = tpu.memref_slice %arg9[%dma_start3A_248, %dma_start3A_249, %dma_start3A_255] : memref<2x3x32xi32, #tpu.memory_space<vmem>> -> memref<1x1x32xi32, #tpu.memory_space<vmem>>
        %dma_start3A_257 = tpu.memref_squeeze %dma_start3A_256 : memref<1x1x32xi32, #tpu.memory_space<vmem>> -> memref<32xi32, #tpu.memory_space<vmem>>
        %dma_start3A_258 = arith.constant 0 : i32
        %dma_start3A_259 = arith.constant 0 : i32
        %dma_start3A_260 = tpu.memref_slice %arg2[%dma_start3A_258, %dma_start3A_259] : memref<16384x256xi32, #tpu.memory_space<hbm>> -> memref<16384x256xi32, #tpu.memory_space<hbm>>
        tpu.enqueue_indirect_dma source(%dma_start3A_260 : memref<16384x256xi32, #tpu.memory_space<hbm>>) target(%dma_start3A_254 : memref<32x256xi32, #tpu.memory_space<vmem>>) offsets(%dma_start3A_257 : memref<32xi32, #tpu.memory_space<vmem>>) semaphore(%arg15 : memref<!tpu.dma_semaphore, #tpu.memory_space<semaphore_mem>>)
        %run_scoped3A_261 = arith.constant 0 : i32
        %run_scoped3A_262 = arith.constant 2 : i32
        "tpu.region"() ({
          %run_scoped3A_278 = tpu.sem_alloc : memref<!tpu.dma_semaphore, #tpu.memory_space<semaphore_mem>>
          %dma_start3A_279 = arith.constant 0 : i32
          %dma_start3A_280 = tpu.memref_slice %arg9[%run_scoped3A_261, %run_scoped3A_262, %dma_start3A_279] : memref<2x3x32xi32, #tpu.memory_space<vmem>> -> memref<1x1x32xi32, #tpu.memory_space<vmem>>
          %dma_start3A_281 = tpu.memref_squeeze %dma_start3A_280 : memref<1x1x32xi32, #tpu.memory_space<vmem>> -> memref<32xi32, #tpu.memory_space<vmem>>
          %dma_start3A_282 = tpu.memref_slice %arg5[%add3A_230] : memref<65536xi32, #tpu.memory_space<hbm>> -> memref<32xi32, #tpu.memory_space<hbm>>
          %dma_start3A_283 = arith.constant 0 : i32
          %dma_start3A_284 = tpu.memref_slice %arg9[%run_scoped3A_261, %run_scoped3A_262, %dma_start3A_283] : memref<2x3x32xi32, #tpu.memory_space<vmem>> -> memref<1x1x32xi32, #tpu.memory_space<vmem>>
          %dma_start3A_285 = tpu.memref_squeeze %dma_start3A_284 : memref<1x1x32xi32, #tpu.memory_space<vmem>> -> memref<32xi32, #tpu.memory_space<vmem>>
          %dma_start3A_286 = tpu.memref_slice %arg5[%add3A_230] : memref<65536xi32, #tpu.memory_space<hbm>> -> memref<32xi32, #tpu.memory_space<hbm>>
          tpu.enqueue_dma source(%dma_start3A_286 : memref<32xi32, #tpu.memory_space<hbm>>) target(%dma_start3A_285 : memref<32xi32, #tpu.memory_space<vmem>>) target_semaphore(%run_scoped3A_278 : memref<!tpu.dma_semaphore, #tpu.memory_space<semaphore_mem>>)
          %dma_wait3A_287 = arith.constant 0 : i32
          %dma_wait3A_288 = tpu.memref_slice %arg9[%run_scoped3A_261, %run_scoped3A_262, %dma_wait3A_287] : memref<2x3x32xi32, #tpu.memory_space<vmem>> -> memref<1x1x32xi32, #tpu.memory_space<vmem>>
          %dma_wait3A_289 = tpu.memref_squeeze %dma_wait3A_288 : memref<1x1x32xi32, #tpu.memory_space<vmem>> -> memref<32xi32, #tpu.memory_space<vmem>>
          %dma_wait3A_290 = tpu.memref_slice %arg5[%add3A_230] : memref<65536xi32, #tpu.memory_space<hbm>> -> memref<32xi32, #tpu.memory_space<hbm>>
          %dma_wait3A_291 = arith.constant 0 : i32
          %dma_wait3A_292 = tpu.memref_slice %arg9[%run_scoped3A_261, %run_scoped3A_262, %dma_wait3A_291] : memref<2x3x32xi32, #tpu.memory_space<vmem>> -> memref<1x1x32xi32, #tpu.memory_space<vmem>>
          %dma_wait3A_293 = tpu.memref_squeeze %dma_wait3A_292 : memref<1x1x32xi32, #tpu.memory_space<vmem>> -> memref<32xi32, #tpu.memory_space<vmem>>
          %dma_wait3A_294 = tpu.memref_slice %arg5[%add3A_230] : memref<65536xi32, #tpu.memory_space<hbm>> -> memref<32xi32, #tpu.memory_space<hbm>>
          tpu.wait_dma2 semaphore(%run_scoped3A_278 : memref<!tpu.dma_semaphore, #tpu.memory_space<semaphore_mem>>) src(%dma_wait3A_294 : memref<32xi32, #tpu.memory_space<hbm>>) dst(%dma_wait3A_293 : memref<32xi32, #tpu.memory_space<vmem>>)
          tpu.yield
        }) : () -> ()
        %dma_start3A_263 = arith.constant 0 : i32
        %dma_start3A_264 = arith.constant 2 : i32
        %dma_start3A_265 = arith.constant 0 : i32
        %dma_start3A_266 = arith.constant 0 : i32
        %dma_start3A_267 = arith.constant 0 : i32
        %dma_start3A_268 = tpu.memref_slice %arg12[%dma_start3A_265, %dma_start3A_266, %dma_start3A_267] : memref<2x32x256xi32, #tpu.memory_space<vmem>> -> memref<1x32x256xi32, #tpu.memory_space<vmem>>
        %dma_start3A_269 = tpu.memref_squeeze %dma_start3A_268 : memref<1x32x256xi32, #tpu.memory_space<vmem>> -> memref<32x256xi32, #tpu.memory_space<vmem>>
        %dma_start3A_270 = arith.constant 0 : i32
        %dma_start3A_271 = tpu.memref_slice %arg9[%dma_start3A_263, %dma_start3A_264, %dma_start3A_270] : memref<2x3x32xi32, #tpu.memory_space<vmem>> -> memref<1x1x32xi32, #tpu.memory_space<vmem>>
        %dma_start3A_272 = tpu.memref_squeeze %dma_start3A_271 : memref<1x1x32xi32, #tpu.memory_space<vmem>> -> memref<32xi32, #tpu.memory_space<vmem>>
        %dma_start3A_273 = arith.constant 0 : i32
        %dma_start3A_274 = arith.constant 0 : i32
        %dma_start3A_275 = tpu.memref_slice %arg2[%dma_start3A_273, %dma_start3A_274] : memref<16384x256xi32, #tpu.memory_space<hbm>> -> memref<16384x256xi32, #tpu.memory_space<hbm>>
        tpu.enqueue_indirect_dma source(%dma_start3A_275 : memref<16384x256xi32, #tpu.memory_space<hbm>>) target(%dma_start3A_269 : memref<32x256xi32, #tpu.memory_space<vmem>>) offsets(%dma_start3A_272 : memref<32xi32, #tpu.memory_space<vmem>>) semaphore(%arg15 : memref<!tpu.dma_semaphore, #tpu.memory_space<semaphore_mem>>)
        %run_scoped3A_276 = arith.constant 0 : i32
        "tpu.region"() ({
          %run_scoped3A_278 = tpu.sem_alloc : memref<!tpu.dma_semaphore, #tpu.memory_space<semaphore_mem>>
          %dma_start3A_279 = arith.constant 0 : i32
          %dma_start3A_280 = arith.constant 0 : i32
          %dma_start3A_281 = tpu.memref_slice %arg13[%run_scoped3A_276, %dma_start3A_279, %dma_start3A_280] : memref<2x32x16xf32, #tpu.memory_space<vmem>> -> memref<1x32x16xf32, #tpu.memory_space<vmem>>
          %dma_start3A_282 = tpu.memref_squeeze %dma_start3A_281 : memref<1x32x16xf32, #tpu.memory_space<vmem>> -> memref<32x16xf32, #tpu.memory_space<vmem>>
          %dma_start3A_283 = arith.constant 0 : i32
          %dma_start3A_284 = tpu.memref_slice %arg6[%add3A_230, %dma_start3A_283] : memref<65536x16xf32, #tpu.memory_space<hbm>> -> memref<32x16xf32, #tpu.memory_space<hbm>>
          %dma_start3A_285 = arith.constant 0 : i32
          %dma_start3A_286 = arith.constant 0 : i32
          %dma_start3A_287 = tpu.memref_slice %arg13[%run_scoped3A_276, %dma_start3A_285, %dma_start3A_286] : memref<2x32x16xf32, #tpu.memory_space<vmem>> -> memref<1x32x16xf32, #tpu.memory_space<vmem>>
          %dma_start3A_288 = tpu.memref_squeeze %dma_start3A_287 : memref<1x32x16xf32, #tpu.memory_space<vmem>> -> memref<32x16xf32, #tpu.memory_space<vmem>>
          %dma_start3A_289 = arith.constant 0 : i32
          %dma_start3A_290 = tpu.memref_slice %arg6[%add3A_230, %dma_start3A_289] : memref<65536x16xf32, #tpu.memory_space<hbm>> -> memref<32x16xf32, #tpu.memory_space<hbm>>
          tpu.enqueue_dma source(%dma_start3A_290 : memref<32x16xf32, #tpu.memory_space<hbm>>) target(%dma_start3A_288 : memref<32x16xf32, #tpu.memory_space<vmem>>) target_semaphore(%run_scoped3A_278 : memref<!tpu.dma_semaphore, #tpu.memory_space<semaphore_mem>>)
          %dma_wait3A_291 = arith.constant 0 : i32
          %dma_wait3A_292 = arith.constant 0 : i32
          %dma_wait3A_293 = tpu.memref_slice %arg13[%run_scoped3A_276, %dma_wait3A_291, %dma_wait3A_292] : memref<2x32x16xf32, #tpu.memory_space<vmem>> -> memref<1x32x16xf32, #tpu.memory_space<vmem>>
          %dma_wait3A_294 = tpu.memref_squeeze %dma_wait3A_293 : memref<1x32x16xf32, #tpu.memory_space<vmem>> -> memref<32x16xf32, #tpu.memory_space<vmem>>
          %dma_wait3A_295 = arith.constant 0 : i32
          %dma_wait3A_296 = tpu.memref_slice %arg6[%add3A_230, %dma_wait3A_295] : memref<65536x16xf32, #tpu.memory_space<hbm>> -> memref<32x16xf32, #tpu.memory_space<hbm>>
          %dma_wait3A_297 = arith.constant 0 : i32
          %dma_wait3A_298 = arith.constant 0 : i32
          %dma_wait3A_299 = tpu.memref_slice %arg13[%run_scoped3A_276, %dma_wait3A_297, %dma_wait3A_298] : memref<2x32x16xf32, #tpu.memory_space<vmem>> -> memref<1x32x16xf32, #tpu.memory_space<vmem>>
          %dma_wait3A_300 = tpu.memref_squeeze %dma_wait3A_299 : memref<1x32x16xf32, #tpu.memory_space<vmem>> -> memref<32x16xf32, #tpu.memory_space<vmem>>
          %dma_wait3A_301 = arith.constant 0 : i32
          %dma_wait3A_302 = tpu.memref_slice %arg6[%add3A_230, %dma_wait3A_301] : memref<65536x16xf32, #tpu.memory_space<hbm>> -> memref<32x16xf32, #tpu.memory_space<hbm>>
          tpu.wait_dma2 semaphore(%run_scoped3A_278 : memref<!tpu.dma_semaphore, #tpu.memory_space<semaphore_mem>>) src(%dma_wait3A_302 : memref<32x16xf32, #tpu.memory_space<hbm>>) dst(%dma_wait3A_300 : memref<32x16xf32, #tpu.memory_space<vmem>>)
          tpu.yield
        }) : () -> ()
        %run_scoped3A_277 = arith.constant 0 : i32
        "tpu.region"() ({
          %run_scoped3A_278 = tpu.sem_alloc : memref<!tpu.dma_semaphore, #tpu.memory_space<semaphore_mem>>
          %dma_start3A_279 = arith.constant 0 : i32
          %dma_start3A_280 = arith.constant 0 : i32
          %dma_start3A_281 = tpu.memref_slice %arg14[%run_scoped3A_277, %dma_start3A_279, %dma_start3A_280] : memref<2x32x16xf32, #tpu.memory_space<vmem>> -> memref<1x32x16xf32, #tpu.memory_space<vmem>>
          %dma_start3A_282 = tpu.memref_squeeze %dma_start3A_281 : memref<1x32x16xf32, #tpu.memory_space<vmem>> -> memref<32x16xf32, #tpu.memory_space<vmem>>
          %dma_start3A_283 = arith.constant 0 : i32
          %dma_start3A_284 = tpu.memref_slice %arg7[%add3A_230, %dma_start3A_283] : memref<65536x16xf32, #tpu.memory_space<hbm>> -> memref<32x16xf32, #tpu.memory_space<hbm>>
          %dma_start3A_285 = arith.constant 0 : i32
          %dma_start3A_286 = arith.constant 0 : i32
          %dma_start3A_287 = tpu.memref_slice %arg14[%run_scoped3A_277, %dma_start3A_285, %dma_start3A_286] : memref<2x32x16xf32, #tpu.memory_space<vmem>> -> memref<1x32x16xf32, #tpu.memory_space<vmem>>
          %dma_start3A_288 = tpu.memref_squeeze %dma_start3A_287 : memref<1x32x16xf32, #tpu.memory_space<vmem>> -> memref<32x16xf32, #tpu.memory_space<vmem>>
          %dma_start3A_289 = arith.constant 0 : i32
          %dma_start3A_290 = tpu.memref_slice %arg7[%add3A_230, %dma_start3A_289] : memref<65536x16xf32, #tpu.memory_space<hbm>> -> memref<32x16xf32, #tpu.memory_space<hbm>>
          tpu.enqueue_dma source(%dma_start3A_290 : memref<32x16xf32, #tpu.memory_space<hbm>>) target(%dma_start3A_288 : memref<32x16xf32, #tpu.memory_space<vmem>>) target_semaphore(%run_scoped3A_278 : memref<!tpu.dma_semaphore, #tpu.memory_space<semaphore_mem>>)
          %dma_wait3A_291 = arith.constant 0 : i32
          %dma_wait3A_292 = arith.constant 0 : i32
          %dma_wait3A_293 = tpu.memref_slice %arg14[%run_scoped3A_277, %dma_wait3A_291, %dma_wait3A_292] : memref<2x32x16xf32, #tpu.memory_space<vmem>> -> memref<1x32x16xf32, #tpu.memory_space<vmem>>
          %dma_wait3A_294 = tpu.memref_squeeze %dma_wait3A_293 : memref<1x32x16xf32, #tpu.memory_space<vmem>> -> memref<32x16xf32, #tpu.memory_space<vmem>>
          %dma_wait3A_295 = arith.constant 0 : i32
          %dma_wait3A_296 = tpu.memref_slice %arg7[%add3A_230, %dma_wait3A_295] : memref<65536x16xf32, #tpu.memory_space<hbm>> -> memref<32x16xf32, #tpu.memory_space<hbm>>
          %dma_wait3A_297 = arith.constant 0 : i32
          %dma_wait3A_298 = arith.constant 0 : i32
          %dma_wait3A_299 = tpu.memref_slice %arg14[%run_scoped3A_277, %dma_wait3A_297, %dma_wait3A_298] : memref<2x32x16xf32, #tpu.memory_space<vmem>> -> memref<1x32x16xf32, #tpu.memory_space<vmem>>
          %dma_wait3A_300 = tpu.memref_squeeze %dma_wait3A_299 : memref<1x32x16xf32, #tpu.memory_space<vmem>> -> memref<32x16xf32, #tpu.memory_space<vmem>>
          %dma_wait3A_301 = arith.constant 0 : i32
          %dma_wait3A_302 = tpu.memref_slice %arg7[%add3A_230, %dma_wait3A_301] : memref<65536x16xf32, #tpu.memory_space<hbm>> -> memref<32x16xf32, #tpu.memory_space<hbm>>
          tpu.wait_dma2 semaphore(%run_scoped3A_278 : memref<!tpu.dma_semaphore, #tpu.memory_space<semaphore_mem>>) src(%dma_wait3A_302 : memref<32x16xf32, #tpu.memory_space<hbm>>) dst(%dma_wait3A_300 : memref<32x16xf32, #tpu.memory_space<vmem>>)
          tpu.yield
        }) : () -> ()
      } else {
      }
      %add3A_169 = arith.constant 1 : i32
      %add3A_170 = arith.addi %mul3A_59, %add3A_169 : i32
      %mul3A_171 = arith.constant 2048 : i32
      %mul3A_172 = arith.muli %add3A, %mul3A_171 : i32
      %mul3A_173 = arith.constant 32 : i32
      %mul3A_174 = arith.muli %add3A_170, %mul3A_173 : i32
      %add3A_175 = arith.addi %mul3A_172, %mul3A_174 : i32
      %dma_wait3A_176 = arith.constant 1 : i32
      %dma_wait3A_177 = arith.constant 0 : i32
      %dma_wait3A_178 = arith.constant 1 : i32
      %dma_wait3A_179 = arith.constant 0 : i32
      %dma_wait3A_180 = arith.constant 0 : i32
      %dma_wait3A_181 = tpu.memref_slice %arg10[%dma_wait3A_178, %dma_wait3A_179, %dma_wait3A_180] : memref<2x32x256xi32, #tpu.memory_space<vmem>> -> memref<1x32x256xi32, #tpu.memory_space<vmem>>
      %dma_wait3A_182 = tpu.memref_squeeze %dma_wait3A_181 : memref<1x32x256xi32, #tpu.memory_space<vmem>> -> memref<32x256xi32, #tpu.memory_space<vmem>>
      %dma_wait3A_183 = arith.constant 0 : i32
      %dma_wait3A_184 = tpu.memref_slice %arg9[%dma_wait3A_176, %dma_wait3A_177, %dma_wait3A_183] : memref<2x3x32xi32, #tpu.memory_space<vmem>> -> memref<1x1x32xi32, #tpu.memory_space<vmem>>
      %dma_wait3A_185 = tpu.memref_squeeze %dma_wait3A_184 : memref<1x1x32xi32, #tpu.memory_space<vmem>> -> memref<32xi32, #tpu.memory_space<vmem>>
      %dma_wait3A_186 = arith.constant 0 : i32
      %dma_wait3A_187 = arith.constant 0 : i32
      %dma_wait3A_188 = tpu.memref_slice %arg2[%dma_wait3A_186, %dma_wait3A_187] : memref<16384x256xi32, #tpu.memory_space<hbm>> -> memref<16384x256xi32, #tpu.memory_space<hbm>>
      tpu.wait_indirect_dma semaphore(%arg16 : memref<!tpu.dma_semaphore, #tpu.memory_space<semaphore_mem>>) src(%dma_wait3A_188 : memref<16384x256xi32, #tpu.memory_space<hbm>>) dst(%dma_wait3A_182 : memref<32x256xi32, #tpu.memory_space<vmem>>)
      %dma_wait3A_189 = arith.constant 1 : i32
      %dma_wait3A_190 = arith.constant 1 : i32
      %dma_wait3A_191 = arith.constant 1 : i32
      %dma_wait3A_192 = arith.constant 0 : i32
      %dma_wait3A_193 = arith.constant 0 : i32
      %dma_wait3A_194 = tpu.memref_slice %arg11[%dma_wait3A_191, %dma_wait3A_192, %dma_wait3A_193] : memref<2x32x256xi32, #tpu.memory_space<vmem>> -> memref<1x32x256xi32, #tpu.memory_space<vmem>>
      %dma_wait3A_195 = tpu.memref_squeeze %dma_wait3A_194 : memref<1x32x256xi32, #tpu.memory_space<vmem>> -> memref<32x256xi32, #tpu.memory_space<vmem>>
      %dma_wait3A_196 = arith.constant 0 : i32
      %dma_wait3A_197 = tpu.memref_slice %arg9[%dma_wait3A_189, %dma_wait3A_190, %dma_wait3A_196] : memref<2x3x32xi32, #tpu.memory_space<vmem>> -> memref<1x1x32xi32, #tpu.memory_space<vmem>>
      %dma_wait3A_198 = tpu.memref_squeeze %dma_wait3A_197 : memref<1x1x32xi32, #tpu.memory_space<vmem>> -> memref<32xi32, #tpu.memory_space<vmem>>
      %dma_wait3A_199 = arith.constant 0 : i32
      %dma_wait3A_200 = arith.constant 0 : i32
      %dma_wait3A_201 = tpu.memref_slice %arg2[%dma_wait3A_199, %dma_wait3A_200] : memref<16384x256xi32, #tpu.memory_space<hbm>> -> memref<16384x256xi32, #tpu.memory_space<hbm>>
      tpu.wait_indirect_dma semaphore(%arg16 : memref<!tpu.dma_semaphore, #tpu.memory_space<semaphore_mem>>) src(%dma_wait3A_201 : memref<16384x256xi32, #tpu.memory_space<hbm>>) dst(%dma_wait3A_195 : memref<32x256xi32, #tpu.memory_space<vmem>>)
      %dma_wait3A_202 = arith.constant 1 : i32
      %dma_wait3A_203 = arith.constant 2 : i32
      %dma_wait3A_204 = arith.constant 1 : i32
      %dma_wait3A_205 = arith.constant 0 : i32
      %dma_wait3A_206 = arith.constant 0 : i32
      %dma_wait3A_207 = tpu.memref_slice %arg12[%dma_wait3A_204, %dma_wait3A_205, %dma_wait3A_206] : memref<2x32x256xi32, #tpu.memory_space<vmem>> -> memref<1x32x256xi32, #tpu.memory_space<vmem>>
      %dma_wait3A_208 = tpu.memref_squeeze %dma_wait3A_207 : memref<1x32x256xi32, #tpu.memory_space<vmem>> -> memref<32x256xi32, #tpu.memory_space<vmem>>
      %dma_wait3A_209 = arith.constant 0 : i32
      %dma_wait3A_210 = tpu.memref_slice %arg9[%dma_wait3A_202, %dma_wait3A_203, %dma_wait3A_209] : memref<2x3x32xi32, #tpu.memory_space<vmem>> -> memref<1x1x32xi32, #tpu.memory_space<vmem>>
      %dma_wait3A_211 = tpu.memref_squeeze %dma_wait3A_210 : memref<1x1x32xi32, #tpu.memory_space<vmem>> -> memref<32xi32, #tpu.memory_space<vmem>>
      %dma_wait3A_212 = arith.constant 0 : i32
      %dma_wait3A_213 = arith.constant 0 : i32
      %dma_wait3A_214 = tpu.memref_slice %arg2[%dma_wait3A_212, %dma_wait3A_213] : memref<16384x256xi32, #tpu.memory_space<hbm>> -> memref<16384x256xi32, #tpu.memory_space<hbm>>
      tpu.wait_indirect_dma semaphore(%arg16 : memref<!tpu.dma_semaphore, #tpu.memory_space<semaphore_mem>>) src(%dma_wait3A_214 : memref<16384x256xi32, #tpu.memory_space<hbm>>) dst(%dma_wait3A_208 : memref<32x256xi32, #tpu.memory_space<vmem>>)
      %scan3A_215 = arith.constant 0 : i32
      %scan3A_216 = arith.constant 0 : i32
      %scan3A_217 = arith.constant 32 : i32
      %scan3A_218 = arith.addi %scan3A_216, %scan3A_217 : i32
      %scan3A_219 = arith.constant 1 : i32
      %scan3A_220 = scf.for %scan3A_224 = %scan3A_216 to %scan3A_218 step %scan3A_219 iter_args(%scan3A_225 = %scan3A_215) -> (i32)  : i32 {
        %get3A = arith.constant 1 : i32
        %get3A_226 = arith.index_cast %get3A : i32 to index
        %get3A_227 = arith.index_cast %scan3A_224 : i32 to index
        %get3A_228 = arith.constant 0 : index
        %get3A_229 = tpu.vector_load %arg13[%get3A_226, %get3A_227, %get3A_228] {strides = array<i32>} : memref<2x32x16xf32, #tpu.memory_space<vmem>>, vector<1x1x16xf32>,
        %get3A_230 = vector.shape_cast %get3A_229 : vector<1x1x16xf32> to vector<16xf32>
        %get3A_231 = arith.constant 1 : i32
        %get3A_232 = arith.index_cast %get3A_231 : i32 to index
        %get3A_233 = arith.index_cast %scan3A_224 : i32 to index
        %get3A_234 = arith.constant 0 : index
        %get3A_235 = tpu.vector_load %arg14[%get3A_232, %get3A_233, %get3A_234] {strides = array<i32>} : memref<2x32x16xf32, #tpu.memory_space<vmem>>, vector<1x1x16xf32>,
        %get3A_236 = vector.shape_cast %get3A_235 : vector<1x1x16xf32> to vector<16xf32>
        %sub3A = arith.constant 1.000000e+00 : f32
        %sub3A_237 = vector.broadcast %sub3A : f32 to vector<16xf32>
        %sub3A_238 = arith.subf %sub3A_237, %get3A_230 : vector<16xf32>
        %sub3A_239 = arith.subf %sub3A_238, %get3A_236 : vector<16xf32>
        %get3A_240 = arith.constant 1 : i32
        %get3A_241 = arith.index_cast %get3A_240 : i32 to index
        %get3A_242 = arith.index_cast %scan3A_224 : i32 to index
        %get3A_243 = arith.constant 0 : index
        %get3A_244 = tpu.vector_load %arg10[%get3A_241, %get3A_242, %get3A_243] {strides = array<i32>} : memref<2x32x256xi32, #tpu.memory_space<vmem>>, vector<1x1x16xi32>,
        %get3A_245 = vector.shape_cast %get3A_244 : vector<1x1x16xi32> to vector<16xi32>
        %shift_left3A = arith.constant 16 : i32
        %shift_left3A_246 = vector.broadcast %shift_left3A : i32 to vector<16xi32>
        %shift_left3A_247 = arith.shli %get3A_245, %shift_left3A_246 : vector<16xi32>
        %bitcast_convert_type3A = tpu.bitcast %shift_left3A_247 : vector<16xi32> -> vector<16xf32>
        %and3A = arith.constant -65536 : i32
        %and3A_248 = vector.broadcast %and3A : i32 to vector<16xi32>
        %and3A_249 = arith.andi %get3A_245, %and3A_248 : vector<16xi32>
        %bitcast_convert_type3A_250 = tpu.bitcast %and3A_249 : vector<16xi32> -> vector<16xf32>
        %get3A_251 = arith.constant 1 : i32
        %get3A_252 = arith.index_cast %get3A_251 : i32 to index
        %get3A_253 = arith.index_cast %scan3A_224 : i32 to index
        %get3A_254 = arith.constant 0 : index
        %get3A_255 = tpu.vector_load %arg11[%get3A_252, %get3A_253, %get3A_254] {strides = array<i32>} : memref<2x32x256xi32, #tpu.memory_space<vmem>>, vector<1x1x16xi32>,
        %get3A_256 = vector.shape_cast %get3A_255 : vector<1x1x16xi32> to vector<16xi32>
        %shift_left3A_257 = arith.constant 16 : i32
        %shift_left3A_258 = vector.broadcast %shift_left3A_257 : i32 to vector<16xi32>
        %shift_left3A_259 = arith.shli %get3A_256, %shift_left3A_258 : vector<16xi32>
        %bitcast_convert_type3A_260 = tpu.bitcast %shift_left3A_259 : vector<16xi32> -> vector<16xf32>
        %and3A_261 = arith.constant -65536 : i32
        %and3A_262 = vector.broadcast %and3A_261 : i32 to vector<16xi32>
        %and3A_263 = arith.andi %get3A_256, %and3A_262 : vector<16xi32>
        %bitcast_convert_type3A_264 = tpu.bitcast %and3A_263 : vector<16xi32> -> vector<16xf32>
        %get3A_265 = arith.constant 1 : i32
        %get3A_266 = arith.index_cast %get3A_265 : i32 to index
        %get3A_267 = arith.index_cast %scan3A_224 : i32 to index
        %get3A_268 = arith.constant 0 : index
        %get3A_269 = tpu.vector_load %arg12[%get3A_266, %get3A_267, %get3A_268] {strides = array<i32>} : memref<2x32x256xi32, #tpu.memory_space<vmem>>, vector<1x1x16xi32>,
        %get3A_270 = vector.shape_cast %get3A_269 : vector<1x1x16xi32> to vector<16xi32>
        %shift_left3A_271 = arith.constant 16 : i32
        %shift_left3A_272 = vector.broadcast %shift_left3A_271 : i32 to vector<16xi32>
        %shift_left3A_273 = arith.shli %get3A_270, %shift_left3A_272 : vector<16xi32>
        %bitcast_convert_type3A_274 = tpu.bitcast %shift_left3A_273 : vector<16xi32> -> vector<16xf32>
        %and3A_275 = arith.constant -65536 : i32
        %and3A_276 = vector.broadcast %and3A_275 : i32 to vector<16xi32>
        %and3A_277 = arith.andi %get3A_270, %and3A_276 : vector<16xi32>
        %bitcast_convert_type3A_278 = tpu.bitcast %and3A_277 : vector<16xi32> -> vector<16xf32>
        %mul3A_279 = arith.mulf %get3A_230, %bitcast_convert_type3A : vector<16xf32>
        %mul3A_280 = arith.mulf %get3A_236, %bitcast_convert_type3A_260 : vector<16xf32>
        %add3A_281 = arith.addf %mul3A_279, %mul3A_280 : vector<16xf32>
        %mul3A_282 = arith.mulf %sub3A_239, %bitcast_convert_type3A_274 : vector<16xf32>
        %add3A_283 = arith.addf %add3A_281, %mul3A_282 : vector<16xf32>
        %bitcast_convert_type3A_284 = tpu.bitcast %add3A_283 : vector<16xf32> -> vector<16xi32>
        %add3A_285 = arith.constant 32768 : i32
        %add3A_286 = vector.broadcast %add3A_285 : i32 to vector<16xi32>
        %add3A_287 = arith.addi %bitcast_convert_type3A_284, %add3A_286 : vector<16xi32>
        %mul3A_288 = arith.mulf %get3A_230, %bitcast_convert_type3A_250 : vector<16xf32>
        %mul3A_289 = arith.mulf %get3A_236, %bitcast_convert_type3A_264 : vector<16xf32>
        %add3A_290 = arith.addf %mul3A_288, %mul3A_289 : vector<16xf32>
        %mul3A_291 = arith.mulf %sub3A_239, %bitcast_convert_type3A_278 : vector<16xf32>
        %add3A_292 = arith.addf %add3A_290, %mul3A_291 : vector<16xf32>
        %bitcast_convert_type3A_293 = tpu.bitcast %add3A_292 : vector<16xf32> -> vector<16xi32>
        %add3A_294 = arith.constant 32768 : i32
        %add3A_295 = vector.broadcast %add3A_294 : i32 to vector<16xi32>
        %add3A_296 = arith.addi %bitcast_convert_type3A_293, %add3A_295 : vector<16xi32>
        %shift_right_logical3A = arith.constant 16 : i32
        %shift_right_logical3A_297 = vector.broadcast %shift_right_logical3A : i32 to vector<16xi32>
        %shift_right_logical3A_298 = arith.shrui %add3A_287, %shift_right_logical3A_297 : vector<16xi32>
        %and3A_299 = arith.constant -65536 : i32
        %and3A_300 = vector.broadcast %and3A_299 : i32 to vector<16xi32>
        %and3A_301 = arith.andi %add3A_296, %and3A_300 : vector<16xi32>
        %or3A = arith.ori %shift_right_logical3A_298, %and3A_301 : vector<16xi32>
        %swap3A = arith.constant 1 : i32
        %swap3A_302 = arith.index_cast %swap3A : i32 to index
        %swap3A_303 = arith.index_cast %scan3A_224 : i32 to index
        %swap3A_304 = arith.constant 0 : index
        %swap3A_305 = tpu.vector_load %arg10[%swap3A_302, %swap3A_303, %swap3A_304] {strides = array<i32>} : memref<2x32x256xi32, #tpu.memory_space<vmem>>, vector<1x1x16xi32>,
        %swap3A_306 = vector.shape_cast %swap3A_305 : vector<1x1x16xi32> to vector<16xi32>
        %swap3A_307 = vector.shape_cast %or3A : vector<16xi32> to vector<1x1x16xi32>
        tpu.vector_store %arg10[%swap3A_302, %swap3A_303, %swap3A_304], %swap3A_307 {strides = array<i32>} : memref<2x32x256xi32, #tpu.memory_space<vmem>>, vector<1x1x16xi32>,
        %get3A_308 = arith.constant 1 : i32
        %get3A_309 = arith.index_cast %get3A_308 : i32 to index
        %get3A_310 = arith.index_cast %scan3A_224 : i32 to index
        %get3A_311 = arith.constant 16 : index
        %get3A_312 = tpu.vector_load %arg10[%get3A_309, %get3A_310, %get3A_311] {strides = array<i32>} : memref<2x32x256xi32, #tpu.memory_space<vmem>>, vector<1x1x16xi32>,
        %get3A_313 = vector.shape_cast %get3A_312 : vector<1x1x16xi32> to vector<16xi32>
        %shift_left3A_314 = arith.constant 16 : i32
        %shift_left3A_315 = vector.broadcast %shift_left3A_314 : i32 to vector<16xi32>
        %shift_left3A_316 = arith.shli %get3A_313, %shift_left3A_315 : vector<16xi32>
        %bitcast_convert_type3A_317 = tpu.bitcast %shift_left3A_316 : vector<16xi32> -> vector<16xf32>
        %and3A_318 = arith.constant -65536 : i32
        %and3A_319 = vector.broadcast %and3A_318 : i32 to vector<16xi32>
        %and3A_320 = arith.andi %get3A_313, %and3A_319 : vector<16xi32>
        %bitcast_convert_type3A_321 = tpu.bitcast %and3A_320 : vector<16xi32> -> vector<16xf32>
        %get3A_322 = arith.constant 1 : i32
        %get3A_323 = arith.index_cast %get3A_322 : i32 to index
        %get3A_324 = arith.index_cast %scan3A_224 : i32 to index
        %get3A_325 = arith.constant 16 : index
        %get3A_326 = tpu.vector_load %arg11[%get3A_323, %get3A_324, %get3A_325] {strides = array<i32>} : memref<2x32x256xi32, #tpu.memory_space<vmem>>, vector<1x1x16xi32>,
        %get3A_327 = vector.shape_cast %get3A_326 : vector<1x1x16xi32> to vector<16xi32>
        %shift_left3A_328 = arith.constant 16 : i32
        %shift_left3A_329 = vector.broadcast %shift_left3A_328 : i32 to vector<16xi32>
        %shift_left3A_330 = arith.shli %get3A_327, %shift_left3A_329 : vector<16xi32>
        %bitcast_convert_type3A_331 = tpu.bitcast %shift_left3A_330 : vector<16xi32> -> vector<16xf32>
        %and3A_332 = arith.constant -65536 : i32
        %and3A_333 = vector.broadcast %and3A_332 : i32 to vector<16xi32>
        %and3A_334 = arith.andi %get3A_327, %and3A_333 : vector<16xi32>
        %bitcast_convert_type3A_335 = tpu.bitcast %and3A_334 : vector<16xi32> -> vector<16xf32>
        %get3A_336 = arith.constant 1 : i32
        %get3A_337 = arith.index_cast %get3A_336 : i32 to index
        %get3A_338 = arith.index_cast %scan3A_224 : i32 to index
        %get3A_339 = arith.constant 16 : index
        %get3A_340 = tpu.vector_load %arg12[%get3A_337, %get3A_338, %get3A_339] {strides = array<i32>} : memref<2x32x256xi32, #tpu.memory_space<vmem>>, vector<1x1x16xi32>,
        %get3A_341 = vector.shape_cast %get3A_340 : vector<1x1x16xi32> to vector<16xi32>
        %shift_left3A_342 = arith.constant 16 : i32
        %shift_left3A_343 = vector.broadcast %shift_left3A_342 : i32 to vector<16xi32>
        %shift_left3A_344 = arith.shli %get3A_341, %shift_left3A_343 : vector<16xi32>
        %bitcast_convert_type3A_345 = tpu.bitcast %shift_left3A_344 : vector<16xi32> -> vector<16xf32>
        %and3A_346 = arith.constant -65536 : i32
        %and3A_347 = vector.broadcast %and3A_346 : i32 to vector<16xi32>
        %and3A_348 = arith.andi %get3A_341, %and3A_347 : vector<16xi32>
        %bitcast_convert_type3A_349 = tpu.bitcast %and3A_348 : vector<16xi32> -> vector<16xf32>
        %mul3A_350 = arith.mulf %get3A_230, %bitcast_convert_type3A_317 : vector<16xf32>
        %mul3A_351 = arith.mulf %get3A_236, %bitcast_convert_type3A_331 : vector<16xf32>
        %add3A_352 = arith.addf %mul3A_350, %mul3A_351 : vector<16xf32>
        %mul3A_353 = arith.mulf %sub3A_239, %bitcast_convert_type3A_345 : vector<16xf32>
        %add3A_354 = arith.addf %add3A_352, %mul3A_353 : vector<16xf32>
        %bitcast_convert_type3A_355 = tpu.bitcast %add3A_354 : vector<16xf32> -> vector<16xi32>
        %add3A_356 = arith.constant 32768 : i32
        %add3A_357 = vector.broadcast %add3A_356 : i32 to vector<16xi32>
        %add3A_358 = arith.addi %bitcast_convert_type3A_355, %add3A_357 : vector<16xi32>
        %mul3A_359 = arith.mulf %get3A_230, %bitcast_convert_type3A_321 : vector<16xf32>
        %mul3A_360 = arith.mulf %get3A_236, %bitcast_convert_type3A_335 : vector<16xf32>
        %add3A_361 = arith.addf %mul3A_359, %mul3A_360 : vector<16xf32>
        %mul3A_362 = arith.mulf %sub3A_239, %bitcast_convert_type3A_349 : vector<16xf32>
        %add3A_363 = arith.addf %add3A_361, %mul3A_362 : vector<16xf32>
        %bitcast_convert_type3A_364 = tpu.bitcast %add3A_363 : vector<16xf32> -> vector<16xi32>
        %add3A_365 = arith.constant 32768 : i32
        %add3A_366 = vector.broadcast %add3A_365 : i32 to vector<16xi32>
        %add3A_367 = arith.addi %bitcast_convert_type3A_364, %add3A_366 : vector<16xi32>
        %shift_right_logical3A_368 = arith.constant 16 : i32
        %shift_right_logical3A_369 = vector.broadcast %shift_right_logical3A_368 : i32 to vector<16xi32>
        %shift_right_logical3A_370 = arith.shrui %add3A_358, %shift_right_logical3A_369 : vector<16xi32>
        %and3A_371 = arith.constant -65536 : i32
        %and3A_372 = vector.broadcast %and3A_371 : i32 to vector<16xi32>
        %and3A_373 = arith.andi %add3A_367, %and3A_372 : vector<16xi32>
        %or3A_374 = arith.ori %shift_right_logical3A_370, %and3A_373 : vector<16xi32>
        %swap3A_375 = arith.constant 1 : i32
        %swap3A_376 = arith.index_cast %swap3A_375 : i32 to index
        %swap3A_377 = arith.index_cast %scan3A_224 : i32 to index
        %swap3A_378 = arith.constant 16 : index
        %swap3A_379 = tpu.vector_load %arg10[%swap3A_376, %swap3A_377, %swap3A_378] {strides = array<i32>} : memref<2x32x256xi32, #tpu.memory_space<vmem>>, vector<1x1x16xi32>,
        %swap3A_380 = vector.shape_cast %swap3A_379 : vector<1x1x16xi32> to vector<16xi32>
        %swap3A_381 = vector.shape_cast %or3A_374 : vector<16xi32> to vector<1x1x16xi32>
        tpu.vector_store %arg10[%swap3A_376, %swap3A_377, %swap3A_378], %swap3A_381 {strides = array<i32>} : memref<2x32x256xi32, #tpu.memory_space<vmem>>, vector<1x1x16xi32>,
        %get3A_382 = arith.constant 1 : i32
        %get3A_383 = arith.index_cast %get3A_382 : i32 to index
        %get3A_384 = arith.index_cast %scan3A_224 : i32 to index
        %get3A_385 = arith.constant 32 : index
        %get3A_386 = tpu.vector_load %arg10[%get3A_383, %get3A_384, %get3A_385] {strides = array<i32>} : memref<2x32x256xi32, #tpu.memory_space<vmem>>, vector<1x1x16xi32>,
        %get3A_387 = vector.shape_cast %get3A_386 : vector<1x1x16xi32> to vector<16xi32>
        %shift_left3A_388 = arith.constant 16 : i32
        %shift_left3A_389 = vector.broadcast %shift_left3A_388 : i32 to vector<16xi32>
        %shift_left3A_390 = arith.shli %get3A_387, %shift_left3A_389 : vector<16xi32>
        %bitcast_convert_type3A_391 = tpu.bitcast %shift_left3A_390 : vector<16xi32> -> vector<16xf32>
        %and3A_392 = arith.constant -65536 : i32
        %and3A_393 = vector.broadcast %and3A_392 : i32 to vector<16xi32>
        %and3A_394 = arith.andi %get3A_387, %and3A_393 : vector<16xi32>
        %bitcast_convert_type3A_395 = tpu.bitcast %and3A_394 : vector<16xi32> -> vector<16xf32>
        %get3A_396 = arith.constant 1 : i32
        %get3A_397 = arith.index_cast %get3A_396 : i32 to index
        %get3A_398 = arith.index_cast %scan3A_224 : i32 to index
        %get3A_399 = arith.constant 32 : index
        %get3A_400 = tpu.vector_load %arg11[%get3A_397, %get3A_398, %get3A_399] {strides = array<i32>} : memref<2x32x256xi32, #tpu.memory_space<vmem>>, vector<1x1x16xi32>,
        %get3A_401 = vector.shape_cast %get3A_400 : vector<1x1x16xi32> to vector<16xi32>
        %shift_left3A_402 = arith.constant 16 : i32
        %shift_left3A_403 = vector.broadcast %shift_left3A_402 : i32 to vector<16xi32>
        %shift_left3A_404 = arith.shli %get3A_401, %shift_left3A_403 : vector<16xi32>
        %bitcast_convert_type3A_405 = tpu.bitcast %shift_left3A_404 : vector<16xi32> -> vector<16xf32>
        %and3A_406 = arith.constant -65536 : i32
        %and3A_407 = vector.broadcast %and3A_406 : i32 to vector<16xi32>
        %and3A_408 = arith.andi %get3A_401, %and3A_407 : vector<16xi32>
        %bitcast_convert_type3A_409 = tpu.bitcast %and3A_408 : vector<16xi32> -> vector<16xf32>
        %get3A_410 = arith.constant 1 : i32
        %get3A_411 = arith.index_cast %get3A_410 : i32 to index
        %get3A_412 = arith.index_cast %scan3A_224 : i32 to index
        %get3A_413 = arith.constant 32 : index
        %get3A_414 = tpu.vector_load %arg12[%get3A_411, %get3A_412, %get3A_413] {strides = array<i32>} : memref<2x32x256xi32, #tpu.memory_space<vmem>>, vector<1x1x16xi32>,
        %get3A_415 = vector.shape_cast %get3A_414 : vector<1x1x16xi32> to vector<16xi32>
        %shift_left3A_416 = arith.constant 16 : i32
        %shift_left3A_417 = vector.broadcast %shift_left3A_416 : i32 to vector<16xi32>
        %shift_left3A_418 = arith.shli %get3A_415, %shift_left3A_417 : vector<16xi32>
        %bitcast_convert_type3A_419 = tpu.bitcast %shift_left3A_418 : vector<16xi32> -> vector<16xf32>
        %and3A_420 = arith.constant -65536 : i32
        %and3A_421 = vector.broadcast %and3A_420 : i32 to vector<16xi32>
        %and3A_422 = arith.andi %get3A_415, %and3A_421 : vector<16xi32>
        %bitcast_convert_type3A_423 = tpu.bitcast %and3A_422 : vector<16xi32> -> vector<16xf32>
        %mul3A_424 = arith.mulf %get3A_230, %bitcast_convert_type3A_391 : vector<16xf32>
        %mul3A_425 = arith.mulf %get3A_236, %bitcast_convert_type3A_405 : vector<16xf32>
        %add3A_426 = arith.addf %mul3A_424, %mul3A_425 : vector<16xf32>
        %mul3A_427 = arith.mulf %sub3A_239, %bitcast_convert_type3A_419 : vector<16xf32>
        %add3A_428 = arith.addf %add3A_426, %mul3A_427 : vector<16xf32>
        %bitcast_convert_type3A_429 = tpu.bitcast %add3A_428 : vector<16xf32> -> vector<16xi32>
        %add3A_430 = arith.constant 32768 : i32
        %add3A_431 = vector.broadcast %add3A_430 : i32 to vector<16xi32>
        %add3A_432 = arith.addi %bitcast_convert_type3A_429, %add3A_431 : vector<16xi32>
        %mul3A_433 = arith.mulf %get3A_230, %bitcast_convert_type3A_395 : vector<16xf32>
        %mul3A_434 = arith.mulf %get3A_236, %bitcast_convert_type3A_409 : vector<16xf32>
        %add3A_435 = arith.addf %mul3A_433, %mul3A_434 : vector<16xf32>
        %mul3A_436 = arith.mulf %sub3A_239, %bitcast_convert_type3A_423 : vector<16xf32>
        %add3A_437 = arith.addf %add3A_435, %mul3A_436 : vector<16xf32>
        %bitcast_convert_type3A_438 = tpu.bitcast %add3A_437 : vector<16xf32> -> vector<16xi32>
        %add3A_439 = arith.constant 32768 : i32
        %add3A_440 = vector.broadcast %add3A_439 : i32 to vector<16xi32>
        %add3A_441 = arith.addi %bitcast_convert_type3A_438, %add3A_440 : vector<16xi32>
        %shift_right_logical3A_442 = arith.constant 16 : i32
        %shift_right_logical3A_443 = vector.broadcast %shift_right_logical3A_442 : i32 to vector<16xi32>
        %shift_right_logical3A_444 = arith.shrui %add3A_432, %shift_right_logical3A_443 : vector<16xi32>
        %and3A_445 = arith.constant -65536 : i32
        %and3A_446 = vector.broadcast %and3A_445 : i32 to vector<16xi32>
        %and3A_447 = arith.andi %add3A_441, %and3A_446 : vector<16xi32>
        %or3A_448 = arith.ori %shift_right_logical3A_444, %and3A_447 : vector<16xi32>
        %swap3A_449 = arith.constant 1 : i32
        %swap3A_450 = arith.index_cast %swap3A_449 : i32 to index
        %swap3A_451 = arith.index_cast %scan3A_224 : i32 to index
        %swap3A_452 = arith.constant 32 : index
        %swap3A_453 = tpu.vector_load %arg10[%swap3A_450, %swap3A_451, %swap3A_452] {strides = array<i32>} : memref<2x32x256xi32, #tpu.memory_space<vmem>>, vector<1x1x16xi32>,
        %swap3A_454 = vector.shape_cast %swap3A_453 : vector<1x1x16xi32> to vector<16xi32>
        %swap3A_455 = vector.shape_cast %or3A_448 : vector<16xi32> to vector<1x1x16xi32>
        tpu.vector_store %arg10[%swap3A_450, %swap3A_451, %swap3A_452], %swap3A_455 {strides = array<i32>} : memref<2x32x256xi32, #tpu.memory_space<vmem>>, vector<1x1x16xi32>,
        %get3A_456 = arith.constant 1 : i32
        %get3A_457 = arith.index_cast %get3A_456 : i32 to index
        %get3A_458 = arith.index_cast %scan3A_224 : i32 to index
        %get3A_459 = arith.constant 48 : index
        %get3A_460 = tpu.vector_load %arg10[%get3A_457, %get3A_458, %get3A_459] {strides = array<i32>} : memref<2x32x256xi32, #tpu.memory_space<vmem>>, vector<1x1x16xi32>,
        %get3A_461 = vector.shape_cast %get3A_460 : vector<1x1x16xi32> to vector<16xi32>
        %shift_left3A_462 = arith.constant 16 : i32
        %shift_left3A_463 = vector.broadcast %shift_left3A_462 : i32 to vector<16xi32>
        %shift_left3A_464 = arith.shli %get3A_461, %shift_left3A_463 : vector<16xi32>
        %bitcast_convert_type3A_465 = tpu.bitcast %shift_left3A_464 : vector<16xi32> -> vector<16xf32>
        %and3A_466 = arith.constant -65536 : i32
        %and3A_467 = vector.broadcast %and3A_466 : i32 to vector<16xi32>
        %and3A_468 = arith.andi %get3A_461, %and3A_467 : vector<16xi32>
        %bitcast_convert_type3A_469 = tpu.bitcast %and3A_468 : vector<16xi32> -> vector<16xf32>
        %get3A_470 = arith.constant 1 : i32
        %get3A_471 = arith.index_cast %get3A_470 : i32 to index
        %get3A_472 = arith.index_cast %scan3A_224 : i32 to index
        %get3A_473 = arith.constant 48 : index
        %get3A_474 = tpu.vector_load %arg11[%get3A_471, %get3A_472, %get3A_473] {strides = array<i32>} : memref<2x32x256xi32, #tpu.memory_space<vmem>>, vector<1x1x16xi32>,
        %get3A_475 = vector.shape_cast %get3A_474 : vector<1x1x16xi32> to vector<16xi32>
        %shift_left3A_476 = arith.constant 16 : i32
        %shift_left3A_477 = vector.broadcast %shift_left3A_476 : i32 to vector<16xi32>
        %shift_left3A_478 = arith.shli %get3A_475, %shift_left3A_477 : vector<16xi32>
        %bitcast_convert_type3A_479 = tpu.bitcast %shift_left3A_478 : vector<16xi32> -> vector<16xf32>
        %and3A_480 = arith.constant -65536 : i32
        %and3A_481 = vector.broadcast %and3A_480 : i32 to vector<16xi32>
        %and3A_482 = arith.andi %get3A_475, %and3A_481 : vector<16xi32>
        %bitcast_convert_type3A_483 = tpu.bitcast %and3A_482 : vector<16xi32> -> vector<16xf32>
        %get3A_484 = arith.constant 1 : i32
        %get3A_485 = arith.index_cast %get3A_484 : i32 to index
        %get3A_486 = arith.index_cast %scan3A_224 : i32 to index
        %get3A_487 = arith.constant 48 : index
        %get3A_488 = tpu.vector_load %arg12[%get3A_485, %get3A_486, %get3A_487] {strides = array<i32>} : memref<2x32x256xi32, #tpu.memory_space<vmem>>, vector<1x1x16xi32>,
        %get3A_489 = vector.shape_cast %get3A_488 : vector<1x1x16xi32> to vector<16xi32>
        %shift_left3A_490 = arith.constant 16 : i32
        %shift_left3A_491 = vector.broadcast %shift_left3A_490 : i32 to vector<16xi32>
        %shift_left3A_492 = arith.shli %get3A_489, %shift_left3A_491 : vector<16xi32>
        %bitcast_convert_type3A_493 = tpu.bitcast %shift_left3A_492 : vector<16xi32> -> vector<16xf32>
        %and3A_494 = arith.constant -65536 : i32
        %and3A_495 = vector.broadcast %and3A_494 : i32 to vector<16xi32>
        %and3A_496 = arith.andi %get3A_489, %and3A_495 : vector<16xi32>
        %bitcast_convert_type3A_497 = tpu.bitcast %and3A_496 : vector<16xi32> -> vector<16xf32>
        %mul3A_498 = arith.mulf %get3A_230, %bitcast_convert_type3A_465 : vector<16xf32>
        %mul3A_499 = arith.mulf %get3A_236, %bitcast_convert_type3A_479 : vector<16xf32>
        %add3A_500 = arith.addf %mul3A_498, %mul3A_499 : vector<16xf32>
        %mul3A_501 = arith.mulf %sub3A_239, %bitcast_convert_type3A_493 : vector<16xf32>
        %add3A_502 = arith.addf %add3A_500, %mul3A_501 : vector<16xf32>
        %bitcast_convert_type3A_503 = tpu.bitcast %add3A_502 : vector<16xf32> -> vector<16xi32>
        %add3A_504 = arith.constant 32768 : i32
        %add3A_505 = vector.broadcast %add3A_504 : i32 to vector<16xi32>
        %add3A_506 = arith.addi %bitcast_convert_type3A_503, %add3A_505 : vector<16xi32>
        %mul3A_507 = arith.mulf %get3A_230, %bitcast_convert_type3A_469 : vector<16xf32>
        %mul3A_508 = arith.mulf %get3A_236, %bitcast_convert_type3A_483 : vector<16xf32>
        %add3A_509 = arith.addf %mul3A_507, %mul3A_508 : vector<16xf32>
        %mul3A_510 = arith.mulf %sub3A_239, %bitcast_convert_type3A_497 : vector<16xf32>
        %add3A_511 = arith.addf %add3A_509, %mul3A_510 : vector<16xf32>
        %bitcast_convert_type3A_512 = tpu.bitcast %add3A_511 : vector<16xf32> -> vector<16xi32>
        %add3A_513 = arith.constant 32768 : i32
        %add3A_514 = vector.broadcast %add3A_513 : i32 to vector<16xi32>
        %add3A_515 = arith.addi %bitcast_convert_type3A_512, %add3A_514 : vector<16xi32>
        %shift_right_logical3A_516 = arith.constant 16 : i32
        %shift_right_logical3A_517 = vector.broadcast %shift_right_logical3A_516 : i32 to vector<16xi32>
        %shift_right_logical3A_518 = arith.shrui %add3A_506, %shift_right_logical3A_517 : vector<16xi32>
        %and3A_519 = arith.constant -65536 : i32
        %and3A_520 = vector.broadcast %and3A_519 : i32 to vector<16xi32>
        %and3A_521 = arith.andi %add3A_515, %and3A_520 : vector<16xi32>
        %or3A_522 = arith.ori %shift_right_logical3A_518, %and3A_521 : vector<16xi32>
        %swap3A_523 = arith.constant 1 : i32
        %swap3A_524 = arith.index_cast %swap3A_523 : i32 to index
        %swap3A_525 = arith.index_cast %scan3A_224 : i32 to index
        %swap3A_526 = arith.constant 48 : index
        %swap3A_527 = tpu.vector_load %arg10[%swap3A_524, %swap3A_525, %swap3A_526] {strides = array<i32>} : memref<2x32x256xi32, #tpu.memory_space<vmem>>, vector<1x1x16xi32>,
        %swap3A_528 = vector.shape_cast %swap3A_527 : vector<1x1x16xi32> to vector<16xi32>
        %swap3A_529 = vector.shape_cast %or3A_522 : vector<16xi32> to vector<1x1x16xi32>
        tpu.vector_store %arg10[%swap3A_524, %swap3A_525, %swap3A_526], %swap3A_529 {strides = array<i32>} : memref<2x32x256xi32, #tpu.memory_space<vmem>>, vector<1x1x16xi32>,
        %get3A_530 = arith.constant 1 : i32
        %get3A_531 = arith.index_cast %get3A_530 : i32 to index
        %get3A_532 = arith.index_cast %scan3A_224 : i32 to index
        %get3A_533 = arith.constant 64 : index
        %get3A_534 = tpu.vector_load %arg10[%get3A_531, %get3A_532, %get3A_533] {strides = array<i32>} : memref<2x32x256xi32, #tpu.memory_space<vmem>>, vector<1x1x16xi32>,
        %get3A_535 = vector.shape_cast %get3A_534 : vector<1x1x16xi32> to vector<16xi32>
        %shift_left3A_536 = arith.constant 16 : i32
        %shift_left3A_537 = vector.broadcast %shift_left3A_536 : i32 to vector<16xi32>
        %shift_left3A_538 = arith.shli %get3A_535, %shift_left3A_537 : vector<16xi32>
        %bitcast_convert_type3A_539 = tpu.bitcast %shift_left3A_538 : vector<16xi32> -> vector<16xf32>
        %and3A_540 = arith.constant -65536 : i32
        %and3A_541 = vector.broadcast %and3A_540 : i32 to vector<16xi32>
        %and3A_542 = arith.andi %get3A_535, %and3A_541 : vector<16xi32>
        %bitcast_convert_type3A_543 = tpu.bitcast %and3A_542 : vector<16xi32> -> vector<16xf32>
        %get3A_544 = arith.constant 1 : i32
        %get3A_545 = arith.index_cast %get3A_544 : i32 to index
        %get3A_546 = arith.index_cast %scan3A_224 : i32 to index
        %get3A_547 = arith.constant 64 : index
        %get3A_548 = tpu.vector_load %arg11[%get3A_545, %get3A_546, %get3A_547] {strides = array<i32>} : memref<2x32x256xi32, #tpu.memory_space<vmem>>, vector<1x1x16xi32>,
        %get3A_549 = vector.shape_cast %get3A_548 : vector<1x1x16xi32> to vector<16xi32>
        %shift_left3A_550 = arith.constant 16 : i32
        %shift_left3A_551 = vector.broadcast %shift_left3A_550 : i32 to vector<16xi32>
        %shift_left3A_552 = arith.shli %get3A_549, %shift_left3A_551 : vector<16xi32>
        %bitcast_convert_type3A_553 = tpu.bitcast %shift_left3A_552 : vector<16xi32> -> vector<16xf32>
        %and3A_554 = arith.constant -65536 : i32
        %and3A_555 = vector.broadcast %and3A_554 : i32 to vector<16xi32>
        %and3A_556 = arith.andi %get3A_549, %and3A_555 : vector<16xi32>
        %bitcast_convert_type3A_557 = tpu.bitcast %and3A_556 : vector<16xi32> -> vector<16xf32>
        %get3A_558 = arith.constant 1 : i32
        %get3A_559 = arith.index_cast %get3A_558 : i32 to index
        %get3A_560 = arith.index_cast %scan3A_224 : i32 to index
        %get3A_561 = arith.constant 64 : index
        %get3A_562 = tpu.vector_load %arg12[%get3A_559, %get3A_560, %get3A_561] {strides = array<i32>} : memref<2x32x256xi32, #tpu.memory_space<vmem>>, vector<1x1x16xi32>,
        %get3A_563 = vector.shape_cast %get3A_562 : vector<1x1x16xi32> to vector<16xi32>
        %shift_left3A_564 = arith.constant 16 : i32
        %shift_left3A_565 = vector.broadcast %shift_left3A_564 : i32 to vector<16xi32>
        %shift_left3A_566 = arith.shli %get3A_563, %shift_left3A_565 : vector<16xi32>
        %bitcast_convert_type3A_567 = tpu.bitcast %shift_left3A_566 : vector<16xi32> -> vector<16xf32>
        %and3A_568 = arith.constant -65536 : i32
        %and3A_569 = vector.broadcast %and3A_568 : i32 to vector<16xi32>
        %and3A_570 = arith.andi %get3A_563, %and3A_569 : vector<16xi32>
        %bitcast_convert_type3A_571 = tpu.bitcast %and3A_570 : vector<16xi32> -> vector<16xf32>
        %mul3A_572 = arith.mulf %get3A_230, %bitcast_convert_type3A_539 : vector<16xf32>
        %mul3A_573 = arith.mulf %get3A_236, %bitcast_convert_type3A_553 : vector<16xf32>
        %add3A_574 = arith.addf %mul3A_572, %mul3A_573 : vector<16xf32>
        %mul3A_575 = arith.mulf %sub3A_239, %bitcast_convert_type3A_567 : vector<16xf32>
        %add3A_576 = arith.addf %add3A_574, %mul3A_575 : vector<16xf32>
        %bitcast_convert_type3A_577 = tpu.bitcast %add3A_576 : vector<16xf32> -> vector<16xi32>
        %add3A_578 = arith.constant 32768 : i32
        %add3A_579 = vector.broadcast %add3A_578 : i32 to vector<16xi32>
        %add3A_580 = arith.addi %bitcast_convert_type3A_577, %add3A_579 : vector<16xi32>
        %mul3A_581 = arith.mulf %get3A_230, %bitcast_convert_type3A_543 : vector<16xf32>
        %mul3A_582 = arith.mulf %get3A_236, %bitcast_convert_type3A_557 : vector<16xf32>
        %add3A_583 = arith.addf %mul3A_581, %mul3A_582 : vector<16xf32>
        %mul3A_584 = arith.mulf %sub3A_239, %bitcast_convert_type3A_571 : vector<16xf32>
        %add3A_585 = arith.addf %add3A_583, %mul3A_584 : vector<16xf32>
        %bitcast_convert_type3A_586 = tpu.bitcast %add3A_585 : vector<16xf32> -> vector<16xi32>
        %add3A_587 = arith.constant 32768 : i32
        %add3A_588 = vector.broadcast %add3A_587 : i32 to vector<16xi32>
        %add3A_589 = arith.addi %bitcast_convert_type3A_586, %add3A_588 : vector<16xi32>
        %shift_right_logical3A_590 = arith.constant 16 : i32
        %shift_right_logical3A_591 = vector.broadcast %shift_right_logical3A_590 : i32 to vector<16xi32>
        %shift_right_logical3A_592 = arith.shrui %add3A_580, %shift_right_logical3A_591 : vector<16xi32>
        %and3A_593 = arith.constant -65536 : i32
        %and3A_594 = vector.broadcast %and3A_593 : i32 to vector<16xi32>
        %and3A_595 = arith.andi %add3A_589, %and3A_594 : vector<16xi32>
        %or3A_596 = arith.ori %shift_right_logical3A_592, %and3A_595 : vector<16xi32>
        %swap3A_597 = arith.constant 1 : i32
        %swap3A_598 = arith.index_cast %swap3A_597 : i32 to index
        %swap3A_599 = arith.index_cast %scan3A_224 : i32 to index
        %swap3A_600 = arith.constant 64 : index
        %swap3A_601 = tpu.vector_load %arg10[%swap3A_598, %swap3A_599, %swap3A_600] {strides = array<i32>} : memref<2x32x256xi32, #tpu.memory_space<vmem>>, vector<1x1x16xi32>,
        %swap3A_602 = vector.shape_cast %swap3A_601 : vector<1x1x16xi32> to vector<16xi32>
        %swap3A_603 = vector.shape_cast %or3A_596 : vector<16xi32> to vector<1x1x16xi32>
        tpu.vector_store %arg10[%swap3A_598, %swap3A_599, %swap3A_600], %swap3A_603 {strides = array<i32>} : memref<2x32x256xi32, #tpu.memory_space<vmem>>, vector<1x1x16xi32>,
        %get3A_604 = arith.constant 1 : i32
        %get3A_605 = arith.index_cast %get3A_604 : i32 to index
        %get3A_606 = arith.index_cast %scan3A_224 : i32 to index
        %get3A_607 = arith.constant 80 : index
        %get3A_608 = tpu.vector_load %arg10[%get3A_605, %get3A_606, %get3A_607] {strides = array<i32>} : memref<2x32x256xi32, #tpu.memory_space<vmem>>, vector<1x1x16xi32>,
        %get3A_609 = vector.shape_cast %get3A_608 : vector<1x1x16xi32> to vector<16xi32>
        %shift_left3A_610 = arith.constant 16 : i32
        %shift_left3A_611 = vector.broadcast %shift_left3A_610 : i32 to vector<16xi32>
        %shift_left3A_612 = arith.shli %get3A_609, %shift_left3A_611 : vector<16xi32>
        %bitcast_convert_type3A_613 = tpu.bitcast %shift_left3A_612 : vector<16xi32> -> vector<16xf32>
        %and3A_614 = arith.constant -65536 : i32
        %and3A_615 = vector.broadcast %and3A_614 : i32 to vector<16xi32>
        %and3A_616 = arith.andi %get3A_609, %and3A_615 : vector<16xi32>
        %bitcast_convert_type3A_617 = tpu.bitcast %and3A_616 : vector<16xi32> -> vector<16xf32>
        %get3A_618 = arith.constant 1 : i32
        %get3A_619 = arith.index_cast %get3A_618 : i32 to index
        %get3A_620 = arith.index_cast %scan3A_224 : i32 to index
        %get3A_621 = arith.constant 80 : index
        %get3A_622 = tpu.vector_load %arg11[%get3A_619, %get3A_620, %get3A_621] {strides = array<i32>} : memref<2x32x256xi32, #tpu.memory_space<vmem>>, vector<1x1x16xi32>,
        %get3A_623 = vector.shape_cast %get3A_622 : vector<1x1x16xi32> to vector<16xi32>
        %shift_left3A_624 = arith.constant 16 : i32
        %shift_left3A_625 = vector.broadcast %shift_left3A_624 : i32 to vector<16xi32>
        %shift_left3A_626 = arith.shli %get3A_623, %shift_left3A_625 : vector<16xi32>
        %bitcast_convert_type3A_627 = tpu.bitcast %shift_left3A_626 : vector<16xi32> -> vector<16xf32>
        %and3A_628 = arith.constant -65536 : i32
        %and3A_629 = vector.broadcast %and3A_628 : i32 to vector<16xi32>
        %and3A_630 = arith.andi %get3A_623, %and3A_629 : vector<16xi32>
        %bitcast_convert_type3A_631 = tpu.bitcast %and3A_630 : vector<16xi32> -> vector<16xf32>
        %get3A_632 = arith.constant 1 : i32
        %get3A_633 = arith.index_cast %get3A_632 : i32 to index
        %get3A_634 = arith.index_cast %scan3A_224 : i32 to index
        %get3A_635 = arith.constant 80 : index
        %get3A_636 = tpu.vector_load %arg12[%get3A_633, %get3A_634, %get3A_635] {strides = array<i32>} : memref<2x32x256xi32, #tpu.memory_space<vmem>>, vector<1x1x16xi32>,
        %get3A_637 = vector.shape_cast %get3A_636 : vector<1x1x16xi32> to vector<16xi32>
        %shift_left3A_638 = arith.constant 16 : i32
        %shift_left3A_639 = vector.broadcast %shift_left3A_638 : i32 to vector<16xi32>
        %shift_left3A_640 = arith.shli %get3A_637, %shift_left3A_639 : vector<16xi32>
        %bitcast_convert_type3A_641 = tpu.bitcast %shift_left3A_640 : vector<16xi32> -> vector<16xf32>
        %and3A_642 = arith.constant -65536 : i32
        %and3A_643 = vector.broadcast %and3A_642 : i32 to vector<16xi32>
        %and3A_644 = arith.andi %get3A_637, %and3A_643 : vector<16xi32>
        %bitcast_convert_type3A_645 = tpu.bitcast %and3A_644 : vector<16xi32> -> vector<16xf32>
        %mul3A_646 = arith.mulf %get3A_230, %bitcast_convert_type3A_613 : vector<16xf32>
        %mul3A_647 = arith.mulf %get3A_236, %bitcast_convert_type3A_627 : vector<16xf32>
        %add3A_648 = arith.addf %mul3A_646, %mul3A_647 : vector<16xf32>
        %mul3A_649 = arith.mulf %sub3A_239, %bitcast_convert_type3A_641 : vector<16xf32>
        %add3A_650 = arith.addf %add3A_648, %mul3A_649 : vector<16xf32>
        %bitcast_convert_type3A_651 = tpu.bitcast %add3A_650 : vector<16xf32> -> vector<16xi32>
        %add3A_652 = arith.constant 32768 : i32
        %add3A_653 = vector.broadcast %add3A_652 : i32 to vector<16xi32>
        %add3A_654 = arith.addi %bitcast_convert_type3A_651, %add3A_653 : vector<16xi32>
        %mul3A_655 = arith.mulf %get3A_230, %bitcast_convert_type3A_617 : vector<16xf32>
        %mul3A_656 = arith.mulf %get3A_236, %bitcast_convert_type3A_631 : vector<16xf32>
        %add3A_657 = arith.addf %mul3A_655, %mul3A_656 : vector<16xf32>
        %mul3A_658 = arith.mulf %sub3A_239, %bitcast_convert_type3A_645 : vector<16xf32>
        %add3A_659 = arith.addf %add3A_657, %mul3A_658 : vector<16xf32>
        %bitcast_convert_type3A_660 = tpu.bitcast %add3A_659 : vector<16xf32> -> vector<16xi32>
        %add3A_661 = arith.constant 32768 : i32
        %add3A_662 = vector.broadcast %add3A_661 : i32 to vector<16xi32>
        %add3A_663 = arith.addi %bitcast_convert_type3A_660, %add3A_662 : vector<16xi32>
        %shift_right_logical3A_664 = arith.constant 16 : i32
        %shift_right_logical3A_665 = vector.broadcast %shift_right_logical3A_664 : i32 to vector<16xi32>
        %shift_right_logical3A_666 = arith.shrui %add3A_654, %shift_right_logical3A_665 : vector<16xi32>
        %and3A_667 = arith.constant -65536 : i32
        %and3A_668 = vector.broadcast %and3A_667 : i32 to vector<16xi32>
        %and3A_669 = arith.andi %add3A_663, %and3A_668 : vector<16xi32>
        %or3A_670 = arith.ori %shift_right_logical3A_666, %and3A_669 : vector<16xi32>
        %swap3A_671 = arith.constant 1 : i32
        %swap3A_672 = arith.index_cast %swap3A_671 : i32 to index
        %swap3A_673 = arith.index_cast %scan3A_224 : i32 to index
        %swap3A_674 = arith.constant 80 : index
        %swap3A_675 = tpu.vector_load %arg10[%swap3A_672, %swap3A_673, %swap3A_674] {strides = array<i32>} : memref<2x32x256xi32, #tpu.memory_space<vmem>>, vector<1x1x16xi32>,
        %swap3A_676 = vector.shape_cast %swap3A_675 : vector<1x1x16xi32> to vector<16xi32>
        %swap3A_677 = vector.shape_cast %or3A_670 : vector<16xi32> to vector<1x1x16xi32>
        tpu.vector_store %arg10[%swap3A_672, %swap3A_673, %swap3A_674], %swap3A_677 {strides = array<i32>} : memref<2x32x256xi32, #tpu.memory_space<vmem>>, vector<1x1x16xi32>,
        %get3A_678 = arith.constant 1 : i32
        %get3A_679 = arith.index_cast %get3A_678 : i32 to index
        %get3A_680 = arith.index_cast %scan3A_224 : i32 to index
        %get3A_681 = arith.constant 96 : index
        %get3A_682 = tpu.vector_load %arg10[%get3A_679, %get3A_680, %get3A_681] {strides = array<i32>} : memref<2x32x256xi32, #tpu.memory_space<vmem>>, vector<1x1x16xi32>,
        %get3A_683 = vector.shape_cast %get3A_682 : vector<1x1x16xi32> to vector<16xi32>
        %shift_left3A_684 = arith.constant 16 : i32
        %shift_left3A_685 = vector.broadcast %shift_left3A_684 : i32 to vector<16xi32>
        %shift_left3A_686 = arith.shli %get3A_683, %shift_left3A_685 : vector<16xi32>
        %bitcast_convert_type3A_687 = tpu.bitcast %shift_left3A_686 : vector<16xi32> -> vector<16xf32>
        %and3A_688 = arith.constant -65536 : i32
        %and3A_689 = vector.broadcast %and3A_688 : i32 to vector<16xi32>
        %and3A_690 = arith.andi %get3A_683, %and3A_689 : vector<16xi32>
        %bitcast_convert_type3A_691 = tpu.bitcast %and3A_690 : vector<16xi32> -> vector<16xf32>
        %get3A_692 = arith.constant 1 : i32
        %get3A_693 = arith.index_cast %get3A_692 : i32 to index
        %get3A_694 = arith.index_cast %scan3A_224 : i32 to index
        %get3A_695 = arith.constant 96 : index
        %get3A_696 = tpu.vector_load %arg11[%get3A_693, %get3A_694, %get3A_695] {strides = array<i32>} : memref<2x32x256xi32, #tpu.memory_space<vmem>>, vector<1x1x16xi32>,
        %get3A_697 = vector.shape_cast %get3A_696 : vector<1x1x16xi32> to vector<16xi32>
        %shift_left3A_698 = arith.constant 16 : i32
        %shift_left3A_699 = vector.broadcast %shift_left3A_698 : i32 to vector<16xi32>
        %shift_left3A_700 = arith.shli %get3A_697, %shift_left3A_699 : vector<16xi32>
        %bitcast_convert_type3A_701 = tpu.bitcast %shift_left3A_700 : vector<16xi32> -> vector<16xf32>
        %and3A_702 = arith.constant -65536 : i32
        %and3A_703 = vector.broadcast %and3A_702 : i32 to vector<16xi32>
        %and3A_704 = arith.andi %get3A_697, %and3A_703 : vector<16xi32>
        %bitcast_convert_type3A_705 = tpu.bitcast %and3A_704 : vector<16xi32> -> vector<16xf32>
        %get3A_706 = arith.constant 1 : i32
        %get3A_707 = arith.index_cast %get3A_706 : i32 to index
        %get3A_708 = arith.index_cast %scan3A_224 : i32 to index
        %get3A_709 = arith.constant 96 : index
        %get3A_710 = tpu.vector_load %arg12[%get3A_707, %get3A_708, %get3A_709] {strides = array<i32>} : memref<2x32x256xi32, #tpu.memory_space<vmem>>, vector<1x1x16xi32>,
        %get3A_711 = vector.shape_cast %get3A_710 : vector<1x1x16xi32> to vector<16xi32>
        %shift_left3A_712 = arith.constant 16 : i32
        %shift_left3A_713 = vector.broadcast %shift_left3A_712 : i32 to vector<16xi32>
        %shift_left3A_714 = arith.shli %get3A_711, %shift_left3A_713 : vector<16xi32>
        %bitcast_convert_type3A_715 = tpu.bitcast %shift_left3A_714 : vector<16xi32> -> vector<16xf32>
        %and3A_716 = arith.constant -65536 : i32
        %and3A_717 = vector.broadcast %and3A_716 : i32 to vector<16xi32>
        %and3A_718 = arith.andi %get3A_711, %and3A_717 : vector<16xi32>
        %bitcast_convert_type3A_719 = tpu.bitcast %and3A_718 : vector<16xi32> -> vector<16xf32>
        %mul3A_720 = arith.mulf %get3A_230, %bitcast_convert_type3A_687 : vector<16xf32>
        %mul3A_721 = arith.mulf %get3A_236, %bitcast_convert_type3A_701 : vector<16xf32>
        %add3A_722 = arith.addf %mul3A_720, %mul3A_721 : vector<16xf32>
        %mul3A_723 = arith.mulf %sub3A_239, %bitcast_convert_type3A_715 : vector<16xf32>
        %add3A_724 = arith.addf %add3A_722, %mul3A_723 : vector<16xf32>
        %bitcast_convert_type3A_725 = tpu.bitcast %add3A_724 : vector<16xf32> -> vector<16xi32>
        %add3A_726 = arith.constant 32768 : i32
        %add3A_727 = vector.broadcast %add3A_726 : i32 to vector<16xi32>
        %add3A_728 = arith.addi %bitcast_convert_type3A_725, %add3A_727 : vector<16xi32>
        %mul3A_729 = arith.mulf %get3A_230, %bitcast_convert_type3A_691 : vector<16xf32>
        %mul3A_730 = arith.mulf %get3A_236, %bitcast_convert_type3A_705 : vector<16xf32>
        %add3A_731 = arith.addf %mul3A_729, %mul3A_730 : vector<16xf32>
        %mul3A_732 = arith.mulf %sub3A_239, %bitcast_convert_type3A_719 : vector<16xf32>
        %add3A_733 = arith.addf %add3A_731, %mul3A_732 : vector<16xf32>
        %bitcast_convert_type3A_734 = tpu.bitcast %add3A_733 : vector<16xf32> -> vector<16xi32>
        %add3A_735 = arith.constant 32768 : i32
        %add3A_736 = vector.broadcast %add3A_735 : i32 to vector<16xi32>
        %add3A_737 = arith.addi %bitcast_convert_type3A_734, %add3A_736 : vector<16xi32>
        %shift_right_logical3A_738 = arith.constant 16 : i32
        %shift_right_logical3A_739 = vector.broadcast %shift_right_logical3A_738 : i32 to vector<16xi32>
        %shift_right_logical3A_740 = arith.shrui %add3A_728, %shift_right_logical3A_739 : vector<16xi32>
        %and3A_741 = arith.constant -65536 : i32
        %and3A_742 = vector.broadcast %and3A_741 : i32 to vector<16xi32>
        %and3A_743 = arith.andi %add3A_737, %and3A_742 : vector<16xi32>
        %or3A_744 = arith.ori %shift_right_logical3A_740, %and3A_743 : vector<16xi32>
        %swap3A_745 = arith.constant 1 : i32
        %swap3A_746 = arith.index_cast %swap3A_745 : i32 to index
        %swap3A_747 = arith.index_cast %scan3A_224 : i32 to index
        %swap3A_748 = arith.constant 96 : index
        %swap3A_749 = tpu.vector_load %arg10[%swap3A_746, %swap3A_747, %swap3A_748] {strides = array<i32>} : memref<2x32x256xi32, #tpu.memory_space<vmem>>, vector<1x1x16xi32>,
        %swap3A_750 = vector.shape_cast %swap3A_749 : vector<1x1x16xi32> to vector<16xi32>
        %swap3A_751 = vector.shape_cast %or3A_744 : vector<16xi32> to vector<1x1x16xi32>
        tpu.vector_store %arg10[%swap3A_746, %swap3A_747, %swap3A_748], %swap3A_751 {strides = array<i32>} : memref<2x32x256xi32, #tpu.memory_space<vmem>>, vector<1x1x16xi32>,
        %get3A_752 = arith.constant 1 : i32
        %get3A_753 = arith.index_cast %get3A_752 : i32 to index
        %get3A_754 = arith.index_cast %scan3A_224 : i32 to index
        %get3A_755 = arith.constant 112 : index
        %get3A_756 = tpu.vector_load %arg10[%get3A_753, %get3A_754, %get3A_755] {strides = array<i32>} : memref<2x32x256xi32, #tpu.memory_space<vmem>>, vector<1x1x16xi32>,
        %get3A_757 = vector.shape_cast %get3A_756 : vector<1x1x16xi32> to vector<16xi32>
        %shift_left3A_758 = arith.constant 16 : i32
        %shift_left3A_759 = vector.broadcast %shift_left3A_758 : i32 to vector<16xi32>
        %shift_left3A_760 = arith.shli %get3A_757, %shift_left3A_759 : vector<16xi32>
        %bitcast_convert_type3A_761 = tpu.bitcast %shift_left3A_760 : vector<16xi32> -> vector<16xf32>
        %and3A_762 = arith.constant -65536 : i32
        %and3A_763 = vector.broadcast %and3A_762 : i32 to vector<16xi32>
        %and3A_764 = arith.andi %get3A_757, %and3A_763 : vector<16xi32>
        %bitcast_convert_type3A_765 = tpu.bitcast %and3A_764 : vector<16xi32> -> vector<16xf32>
        %get3A_766 = arith.constant 1 : i32
        %get3A_767 = arith.index_cast %get3A_766 : i32 to index
        %get3A_768 = arith.index_cast %scan3A_224 : i32 to index
        %get3A_769 = arith.constant 112 : index
        %get3A_770 = tpu.vector_load %arg11[%get3A_767, %get3A_768, %get3A_769] {strides = array<i32>} : memref<2x32x256xi32, #tpu.memory_space<vmem>>, vector<1x1x16xi32>,
        %get3A_771 = vector.shape_cast %get3A_770 : vector<1x1x16xi32> to vector<16xi32>
        %shift_left3A_772 = arith.constant 16 : i32
        %shift_left3A_773 = vector.broadcast %shift_left3A_772 : i32 to vector<16xi32>
        %shift_left3A_774 = arith.shli %get3A_771, %shift_left3A_773 : vector<16xi32>
        %bitcast_convert_type3A_775 = tpu.bitcast %shift_left3A_774 : vector<16xi32> -> vector<16xf32>
        %and3A_776 = arith.constant -65536 : i32
        %and3A_777 = vector.broadcast %and3A_776 : i32 to vector<16xi32>
        %and3A_778 = arith.andi %get3A_771, %and3A_777 : vector<16xi32>
        %bitcast_convert_type3A_779 = tpu.bitcast %and3A_778 : vector<16xi32> -> vector<16xf32>
        %get3A_780 = arith.constant 1 : i32
        %get3A_781 = arith.index_cast %get3A_780 : i32 to index
        %get3A_782 = arith.index_cast %scan3A_224 : i32 to index
        %get3A_783 = arith.constant 112 : index
        %get3A_784 = tpu.vector_load %arg12[%get3A_781, %get3A_782, %get3A_783] {strides = array<i32>} : memref<2x32x256xi32, #tpu.memory_space<vmem>>, vector<1x1x16xi32>,
        %get3A_785 = vector.shape_cast %get3A_784 : vector<1x1x16xi32> to vector<16xi32>
        %shift_left3A_786 = arith.constant 16 : i32
        %shift_left3A_787 = vector.broadcast %shift_left3A_786 : i32 to vector<16xi32>
        %shift_left3A_788 = arith.shli %get3A_785, %shift_left3A_787 : vector<16xi32>
        %bitcast_convert_type3A_789 = tpu.bitcast %shift_left3A_788 : vector<16xi32> -> vector<16xf32>
        %and3A_790 = arith.constant -65536 : i32
        %and3A_791 = vector.broadcast %and3A_790 : i32 to vector<16xi32>
        %and3A_792 = arith.andi %get3A_785, %and3A_791 : vector<16xi32>
        %bitcast_convert_type3A_793 = tpu.bitcast %and3A_792 : vector<16xi32> -> vector<16xf32>
        %mul3A_794 = arith.mulf %get3A_230, %bitcast_convert_type3A_761 : vector<16xf32>
        %mul3A_795 = arith.mulf %get3A_236, %bitcast_convert_type3A_775 : vector<16xf32>
        %add3A_796 = arith.addf %mul3A_794, %mul3A_795 : vector<16xf32>
        %mul3A_797 = arith.mulf %sub3A_239, %bitcast_convert_type3A_789 : vector<16xf32>
        %add3A_798 = arith.addf %add3A_796, %mul3A_797 : vector<16xf32>
        %bitcast_convert_type3A_799 = tpu.bitcast %add3A_798 : vector<16xf32> -> vector<16xi32>
        %add3A_800 = arith.constant 32768 : i32
        %add3A_801 = vector.broadcast %add3A_800 : i32 to vector<16xi32>
        %add3A_802 = arith.addi %bitcast_convert_type3A_799, %add3A_801 : vector<16xi32>
        %mul3A_803 = arith.mulf %get3A_230, %bitcast_convert_type3A_765 : vector<16xf32>
        %mul3A_804 = arith.mulf %get3A_236, %bitcast_convert_type3A_779 : vector<16xf32>
        %add3A_805 = arith.addf %mul3A_803, %mul3A_804 : vector<16xf32>
        %mul3A_806 = arith.mulf %sub3A_239, %bitcast_convert_type3A_793 : vector<16xf32>
        %add3A_807 = arith.addf %add3A_805, %mul3A_806 : vector<16xf32>
        %bitcast_convert_type3A_808 = tpu.bitcast %add3A_807 : vector<16xf32> -> vector<16xi32>
        %add3A_809 = arith.constant 32768 : i32
        %add3A_810 = vector.broadcast %add3A_809 : i32 to vector<16xi32>
        %add3A_811 = arith.addi %bitcast_convert_type3A_808, %add3A_810 : vector<16xi32>
        %shift_right_logical3A_812 = arith.constant 16 : i32
        %shift_right_logical3A_813 = vector.broadcast %shift_right_logical3A_812 : i32 to vector<16xi32>
        %shift_right_logical3A_814 = arith.shrui %add3A_802, %shift_right_logical3A_813 : vector<16xi32>
        %and3A_815 = arith.constant -65536 : i32
        %and3A_816 = vector.broadcast %and3A_815 : i32 to vector<16xi32>
        %and3A_817 = arith.andi %add3A_811, %and3A_816 : vector<16xi32>
        %or3A_818 = arith.ori %shift_right_logical3A_814, %and3A_817 : vector<16xi32>
        %swap3A_819 = arith.constant 1 : i32
        %swap3A_820 = arith.index_cast %swap3A_819 : i32 to index
        %swap3A_821 = arith.index_cast %scan3A_224 : i32 to index
        %swap3A_822 = arith.constant 112 : index
        %swap3A_823 = tpu.vector_load %arg10[%swap3A_820, %swap3A_821, %swap3A_822] {strides = array<i32>} : memref<2x32x256xi32, #tpu.memory_space<vmem>>, vector<1x1x16xi32>,
        %swap3A_824 = vector.shape_cast %swap3A_823 : vector<1x1x16xi32> to vector<16xi32>
        %swap3A_825 = vector.shape_cast %or3A_818 : vector<16xi32> to vector<1x1x16xi32>
        tpu.vector_store %arg10[%swap3A_820, %swap3A_821, %swap3A_822], %swap3A_825 {strides = array<i32>} : memref<2x32x256xi32, #tpu.memory_space<vmem>>, vector<1x1x16xi32>,
        %get3A_826 = arith.constant 1 : i32
        %get3A_827 = arith.index_cast %get3A_826 : i32 to index
        %get3A_828 = arith.index_cast %scan3A_224 : i32 to index
        %get3A_829 = arith.constant 128 : index
        %get3A_830 = tpu.vector_load %arg10[%get3A_827, %get3A_828, %get3A_829] {strides = array<i32>} : memref<2x32x256xi32, #tpu.memory_space<vmem>>, vector<1x1x16xi32>,
        %get3A_831 = vector.shape_cast %get3A_830 : vector<1x1x16xi32> to vector<16xi32>
        %shift_left3A_832 = arith.constant 16 : i32
        %shift_left3A_833 = vector.broadcast %shift_left3A_832 : i32 to vector<16xi32>
        %shift_left3A_834 = arith.shli %get3A_831, %shift_left3A_833 : vector<16xi32>
        %bitcast_convert_type3A_835 = tpu.bitcast %shift_left3A_834 : vector<16xi32> -> vector<16xf32>
        %and3A_836 = arith.constant -65536 : i32
        %and3A_837 = vector.broadcast %and3A_836 : i32 to vector<16xi32>
        %and3A_838 = arith.andi %get3A_831, %and3A_837 : vector<16xi32>
        %bitcast_convert_type3A_839 = tpu.bitcast %and3A_838 : vector<16xi32> -> vector<16xf32>
        %get3A_840 = arith.constant 1 : i32
        %get3A_841 = arith.index_cast %get3A_840 : i32 to index
        %get3A_842 = arith.index_cast %scan3A_224 : i32 to index
        %get3A_843 = arith.constant 128 : index
        %get3A_844 = tpu.vector_load %arg11[%get3A_841, %get3A_842, %get3A_843] {strides = array<i32>} : memref<2x32x256xi32, #tpu.memory_space<vmem>>, vector<1x1x16xi32>,
        %get3A_845 = vector.shape_cast %get3A_844 : vector<1x1x16xi32> to vector<16xi32>
        %shift_left3A_846 = arith.constant 16 : i32
        %shift_left3A_847 = vector.broadcast %shift_left3A_846 : i32 to vector<16xi32>
        %shift_left3A_848 = arith.shli %get3A_845, %shift_left3A_847 : vector<16xi32>
        %bitcast_convert_type3A_849 = tpu.bitcast %shift_left3A_848 : vector<16xi32> -> vector<16xf32>
        %and3A_850 = arith.constant -65536 : i32
        %and3A_851 = vector.broadcast %and3A_850 : i32 to vector<16xi32>
        %and3A_852 = arith.andi %get3A_845, %and3A_851 : vector<16xi32>
        %bitcast_convert_type3A_853 = tpu.bitcast %and3A_852 : vector<16xi32> -> vector<16xf32>
        %get3A_854 = arith.constant 1 : i32
        %get3A_855 = arith.index_cast %get3A_854 : i32 to index
        %get3A_856 = arith.index_cast %scan3A_224 : i32 to index
        %get3A_857 = arith.constant 128 : index
        %get3A_858 = tpu.vector_load %arg12[%get3A_855, %get3A_856, %get3A_857] {strides = array<i32>} : memref<2x32x256xi32, #tpu.memory_space<vmem>>, vector<1x1x16xi32>,
        %get3A_859 = vector.shape_cast %get3A_858 : vector<1x1x16xi32> to vector<16xi32>
        %shift_left3A_860 = arith.constant 16 : i32
        %shift_left3A_861 = vector.broadcast %shift_left3A_860 : i32 to vector<16xi32>
        %shift_left3A_862 = arith.shli %get3A_859, %shift_left3A_861 : vector<16xi32>
        %bitcast_convert_type3A_863 = tpu.bitcast %shift_left3A_862 : vector<16xi32> -> vector<16xf32>
        %and3A_864 = arith.constant -65536 : i32
        %and3A_865 = vector.broadcast %and3A_864 : i32 to vector<16xi32>
        %and3A_866 = arith.andi %get3A_859, %and3A_865 : vector<16xi32>
        %bitcast_convert_type3A_867 = tpu.bitcast %and3A_866 : vector<16xi32> -> vector<16xf32>
        %mul3A_868 = arith.mulf %get3A_230, %bitcast_convert_type3A_835 : vector<16xf32>
        %mul3A_869 = arith.mulf %get3A_236, %bitcast_convert_type3A_849 : vector<16xf32>
        %add3A_870 = arith.addf %mul3A_868, %mul3A_869 : vector<16xf32>
        %mul3A_871 = arith.mulf %sub3A_239, %bitcast_convert_type3A_863 : vector<16xf32>
        %add3A_872 = arith.addf %add3A_870, %mul3A_871 : vector<16xf32>
        %bitcast_convert_type3A_873 = tpu.bitcast %add3A_872 : vector<16xf32> -> vector<16xi32>
        %add3A_874 = arith.constant 32768 : i32
        %add3A_875 = vector.broadcast %add3A_874 : i32 to vector<16xi32>
        %add3A_876 = arith.addi %bitcast_convert_type3A_873, %add3A_875 : vector<16xi32>
        %mul3A_877 = arith.mulf %get3A_230, %bitcast_convert_type3A_839 : vector<16xf32>
        %mul3A_878 = arith.mulf %get3A_236, %bitcast_convert_type3A_853 : vector<16xf32>
        %add3A_879 = arith.addf %mul3A_877, %mul3A_878 : vector<16xf32>
        %mul3A_880 = arith.mulf %sub3A_239, %bitcast_convert_type3A_867 : vector<16xf32>
        %add3A_881 = arith.addf %add3A_879, %mul3A_880 : vector<16xf32>
        %bitcast_convert_type3A_882 = tpu.bitcast %add3A_881 : vector<16xf32> -> vector<16xi32>
        %add3A_883 = arith.constant 32768 : i32
        %add3A_884 = vector.broadcast %add3A_883 : i32 to vector<16xi32>
        %add3A_885 = arith.addi %bitcast_convert_type3A_882, %add3A_884 : vector<16xi32>
        %shift_right_logical3A_886 = arith.constant 16 : i32
        %shift_right_logical3A_887 = vector.broadcast %shift_right_logical3A_886 : i32 to vector<16xi32>
        %shift_right_logical3A_888 = arith.shrui %add3A_876, %shift_right_logical3A_887 : vector<16xi32>
        %and3A_889 = arith.constant -65536 : i32
        %and3A_890 = vector.broadcast %and3A_889 : i32 to vector<16xi32>
        %and3A_891 = arith.andi %add3A_885, %and3A_890 : vector<16xi32>
        %or3A_892 = arith.ori %shift_right_logical3A_888, %and3A_891 : vector<16xi32>
        %swap3A_893 = arith.constant 1 : i32
        %swap3A_894 = arith.index_cast %swap3A_893 : i32 to index
        %swap3A_895 = arith.index_cast %scan3A_224 : i32 to index
        %swap3A_896 = arith.constant 128 : index
        %swap3A_897 = tpu.vector_load %arg10[%swap3A_894, %swap3A_895, %swap3A_896] {strides = array<i32>} : memref<2x32x256xi32, #tpu.memory_space<vmem>>, vector<1x1x16xi32>,
        %swap3A_898 = vector.shape_cast %swap3A_897 : vector<1x1x16xi32> to vector<16xi32>
        %swap3A_899 = vector.shape_cast %or3A_892 : vector<16xi32> to vector<1x1x16xi32>
        tpu.vector_store %arg10[%swap3A_894, %swap3A_895, %swap3A_896], %swap3A_899 {strides = array<i32>} : memref<2x32x256xi32, #tpu.memory_space<vmem>>, vector<1x1x16xi32>,
        %get3A_900 = arith.constant 1 : i32
        %get3A_901 = arith.index_cast %get3A_900 : i32 to index
        %get3A_902 = arith.index_cast %scan3A_224 : i32 to index
        %get3A_903 = arith.constant 144 : index
        %get3A_904 = tpu.vector_load %arg10[%get3A_901, %get3A_902, %get3A_903] {strides = array<i32>} : memref<2x32x256xi32, #tpu.memory_space<vmem>>, vector<1x1x16xi32>,
        %get3A_905 = vector.shape_cast %get3A_904 : vector<1x1x16xi32> to vector<16xi32>
        %shift_left3A_906 = arith.constant 16 : i32
        %shift_left3A_907 = vector.broadcast %shift_left3A_906 : i32 to vector<16xi32>
        %shift_left3A_908 = arith.shli %get3A_905, %shift_left3A_907 : vector<16xi32>
        %bitcast_convert_type3A_909 = tpu.bitcast %shift_left3A_908 : vector<16xi32> -> vector<16xf32>
        %and3A_910 = arith.constant -65536 : i32
        %and3A_911 = vector.broadcast %and3A_910 : i32 to vector<16xi32>
        %and3A_912 = arith.andi %get3A_905, %and3A_911 : vector<16xi32>
        %bitcast_convert_type3A_913 = tpu.bitcast %and3A_912 : vector<16xi32> -> vector<16xf32>
        %get3A_914 = arith.constant 1 : i32
        %get3A_915 = arith.index_cast %get3A_914 : i32 to index
        %get3A_916 = arith.index_cast %scan3A_224 : i32 to index
        %get3A_917 = arith.constant 144 : index
        %get3A_918 = tpu.vector_load %arg11[%get3A_915, %get3A_916, %get3A_917] {strides = array<i32>} : memref<2x32x256xi32, #tpu.memory_space<vmem>>, vector<1x1x16xi32>,
        %get3A_919 = vector.shape_cast %get3A_918 : vector<1x1x16xi32> to vector<16xi32>
        %shift_left3A_920 = arith.constant 16 : i32
        %shift_left3A_921 = vector.broadcast %shift_left3A_920 : i32 to vector<16xi32>
        %shift_left3A_922 = arith.shli %get3A_919, %shift_left3A_921 : vector<16xi32>
        %bitcast_convert_type3A_923 = tpu.bitcast %shift_left3A_922 : vector<16xi32> -> vector<16xf32>
        %and3A_924 = arith.constant -65536 : i32
        %and3A_925 = vector.broadcast %and3A_924 : i32 to vector<16xi32>
        %and3A_926 = arith.andi %get3A_919, %and3A_925 : vector<16xi32>
        %bitcast_convert_type3A_927 = tpu.bitcast %and3A_926 : vector<16xi32> -> vector<16xf32>
        %get3A_928 = arith.constant 1 : i32
        %get3A_929 = arith.index_cast %get3A_928 : i32 to index
        %get3A_930 = arith.index_cast %scan3A_224 : i32 to index
        %get3A_931 = arith.constant 144 : index
        %get3A_932 = tpu.vector_load %arg12[%get3A_929, %get3A_930, %get3A_931] {strides = array<i32>} : memref<2x32x256xi32, #tpu.memory_space<vmem>>, vector<1x1x16xi32>,
        %get3A_933 = vector.shape_cast %get3A_932 : vector<1x1x16xi32> to vector<16xi32>
        %shift_left3A_934 = arith.constant 16 : i32
        %shift_left3A_935 = vector.broadcast %shift_left3A_934 : i32 to vector<16xi32>
        %shift_left3A_936 = arith.shli %get3A_933, %shift_left3A_935 : vector<16xi32>
        %bitcast_convert_type3A_937 = tpu.bitcast %shift_left3A_936 : vector<16xi32> -> vector<16xf32>
        %and3A_938 = arith.constant -65536 : i32
        %and3A_939 = vector.broadcast %and3A_938 : i32 to vector<16xi32>
        %and3A_940 = arith.andi %get3A_933, %and3A_939 : vector<16xi32>
        %bitcast_convert_type3A_941 = tpu.bitcast %and3A_940 : vector<16xi32> -> vector<16xf32>
        %mul3A_942 = arith.mulf %get3A_230, %bitcast_convert_type3A_909 : vector<16xf32>
        %mul3A_943 = arith.mulf %get3A_236, %bitcast_convert_type3A_923 : vector<16xf32>
        %add3A_944 = arith.addf %mul3A_942, %mul3A_943 : vector<16xf32>
        %mul3A_945 = arith.mulf %sub3A_239, %bitcast_convert_type3A_937 : vector<16xf32>
        %add3A_946 = arith.addf %add3A_944, %mul3A_945 : vector<16xf32>
        %bitcast_convert_type3A_947 = tpu.bitcast %add3A_946 : vector<16xf32> -> vector<16xi32>
        %add3A_948 = arith.constant 32768 : i32
        %add3A_949 = vector.broadcast %add3A_948 : i32 to vector<16xi32>
        %add3A_950 = arith.addi %bitcast_convert_type3A_947, %add3A_949 : vector<16xi32>
        %mul3A_951 = arith.mulf %get3A_230, %bitcast_convert_type3A_913 : vector<16xf32>
        %mul3A_952 = arith.mulf %get3A_236, %bitcast_convert_type3A_927 : vector<16xf32>
        %add3A_953 = arith.addf %mul3A_951, %mul3A_952 : vector<16xf32>
        %mul3A_954 = arith.mulf %sub3A_239, %bitcast_convert_type3A_941 : vector<16xf32>
        %add3A_955 = arith.addf %add3A_953, %mul3A_954 : vector<16xf32>
        %bitcast_convert_type3A_956 = tpu.bitcast %add3A_955 : vector<16xf32> -> vector<16xi32>
        %add3A_957 = arith.constant 32768 : i32
        %add3A_958 = vector.broadcast %add3A_957 : i32 to vector<16xi32>
        %add3A_959 = arith.addi %bitcast_convert_type3A_956, %add3A_958 : vector<16xi32>
        %shift_right_logical3A_960 = arith.constant 16 : i32
        %shift_right_logical3A_961 = vector.broadcast %shift_right_logical3A_960 : i32 to vector<16xi32>
        %shift_right_logical3A_962 = arith.shrui %add3A_950, %shift_right_logical3A_961 : vector<16xi32>
        %and3A_963 = arith.constant -65536 : i32
        %and3A_964 = vector.broadcast %and3A_963 : i32 to vector<16xi32>
        %and3A_965 = arith.andi %add3A_959, %and3A_964 : vector<16xi32>
        %or3A_966 = arith.ori %shift_right_logical3A_962, %and3A_965 : vector<16xi32>
        %swap3A_967 = arith.constant 1 : i32
        %swap3A_968 = arith.index_cast %swap3A_967 : i32 to index
        %swap3A_969 = arith.index_cast %scan3A_224 : i32 to index
        %swap3A_970 = arith.constant 144 : index
        %swap3A_971 = tpu.vector_load %arg10[%swap3A_968, %swap3A_969, %swap3A_970] {strides = array<i32>} : memref<2x32x256xi32, #tpu.memory_space<vmem>>, vector<1x1x16xi32>,
        %swap3A_972 = vector.shape_cast %swap3A_971 : vector<1x1x16xi32> to vector<16xi32>
        %swap3A_973 = vector.shape_cast %or3A_966 : vector<16xi32> to vector<1x1x16xi32>
        tpu.vector_store %arg10[%swap3A_968, %swap3A_969, %swap3A_970], %swap3A_973 {strides = array<i32>} : memref<2x32x256xi32, #tpu.memory_space<vmem>>, vector<1x1x16xi32>,
        %get3A_974 = arith.constant 1 : i32
        %get3A_975 = arith.index_cast %get3A_974 : i32 to index
        %get3A_976 = arith.index_cast %scan3A_224 : i32 to index
        %get3A_977 = arith.constant 160 : index
        %get3A_978 = tpu.vector_load %arg10[%get3A_975, %get3A_976, %get3A_977] {strides = array<i32>} : memref<2x32x256xi32, #tpu.memory_space<vmem>>, vector<1x1x16xi32>,
        %get3A_979 = vector.shape_cast %get3A_978 : vector<1x1x16xi32> to vector<16xi32>
        %shift_left3A_980 = arith.constant 16 : i32
        %shift_left3A_981 = vector.broadcast %shift_left3A_980 : i32 to vector<16xi32>
        %shift_left3A_982 = arith.shli %get3A_979, %shift_left3A_981 : vector<16xi32>
        %bitcast_convert_type3A_983 = tpu.bitcast %shift_left3A_982 : vector<16xi32> -> vector<16xf32>
        %and3A_984 = arith.constant -65536 : i32
        %and3A_985 = vector.broadcast %and3A_984 : i32 to vector<16xi32>
        %and3A_986 = arith.andi %get3A_979, %and3A_985 : vector<16xi32>
        %bitcast_convert_type3A_987 = tpu.bitcast %and3A_986 : vector<16xi32> -> vector<16xf32>
        %get3A_988 = arith.constant 1 : i32
        %get3A_989 = arith.index_cast %get3A_988 : i32 to index
        %get3A_990 = arith.index_cast %scan3A_224 : i32 to index
        %get3A_991 = arith.constant 160 : index
        %get3A_992 = tpu.vector_load %arg11[%get3A_989, %get3A_990, %get3A_991] {strides = array<i32>} : memref<2x32x256xi32, #tpu.memory_space<vmem>>, vector<1x1x16xi32>,
        %get3A_993 = vector.shape_cast %get3A_992 : vector<1x1x16xi32> to vector<16xi32>
        %shift_left3A_994 = arith.constant 16 : i32
        %shift_left3A_995 = vector.broadcast %shift_left3A_994 : i32 to vector<16xi32>
        %shift_left3A_996 = arith.shli %get3A_993, %shift_left3A_995 : vector<16xi32>
        %bitcast_convert_type3A_997 = tpu.bitcast %shift_left3A_996 : vector<16xi32> -> vector<16xf32>
        %and3A_998 = arith.constant -65536 : i32
        %and3A_999 = vector.broadcast %and3A_998 : i32 to vector<16xi32>
        %and3A_1000 = arith.andi %get3A_993, %and3A_999 : vector<16xi32>
        %bitcast_convert_type3A_1001 = tpu.bitcast %and3A_1000 : vector<16xi32> -> vector<16xf32>
        %get3A_1002 = arith.constant 1 : i32
        %get3A_1003 = arith.index_cast %get3A_1002 : i32 to index
        %get3A_1004 = arith.index_cast %scan3A_224 : i32 to index
        %get3A_1005 = arith.constant 160 : index
        %get3A_1006 = tpu.vector_load %arg12[%get3A_1003, %get3A_1004, %get3A_1005] {strides = array<i32>} : memref<2x32x256xi32, #tpu.memory_space<vmem>>, vector<1x1x16xi32>,
        %get3A_1007 = vector.shape_cast %get3A_1006 : vector<1x1x16xi32> to vector<16xi32>
        %shift_left3A_1008 = arith.constant 16 : i32
        %shift_left3A_1009 = vector.broadcast %shift_left3A_1008 : i32 to vector<16xi32>
        %shift_left3A_1010 = arith.shli %get3A_1007, %shift_left3A_1009 : vector<16xi32>
        %bitcast_convert_type3A_1011 = tpu.bitcast %shift_left3A_1010 : vector<16xi32> -> vector<16xf32>
        %and3A_1012 = arith.constant -65536 : i32
        %and3A_1013 = vector.broadcast %and3A_1012 : i32 to vector<16xi32>
        %and3A_1014 = arith.andi %get3A_1007, %and3A_1013 : vector<16xi32>
        %bitcast_convert_type3A_1015 = tpu.bitcast %and3A_1014 : vector<16xi32> -> vector<16xf32>
        %mul3A_1016 = arith.mulf %get3A_230, %bitcast_convert_type3A_983 : vector<16xf32>
        %mul3A_1017 = arith.mulf %get3A_236, %bitcast_convert_type3A_997 : vector<16xf32>
        %add3A_1018 = arith.addf %mul3A_1016, %mul3A_1017 : vector<16xf32>
        %mul3A_1019 = arith.mulf %sub3A_239, %bitcast_convert_type3A_1011 : vector<16xf32>
        %add3A_1020 = arith.addf %add3A_1018, %mul3A_1019 : vector<16xf32>
        %bitcast_convert_type3A_1021 = tpu.bitcast %add3A_1020 : vector<16xf32> -> vector<16xi32>
        %add3A_1022 = arith.constant 32768 : i32
        %add3A_1023 = vector.broadcast %add3A_1022 : i32 to vector<16xi32>
        %add3A_1024 = arith.addi %bitcast_convert_type3A_1021, %add3A_1023 : vector<16xi32>
        %mul3A_1025 = arith.mulf %get3A_230, %bitcast_convert_type3A_987 : vector<16xf32>
        %mul3A_1026 = arith.mulf %get3A_236, %bitcast_convert_type3A_1001 : vector<16xf32>
        %add3A_1027 = arith.addf %mul3A_1025, %mul3A_1026 : vector<16xf32>
        %mul3A_1028 = arith.mulf %sub3A_239, %bitcast_convert_type3A_1015 : vector<16xf32>
        %add3A_1029 = arith.addf %add3A_1027, %mul3A_1028 : vector<16xf32>
        %bitcast_convert_type3A_1030 = tpu.bitcast %add3A_1029 : vector<16xf32> -> vector<16xi32>
        %add3A_1031 = arith.constant 32768 : i32
        %add3A_1032 = vector.broadcast %add3A_1031 : i32 to vector<16xi32>
        %add3A_1033 = arith.addi %bitcast_convert_type3A_1030, %add3A_1032 : vector<16xi32>
        %shift_right_logical3A_1034 = arith.constant 16 : i32
        %shift_right_logical3A_1035 = vector.broadcast %shift_right_logical3A_1034 : i32 to vector<16xi32>
        %shift_right_logical3A_1036 = arith.shrui %add3A_1024, %shift_right_logical3A_1035 : vector<16xi32>
        %and3A_1037 = arith.constant -65536 : i32
        %and3A_1038 = vector.broadcast %and3A_1037 : i32 to vector<16xi32>
        %and3A_1039 = arith.andi %add3A_1033, %and3A_1038 : vector<16xi32>
        %or3A_1040 = arith.ori %shift_right_logical3A_1036, %and3A_1039 : vector<16xi32>
        %swap3A_1041 = arith.constant 1 : i32
        %swap3A_1042 = arith.index_cast %swap3A_1041 : i32 to index
        %swap3A_1043 = arith.index_cast %scan3A_224 : i32 to index
        %swap3A_1044 = arith.constant 160 : index
        %swap3A_1045 = tpu.vector_load %arg10[%swap3A_1042, %swap3A_1043, %swap3A_1044] {strides = array<i32>} : memref<2x32x256xi32, #tpu.memory_space<vmem>>, vector<1x1x16xi32>,
        %swap3A_1046 = vector.shape_cast %swap3A_1045 : vector<1x1x16xi32> to vector<16xi32>
        %swap3A_1047 = vector.shape_cast %or3A_1040 : vector<16xi32> to vector<1x1x16xi32>
        tpu.vector_store %arg10[%swap3A_1042, %swap3A_1043, %swap3A_1044], %swap3A_1047 {strides = array<i32>} : memref<2x32x256xi32, #tpu.memory_space<vmem>>, vector<1x1x16xi32>,
        %get3A_1048 = arith.constant 1 : i32
        %get3A_1049 = arith.index_cast %get3A_1048 : i32 to index
        %get3A_1050 = arith.index_cast %scan3A_224 : i32 to index
        %get3A_1051 = arith.constant 176 : index
        %get3A_1052 = tpu.vector_load %arg10[%get3A_1049, %get3A_1050, %get3A_1051] {strides = array<i32>} : memref<2x32x256xi32, #tpu.memory_space<vmem>>, vector<1x1x16xi32>,
        %get3A_1053 = vector.shape_cast %get3A_1052 : vector<1x1x16xi32> to vector<16xi32>
        %shift_left3A_1054 = arith.constant 16 : i32
        %shift_left3A_1055 = vector.broadcast %shift_left3A_1054 : i32 to vector<16xi32>
        %shift_left3A_1056 = arith.shli %get3A_1053, %shift_left3A_1055 : vector<16xi32>
        %bitcast_convert_type3A_1057 = tpu.bitcast %shift_left3A_1056 : vector<16xi32> -> vector<16xf32>
        %and3A_1058 = arith.constant -65536 : i32
        %and3A_1059 = vector.broadcast %and3A_1058 : i32 to vector<16xi32>
        %and3A_1060 = arith.andi %get3A_1053, %and3A_1059 : vector<16xi32>
        %bitcast_convert_type3A_1061 = tpu.bitcast %and3A_1060 : vector<16xi32> -> vector<16xf32>
        %get3A_1062 = arith.constant 1 : i32
        %get3A_1063 = arith.index_cast %get3A_1062 : i32 to index
        %get3A_1064 = arith.index_cast %scan3A_224 : i32 to index
        %get3A_1065 = arith.constant 176 : index
        %get3A_1066 = tpu.vector_load %arg11[%get3A_1063, %get3A_1064, %get3A_1065] {strides = array<i32>} : memref<2x32x256xi32, #tpu.memory_space<vmem>>, vector<1x1x16xi32>,
        %get3A_1067 = vector.shape_cast %get3A_1066 : vector<1x1x16xi32> to vector<16xi32>
        %shift_left3A_1068 = arith.constant 16 : i32
        %shift_left3A_1069 = vector.broadcast %shift_left3A_1068 : i32 to vector<16xi32>
        %shift_left3A_1070 = arith.shli %get3A_1067, %shift_left3A_1069 : vector<16xi32>
        %bitcast_convert_type3A_1071 = tpu.bitcast %shift_left3A_1070 : vector<16xi32> -> vector<16xf32>
        %and3A_1072 = arith.constant -65536 : i32
        %and3A_1073 = vector.broadcast %and3A_1072 : i32 to vector<16xi32>
        %and3A_1074 = arith.andi %get3A_1067, %and3A_1073 : vector<16xi32>
        %bitcast_convert_type3A_1075 = tpu.bitcast %and3A_1074 : vector<16xi32> -> vector<16xf32>
        %get3A_1076 = arith.constant 1 : i32
        %get3A_1077 = arith.index_cast %get3A_1076 : i32 to index
        %get3A_1078 = arith.index_cast %scan3A_224 : i32 to index
        %get3A_1079 = arith.constant 176 : index
        %get3A_1080 = tpu.vector_load %arg12[%get3A_1077, %get3A_1078, %get3A_1079] {strides = array<i32>} : memref<2x32x256xi32, #tpu.memory_space<vmem>>, vector<1x1x16xi32>,
        %get3A_1081 = vector.shape_cast %get3A_1080 : vector<1x1x16xi32> to vector<16xi32>
        %shift_left3A_1082 = arith.constant 16 : i32
        %shift_left3A_1083 = vector.broadcast %shift_left3A_1082 : i32 to vector<16xi32>
        %shift_left3A_1084 = arith.shli %get3A_1081, %shift_left3A_1083 : vector<16xi32>
        %bitcast_convert_type3A_1085 = tpu.bitcast %shift_left3A_1084 : vector<16xi32> -> vector<16xf32>
        %and3A_1086 = arith.constant -65536 : i32
        %and3A_1087 = vector.broadcast %and3A_1086 : i32 to vector<16xi32>
        %and3A_1088 = arith.andi %get3A_1081, %and3A_1087 : vector<16xi32>
        %bitcast_convert_type3A_1089 = tpu.bitcast %and3A_1088 : vector<16xi32> -> vector<16xf32>
        %mul3A_1090 = arith.mulf %get3A_230, %bitcast_convert_type3A_1057 : vector<16xf32>
        %mul3A_1091 = arith.mulf %get3A_236, %bitcast_convert_type3A_1071 : vector<16xf32>
        %add3A_1092 = arith.addf %mul3A_1090, %mul3A_1091 : vector<16xf32>
        %mul3A_1093 = arith.mulf %sub3A_239, %bitcast_convert_type3A_1085 : vector<16xf32>
        %add3A_1094 = arith.addf %add3A_1092, %mul3A_1093 : vector<16xf32>
        %bitcast_convert_type3A_1095 = tpu.bitcast %add3A_1094 : vector<16xf32> -> vector<16xi32>
        %add3A_1096 = arith.constant 32768 : i32
        %add3A_1097 = vector.broadcast %add3A_1096 : i32 to vector<16xi32>
        %add3A_1098 = arith.addi %bitcast_convert_type3A_1095, %add3A_1097 : vector<16xi32>
        %mul3A_1099 = arith.mulf %get3A_230, %bitcast_convert_type3A_1061 : vector<16xf32>
        %mul3A_1100 = arith.mulf %get3A_236, %bitcast_convert_type3A_1075 : vector<16xf32>
        %add3A_1101 = arith.addf %mul3A_1099, %mul3A_1100 : vector<16xf32>
        %mul3A_1102 = arith.mulf %sub3A_239, %bitcast_convert_type3A_1089 : vector<16xf32>
        %add3A_1103 = arith.addf %add3A_1101, %mul3A_1102 : vector<16xf32>
        %bitcast_convert_type3A_1104 = tpu.bitcast %add3A_1103 : vector<16xf32> -> vector<16xi32>
        %add3A_1105 = arith.constant 32768 : i32
        %add3A_1106 = vector.broadcast %add3A_1105 : i32 to vector<16xi32>
        %add3A_1107 = arith.addi %bitcast_convert_type3A_1104, %add3A_1106 : vector<16xi32>
        %shift_right_logical3A_1108 = arith.constant 16 : i32
        %shift_right_logical3A_1109 = vector.broadcast %shift_right_logical3A_1108 : i32 to vector<16xi32>
        %shift_right_logical3A_1110 = arith.shrui %add3A_1098, %shift_right_logical3A_1109 : vector<16xi32>
        %and3A_1111 = arith.constant -65536 : i32
        %and3A_1112 = vector.broadcast %and3A_1111 : i32 to vector<16xi32>
        %and3A_1113 = arith.andi %add3A_1107, %and3A_1112 : vector<16xi32>
        %or3A_1114 = arith.ori %shift_right_logical3A_1110, %and3A_1113 : vector<16xi32>
        %swap3A_1115 = arith.constant 1 : i32
        %swap3A_1116 = arith.index_cast %swap3A_1115 : i32 to index
        %swap3A_1117 = arith.index_cast %scan3A_224 : i32 to index
        %swap3A_1118 = arith.constant 176 : index
        %swap3A_1119 = tpu.vector_load %arg10[%swap3A_1116, %swap3A_1117, %swap3A_1118] {strides = array<i32>} : memref<2x32x256xi32, #tpu.memory_space<vmem>>, vector<1x1x16xi32>,
        %swap3A_1120 = vector.shape_cast %swap3A_1119 : vector<1x1x16xi32> to vector<16xi32>
        %swap3A_1121 = vector.shape_cast %or3A_1114 : vector<16xi32> to vector<1x1x16xi32>
        tpu.vector_store %arg10[%swap3A_1116, %swap3A_1117, %swap3A_1118], %swap3A_1121 {strides = array<i32>} : memref<2x32x256xi32, #tpu.memory_space<vmem>>, vector<1x1x16xi32>,
        %get3A_1122 = arith.constant 1 : i32
        %get3A_1123 = arith.index_cast %get3A_1122 : i32 to index
        %get3A_1124 = arith.index_cast %scan3A_224 : i32 to index
        %get3A_1125 = arith.constant 192 : index
        %get3A_1126 = tpu.vector_load %arg10[%get3A_1123, %get3A_1124, %get3A_1125] {strides = array<i32>} : memref<2x32x256xi32, #tpu.memory_space<vmem>>, vector<1x1x16xi32>,
        %get3A_1127 = vector.shape_cast %get3A_1126 : vector<1x1x16xi32> to vector<16xi32>
        %shift_left3A_1128 = arith.constant 16 : i32
        %shift_left3A_1129 = vector.broadcast %shift_left3A_1128 : i32 to vector<16xi32>
        %shift_left3A_1130 = arith.shli %get3A_1127, %shift_left3A_1129 : vector<16xi32>
        %bitcast_convert_type3A_1131 = tpu.bitcast %shift_left3A_1130 : vector<16xi32> -> vector<16xf32>
        %and3A_1132 = arith.constant -65536 : i32
        %and3A_1133 = vector.broadcast %and3A_1132 : i32 to vector<16xi32>
        %and3A_1134 = arith.andi %get3A_1127, %and3A_1133 : vector<16xi32>
        %bitcast_convert_type3A_1135 = tpu.bitcast %and3A_1134 : vector<16xi32> -> vector<16xf32>
        %get3A_1136 = arith.constant 1 : i32
        %get3A_1137 = arith.index_cast %get3A_1136 : i32 to index
        %get3A_1138 = arith.index_cast %scan3A_224 : i32 to index
        %get3A_1139 = arith.constant 192 : index
        %get3A_1140 = tpu.vector_load %arg11[%get3A_1137, %get3A_1138, %get3A_1139] {strides = array<i32>} : memref<2x32x256xi32, #tpu.memory_space<vmem>>, vector<1x1x16xi32>,
        %get3A_1141 = vector.shape_cast %get3A_1140 : vector<1x1x16xi32> to vector<16xi32>
        %shift_left3A_1142 = arith.constant 16 : i32
        %shift_left3A_1143 = vector.broadcast %shift_left3A_1142 : i32 to vector<16xi32>
        %shift_left3A_1144 = arith.shli %get3A_1141, %shift_left3A_1143 : vector<16xi32>
        %bitcast_convert_type3A_1145 = tpu.bitcast %shift_left3A_1144 : vector<16xi32> -> vector<16xf32>
        %and3A_1146 = arith.constant -65536 : i32
        %and3A_1147 = vector.broadcast %and3A_1146 : i32 to vector<16xi32>
        %and3A_1148 = arith.andi %get3A_1141, %and3A_1147 : vector<16xi32>
        %bitcast_convert_type3A_1149 = tpu.bitcast %and3A_1148 : vector<16xi32> -> vector<16xf32>
        %get3A_1150 = arith.constant 1 : i32
        %get3A_1151 = arith.index_cast %get3A_1150 : i32 to index
        %get3A_1152 = arith.index_cast %scan3A_224 : i32 to index
        %get3A_1153 = arith.constant 192 : index
        %get3A_1154 = tpu.vector_load %arg12[%get3A_1151, %get3A_1152, %get3A_1153] {strides = array<i32>} : memref<2x32x256xi32, #tpu.memory_space<vmem>>, vector<1x1x16xi32>,
        %get3A_1155 = vector.shape_cast %get3A_1154 : vector<1x1x16xi32> to vector<16xi32>
        %shift_left3A_1156 = arith.constant 16 : i32
        %shift_left3A_1157 = vector.broadcast %shift_left3A_1156 : i32 to vector<16xi32>
        %shift_left3A_1158 = arith.shli %get3A_1155, %shift_left3A_1157 : vector<16xi32>
        %bitcast_convert_type3A_1159 = tpu.bitcast %shift_left3A_1158 : vector<16xi32> -> vector<16xf32>
        %and3A_1160 = arith.constant -65536 : i32
        %and3A_1161 = vector.broadcast %and3A_1160 : i32 to vector<16xi32>
        %and3A_1162 = arith.andi %get3A_1155, %and3A_1161 : vector<16xi32>
        %bitcast_convert_type3A_1163 = tpu.bitcast %and3A_1162 : vector<16xi32> -> vector<16xf32>
        %mul3A_1164 = arith.mulf %get3A_230, %bitcast_convert_type3A_1131 : vector<16xf32>
        %mul3A_1165 = arith.mulf %get3A_236, %bitcast_convert_type3A_1145 : vector<16xf32>
        %add3A_1166 = arith.addf %mul3A_1164, %mul3A_1165 : vector<16xf32>
        %mul3A_1167 = arith.mulf %sub3A_239, %bitcast_convert_type3A_1159 : vector<16xf32>
        %add3A_1168 = arith.addf %add3A_1166, %mul3A_1167 : vector<16xf32>
        %bitcast_convert_type3A_1169 = tpu.bitcast %add3A_1168 : vector<16xf32> -> vector<16xi32>
        %add3A_1170 = arith.constant 32768 : i32
        %add3A_1171 = vector.broadcast %add3A_1170 : i32 to vector<16xi32>
        %add3A_1172 = arith.addi %bitcast_convert_type3A_1169, %add3A_1171 : vector<16xi32>
        %mul3A_1173 = arith.mulf %get3A_230, %bitcast_convert_type3A_1135 : vector<16xf32>
        %mul3A_1174 = arith.mulf %get3A_236, %bitcast_convert_type3A_1149 : vector<16xf32>
        %add3A_1175 = arith.addf %mul3A_1173, %mul3A_1174 : vector<16xf32>
        %mul3A_1176 = arith.mulf %sub3A_239, %bitcast_convert_type3A_1163 : vector<16xf32>
        %add3A_1177 = arith.addf %add3A_1175, %mul3A_1176 : vector<16xf32>
        %bitcast_convert_type3A_1178 = tpu.bitcast %add3A_1177 : vector<16xf32> -> vector<16xi32>
        %add3A_1179 = arith.constant 32768 : i32
        %add3A_1180 = vector.broadcast %add3A_1179 : i32 to vector<16xi32>
        %add3A_1181 = arith.addi %bitcast_convert_type3A_1178, %add3A_1180 : vector<16xi32>
        %shift_right_logical3A_1182 = arith.constant 16 : i32
        %shift_right_logical3A_1183 = vector.broadcast %shift_right_logical3A_1182 : i32 to vector<16xi32>
        %shift_right_logical3A_1184 = arith.shrui %add3A_1172, %shift_right_logical3A_1183 : vector<16xi32>
        %and3A_1185 = arith.constant -65536 : i32
        %and3A_1186 = vector.broadcast %and3A_1185 : i32 to vector<16xi32>
        %and3A_1187 = arith.andi %add3A_1181, %and3A_1186 : vector<16xi32>
        %or3A_1188 = arith.ori %shift_right_logical3A_1184, %and3A_1187 : vector<16xi32>
        %swap3A_1189 = arith.constant 1 : i32
        %swap3A_1190 = arith.index_cast %swap3A_1189 : i32 to index
        %swap3A_1191 = arith.index_cast %scan3A_224 : i32 to index
        %swap3A_1192 = arith.constant 192 : index
        %swap3A_1193 = tpu.vector_load %arg10[%swap3A_1190, %swap3A_1191, %swap3A_1192] {strides = array<i32>} : memref<2x32x256xi32, #tpu.memory_space<vmem>>, vector<1x1x16xi32>,
        %swap3A_1194 = vector.shape_cast %swap3A_1193 : vector<1x1x16xi32> to vector<16xi32>
        %swap3A_1195 = vector.shape_cast %or3A_1188 : vector<16xi32> to vector<1x1x16xi32>
        tpu.vector_store %arg10[%swap3A_1190, %swap3A_1191, %swap3A_1192], %swap3A_1195 {strides = array<i32>} : memref<2x32x256xi32, #tpu.memory_space<vmem>>, vector<1x1x16xi32>,
        %get3A_1196 = arith.constant 1 : i32
        %get3A_1197 = arith.index_cast %get3A_1196 : i32 to index
        %get3A_1198 = arith.index_cast %scan3A_224 : i32 to index
        %get3A_1199 = arith.constant 208 : index
        %get3A_1200 = tpu.vector_load %arg10[%get3A_1197, %get3A_1198, %get3A_1199] {strides = array<i32>} : memref<2x32x256xi32, #tpu.memory_space<vmem>>, vector<1x1x16xi32>,
        %get3A_1201 = vector.shape_cast %get3A_1200 : vector<1x1x16xi32> to vector<16xi32>
        %shift_left3A_1202 = arith.constant 16 : i32
        %shift_left3A_1203 = vector.broadcast %shift_left3A_1202 : i32 to vector<16xi32>
        %shift_left3A_1204 = arith.shli %get3A_1201, %shift_left3A_1203 : vector<16xi32>
        %bitcast_convert_type3A_1205 = tpu.bitcast %shift_left3A_1204 : vector<16xi32> -> vector<16xf32>
        %and3A_1206 = arith.constant -65536 : i32
        %and3A_1207 = vector.broadcast %and3A_1206 : i32 to vector<16xi32>
        %and3A_1208 = arith.andi %get3A_1201, %and3A_1207 : vector<16xi32>
        %bitcast_convert_type3A_1209 = tpu.bitcast %and3A_1208 : vector<16xi32> -> vector<16xf32>
        %get3A_1210 = arith.constant 1 : i32
        %get3A_1211 = arith.index_cast %get3A_1210 : i32 to index
        %get3A_1212 = arith.index_cast %scan3A_224 : i32 to index
        %get3A_1213 = arith.constant 208 : index
        %get3A_1214 = tpu.vector_load %arg11[%get3A_1211, %get3A_1212, %get3A_1213] {strides = array<i32>} : memref<2x32x256xi32, #tpu.memory_space<vmem>>, vector<1x1x16xi32>,
        %get3A_1215 = vector.shape_cast %get3A_1214 : vector<1x1x16xi32> to vector<16xi32>
        %shift_left3A_1216 = arith.constant 16 : i32
        %shift_left3A_1217 = vector.broadcast %shift_left3A_1216 : i32 to vector<16xi32>
        %shift_left3A_1218 = arith.shli %get3A_1215, %shift_left3A_1217 : vector<16xi32>
        %bitcast_convert_type3A_1219 = tpu.bitcast %shift_left3A_1218 : vector<16xi32> -> vector<16xf32>
        %and3A_1220 = arith.constant -65536 : i32
        %and3A_1221 = vector.broadcast %and3A_1220 : i32 to vector<16xi32>
        %and3A_1222 = arith.andi %get3A_1215, %and3A_1221 : vector<16xi32>
        %bitcast_convert_type3A_1223 = tpu.bitcast %and3A_1222 : vector<16xi32> -> vector<16xf32>
        %get3A_1224 = arith.constant 1 : i32
        %get3A_1225 = arith.index_cast %get3A_1224 : i32 to index
        %get3A_1226 = arith.index_cast %scan3A_224 : i32 to index
        %get3A_1227 = arith.constant 208 : index
        %get3A_1228 = tpu.vector_load %arg12[%get3A_1225, %get3A_1226, %get3A_1227] {strides = array<i32>} : memref<2x32x256xi32, #tpu.memory_space<vmem>>, vector<1x1x16xi32>,
        %get3A_1229 = vector.shape_cast %get3A_1228 : vector<1x1x16xi32> to vector<16xi32>
        %shift_left3A_1230 = arith.constant 16 : i32
        %shift_left3A_1231 = vector.broadcast %shift_left3A_1230 : i32 to vector<16xi32>
        %shift_left3A_1232 = arith.shli %get3A_1229, %shift_left3A_1231 : vector<16xi32>
        %bitcast_convert_type3A_1233 = tpu.bitcast %shift_left3A_1232 : vector<16xi32> -> vector<16xf32>
        %and3A_1234 = arith.constant -65536 : i32
        %and3A_1235 = vector.broadcast %and3A_1234 : i32 to vector<16xi32>
        %and3A_1236 = arith.andi %get3A_1229, %and3A_1235 : vector<16xi32>
        %bitcast_convert_type3A_1237 = tpu.bitcast %and3A_1236 : vector<16xi32> -> vector<16xf32>
        %mul3A_1238 = arith.mulf %get3A_230, %bitcast_convert_type3A_1205 : vector<16xf32>
        %mul3A_1239 = arith.mulf %get3A_236, %bitcast_convert_type3A_1219 : vector<16xf32>
        %add3A_1240 = arith.addf %mul3A_1238, %mul3A_1239 : vector<16xf32>
        %mul3A_1241 = arith.mulf %sub3A_239, %bitcast_convert_type3A_1233 : vector<16xf32>
        %add3A_1242 = arith.addf %add3A_1240, %mul3A_1241 : vector<16xf32>
        %bitcast_convert_type3A_1243 = tpu.bitcast %add3A_1242 : vector<16xf32> -> vector<16xi32>
        %add3A_1244 = arith.constant 32768 : i32
        %add3A_1245 = vector.broadcast %add3A_1244 : i32 to vector<16xi32>
        %add3A_1246 = arith.addi %bitcast_convert_type3A_1243, %add3A_1245 : vector<16xi32>
        %mul3A_1247 = arith.mulf %get3A_230, %bitcast_convert_type3A_1209 : vector<16xf32>
        %mul3A_1248 = arith.mulf %get3A_236, %bitcast_convert_type3A_1223 : vector<16xf32>
        %add3A_1249 = arith.addf %mul3A_1247, %mul3A_1248 : vector<16xf32>
        %mul3A_1250 = arith.mulf %sub3A_239, %bitcast_convert_type3A_1237 : vector<16xf32>
        %add3A_1251 = arith.addf %add3A_1249, %mul3A_1250 : vector<16xf32>
        %bitcast_convert_type3A_1252 = tpu.bitcast %add3A_1251 : vector<16xf32> -> vector<16xi32>
        %add3A_1253 = arith.constant 32768 : i32
        %add3A_1254 = vector.broadcast %add3A_1253 : i32 to vector<16xi32>
        %add3A_1255 = arith.addi %bitcast_convert_type3A_1252, %add3A_1254 : vector<16xi32>
        %shift_right_logical3A_1256 = arith.constant 16 : i32
        %shift_right_logical3A_1257 = vector.broadcast %shift_right_logical3A_1256 : i32 to vector<16xi32>
        %shift_right_logical3A_1258 = arith.shrui %add3A_1246, %shift_right_logical3A_1257 : vector<16xi32>
        %and3A_1259 = arith.constant -65536 : i32
        %and3A_1260 = vector.broadcast %and3A_1259 : i32 to vector<16xi32>
        %and3A_1261 = arith.andi %add3A_1255, %and3A_1260 : vector<16xi32>
        %or3A_1262 = arith.ori %shift_right_logical3A_1258, %and3A_1261 : vector<16xi32>
        %swap3A_1263 = arith.constant 1 : i32
        %swap3A_1264 = arith.index_cast %swap3A_1263 : i32 to index
        %swap3A_1265 = arith.index_cast %scan3A_224 : i32 to index
        %swap3A_1266 = arith.constant 208 : index
        %swap3A_1267 = tpu.vector_load %arg10[%swap3A_1264, %swap3A_1265, %swap3A_1266] {strides = array<i32>} : memref<2x32x256xi32, #tpu.memory_space<vmem>>, vector<1x1x16xi32>,
        %swap3A_1268 = vector.shape_cast %swap3A_1267 : vector<1x1x16xi32> to vector<16xi32>
        %swap3A_1269 = vector.shape_cast %or3A_1262 : vector<16xi32> to vector<1x1x16xi32>
        tpu.vector_store %arg10[%swap3A_1264, %swap3A_1265, %swap3A_1266], %swap3A_1269 {strides = array<i32>} : memref<2x32x256xi32, #tpu.memory_space<vmem>>, vector<1x1x16xi32>,
        %get3A_1270 = arith.constant 1 : i32
        %get3A_1271 = arith.index_cast %get3A_1270 : i32 to index
        %get3A_1272 = arith.index_cast %scan3A_224 : i32 to index
        %get3A_1273 = arith.constant 224 : index
        %get3A_1274 = tpu.vector_load %arg10[%get3A_1271, %get3A_1272, %get3A_1273] {strides = array<i32>} : memref<2x32x256xi32, #tpu.memory_space<vmem>>, vector<1x1x16xi32>,
        %get3A_1275 = vector.shape_cast %get3A_1274 : vector<1x1x16xi32> to vector<16xi32>
        %shift_left3A_1276 = arith.constant 16 : i32
        %shift_left3A_1277 = vector.broadcast %shift_left3A_1276 : i32 to vector<16xi32>
        %shift_left3A_1278 = arith.shli %get3A_1275, %shift_left3A_1277 : vector<16xi32>
        %bitcast_convert_type3A_1279 = tpu.bitcast %shift_left3A_1278 : vector<16xi32> -> vector<16xf32>
        %and3A_1280 = arith.constant -65536 : i32
        %and3A_1281 = vector.broadcast %and3A_1280 : i32 to vector<16xi32>
        %and3A_1282 = arith.andi %get3A_1275, %and3A_1281 : vector<16xi32>
        %bitcast_convert_type3A_1283 = tpu.bitcast %and3A_1282 : vector<16xi32> -> vector<16xf32>
        %get3A_1284 = arith.constant 1 : i32
        %get3A_1285 = arith.index_cast %get3A_1284 : i32 to index
        %get3A_1286 = arith.index_cast %scan3A_224 : i32 to index
        %get3A_1287 = arith.constant 224 : index
        %get3A_1288 = tpu.vector_load %arg11[%get3A_1285, %get3A_1286, %get3A_1287] {strides = array<i32>} : memref<2x32x256xi32, #tpu.memory_space<vmem>>, vector<1x1x16xi32>,
        %get3A_1289 = vector.shape_cast %get3A_1288 : vector<1x1x16xi32> to vector<16xi32>
        %shift_left3A_1290 = arith.constant 16 : i32
        %shift_left3A_1291 = vector.broadcast %shift_left3A_1290 : i32 to vector<16xi32>
        %shift_left3A_1292 = arith.shli %get3A_1289, %shift_left3A_1291 : vector<16xi32>
        %bitcast_convert_type3A_1293 = tpu.bitcast %shift_left3A_1292 : vector<16xi32> -> vector<16xf32>
        %and3A_1294 = arith.constant -65536 : i32
        %and3A_1295 = vector.broadcast %and3A_1294 : i32 to vector<16xi32>
        %and3A_1296 = arith.andi %get3A_1289, %and3A_1295 : vector<16xi32>
        %bitcast_convert_type3A_1297 = tpu.bitcast %and3A_1296 : vector<16xi32> -> vector<16xf32>
        %get3A_1298 = arith.constant 1 : i32
        %get3A_1299 = arith.index_cast %get3A_1298 : i32 to index
        %get3A_1300 = arith.index_cast %scan3A_224 : i32 to index
        %get3A_1301 = arith.constant 224 : index
        %get3A_1302 = tpu.vector_load %arg12[%get3A_1299, %get3A_1300, %get3A_1301] {strides = array<i32>} : memref<2x32x256xi32, #tpu.memory_space<vmem>>, vector<1x1x16xi32>,
        %get3A_1303 = vector.shape_cast %get3A_1302 : vector<1x1x16xi32> to vector<16xi32>
        %shift_left3A_1304 = arith.constant 16 : i32
        %shift_left3A_1305 = vector.broadcast %shift_left3A_1304 : i32 to vector<16xi32>
        %shift_left3A_1306 = arith.shli %get3A_1303, %shift_left3A_1305 : vector<16xi32>
        %bitcast_convert_type3A_1307 = tpu.bitcast %shift_left3A_1306 : vector<16xi32> -> vector<16xf32>
        %and3A_1308 = arith.constant -65536 : i32
        %and3A_1309 = vector.broadcast %and3A_1308 : i32 to vector<16xi32>
        %and3A_1310 = arith.andi %get3A_1303, %and3A_1309 : vector<16xi32>
        %bitcast_convert_type3A_1311 = tpu.bitcast %and3A_1310 : vector<16xi32> -> vector<16xf32>
        %mul3A_1312 = arith.mulf %get3A_230, %bitcast_convert_type3A_1279 : vector<16xf32>
        %mul3A_1313 = arith.mulf %get3A_236, %bitcast_convert_type3A_1293 : vector<16xf32>
        %add3A_1314 = arith.addf %mul3A_1312, %mul3A_1313 : vector<16xf32>
        %mul3A_1315 = arith.mulf %sub3A_239, %bitcast_convert_type3A_1307 : vector<16xf32>
        %add3A_1316 = arith.addf %add3A_1314, %mul3A_1315 : vector<16xf32>
        %bitcast_convert_type3A_1317 = tpu.bitcast %add3A_1316 : vector<16xf32> -> vector<16xi32>
        %add3A_1318 = arith.constant 32768 : i32
        %add3A_1319 = vector.broadcast %add3A_1318 : i32 to vector<16xi32>
        %add3A_1320 = arith.addi %bitcast_convert_type3A_1317, %add3A_1319 : vector<16xi32>
        %mul3A_1321 = arith.mulf %get3A_230, %bitcast_convert_type3A_1283 : vector<16xf32>
        %mul3A_1322 = arith.mulf %get3A_236, %bitcast_convert_type3A_1297 : vector<16xf32>
        %add3A_1323 = arith.addf %mul3A_1321, %mul3A_1322 : vector<16xf32>
        %mul3A_1324 = arith.mulf %sub3A_239, %bitcast_convert_type3A_1311 : vector<16xf32>
        %add3A_1325 = arith.addf %add3A_1323, %mul3A_1324 : vector<16xf32>
        %bitcast_convert_type3A_1326 = tpu.bitcast %add3A_1325 : vector<16xf32> -> vector<16xi32>
        %add3A_1327 = arith.constant 32768 : i32
        %add3A_1328 = vector.broadcast %add3A_1327 : i32 to vector<16xi32>
        %add3A_1329 = arith.addi %bitcast_convert_type3A_1326, %add3A_1328 : vector<16xi32>
        %shift_right_logical3A_1330 = arith.constant 16 : i32
        %shift_right_logical3A_1331 = vector.broadcast %shift_right_logical3A_1330 : i32 to vector<16xi32>
        %shift_right_logical3A_1332 = arith.shrui %add3A_1320, %shift_right_logical3A_1331 : vector<16xi32>
        %and3A_1333 = arith.constant -65536 : i32
        %and3A_1334 = vector.broadcast %and3A_1333 : i32 to vector<16xi32>
        %and3A_1335 = arith.andi %add3A_1329, %and3A_1334 : vector<16xi32>
        %or3A_1336 = arith.ori %shift_right_logical3A_1332, %and3A_1335 : vector<16xi32>
        %swap3A_1337 = arith.constant 1 : i32
        %swap3A_1338 = arith.index_cast %swap3A_1337 : i32 to index
        %swap3A_1339 = arith.index_cast %scan3A_224 : i32 to index
        %swap3A_1340 = arith.constant 224 : index
        %swap3A_1341 = tpu.vector_load %arg10[%swap3A_1338, %swap3A_1339, %swap3A_1340] {strides = array<i32>} : memref<2x32x256xi32, #tpu.memory_space<vmem>>, vector<1x1x16xi32>,
        %swap3A_1342 = vector.shape_cast %swap3A_1341 : vector<1x1x16xi32> to vector<16xi32>
        %swap3A_1343 = vector.shape_cast %or3A_1336 : vector<16xi32> to vector<1x1x16xi32>
        tpu.vector_store %arg10[%swap3A_1338, %swap3A_1339, %swap3A_1340], %swap3A_1343 {strides = array<i32>} : memref<2x32x256xi32, #tpu.memory_space<vmem>>, vector<1x1x16xi32>,
        %get3A_1344 = arith.constant 1 : i32
        %get3A_1345 = arith.index_cast %get3A_1344 : i32 to index
        %get3A_1346 = arith.index_cast %scan3A_224 : i32 to index
        %get3A_1347 = arith.constant 240 : index
        %get3A_1348 = tpu.vector_load %arg10[%get3A_1345, %get3A_1346, %get3A_1347] {strides = array<i32>} : memref<2x32x256xi32, #tpu.memory_space<vmem>>, vector<1x1x16xi32>,
        %get3A_1349 = vector.shape_cast %get3A_1348 : vector<1x1x16xi32> to vector<16xi32>
        %shift_left3A_1350 = arith.constant 16 : i32
        %shift_left3A_1351 = vector.broadcast %shift_left3A_1350 : i32 to vector<16xi32>
        %shift_left3A_1352 = arith.shli %get3A_1349, %shift_left3A_1351 : vector<16xi32>
        %bitcast_convert_type3A_1353 = tpu.bitcast %shift_left3A_1352 : vector<16xi32> -> vector<16xf32>
        %and3A_1354 = arith.constant -65536 : i32
        %and3A_1355 = vector.broadcast %and3A_1354 : i32 to vector<16xi32>
        %and3A_1356 = arith.andi %get3A_1349, %and3A_1355 : vector<16xi32>
        %bitcast_convert_type3A_1357 = tpu.bitcast %and3A_1356 : vector<16xi32> -> vector<16xf32>
        %get3A_1358 = arith.constant 1 : i32
        %get3A_1359 = arith.index_cast %get3A_1358 : i32 to index
        %get3A_1360 = arith.index_cast %scan3A_224 : i32 to index
        %get3A_1361 = arith.constant 240 : index
        %get3A_1362 = tpu.vector_load %arg11[%get3A_1359, %get3A_1360, %get3A_1361] {strides = array<i32>} : memref<2x32x256xi32, #tpu.memory_space<vmem>>, vector<1x1x16xi32>,
        %get3A_1363 = vector.shape_cast %get3A_1362 : vector<1x1x16xi32> to vector<16xi32>
        %shift_left3A_1364 = arith.constant 16 : i32
        %shift_left3A_1365 = vector.broadcast %shift_left3A_1364 : i32 to vector<16xi32>
        %shift_left3A_1366 = arith.shli %get3A_1363, %shift_left3A_1365 : vector<16xi32>
        %bitcast_convert_type3A_1367 = tpu.bitcast %shift_left3A_1366 : vector<16xi32> -> vector<16xf32>
        %and3A_1368 = arith.constant -65536 : i32
        %and3A_1369 = vector.broadcast %and3A_1368 : i32 to vector<16xi32>
        %and3A_1370 = arith.andi %get3A_1363, %and3A_1369 : vector<16xi32>
        %bitcast_convert_type3A_1371 = tpu.bitcast %and3A_1370 : vector<16xi32> -> vector<16xf32>
        %get3A_1372 = arith.constant 1 : i32
        %get3A_1373 = arith.index_cast %get3A_1372 : i32 to index
        %get3A_1374 = arith.index_cast %scan3A_224 : i32 to index
        %get3A_1375 = arith.constant 240 : index
        %get3A_1376 = tpu.vector_load %arg12[%get3A_1373, %get3A_1374, %get3A_1375] {strides = array<i32>} : memref<2x32x256xi32, #tpu.memory_space<vmem>>, vector<1x1x16xi32>,
        %get3A_1377 = vector.shape_cast %get3A_1376 : vector<1x1x16xi32> to vector<16xi32>
        %shift_left3A_1378 = arith.constant 16 : i32
        %shift_left3A_1379 = vector.broadcast %shift_left3A_1378 : i32 to vector<16xi32>
        %shift_left3A_1380 = arith.shli %get3A_1377, %shift_left3A_1379 : vector<16xi32>
        %bitcast_convert_type3A_1381 = tpu.bitcast %shift_left3A_1380 : vector<16xi32> -> vector<16xf32>
        %and3A_1382 = arith.constant -65536 : i32
        %and3A_1383 = vector.broadcast %and3A_1382 : i32 to vector<16xi32>
        %and3A_1384 = arith.andi %get3A_1377, %and3A_1383 : vector<16xi32>
        %bitcast_convert_type3A_1385 = tpu.bitcast %and3A_1384 : vector<16xi32> -> vector<16xf32>
        %mul3A_1386 = arith.mulf %get3A_230, %bitcast_convert_type3A_1353 : vector<16xf32>
        %mul3A_1387 = arith.mulf %get3A_236, %bitcast_convert_type3A_1367 : vector<16xf32>
        %add3A_1388 = arith.addf %mul3A_1386, %mul3A_1387 : vector<16xf32>
        %mul3A_1389 = arith.mulf %sub3A_239, %bitcast_convert_type3A_1381 : vector<16xf32>
        %add3A_1390 = arith.addf %add3A_1388, %mul3A_1389 : vector<16xf32>
        %bitcast_convert_type3A_1391 = tpu.bitcast %add3A_1390 : vector<16xf32> -> vector<16xi32>
        %add3A_1392 = arith.constant 32768 : i32
        %add3A_1393 = vector.broadcast %add3A_1392 : i32 to vector<16xi32>
        %add3A_1394 = arith.addi %bitcast_convert_type3A_1391, %add3A_1393 : vector<16xi32>
        %mul3A_1395 = arith.mulf %get3A_230, %bitcast_convert_type3A_1357 : vector<16xf32>
        %mul3A_1396 = arith.mulf %get3A_236, %bitcast_convert_type3A_1371 : vector<16xf32>
        %add3A_1397 = arith.addf %mul3A_1395, %mul3A_1396 : vector<16xf32>
        %mul3A_1398 = arith.mulf %sub3A_239, %bitcast_convert_type3A_1385 : vector<16xf32>
        %add3A_1399 = arith.addf %add3A_1397, %mul3A_1398 : vector<16xf32>
        %bitcast_convert_type3A_1400 = tpu.bitcast %add3A_1399 : vector<16xf32> -> vector<16xi32>
        %add3A_1401 = arith.constant 32768 : i32
        %add3A_1402 = vector.broadcast %add3A_1401 : i32 to vector<16xi32>
        %add3A_1403 = arith.addi %bitcast_convert_type3A_1400, %add3A_1402 : vector<16xi32>
        %shift_right_logical3A_1404 = arith.constant 16 : i32
        %shift_right_logical3A_1405 = vector.broadcast %shift_right_logical3A_1404 : i32 to vector<16xi32>
        %shift_right_logical3A_1406 = arith.shrui %add3A_1394, %shift_right_logical3A_1405 : vector<16xi32>
        %and3A_1407 = arith.constant -65536 : i32
        %and3A_1408 = vector.broadcast %and3A_1407 : i32 to vector<16xi32>
        %and3A_1409 = arith.andi %add3A_1403, %and3A_1408 : vector<16xi32>
        %or3A_1410 = arith.ori %shift_right_logical3A_1406, %and3A_1409 : vector<16xi32>
        %swap3A_1411 = arith.constant 1 : i32
        %swap3A_1412 = arith.index_cast %swap3A_1411 : i32 to index
        %swap3A_1413 = arith.index_cast %scan3A_224 : i32 to index
        %swap3A_1414 = arith.constant 240 : index
        %swap3A_1415 = tpu.vector_load %arg10[%swap3A_1412, %swap3A_1413, %swap3A_1414] {strides = array<i32>} : memref<2x32x256xi32, #tpu.memory_space<vmem>>, vector<1x1x16xi32>,
        %swap3A_1416 = vector.shape_cast %swap3A_1415 : vector<1x1x16xi32> to vector<16xi32>
        %swap3A_1417 = vector.shape_cast %or3A_1410 : vector<16xi32> to vector<1x1x16xi32>
        tpu.vector_store %arg10[%swap3A_1412, %swap3A_1413, %swap3A_1414], %swap3A_1417 {strides = array<i32>} : memref<2x32x256xi32, #tpu.memory_space<vmem>>, vector<1x1x16xi32>,
        %scan3A_1418 = arith.constant 0 : i32
        scf.yield %scan3A_1418 : i32
      }
      %scan3A_221 = arith.constant 32 : i32
      %run_scoped3A_222 = arith.constant 1 : i32
      "tpu.region"() ({
        %run_scoped3A_224 = tpu.sem_alloc : memref<!tpu.dma_semaphore, #tpu.memory_space<semaphore_mem>>
        %dma_start3A_225 = arith.constant 0 : i32
        %dma_start3A_226 = arith.constant 0 : i32
        %dma_start3A_227 = tpu.memref_slice %arg10[%run_scoped3A_222, %dma_start3A_225, %dma_start3A_226] : memref<2x32x256xi32, #tpu.memory_space<vmem>> -> memref<1x32x256xi32, #tpu.memory_space<vmem>>
        %dma_start3A_228 = tpu.memref_squeeze %dma_start3A_227 : memref<1x32x256xi32, #tpu.memory_space<vmem>> -> memref<32x256xi32, #tpu.memory_space<vmem>>
        %dma_start3A_229 = arith.constant 0 : i32
        %dma_start3A_230 = tpu.memref_slice %arg8[%add3A_175, %dma_start3A_229] : memref<65536x256xi32, #tpu.memory_space<hbm>> -> memref<32x256xi32, #tpu.memory_space<hbm>>
        %dma_start3A_231 = arith.constant 0 : i32
        %dma_start3A_232 = tpu.memref_slice %arg8[%add3A_175, %dma_start3A_231] : memref<65536x256xi32, #tpu.memory_space<hbm>> -> memref<32x256xi32, #tpu.memory_space<hbm>>
        %dma_start3A_233 = arith.constant 0 : i32
        %dma_start3A_234 = arith.constant 0 : i32
        %dma_start3A_235 = tpu.memref_slice %arg10[%run_scoped3A_222, %dma_start3A_233, %dma_start3A_234] : memref<2x32x256xi32, #tpu.memory_space<vmem>> -> memref<1x32x256xi32, #tpu.memory_space<vmem>>
        %dma_start3A_236 = tpu.memref_squeeze %dma_start3A_235 : memref<1x32x256xi32, #tpu.memory_space<vmem>> -> memref<32x256xi32, #tpu.memory_space<vmem>>
        tpu.enqueue_dma source(%dma_start3A_236 : memref<32x256xi32, #tpu.memory_space<vmem>>) target(%dma_start3A_232 : memref<32x256xi32, #tpu.memory_space<hbm>>) target_semaphore(%run_scoped3A_224 : memref<!tpu.dma_semaphore, #tpu.memory_space<semaphore_mem>>)
        %dma_wait3A_237 = arith.constant 0 : i32
        %dma_wait3A_238 = arith.constant 0 : i32
        %dma_wait3A_239 = tpu.memref_slice %arg10[%run_scoped3A_222, %dma_wait3A_237, %dma_wait3A_238] : memref<2x32x256xi32, #tpu.memory_space<vmem>> -> memref<1x32x256xi32, #tpu.memory_space<vmem>>
        %dma_wait3A_240 = tpu.memref_squeeze %dma_wait3A_239 : memref<1x32x256xi32, #tpu.memory_space<vmem>> -> memref<32x256xi32, #tpu.memory_space<vmem>>
        %dma_wait3A_241 = arith.constant 0 : i32
        %dma_wait3A_242 = tpu.memref_slice %arg8[%add3A_175, %dma_wait3A_241] : memref<65536x256xi32, #tpu.memory_space<hbm>> -> memref<32x256xi32, #tpu.memory_space<hbm>>
        %dma_wait3A_243 = arith.constant 0 : i32
        %dma_wait3A_244 = tpu.memref_slice %arg8[%add3A_175, %dma_wait3A_243] : memref<65536x256xi32, #tpu.memory_space<hbm>> -> memref<32x256xi32, #tpu.memory_space<hbm>>
        %dma_wait3A_245 = arith.constant 0 : i32
        %dma_wait3A_246 = arith.constant 0 : i32
        %dma_wait3A_247 = tpu.memref_slice %arg10[%run_scoped3A_222, %dma_wait3A_245, %dma_wait3A_246] : memref<2x32x256xi32, #tpu.memory_space<vmem>> -> memref<1x32x256xi32, #tpu.memory_space<vmem>>
        %dma_wait3A_248 = tpu.memref_squeeze %dma_wait3A_247 : memref<1x32x256xi32, #tpu.memory_space<vmem>> -> memref<32x256xi32, #tpu.memory_space<vmem>>
        tpu.wait_dma2 semaphore(%run_scoped3A_224 : memref<!tpu.dma_semaphore, #tpu.memory_space<semaphore_mem>>) src(%dma_wait3A_248 : memref<32x256xi32, #tpu.memory_space<vmem>>) dst(%dma_wait3A_244 : memref<32x256xi32, #tpu.memory_space<hbm>>)
        tpu.yield
      }) : () -> ()
      %scan3A_223 = arith.constant 0 : i32
      scf.yield %scan3A_223 : i32
    }
    %scan3A_55 = arith.constant 32 : i32
    return
  }
}

module attributes {stable_mosaic.version = 14 : i64} {
  func.func @_knn_body(%arg0: i32, %arg1: i32, %arg2: memref<1x512x3xf32, #tpu.memory_space<vmem>>, %arg3: memref<1x3x1024xf32, #tpu.memory_space<vmem>>, %arg4: memref<1x512x1xi32, #tpu.memory_space<vmem>>, %arg5: memref<1x512x1xi32, #tpu.memory_space<vmem>>, %arg6: memref<1x512x1xi32, #tpu.memory_space<vmem>>, %arg7: memref<1x512x16xf32, #tpu.memory_space<vmem>>, %arg8: memref<1x512x16xf32, #tpu.memory_space<vmem>>) attributes {dimension_semantics = [#tpu.dimension_semantics<arbitrary>, #tpu.dimension_semantics<arbitrary>], iteration_bounds = array<i64: 16, 8>, scalar_prefetch = 0 : i64, scratch_operands = 0 : i64, tpu.core_type = #tpu.core_type<tc>, window_params = [{transform_indices = @transform_0, window_bounds = array<i64: 1, 512, 3>}, {transform_indices = @transform_1, window_bounds = array<i64: 1, 3, 1024>}, {transform_indices = @transform_2, window_bounds = array<i64: 1, 512, 1>}, {transform_indices = @transform_3, window_bounds = array<i64: 1, 512, 1>}, {transform_indices = @transform_4, window_bounds = array<i64: 1, 512, 1>}, {transform_indices = @transform_5, window_bounds = array<i64: 1, 512, 16>}, {transform_indices = @transform_6, window_bounds = array<i64: 1, 512, 16>}]} {
    %get3A = arith.constant 0 : index
    %get3A_0 = arith.constant 0 : index
    %get3A_1 = arith.constant 0 : index
    %get3A_2 = vector.load %arg2[%get3A, %get3A_0, %get3A_1] : memref<1x512x3xf32, #tpu.memory_space<vmem>>, vector<1x512x3xf32>
    %get3A_3 = vector.shape_cast %get3A_2 : vector<1x512x3xf32> to vector<512x3xf32>
    %get3A_4 = arith.constant 0 : index
    %get3A_5 = arith.constant 0 : index
    %get3A_6 = arith.constant 0 : index
    %get3A_7 = vector.load %arg3[%get3A_4, %get3A_5, %get3A_6] : memref<1x3x1024xf32, #tpu.memory_space<vmem>>, vector<1x3x1024xf32>
    %get3A_8 = vector.shape_cast %get3A_7 : vector<1x3x1024xf32> to vector<3x1024xf32>
    %dot_general3A = arith.constant dense<0.000000e+00> : vector<512x1024xf32>
    %dot_general3A_9 = tpu.matmul %get3A_3, %get3A_8, %dot_general3A {dimension_numbers = #tpu.dot_dimension_numbers<[1], [0], [0], [1], [0, 0, 1, 1], [], []>, transpose_lhs_hint = false} : vector<512x3xf32>, vector<3x1024xf32>, vector<512x1024xf32> -> vector<512x1024xf32>
    %mul3A = arith.mulf %get3A_3, %get3A_3 : vector<512x3xf32>
    %reduce_sum3A = arith.constant dense<0.000000e+00> : vector<512xf32>
    %reduce_sum3A_10 = vector.multi_reduction <add>, %mul3A, %reduce_sum3A [1] : vector<512x3xf32> to vector<512xf32>
    %broadcast_in_dim3A = vector.shape_cast %reduce_sum3A_10 : vector<512xf32> to vector<512x1xf32>
    %mul3A_11 = arith.mulf %get3A_8, %get3A_8 : vector<3x1024xf32>
    %reduce_sum3A_12 = arith.constant dense<0.000000e+00> : vector<1024xf32>
    %reduce_sum3A_13 = vector.multi_reduction <add>, %mul3A_11, %reduce_sum3A_12 [0] : vector<3x1024xf32> to vector<1024xf32>
    %broadcast_in_dim3A_14 = vector.shape_cast %reduce_sum3A_13 : vector<1024xf32> to vector<1x1024xf32>
    %mul3A_15 = arith.constant 2.000000e+00 : f32
    %mul3A_16 = vector.broadcast %mul3A_15 : f32 to vector<512x1024xf32>
    %mul3A_17 = arith.mulf %mul3A_16, %dot_general3A_9 : vector<512x1024xf32>
    %sub3A = vector.broadcast %broadcast_in_dim3A : vector<512x1xf32> to vector<512x1024xf32>
    %sub3A_18 = arith.subf %sub3A, %mul3A_17 : vector<512x1024xf32>
    %add3A = vector.broadcast %broadcast_in_dim3A_14 : vector<1x1024xf32> to vector<512x1024xf32>
    %add3A_19 = arith.addf %sub3A_18, %add3A : vector<512x1024xf32>
    %iota3A = tpu.iota {dimensions = array<i32: 1>} : vector<512x1024xi32>
    %reduce_min3A = arith.constant dense<0x7F800000> : vector<512xf32>
    %reduce_min3A_20 = vector.multi_reduction <minimumf>, %add3A_19, %reduce_min3A [1] : vector<512x1024xf32> to vector<512xf32>
    %broadcast_in_dim3A_21 = vector.shape_cast %reduce_min3A_20 : vector<512xf32> to vector<512x1xf32>
    %eq3A = vector.broadcast %broadcast_in_dim3A_21 : vector<512x1xf32> to vector<512x1024xf32>
    %eq3A_22 = arith.cmpf oeq, %add3A_19, %eq3A : vector<512x1024xf32>
    %jit3A = arith.constant 1073741824 : i32
    %broadcast_in_dim3A_23 = vector.broadcast %jit3A : i32 to vector<512x1024xi32>
    %select_n3A = arith.select %eq3A_22, %iota3A, %broadcast_in_dim3A_23 : vector<512x1024xi1>, vector<512x1024xi32>
    %reduce_min3A_24 = arith.constant dense<2147483647> : vector<512xi32>
    %reduce_min3A_25 = vector.multi_reduction <minsi>, %select_n3A, %reduce_min3A_24 [1] : vector<512x1024xi32> to vector<512xi32>
    %broadcast_in_dim3A_26 = vector.shape_cast %reduce_min3A_25 : vector<512xi32> to vector<512x1xi32>
    %eq3A_27 = vector.broadcast %broadcast_in_dim3A_26 : vector<512x1xi32> to vector<512x1024xi32>
    %eq3A_28 = arith.cmpi eq, %iota3A, %eq3A_27 : vector<512x1024xi32>
    %jit3A_29 = arith.constant 0x7F800000 : f32
    %broadcast_in_dim3A_30 = vector.broadcast %jit3A_29 : f32 to vector<512x1024xf32>
    %select_n3A_31 = arith.select %eq3A_28, %broadcast_in_dim3A_30, %add3A_19 : vector<512x1024xi1>, vector<512x1024xf32>
    %reduce_min3A_32 = arith.constant dense<0x7F800000> : vector<512xf32>
    %reduce_min3A_33 = vector.multi_reduction <minimumf>, %select_n3A_31, %reduce_min3A_32 [1] : vector<512x1024xf32> to vector<512xf32>
    %broadcast_in_dim3A_34 = vector.shape_cast %reduce_min3A_33 : vector<512xf32> to vector<512x1xf32>
    %eq3A_35 = vector.broadcast %broadcast_in_dim3A_34 : vector<512x1xf32> to vector<512x1024xf32>
    %eq3A_36 = arith.cmpf oeq, %select_n3A_31, %eq3A_35 : vector<512x1024xf32>
    %jit3A_37 = arith.constant 1073741824 : i32
    %broadcast_in_dim3A_38 = vector.broadcast %jit3A_37 : i32 to vector<512x1024xi32>
    %select_n3A_39 = arith.select %eq3A_36, %iota3A, %broadcast_in_dim3A_38 : vector<512x1024xi1>, vector<512x1024xi32>
    %reduce_min3A_40 = arith.constant dense<2147483647> : vector<512xi32>
    %reduce_min3A_41 = vector.multi_reduction <minsi>, %select_n3A_39, %reduce_min3A_40 [1] : vector<512x1024xi32> to vector<512xi32>
    %broadcast_in_dim3A_42 = vector.shape_cast %reduce_min3A_41 : vector<512xi32> to vector<512x1xi32>
    %eq3A_43 = vector.broadcast %broadcast_in_dim3A_42 : vector<512x1xi32> to vector<512x1024xi32>
    %eq3A_44 = arith.cmpi eq, %iota3A, %eq3A_43 : vector<512x1024xi32>
    %jit3A_45 = arith.constant 0x7F800000 : f32
    %broadcast_in_dim3A_46 = vector.broadcast %jit3A_45 : f32 to vector<512x1024xf32>
    %select_n3A_47 = arith.select %eq3A_44, %broadcast_in_dim3A_46, %select_n3A_31 : vector<512x1024xi1>, vector<512x1024xf32>
    %reduce_min3A_48 = arith.constant dense<0x7F800000> : vector<512xf32>
    %reduce_min3A_49 = vector.multi_reduction <minimumf>, %select_n3A_47, %reduce_min3A_48 [1] : vector<512x1024xf32> to vector<512xf32>
    %broadcast_in_dim3A_50 = vector.shape_cast %reduce_min3A_49 : vector<512xf32> to vector<512x1xf32>
    %eq3A_51 = vector.broadcast %broadcast_in_dim3A_50 : vector<512x1xf32> to vector<512x1024xf32>
    %eq3A_52 = arith.cmpf oeq, %select_n3A_47, %eq3A_51 : vector<512x1024xf32>
    %jit3A_53 = arith.constant 1073741824 : i32
    %broadcast_in_dim3A_54 = vector.broadcast %jit3A_53 : i32 to vector<512x1024xi32>
    %select_n3A_55 = arith.select %eq3A_52, %iota3A, %broadcast_in_dim3A_54 : vector<512x1024xi1>, vector<512x1024xi32>
    %reduce_min3A_56 = arith.constant dense<2147483647> : vector<512xi32>
    %reduce_min3A_57 = vector.multi_reduction <minsi>, %select_n3A_55, %reduce_min3A_56 [1] : vector<512x1024xi32> to vector<512xi32>
    %broadcast_in_dim3A_58 = vector.shape_cast %reduce_min3A_57 : vector<512xi32> to vector<512x1xi32>
    %add3A_59 = arith.constant 9.99999993E-9 : f32
    %add3A_60 = vector.broadcast %add3A_59 : f32 to vector<512x1xf32>
    %add3A_61 = arith.addf %broadcast_in_dim3A_21, %add3A_60 : vector<512x1xf32>
    %div3A = arith.constant 1.000000e+00 : f32
    %div3A_62 = vector.broadcast %div3A : f32 to vector<512x1xf32>
    %div3A_63 = arith.divf %div3A_62, %add3A_61 : vector<512x1xf32>
    %add3A_64 = arith.constant 9.99999993E-9 : f32
    %add3A_65 = vector.broadcast %add3A_64 : f32 to vector<512x1xf32>
    %add3A_66 = arith.addf %broadcast_in_dim3A_34, %add3A_65 : vector<512x1xf32>
    %div3A_67 = arith.constant 1.000000e+00 : f32
    %div3A_68 = vector.broadcast %div3A_67 : f32 to vector<512x1xf32>
    %div3A_69 = arith.divf %div3A_68, %add3A_66 : vector<512x1xf32>
    %add3A_70 = arith.constant 9.99999993E-9 : f32
    %add3A_71 = vector.broadcast %add3A_70 : f32 to vector<512x1xf32>
    %add3A_72 = arith.addf %broadcast_in_dim3A_50, %add3A_71 : vector<512x1xf32>
    %div3A_73 = arith.constant 1.000000e+00 : f32
    %div3A_74 = vector.broadcast %div3A_73 : f32 to vector<512x1xf32>
    %div3A_75 = arith.divf %div3A_74, %add3A_72 : vector<512x1xf32>
    %add3A_76 = arith.addf %div3A_63, %div3A_69 : vector<512x1xf32>
    %add3A_77 = arith.addf %add3A_76, %div3A_75 : vector<512x1xf32>
    %mul3A_78 = arith.constant 1024 : i32
    %mul3A_79 = arith.muli %arg0, %mul3A_78 : i32
    %add3A_80 = vector.broadcast %mul3A_79 : i32 to vector<512x1xi32>
    %add3A_81 = arith.addi %broadcast_in_dim3A_26, %add3A_80 : vector<512x1xi32>
    %swap3A = arith.constant 0 : index
    %swap3A_82 = arith.constant 0 : index
    %swap3A_83 = arith.constant 0 : index
    %swap3A_84 = vector.load %arg4[%swap3A, %swap3A_82, %swap3A_83] : memref<1x512x1xi32, #tpu.memory_space<vmem>>, vector<1x512x1xi32>
    %swap3A_85 = vector.shape_cast %swap3A_84 : vector<1x512x1xi32> to vector<512x1xi32>
    %swap3A_86 = vector.shape_cast %add3A_81 : vector<512x1xi32> to vector<1x512x1xi32>
    tpu.vector_store %arg4[%swap3A, %swap3A_82, %swap3A_83], %swap3A_86 {strides = array<i32>} : memref<1x512x1xi32, #tpu.memory_space<vmem>>, vector<1x512x1xi32>,
    %mul3A_87 = arith.constant 1024 : i32
    %mul3A_88 = arith.muli %arg0, %mul3A_87 : i32
    %add3A_89 = vector.broadcast %mul3A_88 : i32 to vector<512x1xi32>
    %add3A_90 = arith.addi %broadcast_in_dim3A_42, %add3A_89 : vector<512x1xi32>
    %swap3A_91 = arith.constant 0 : index
    %swap3A_92 = arith.constant 0 : index
    %swap3A_93 = arith.constant 0 : index
    %swap3A_94 = vector.load %arg5[%swap3A_91, %swap3A_92, %swap3A_93] : memref<1x512x1xi32, #tpu.memory_space<vmem>>, vector<1x512x1xi32>
    %swap3A_95 = vector.shape_cast %swap3A_94 : vector<1x512x1xi32> to vector<512x1xi32>
    %swap3A_96 = vector.shape_cast %add3A_90 : vector<512x1xi32> to vector<1x512x1xi32>
    tpu.vector_store %arg5[%swap3A_91, %swap3A_92, %swap3A_93], %swap3A_96 {strides = array<i32>} : memref<1x512x1xi32, #tpu.memory_space<vmem>>, vector<1x512x1xi32>,
    %mul3A_97 = arith.constant 1024 : i32
    %mul3A_98 = arith.muli %arg0, %mul3A_97 : i32
    %add3A_99 = vector.broadcast %mul3A_98 : i32 to vector<512x1xi32>
    %add3A_100 = arith.addi %broadcast_in_dim3A_58, %add3A_99 : vector<512x1xi32>
    %swap3A_101 = arith.constant 0 : index
    %swap3A_102 = arith.constant 0 : index
    %swap3A_103 = arith.constant 0 : index
    %swap3A_104 = vector.load %arg6[%swap3A_101, %swap3A_102, %swap3A_103] : memref<1x512x1xi32, #tpu.memory_space<vmem>>, vector<1x512x1xi32>
    %swap3A_105 = vector.shape_cast %swap3A_104 : vector<1x512x1xi32> to vector<512x1xi32>
    %swap3A_106 = vector.shape_cast %add3A_100 : vector<512x1xi32> to vector<1x512x1xi32>
    tpu.vector_store %arg6[%swap3A_101, %swap3A_102, %swap3A_103], %swap3A_106 {strides = array<i32>} : memref<1x512x1xi32, #tpu.memory_space<vmem>>, vector<1x512x1xi32>,
    %div3A_107 = arith.divf %div3A_63, %add3A_77 : vector<512x1xf32>
    %broadcast_in_dim3A_108 = vector.shape_cast %div3A_107 : vector<512x1xf32> to vector<512x1xf32>
    %broadcast_in_dim3A_109 = vector.broadcast %broadcast_in_dim3A_108 : vector<512x1xf32> to vector<512x16xf32>
    %swap3A_110 = arith.constant 0 : index
    %swap3A_111 = arith.constant 0 : index
    %swap3A_112 = arith.constant 0 : index
    %swap3A_113 = vector.load %arg7[%swap3A_110, %swap3A_111, %swap3A_112] : memref<1x512x16xf32, #tpu.memory_space<vmem>>, vector<1x512x16xf32>
    %swap3A_114 = vector.shape_cast %swap3A_113 : vector<1x512x16xf32> to vector<512x16xf32>
    %swap3A_115 = vector.shape_cast %broadcast_in_dim3A_109 : vector<512x16xf32> to vector<1x512x16xf32>
    tpu.vector_store %arg7[%swap3A_110, %swap3A_111, %swap3A_112], %swap3A_115 {strides = array<i32>} : memref<1x512x16xf32, #tpu.memory_space<vmem>>, vector<1x512x16xf32>,
    %div3A_116 = arith.divf %div3A_69, %add3A_77 : vector<512x1xf32>
    %broadcast_in_dim3A_117 = vector.shape_cast %div3A_116 : vector<512x1xf32> to vector<512x1xf32>
    %broadcast_in_dim3A_118 = vector.broadcast %broadcast_in_dim3A_117 : vector<512x1xf32> to vector<512x16xf32>
    %swap3A_119 = arith.constant 0 : index
    %swap3A_120 = arith.constant 0 : index
    %swap3A_121 = arith.constant 0 : index
    %swap3A_122 = vector.load %arg8[%swap3A_119, %swap3A_120, %swap3A_121] : memref<1x512x16xf32, #tpu.memory_space<vmem>>, vector<1x512x16xf32>
    %swap3A_123 = vector.shape_cast %swap3A_122 : vector<1x512x16xf32> to vector<512x16xf32>
    %swap3A_124 = vector.shape_cast %broadcast_in_dim3A_118 : vector<512x16xf32> to vector<1x512x16xf32>
    tpu.vector_store %arg8[%swap3A_119, %swap3A_120, %swap3A_121], %swap3A_124 {strides = array<i32>} : memref<1x512x16xf32, #tpu.memory_space<vmem>>, vector<1x512x16xf32>,
    return
  }
  func.func @transform_0(%arg0: i32, %arg1: i32) -> (i32, i32, i32) {
    %c0_i32 = arith.constant 0 : i32
    %c0_i32_0 = arith.constant 0 : i32
    return %arg0, %arg1, %c0_i32 : i32, i32, i32
  }
  func.func @transform_1(%arg0: i32, %arg1: i32) -> (i32, i32, i32) {
    %c0_i32 = arith.constant 0 : i32
    %c0_i32_0 = arith.constant 0 : i32
    %c0_i32_1 = arith.constant 0 : i32
    return %arg0, %c0_i32, %c0_i32_0 : i32, i32, i32
  }
  func.func @transform_2(%arg0: i32, %arg1: i32) -> (i32, i32, i32) {
    %c0_i32 = arith.constant 0 : i32
    %c0_i32_0 = arith.constant 0 : i32
    return %arg0, %arg1, %c0_i32 : i32, i32, i32
  }
  func.func @transform_3(%arg0: i32, %arg1: i32) -> (i32, i32, i32) {
    %c0_i32 = arith.constant 0 : i32
    %c0_i32_0 = arith.constant 0 : i32
    return %arg0, %arg1, %c0_i32 : i32, i32, i32
  }
  func.func @transform_4(%arg0: i32, %arg1: i32) -> (i32, i32, i32) {
    %c0_i32 = arith.constant 0 : i32
    %c0_i32_0 = arith.constant 0 : i32
    return %arg0, %arg1, %c0_i32 : i32, i32, i32
  }
  func.func @transform_5(%arg0: i32, %arg1: i32) -> (i32, i32, i32) {
    %c0_i32 = arith.constant 0 : i32
    %c0_i32_0 = arith.constant 0 : i32
    return %arg0, %arg1, %c0_i32 : i32, i32, i32
  }
  func.func @transform_6(%arg0: i32, %arg1: i32) -> (i32, i32, i32) {
    %c0_i32 = arith.constant 0 : i32
    %c0_i32_0 = arith.constant 0 : i32
    return %arg0, %arg1, %c0_i32 : i32, i32, i32
  }
}

module attributes {stable_mosaic.version = 14 : i64} {
  func.func @_transpose_body(%arg0: i32, %arg1: memref<1x512x1024xf32, #tpu.memory_space<vmem>>, %arg2: memref<1x1024x256xi32, #tpu.memory_space<vmem>>) attributes {dimension_semantics = [#tpu.dimension_semantics<arbitrary>], iteration_bounds = array<i64: 16>, scalar_prefetch = 0 : i64, scratch_operands = 0 : i64, tpu.core_type = #tpu.core_type<tc>, window_params = [{transform_indices = @transform_0, window_bounds = array<i64: 1, 512, 1024>}, {transform_indices = @transform_1, window_bounds = array<i64: 1, 1024, 256>}]} {
    %get3A = arith.constant 0 : index
    %get3A_0 = arith.constant 0 : index
    %get3A_1 = arith.constant 0 : index
    %get3A_2 = vector.load %arg1[%get3A, %get3A_0, %get3A_1] : memref<1x512x1024xf32, #tpu.memory_space<vmem>>, vector<1x512x1024xf32>
    %get3A_3 = vector.shape_cast %get3A_2 : vector<1x512x1024xf32> to vector<512x1024xf32>
    %transpose3A = tpu.transpose %get3A_3, [1, 0] : vector<512x1024xf32> -> vector<1024x512xf32>
    %slice3A = vector.extract_strided_slice %transpose3A {offsets = [0, 0], sizes = [1024, 256], strides = [1, 1]} : vector<1024x512xf32> to vector<1024x256xf32>
    %convert_element_type3A = arith.truncf %slice3A : vector<1024x256xf32> to vector<1024x256xbf16>
    %bitcast_convert_type3A = tpu.bitcast %convert_element_type3A : vector<1024x256xbf16> -> vector<1024x256xi16>
    %slice3A_4 = vector.extract_strided_slice %transpose3A {offsets = [0, 256], sizes = [1024, 256], strides = [1, 1]} : vector<1024x512xf32> to vector<1024x256xf32>
    %convert_element_type3A_5 = arith.truncf %slice3A_4 : vector<1024x256xf32> to vector<1024x256xbf16>
    %bitcast_convert_type3A_6 = tpu.bitcast %convert_element_type3A_5 : vector<1024x256xbf16> -> vector<1024x256xi16>
    %convert_element_type3A_7 = arith.extui %bitcast_convert_type3A : vector<1024x256xi16> to vector<1024x256xi32>
    %convert_element_type3A_8 = arith.extui %bitcast_convert_type3A_6 : vector<1024x256xi16> to vector<1024x256xi32>
    %shift_left3A = arith.constant 16 : i32
    %shift_left3A_9 = vector.broadcast %shift_left3A : i32 to vector<1024x256xi32>
    %shift_left3A_10 = arith.shli %convert_element_type3A_8, %shift_left3A_9 : vector<1024x256xi32>
    %or3A = arith.ori %convert_element_type3A_7, %shift_left3A_10 : vector<1024x256xi32>
    %bitcast_convert_type3A_11 = tpu.bitcast %or3A : vector<1024x256xi32> -> vector<1024x256xi32>
    %swap3A = arith.constant 0 : index
    %swap3A_12 = arith.constant 0 : index
    %swap3A_13 = arith.constant 0 : index
    %swap3A_14 = vector.load %arg2[%swap3A, %swap3A_12, %swap3A_13] : memref<1x1024x256xi32, #tpu.memory_space<vmem>>, vector<1x1024x256xi32>
    %swap3A_15 = vector.shape_cast %swap3A_14 : vector<1x1024x256xi32> to vector<1024x256xi32>
    %swap3A_16 = vector.shape_cast %bitcast_convert_type3A_11 : vector<1024x256xi32> to vector<1x1024x256xi32>
    tpu.vector_store %arg2[%swap3A, %swap3A_12, %swap3A_13], %swap3A_16 {strides = array<i32>} : memref<1x1024x256xi32, #tpu.memory_space<vmem>>, vector<1x1024x256xi32>,
    return
  }
  func.func @transform_0(%arg0: i32) -> (i32, i32, i32) {
    %c0_i32 = arith.constant 0 : i32
    %c0_i32_0 = arith.constant 0 : i32
    %c0_i32_1 = arith.constant 0 : i32
    return %arg0, %c0_i32, %c0_i32_0 : i32, i32, i32
  }
  func.func @transform_1(%arg0: i32) -> (i32, i32, i32) {
    %c0_i32 = arith.constant 0 : i32
    %c0_i32_0 = arith.constant 0 : i32
    %c0_i32_1 = arith.constant 0 : i32
    return %arg0, %c0_i32, %c0_i32_0 : i32, i32, i32
  }
}

module attributes {stable_mosaic.version = 14 : i64} {
  func.func @_mlp1_body(%arg0: i32, %arg1: i32, %arg2: memref<1x256x512xf32, #tpu.memory_space<vmem>>, %arg3: memref<1x512x256xi32, #tpu.memory_space<vmem>>, %arg4: memref<512x256xbf16, #tpu.memory_space<vmem>>, %arg5: memref<512x512xbf16, #tpu.memory_space<vmem>>, %arg6: memref<512x1xf32, #tpu.memory_space<vmem>>, %arg7: memref<1x512x512xf32, #tpu.memory_space<vmem>>, %arg8: memref<1x1x512x1xf32, #tpu.memory_space<vmem>>, %arg9: memref<1x1x512x1xf32, #tpu.memory_space<vmem>>) attributes {dimension_semantics = [#tpu.dimension_semantics<arbitrary>, #tpu.dimension_semantics<arbitrary>], iteration_bounds = array<i64: 16, 8>, scalar_prefetch = 0 : i64, scratch_operands = 0 : i64, tpu.core_type = #tpu.core_type<tc>, window_params = [{transform_indices = @transform_0, window_bounds = array<i64: 1, 256, 512>}, {transform_indices = @transform_1, window_bounds = array<i64: 1, 512, 256>}, {pipeline_mode = #tpu.pipeline_mode<synchronous>, transform_indices = @transform_2, window_bounds = array<i64: 512, 256>}, {pipeline_mode = #tpu.pipeline_mode<synchronous>, transform_indices = @transform_3, window_bounds = array<i64: 512, 512>}, {pipeline_mode = #tpu.pipeline_mode<synchronous>, transform_indices = @transform_4, window_bounds = array<i64: 512, 1>}, {transform_indices = @transform_5, window_bounds = array<i64: 1, 512, 512>}, {transform_indices = @transform_6, window_bounds = array<i64: 1, 1, 512, 1>}, {transform_indices = @transform_7, window_bounds = array<i64: 1, 1, 512, 1>}]} {
    %get3A = arith.constant 0 : index
    %get3A_0 = arith.constant 0 : index
    %get3A_1 = arith.constant 0 : index
    %get3A_2 = vector.load %arg2[%get3A, %get3A_0, %get3A_1] : memref<1x256x512xf32, #tpu.memory_space<vmem>>, vector<1x256x512xf32>
    %get3A_3 = vector.shape_cast %get3A_2 : vector<1x256x512xf32> to vector<256x512xf32>
    %convert_element_type3A = arith.truncf %get3A_3 : vector<256x512xf32> to vector<256x512xbf16>
    %get3A_4 = arith.constant 0 : index
    %get3A_5 = arith.constant 0 : index
    %get3A_6 = arith.constant 0 : index
    %get3A_7 = vector.load %arg3[%get3A_4, %get3A_5, %get3A_6] : memref<1x512x256xi32, #tpu.memory_space<vmem>>, vector<1x512x256xi32>
    %get3A_8 = vector.shape_cast %get3A_7 : vector<1x512x256xi32> to vector<512x256xi32>
    %bitcast_convert_type3A = tpu.bitcast %get3A_8 : vector<512x256xi32> -> vector<512x256xi32>
    %and3A = arith.constant 65535 : i32
    %and3A_9 = vector.broadcast %and3A : i32 to vector<512x256xi32>
    %and3A_10 = arith.andi %bitcast_convert_type3A, %and3A_9 : vector<512x256xi32>
    %convert_element_type3A_11 = arith.trunci %and3A_10 : vector<512x256xi32> to vector<512x256xi16>
    %bitcast_convert_type3A_12 = tpu.bitcast %convert_element_type3A_11 : vector<512x256xi16> -> vector<512x256xbf16>
    %shift_right_logical3A = arith.constant 16 : i32
    %shift_right_logical3A_13 = vector.broadcast %shift_right_logical3A : i32 to vector<512x256xi32>
    %shift_right_logical3A_14 = arith.shrui %bitcast_convert_type3A, %shift_right_logical3A_13 : vector<512x256xi32>
    %convert_element_type3A_15 = arith.trunci %shift_right_logical3A_14 : vector<512x256xi32> to vector<512x256xi16>
    %bitcast_convert_type3A_16 = tpu.bitcast %convert_element_type3A_15 : vector<512x256xi16> -> vector<512x256xbf16>
    %concatenate3A = tpu.concatenate %bitcast_convert_type3A_12, %bitcast_convert_type3A_16 in 1 : vector<512x256xbf16>, vector<512x256xbf16> -> vector<512x512xbf16>
    %get3A_17 = arith.constant 0 : index
    %get3A_18 = arith.constant 0 : index
    %get3A_19 = vector.load %arg4[%get3A_17, %get3A_18] : memref<512x256xbf16, #tpu.memory_space<vmem>>, vector<512x256xbf16>
    %dot_general3A = arith.constant dense<0.000000e+00> : vector<512x512xf32>
    %dot_general3A_20 = tpu.matmul %get3A_19, %convert_element_type3A, %dot_general3A {dimension_numbers = #tpu.dot_dimension_numbers<[1], [0], [0], [1], [0, 0, 1, 1], [], []>, transpose_lhs_hint = false} : vector<512x256xbf16>, vector<256x512xbf16>, vector<512x512xf32> -> vector<512x512xf32>
    %get3A_21 = arith.constant 0 : index
    %get3A_22 = arith.constant 0 : index
    %get3A_23 = vector.load %arg5[%get3A_21, %get3A_22] : memref<512x512xbf16, #tpu.memory_space<vmem>>, vector<512x512xbf16>
    %dot_general3A_24 = arith.constant dense<0.000000e+00> : vector<512x512xf32>
    %dot_general3A_25 = tpu.matmul %get3A_23, %concatenate3A, %dot_general3A_24 {dimension_numbers = #tpu.dot_dimension_numbers<[1], [1], [0], [0], [0, 0, 1, 0], [], []>, transpose_lhs_hint = false} : vector<512x512xbf16>, vector<512x512xbf16>, vector<512x512xf32> -> vector<512x512xf32>
    %add3A = arith.addf %dot_general3A_20, %dot_general3A_25 : vector<512x512xf32>
    %get3A_26 = arith.constant 0 : index
    %get3A_27 = arith.constant 0 : index
    %get3A_28 = vector.load %arg6[%get3A_26, %get3A_27] : memref<512x1xf32, #tpu.memory_space<vmem>>, vector<512x1xf32>
    %add3A_29 = vector.broadcast %get3A_28 : vector<512x1xf32> to vector<512x512xf32>
    %add3A_30 = arith.addf %add3A, %add3A_29 : vector<512x512xf32>
    %swap3A = arith.constant 0 : index
    %swap3A_31 = arith.constant 0 : index
    %swap3A_32 = arith.constant 0 : index
    %swap3A_33 = vector.load %arg7[%swap3A, %swap3A_31, %swap3A_32] : memref<1x512x512xf32, #tpu.memory_space<vmem>>, vector<1x512x512xf32>
    %swap3A_34 = vector.shape_cast %swap3A_33 : vector<1x512x512xf32> to vector<512x512xf32>
    %swap3A_35 = vector.shape_cast %add3A_30 : vector<512x512xf32> to vector<1x512x512xf32>
    tpu.vector_store %arg7[%swap3A, %swap3A_31, %swap3A_32], %swap3A_35 {strides = array<i32>} : memref<1x512x512xf32, #tpu.memory_space<vmem>>, vector<1x512x512xf32>,
    %reduce_sum3A = arith.constant dense<0.000000e+00> : vector<512xf32>
    %reduce_sum3A_36 = vector.multi_reduction <add>, %add3A_30, %reduce_sum3A [1] : vector<512x512xf32> to vector<512xf32>
    %broadcast_in_dim3A = vector.shape_cast %reduce_sum3A_36 : vector<512xf32> to vector<512x1xf32>
    %swap3A_37 = arith.constant 0 : index
    %swap3A_38 = arith.constant 0 : index
    %swap3A_39 = arith.constant 0 : index
    %swap3A_40 = arith.constant 0 : index
    %swap3A_41 = vector.load %arg8[%swap3A_37, %swap3A_38, %swap3A_39, %swap3A_40] : memref<1x1x512x1xf32, #tpu.memory_space<vmem>>, vector<1x1x512x1xf32>
    %swap3A_42 = vector.shape_cast %swap3A_41 : vector<1x1x512x1xf32> to vector<512x1xf32>
    %swap3A_43 = vector.shape_cast %broadcast_in_dim3A : vector<512x1xf32> to vector<1x1x512x1xf32>
    tpu.vector_store %arg8[%swap3A_37, %swap3A_38, %swap3A_39, %swap3A_40], %swap3A_43 {strides = array<i32>} : memref<1x1x512x1xf32, #tpu.memory_space<vmem>>, vector<1x1x512x1xf32>,
    %mul3A = arith.mulf %add3A_30, %add3A_30 : vector<512x512xf32>
    %reduce_sum3A_44 = arith.constant dense<0.000000e+00> : vector<512xf32>
    %reduce_sum3A_45 = vector.multi_reduction <add>, %mul3A, %reduce_sum3A_44 [1] : vector<512x512xf32> to vector<512xf32>
    %broadcast_in_dim3A_46 = vector.shape_cast %reduce_sum3A_45 : vector<512xf32> to vector<512x1xf32>
    %swap3A_47 = arith.constant 0 : index
    %swap3A_48 = arith.constant 0 : index
    %swap3A_49 = arith.constant 0 : index
    %swap3A_50 = arith.constant 0 : index
    %swap3A_51 = vector.load %arg9[%swap3A_47, %swap3A_48, %swap3A_49, %swap3A_50] : memref<1x1x512x1xf32, #tpu.memory_space<vmem>>, vector<1x1x512x1xf32>
    %swap3A_52 = vector.shape_cast %swap3A_51 : vector<1x1x512x1xf32> to vector<512x1xf32>
    %swap3A_53 = vector.shape_cast %broadcast_in_dim3A_46 : vector<512x1xf32> to vector<1x1x512x1xf32>
    tpu.vector_store %arg9[%swap3A_47, %swap3A_48, %swap3A_49, %swap3A_50], %swap3A_53 {strides = array<i32>} : memref<1x1x512x1xf32, #tpu.memory_space<vmem>>, vector<1x1x512x1xf32>,
    return
  }
  func.func @transform_0(%arg0: i32, %arg1: i32) -> (i32, i32, i32) {
    %c0_i32 = arith.constant 0 : i32
    %c0_i32_0 = arith.constant 0 : i32
    return %arg0, %c0_i32, %arg1 : i32, i32, i32
  }
  func.func @transform_1(%arg0: i32, %arg1: i32) -> (i32, i32, i32) {
    %c0_i32 = arith.constant 0 : i32
    %c0_i32_0 = arith.constant 0 : i32
    return %arg0, %arg1, %c0_i32 : i32, i32, i32
  }
  func.func @transform_2(%arg0: i32, %arg1: i32) -> (i32, i32) {
    %c0_i32 = arith.constant 0 : i32
    %c0_i32_0 = arith.constant 0 : i32
    %c0_i32_1 = arith.constant 0 : i32
    return %c0_i32, %c0_i32_0 : i32, i32
  }
  func.func @transform_3(%arg0: i32, %arg1: i32) -> (i32, i32) {
    %c0_i32 = arith.constant 0 : i32
    %c0_i32_0 = arith.constant 0 : i32
    %c0_i32_1 = arith.constant 0 : i32
    return %c0_i32, %c0_i32_0 : i32, i32
  }
  func.func @transform_4(%arg0: i32, %arg1: i32) -> (i32, i32) {
    %c0_i32 = arith.constant 0 : i32
    %c0_i32_0 = arith.constant 0 : i32
    %c0_i32_1 = arith.constant 0 : i32
    return %c0_i32, %c0_i32_0 : i32, i32
  }
  func.func @transform_5(%arg0: i32, %arg1: i32) -> (i32, i32, i32) {
    %c0_i32 = arith.constant 0 : i32
    %c0_i32_0 = arith.constant 0 : i32
    return %arg0, %c0_i32, %arg1 : i32, i32, i32
  }
  func.func @transform_6(%arg0: i32, %arg1: i32) -> (i32, i32, i32, i32) {
    %c0_i32 = arith.constant 0 : i32
    %c0_i32_0 = arith.constant 0 : i32
    %c0_i32_1 = arith.constant 0 : i32
    return %arg0, %arg1, %c0_i32, %c0_i32_0 : i32, i32, i32, i32
  }
  func.func @transform_7(%arg0: i32, %arg1: i32) -> (i32, i32, i32, i32) {
    %c0_i32 = arith.constant 0 : i32
    %c0_i32_0 = arith.constant 0 : i32
    %c0_i32_1 = arith.constant 0 : i32
    return %arg0, %arg1, %c0_i32, %c0_i32_0 : i32, i32, i32, i32
  }
}

module attributes {stable_mosaic.version = 14 : i64} {
  func.func @_mlp2_body(%arg0: i32, %arg1: i32, %arg2: memref<1x512x512xf32, #tpu.memory_space<vmem>>, %arg3: memref<512x1xf32, #tpu.memory_space<vmem>>, %arg4: memref<512x1xf32, #tpu.memory_space<vmem>>, %arg5: memref<512x512xbf16, #tpu.memory_space<vmem>>, %arg6: memref<512x1xf32, #tpu.memory_space<vmem>>, %arg7: memref<1x512x512xf32, #tpu.memory_space<vmem>>, %arg8: memref<1x1x512x1xf32, #tpu.memory_space<vmem>>, %arg9: memref<1x1x512x1xf32, #tpu.memory_space<vmem>>) attributes {dimension_semantics = [#tpu.dimension_semantics<arbitrary>, #tpu.dimension_semantics<arbitrary>], iteration_bounds = array<i64: 16, 8>, scalar_prefetch = 0 : i64, scratch_operands = 0 : i64, tpu.core_type = #tpu.core_type<tc>, window_params = [{transform_indices = @transform_0, window_bounds = array<i64: 1, 512, 512>}, {pipeline_mode = #tpu.pipeline_mode<synchronous>, transform_indices = @transform_1, window_bounds = array<i64: 512, 1>}, {pipeline_mode = #tpu.pipeline_mode<synchronous>, transform_indices = @transform_2, window_bounds = array<i64: 512, 1>}, {pipeline_mode = #tpu.pipeline_mode<synchronous>, transform_indices = @transform_3, window_bounds = array<i64: 512, 512>}, {pipeline_mode = #tpu.pipeline_mode<synchronous>, transform_indices = @transform_4, window_bounds = array<i64: 512, 1>}, {transform_indices = @transform_5, window_bounds = array<i64: 1, 512, 512>}, {transform_indices = @transform_6, window_bounds = array<i64: 1, 1, 512, 1>}, {transform_indices = @transform_7, window_bounds = array<i64: 1, 1, 512, 1>}]} {
    %get3A = arith.constant 0 : index
    %get3A_0 = arith.constant 0 : index
    %get3A_1 = arith.constant 0 : index
    %get3A_2 = vector.load %arg2[%get3A, %get3A_0, %get3A_1] : memref<1x512x512xf32, #tpu.memory_space<vmem>>, vector<1x512x512xf32>
    %get3A_3 = vector.shape_cast %get3A_2 : vector<1x512x512xf32> to vector<512x512xf32>
    %get3A_4 = arith.constant 0 : index
    %get3A_5 = arith.constant 0 : index
    %get3A_6 = vector.load %arg3[%get3A_4, %get3A_5] : memref<512x1xf32, #tpu.memory_space<vmem>>, vector<512x1xf32>
    %mul3A = vector.broadcast %get3A_6 : vector<512x1xf32> to vector<512x512xf32>
    %mul3A_7 = arith.mulf %get3A_3, %mul3A : vector<512x512xf32>
    %get3A_8 = arith.constant 0 : index
    %get3A_9 = arith.constant 0 : index
    %get3A_10 = vector.load %arg4[%get3A_8, %get3A_9] : memref<512x1xf32, #tpu.memory_space<vmem>>, vector<512x1xf32>
    %add3A = vector.broadcast %get3A_10 : vector<512x1xf32> to vector<512x512xf32>
    %add3A_11 = arith.addf %mul3A_7, %add3A : vector<512x512xf32>
    %max3A = arith.constant 0.000000e+00 : f32
    %max3A_12 = vector.broadcast %max3A : f32 to vector<512x512xf32>
    %max3A_13 = arith.maximumf %add3A_11, %max3A_12 : vector<512x512xf32>
    %get3A_14 = arith.constant 0 : index
    %get3A_15 = arith.constant 0 : index
    %get3A_16 = vector.load %arg5[%get3A_14, %get3A_15] : memref<512x512xbf16, #tpu.memory_space<vmem>>, vector<512x512xbf16>
    %convert_element_type3A = arith.truncf %max3A_13 : vector<512x512xf32> to vector<512x512xbf16>
    %dot_general3A = arith.constant dense<0.000000e+00> : vector<512x512xf32>
    %dot_general3A_17 = tpu.matmul %get3A_16, %convert_element_type3A, %dot_general3A {dimension_numbers = #tpu.dot_dimension_numbers<[1], [0], [0], [1], [0, 0, 1, 1], [], []>, transpose_lhs_hint = false} : vector<512x512xbf16>, vector<512x512xbf16>, vector<512x512xf32> -> vector<512x512xf32>
    %get3A_18 = arith.constant 0 : index
    %get3A_19 = arith.constant 0 : index
    %get3A_20 = vector.load %arg6[%get3A_18, %get3A_19] : memref<512x1xf32, #tpu.memory_space<vmem>>, vector<512x1xf32>
    %add3A_21 = vector.broadcast %get3A_20 : vector<512x1xf32> to vector<512x512xf32>
    %add3A_22 = arith.addf %dot_general3A_17, %add3A_21 : vector<512x512xf32>
    %swap3A = arith.constant 0 : index
    %swap3A_23 = arith.constant 0 : index
    %swap3A_24 = arith.constant 0 : index
    %swap3A_25 = vector.load %arg7[%swap3A, %swap3A_23, %swap3A_24] : memref<1x512x512xf32, #tpu.memory_space<vmem>>, vector<1x512x512xf32>
    %swap3A_26 = vector.shape_cast %swap3A_25 : vector<1x512x512xf32> to vector<512x512xf32>
    %swap3A_27 = vector.shape_cast %add3A_22 : vector<512x512xf32> to vector<1x512x512xf32>
    tpu.vector_store %arg7[%swap3A, %swap3A_23, %swap3A_24], %swap3A_27 {strides = array<i32>} : memref<1x512x512xf32, #tpu.memory_space<vmem>>, vector<1x512x512xf32>,
    %reduce_sum3A = arith.constant dense<0.000000e+00> : vector<512xf32>
    %reduce_sum3A_28 = vector.multi_reduction <add>, %add3A_22, %reduce_sum3A [1] : vector<512x512xf32> to vector<512xf32>
    %broadcast_in_dim3A = vector.shape_cast %reduce_sum3A_28 : vector<512xf32> to vector<512x1xf32>
    %swap3A_29 = arith.constant 0 : index
    %swap3A_30 = arith.constant 0 : index
    %swap3A_31 = arith.constant 0 : index
    %swap3A_32 = arith.constant 0 : index
    %swap3A_33 = vector.load %arg8[%swap3A_29, %swap3A_30, %swap3A_31, %swap3A_32] : memref<1x1x512x1xf32, #tpu.memory_space<vmem>>, vector<1x1x512x1xf32>
    %swap3A_34 = vector.shape_cast %swap3A_33 : vector<1x1x512x1xf32> to vector<512x1xf32>
    %swap3A_35 = vector.shape_cast %broadcast_in_dim3A : vector<512x1xf32> to vector<1x1x512x1xf32>
    tpu.vector_store %arg8[%swap3A_29, %swap3A_30, %swap3A_31, %swap3A_32], %swap3A_35 {strides = array<i32>} : memref<1x1x512x1xf32, #tpu.memory_space<vmem>>, vector<1x1x512x1xf32>,
    %mul3A_36 = arith.mulf %add3A_22, %add3A_22 : vector<512x512xf32>
    %reduce_sum3A_37 = arith.constant dense<0.000000e+00> : vector<512xf32>
    %reduce_sum3A_38 = vector.multi_reduction <add>, %mul3A_36, %reduce_sum3A_37 [1] : vector<512x512xf32> to vector<512xf32>
    %broadcast_in_dim3A_39 = vector.shape_cast %reduce_sum3A_38 : vector<512xf32> to vector<512x1xf32>
    %swap3A_40 = arith.constant 0 : index
    %swap3A_41 = arith.constant 0 : index
    %swap3A_42 = arith.constant 0 : index
    %swap3A_43 = arith.constant 0 : index
    %swap3A_44 = vector.load %arg9[%swap3A_40, %swap3A_41, %swap3A_42, %swap3A_43] : memref<1x1x512x1xf32, #tpu.memory_space<vmem>>, vector<1x1x512x1xf32>
    %swap3A_45 = vector.shape_cast %swap3A_44 : vector<1x1x512x1xf32> to vector<512x1xf32>
    %swap3A_46 = vector.shape_cast %broadcast_in_dim3A_39 : vector<512x1xf32> to vector<1x1x512x1xf32>
    tpu.vector_store %arg9[%swap3A_40, %swap3A_41, %swap3A_42, %swap3A_43], %swap3A_46 {strides = array<i32>} : memref<1x1x512x1xf32, #tpu.memory_space<vmem>>, vector<1x1x512x1xf32>,
    return
  }
  func.func @transform_0(%arg0: i32, %arg1: i32) -> (i32, i32, i32) {
    %c0_i32 = arith.constant 0 : i32
    %c0_i32_0 = arith.constant 0 : i32
    return %arg0, %c0_i32, %arg1 : i32, i32, i32
  }
  func.func @transform_1(%arg0: i32, %arg1: i32) -> (i32, i32) {
    %c0_i32 = arith.constant 0 : i32
    %c0_i32_0 = arith.constant 0 : i32
    %c0_i32_1 = arith.constant 0 : i32
    return %c0_i32, %c0_i32_0 : i32, i32
  }
  func.func @transform_2(%arg0: i32, %arg1: i32) -> (i32, i32) {
    %c0_i32 = arith.constant 0 : i32
    %c0_i32_0 = arith.constant 0 : i32
    %c0_i32_1 = arith.constant 0 : i32
    return %c0_i32, %c0_i32_0 : i32, i32
  }
  func.func @transform_3(%arg0: i32, %arg1: i32) -> (i32, i32) {
    %c0_i32 = arith.constant 0 : i32
    %c0_i32_0 = arith.constant 0 : i32
    %c0_i32_1 = arith.constant 0 : i32
    return %c0_i32, %c0_i32_0 : i32, i32
  }
  func.func @transform_4(%arg0: i32, %arg1: i32) -> (i32, i32) {
    %c0_i32 = arith.constant 0 : i32
    %c0_i32_0 = arith.constant 0 : i32
    %c0_i32_1 = arith.constant 0 : i32
    return %c0_i32, %c0_i32_0 : i32, i32
  }
  func.func @transform_5(%arg0: i32, %arg1: i32) -> (i32, i32, i32) {
    %c0_i32 = arith.constant 0 : i32
    %c0_i32_0 = arith.constant 0 : i32
    return %arg0, %c0_i32, %arg1 : i32, i32, i32
  }
  func.func @transform_6(%arg0: i32, %arg1: i32) -> (i32, i32, i32, i32) {
    %c0_i32 = arith.constant 0 : i32
    %c0_i32_0 = arith.constant 0 : i32
    %c0_i32_1 = arith.constant 0 : i32
    return %arg0, %arg1, %c0_i32, %c0_i32_0 : i32, i32, i32, i32
  }
  func.func @transform_7(%arg0: i32, %arg1: i32) -> (i32, i32, i32, i32) {
    %c0_i32 = arith.constant 0 : i32
    %c0_i32_0 = arith.constant 0 : i32
    %c0_i32_1 = arith.constant 0 : i32
    return %arg0, %arg1, %c0_i32, %c0_i32_0 : i32, i32, i32, i32
  }
}

module attributes {stable_mosaic.version = 14 : i64} {
  func.func @_finish_body(%arg0: i32, %arg1: i32, %arg2: memref<1x512x512xf32, #tpu.memory_space<vmem>>, %arg3: memref<512x1xf32, #tpu.memory_space<vmem>>, %arg4: memref<512x1xf32, #tpu.memory_space<vmem>>, %arg5: memref<1x512x512xf32, #tpu.memory_space<vmem>>) attributes {dimension_semantics = [#tpu.dimension_semantics<arbitrary>, #tpu.dimension_semantics<arbitrary>], iteration_bounds = array<i64: 16, 8>, scalar_prefetch = 0 : i64, scratch_operands = 0 : i64, tpu.core_type = #tpu.core_type<tc>, window_params = [{transform_indices = @transform_0, window_bounds = array<i64: 1, 512, 512>}, {pipeline_mode = #tpu.pipeline_mode<synchronous>, transform_indices = @transform_1, window_bounds = array<i64: 512, 1>}, {pipeline_mode = #tpu.pipeline_mode<synchronous>, transform_indices = @transform_2, window_bounds = array<i64: 512, 1>}, {transform_indices = @transform_3, window_bounds = array<i64: 1, 512, 512>}]} {
    %get3A = arith.constant 0 : index
    %get3A_0 = arith.constant 0 : index
    %get3A_1 = arith.constant 0 : index
    %get3A_2 = vector.load %arg2[%get3A, %get3A_0, %get3A_1] : memref<1x512x512xf32, #tpu.memory_space<vmem>>, vector<1x512x512xf32>
    %get3A_3 = vector.shape_cast %get3A_2 : vector<1x512x512xf32> to vector<512x512xf32>
    %get3A_4 = arith.constant 0 : index
    %get3A_5 = arith.constant 0 : index
    %get3A_6 = vector.load %arg3[%get3A_4, %get3A_5] : memref<512x1xf32, #tpu.memory_space<vmem>>, vector<512x1xf32>
    %mul3A = vector.broadcast %get3A_6 : vector<512x1xf32> to vector<512x512xf32>
    %mul3A_7 = arith.mulf %get3A_3, %mul3A : vector<512x512xf32>
    %get3A_8 = arith.constant 0 : index
    %get3A_9 = arith.constant 0 : index
    %get3A_10 = vector.load %arg4[%get3A_8, %get3A_9] : memref<512x1xf32, #tpu.memory_space<vmem>>, vector<512x1xf32>
    %add3A = vector.broadcast %get3A_10 : vector<512x1xf32> to vector<512x512xf32>
    %add3A_11 = arith.addf %mul3A_7, %add3A : vector<512x512xf32>
    %max3A = arith.constant 0.000000e+00 : f32
    %max3A_12 = vector.broadcast %max3A : f32 to vector<512x512xf32>
    %max3A_13 = arith.maximumf %add3A_11, %max3A_12 : vector<512x512xf32>
    %swap3A = arith.constant 0 : index
    %swap3A_14 = arith.constant 0 : index
    %swap3A_15 = arith.constant 0 : index
    %swap3A_16 = vector.load %arg5[%swap3A, %swap3A_14, %swap3A_15] : memref<1x512x512xf32, #tpu.memory_space<vmem>>, vector<1x512x512xf32>
    %swap3A_17 = vector.shape_cast %swap3A_16 : vector<1x512x512xf32> to vector<512x512xf32>
    %swap3A_18 = vector.shape_cast %max3A_13 : vector<512x512xf32> to vector<1x512x512xf32>
    tpu.vector_store %arg5[%swap3A, %swap3A_14, %swap3A_15], %swap3A_18 {strides = array<i32>} : memref<1x512x512xf32, #tpu.memory_space<vmem>>, vector<1x512x512xf32>,
    return
  }
  func.func @transform_0(%arg0: i32, %arg1: i32) -> (i32, i32, i32) {
    %c0_i32 = arith.constant 0 : i32
    %c0_i32_0 = arith.constant 0 : i32
    return %arg0, %c0_i32, %arg1 : i32, i32, i32
  }
  func.func @transform_1(%arg0: i32, %arg1: i32) -> (i32, i32) {
    %c0_i32 = arith.constant 0 : i32
    %c0_i32_0 = arith.constant 0 : i32
    %c0_i32_1 = arith.constant 0 : i32
    return %c0_i32, %c0_i32_0 : i32, i32
  }
  func.func @transform_2(%arg0: i32, %arg1: i32) -> (i32, i32) {
    %c0_i32 = arith.constant 0 : i32
    %c0_i32_0 = arith.constant 0 : i32
    %c0_i32_1 = arith.constant 0 : i32
    return %c0_i32, %c0_i32_0 : i32, i32
  }
  func.func @transform_3(%arg0: i32, %arg1: i32) -> (i32, i32, i32) {
    %c0_i32 = arith.constant 0 : i32
    %c0_i32_0 = arith.constant 0 : i32
    return %arg0, %c0_i32, %arg1 : i32, i32, i32
  }
}

</mosaic_0001>

<sc_bundles>
// kernel: kernel.8.cloned.1.call-start
scs
__scs_entry_jumppad:
0x0: {  	(pc) =	sbr.rel $0x88, $3  }
0x1: {  	(tag) =	ssettag $0x0;
	lr =	simm.s32 $0x1  }
0x2: {  	[smem:$0x3F95] =	sst lr;
	_ =	strace $0xD0000000  }
0x3: {  	_ = 	snop  }
0x4: {  	_ = 	snop  }
0x5: {  	_ = 	snop  }
0x6: {  	_ = 	snop  }
0x7: {  	_ = 	snop  }
__scs_overlays_trampoline_lowered:
0x8: {  	[smem:$0x3FA4] =	sst s0  }
0x9: {  	[smem:$0x3FA5] =	sst s1  }
0xa: {  	[smem:$0x3FA6] =	sst s2  }
0xb: {  	[smem:$0x3FA7] =	sst s3  }
0xc: {  	[smem:$0x3FA8] =	sst s4  }
0xd: {  	[smem:$0x3FA9] =	sst s5  }
0xe: {  	[smem:$0x3FAA] =	sst s6  }
0xf: {  	[smem:$0x3FAB] =	sst s7  }
0x10: {  	[smem:$0x3FAC] =	sst s8  }
0x11: {  	[smem:$0x3FAD] =	sst s9;
	s0 =	simm.s32 @!p0 $0x0  }
0x12: {  	s1 =	sld [smem:$0x3F93];
	s0 =	simm.s32 @p0 $0x1  }
0x13: {  	[smem:$0x3FAE] =	sst s0;
	s0 =	simm.s32 @!p1 $0x0  }
0x14: {  	s2 =	sld [smem:$0x3F92];
	s0 =	simm.s32 @p1 $0x1  }
0x15: {  	[smem:$0x3FAF] =	sst s0;
	s0 =	simm.s32 @!p2 $0x0  }
0x16: {  	s3 =	sld [smem:$0x3FDB];
	s0 =	simm.s32 @p2 $0x1  }
0x17: {  	s4 =	simm.s32 $0x1BF5;
	[smem:$0x3FB1] =	sst s0  }
0x18: {  	s0 =	sld [smem:$0x3F94];
	_ =	swait.ge [sflag:s4], $0x0  }
0x19: {  	s7 =	sld [smem:$0x3F95]  }
0x1a: {  	s8 =	sadd.s32 $0xFFFFE003, lr  }
0x1b: {  	s9 =	sadd.s32 $0xFFFFFEF7, lr;
	s5 =	simm.s32 $0xFFFFFFFF;
	p2 =	slt.u32 s8, $0xFFFFF086  }
0x1c: {  	p1 =	slt.u32 s9, $0xF7A;
	s5 =	simm.s32 @!p2 $0x0  }
0x1d: {  	s5 =	simm.s32 @p1 $0x1;
	p0 =	seq.s32 s7, s2  }
0x1e: {  	s7 =	smul.u32 @!p0 $0xF7A, s2;
	p2 =	seq.s32 @!p0 s5, $0x0  }
0x1f: {  	s9 =	smul.u32 $0xF7A, s1;
	s8 =	simm.s32 @!p0 $0x1BF5;
	p2 =	por !p2, p0  }
0x20: {  	[sflag:s8] =	ssyncset.s32 @!p0 $0xFFFFF086;
	s6 =	sadd.s32 @!p0 s3, s7;
	s7 =	simm.s32 @!p0 $0x108  }
0x21: {  	s3 =	sadd.s32 s3, s9;
	s6 =	sadd.s32 @!p0 $0x88, s6;
	s7 =	simm.s32 @p2 $0x1082  }
0x22: {  	[simem:s7], [sflag:s8] =	dma.local @!p0 [hbm:s6], $0xF7A  }
0x23: {  	s9 =	sor.u32 $0xD0000000, s2;
	s6 =	simm.s32 $0x108;
	_ =	swait.ge @!p0 [sflag:s8], $0x0  }
0x24: {  	s3 =	sadd.s32 $0x88, s3;
	s6 =	simm.s32 @!p1 $0x1082;
	[sflag:s4] =	ssyncset.s32 $0xFFFFF086  }
0x25: {  	[simem:s6], [sflag:s4] =	dma.local [hbm:s3], $0xF7A  }
0x26: {  	[smem:$0x3F95] =	sst s1;
	(tag) =	ssettag s2;
	_ =	strace s9  }
0x27: {  	s1 =	sld [smem:$0x3FA5]  }
0x28: {  	s2 =	sld [smem:$0x3FA6]  }
0x29: {  	s4 =	sld [smem:$0x3FA8]  }
0x2a: {  	p0 =	seq.s32 s5, $0x0;
	s5 =	sld [smem:$0x3FA9]  }
0x2b: {  	s6 =	sld [smem:$0x3FAA]  }
0x2c: {  	s7 =	sld [smem:$0x3FAB]  }
0x2d: {  	s3 =	simm.s32 $0x108;
	s8 =	sld [smem:$0x3FAC]  }
0x2e: {  	s3 =	simm.s32 @!p0 $0x1082;
	s9 =	sld [smem:$0x3FAD]  }
0x2f: {  	lr =	sadd.s32 s0, s3;
	s0 =	sld [smem:$0x3FA4]  }
0x30: {  	s3 =	sld [smem:$0x3FA7]  }
0x31: {  	[smem:$0x3FB0] =	sst s10  }
0x32: {  	s10 =	sld [smem:$0x3FAE];
	_ =	sdelay $0x3  }
0x33: {  	p0 =	seq.s32 s10, $0x1;
	s10 =	sld [smem:$0x3FB0];
	_ =	sdelay $0x3  }
0x34: {  	[smem:$0x3FB0] =	sst s10  }
0x35: {  	s10 =	sld [smem:$0x3FAF];
	_ =	sdelay $0x3  }
0x36: {  	p1 =	seq.s32 s10, $0x1;
	s10 =	sld [smem:$0x3FB0];
	_ =	sdelay $0x3  }
0x37: {  	[smem:$0x3FB0] =	sst s10  }
0x38: {  	s10 =	sld [smem:$0x3FB1]  }
0x39: {  	_ = 	snop;
	(pc) =	sbr.ind lr, $3  }
0x3a: {  	_ = 	snop  }
0x3b: {  	_ = 	snop  }
0x3c: {  	p2 =	seq.s32 s10, $0x1;
	s10 =	sld [smem:$0x3FB0]  }
0x3d: {  	_ =	shalt  }
0x3e: {  	_ =	shalt  }
0x3f: {  	_ =	shalt  }
0x40: {  	_ =	shalt  }
0x41: {  	_ =	shalt  }
0x42: {  	_ =	shalt  }
0x43: {  	_ =	shalt  }
0x44: {  	_ =	shalt  }
0x45: {  	_ =	shalt  }
0x46: {  	_ =	shalt  }
0x47: {  	_ =	shalt  }
0x48: {  	_ =	shalt  }
0x49: {  	_ =	shalt  }
0x4a: {  	_ =	shalt  }
0x4b: {  	_ =	shalt  }
0x4c: {  	_ =	shalt  }
0x4d: {  	_ =	shalt  }
0x4e: {  	_ =	shalt  }
0x4f: {  	_ =	shalt  }
0x50: {  	_ =	shalt  }
0x51: {  	_ =	shalt  }
0x52: {  	_ =	shalt  }
0x53: {  	_ =	shalt  }
0x54: {  	_ =	shalt  }
0x55: {  	_ =	shalt  }
0x56: {  	_ =	shalt  }
0x57: {  	_ =	shalt  }
0x58: {  	_ =	shalt  }
0x59: {  	_ =	shalt  }
0x5a: {  	_ =	shalt  }
0x5b: {  	_ =	shalt  }
0x5c: {  	_ =	shalt  }
0x5d: {  	_ =	shalt  }
0x5e: {  	_ =	shalt  }
0x5f: {  	_ =	shalt  }
0x60: {  	_ =	shalt  }
0x61: {  	_ =	shalt  }
0x62: {  	_ =	shalt  }
0x63: {  	_ =	shalt  }
0x64: {  	_ =	shalt  }
0x65: {  	_ =	shalt  }
0x66: {  	_ =	shalt  }
0x67: {  	_ =	shalt  }
0x68: {  	_ =	shalt  }
0x69: {  	_ =	shalt  }
0x6a: {  	_ =	shalt  }
0x6b: {  	_ =	shalt  }
0x6c: {  	_ =	shalt  }
0x6d: {  	_ =	shalt  }
0x6e: {  	_ =	shalt  }
0x6f: {  	_ =	shalt  }
0x70: {  	_ =	shalt  }
0x71: {  	_ =	shalt  }
0x72: {  	_ =	shalt  }
0x73: {  	_ =	shalt  }
0x74: {  	_ =	shalt  }
0x75: {  	_ =	shalt  }
0x76: {  	_ =	shalt  }
0x77: {  	_ =	shalt  }
0x78: {  	_ =	shalt  }
0x79: {  	_ =	shalt  }
0x7a: {  	_ =	shalt  }
0x7b: {  	_ =	shalt  }
0x7c: {  	_ =	shalt  }
0x7d: {  	_ =	shalt  }
0x7e: {  	_ =	shalt  }
0x7f: {  	_ =	shalt  }
0x80: {  	_ =	shalt  }
0x81: {  	_ =	shalt  }
0x82: {  	_ =	shalt  }
0x83: {  	_ =	shalt  }
0x84: {  	_ =	shalt  }
0x85: {  	_ =	shalt  }
0x86: {  	_ =	shalt  }
0x87: {  	_ =	shalt  }
.Lfunc_end0:
.L_simem_size_0:
called_computation_lowered:
.L_overlay_start_0:
0x88: {  	s2 =	sld [smem:$0x3FD9]  }
0x89: {  	s3 =	sld [smem:$0x3FFE];
	_ =	sdelay $0x1  }
0x8a: {  	s1 =	srdreg.scid  }
0x8b: {  	s0 =	sand.u32 $0x1, s1  }
0x8c: {  	s17 =	sshll.u32 s0, $0xA;
	s2 =	sadd.s32 s3, s2  }
0x8d: {  	s2 =	sadd.s32 s2, s17  }
0x8e: {  	[smem:$0x3FBC] =	sst s2  }
0x8f: {  	_ = 	snop  }
0x90: {  	s2 =	sld [smem:$0x3FD0];
	(tm) =	ssettm $0x1  }
0x91: {  	s18 =	sld [smem:$0x3FFB];
	_ =	sdelay $0x3  }
0x92: {  	_ =	strace s18  }
0x93: {  	s3 =	sld [smem:$0x3FFC];
	_ =	sdelay $0x3  }
0x94: {  	_ =	strace s3  }
0x95: {  	s3 =	sld [smem:$0x3FFD];
	_ =	sdelay $0x3  }
0x96: {  	_ =	strace s3  }
0x97: {  	_ =	strace $0x8FFFFFFF  }
0x98: {  	s19 =	sld [smem:$0x3FDB];
	_ =	sdelay $0x1  }
0x99: {  	s4 =	simm.s32 $_scs_section_size  }
0x9a: {  	s5 =	simm.s32 $_size__tile_overlayer_lowered;
	s6 =	simm.s32 $_tile_overlayer_lowered  }
0x9b: {  	s22 =	simm.s32 $0x1BFF;
	s21 =	sshll.u32 s6, $0x1;
	s3 =	sadd.s32 s4, s19  }
0x9c: {  	s7 =	simm.s32 $0x0;
	s20 =	sshll.u32 s5, $0x1;
	s5 =	sadd.s32 s21, s3  }
0x9d: {  	[timem:s7], [sflag:s22] =	dma.local [hbm:s5], s20  }
0x9e: {  	_ =	swait.ge [sflag:s22], s20  }
0x9f: {  	s4 =	ssub.s32 $0x0, s20;
	[sflag:s22] =	ssyncset.done $0x0  }
0xa0: {  	[sflag:s22] =	ssyncadd.s32 s4;
	_ =	sdelay $0x1  }
0xa1: {  	s23 =	simm.s32 $0x1B8B  }
0xa2: {  	_ =	swait.ge [sflag:s23], $0x1  }
0xa3: {  	[sflag:s23] =	ssyncset.done $0x0  }
0xa4: {  	s25 =	simm.s32 $0x1B8E;
	s24 =	sld [smem:$0x3FFE];
	[sflag:s23] =	ssyncadd.s32 $0xFFFFFFFF  }
0xa5: {  	s26 =	simm.s32 $execute0_lowered;
	[smem:$0x3FD2] =	sst s25  }
0xa6: {  	s5 =	sshll.u32 s26, $0x1;
	_ =	strace $0x80000046;
	[dreg:$0x1] =	wrdreg $0xFFFFFFFF  }
0xa7: {  	s28 =	simm.s32 $_size_execute0_lowered;
	s3 =	sadd.s32 s3, s5;
	[dreg:$0x0] =	wrdreg $0x0  }
0xa8: {  	s5 =	sshll.u32 s28, $0x1;
	[dreg:$0x2] =	wrdreg s3  }
0xa9: {  	[dreg:$0x3] =	wrdreg s5  }
0xaa: {  	[dreg:$0x4] =	wrdreg $0xC0  }
0xab: {  	_ =	task [dreg:s7], $0x5FFFF  }
0xac: {  	[dreg:$0x1] =	wrdreg $0xFFFFFFFF  }
0xad: {  	[dreg:$0x0] =	wrdreg $0x60  }
0xae: {  	[dreg:$0x2] =	wrdreg s24  }
0xaf: {  	[dreg:$0x3] =	wrdreg s2  }
0xb0: {  	[dreg:$0x4] =	wrdreg $0x9  }
0xb1: {  	_ =	task.clear_ibuf [dreg:s7], $0x5FFFF;
	_ =	strace $0x90000046  }
0xb2: {  	s29 =	simm.s32 $0x9;
	_ =	strace $0x80000048  }
0xb3: {  	_ =	swait.ge [sflag:s29], $0x1  }
0xb4: {  	[sflag:s29] =	ssyncadd.s32 $0xFFFFFFFF  }
0xb5: {  	_ =	strace $0x90000048  }
0xb6: {  	_ =	sfence  }
0xb7: {  	s30 =	sld [smem:$0x0];
	_ =	sdelay $0x2  }
0xb8: {  	s31 =	sshll.u32 s1, $0xD;
	s1 =	sshrl.u32 s1, $0x2  }
0xb9: {  	s3 =	sand.u32 $0x4000, s31;
	s1 =	sadd.s32 s1, s30  }
0xba: {  	s0 =	sor.u32 s3, s0;
	s1 =	sshll.u32 s1, $0x11  }
0xbb: {  	s0 =	sor.u32 s1, s0  }
0xbc: {  	s0 =	sadd.s32 $0x8F2B, s0  }
0xbd: {  	[sflag:s0] =	ssyncadd.remote.s32 $0x1  }
0xbe: {  	_ =	sfence.sel $0xFFFF  }
0xbf: {  	[dreg:$0x0] =	wrdreg $0xFFFFFFFF;
	(pc) =	sbr.abs _section_cstart, $3  }
0xc0: {  	[dreg:$0x1] =	wrdreg $0xFFFFFFFF  }
0xc1: {  	_ =	task.clear_ibuf [dreg:s7], $0x2FFFF;
	_ =	strace $0x9FFFFFFF  }
0xc2: {  	(tm) =	ssettm $0x7FFFFFFF  }
0xc3: {  	_ =	shalt  }
tec
execute0_lowered:
.L_overlay_start_1:
0x0: {  	(tag) =	ssettag $0x1  }
0x1: {  	s1 =	rddreg [dreg:$0x0]  }
0x2: {  	s2 =	rddreg [dreg:$0x1]  }
0x3: {  	s3 =	simm.s32 $0x0;
	s0 =	srdreg.scid;
	s8 =	stileid.u32  }
0x4: {  	s19 =	simm.s32 $0x3;
	s20 =	simm.s32 $0x400;
	s14 =	simm.s32 $0x2400  }
0x5: {  	s30 =	simm.s32 $0xA400;
	s31 =	simm.s32 $0xAC00;
	s12 =	simm.s32 $0x1  }
0x6: {  	s16 =	simm.s32 $0x2;
	s17 =	simm.s32 $0x0;
	[smem:$0x7FF] =	sst s3  }
0x7: {  	s5 =	sadd.s32 $0x82000, s1;
	s6 =	sadd.s32 $0x80000, s1;
	s7 =	sadd.s32 $0x380000, s1  }
0x8: {  	s0 =	sand.u32 $0x1, s0;
	s9 =	sshll.u32 s8, $0xC;
	s8 =	sadd.s32 $0x480000, s1  }
0x9: {  	_ =	strace $0x80000047;
	s4 =	ssub.s32 $0x2, s0;
	s0 =	sshll.u32 s0, $0xB  }
0xa: {  	s10 =	sshrl.u32 s4, $0x1;
	s0 =	sor.u32 s0, s9;
	s9 =	sadd.s32 $0x84000, s1  }
0xb: {  	s4 =	ssub.s32 s4, s10;
	s23 =	sshrl.u32 s0, $0x3;
	s29 =	sor.u32 $0x40, s0  }
0xc: {  	s25 =	sshll.u32 s0, $0x4;
	s11 =	sadd.s32 s2, s23;
	[dreg:$0x8] =	wrdreg s29  }
0xd: {  	s28 =	sshll.u32 s0, $0x5;
	s24 =	sadd.s32 s5, s23;
	[dreg:$0x3] =	wrdreg s11  }
0xe: {  	v0 =	vlaneseq.u32;
	s18 =	sor.u32 $0x20, s0;
	s10 =	sadd.s32 s6, s23;
	[dreg:$0x4] =	wrdreg s24  }
0xf: {  	v1 =	vand.u32 $0x7, v0;
	v63 =	vshrl.u32 v0, $0x3;
	s0 =	simm.s32 $0xB400;
	s26 =	sadd.s32 s7, s25;
	[dreg:$0x5] =	wrdreg s10  }
0x10: {  	v0 =	vor.u32 $0x8, v0;
	[tilespmem:$0x1FFD0] =	vst v1;
	v1 =	vmul.u32 $0x8, v63;
	s15 =	sadd.s32 s9, s28;
	s4 =	smax.u32 s4, $0x1;
	[dreg:$0x6] =	wrdreg s26  }
0x11: {  	[tilespmem:$0x1FFF0] =	vst v0;
	s11 =	sadd.s32 s8, s25;
	[dreg:$0x9] =	wrdreg s4;
	s4 =	simm.s32 $0xBC00  }
0x12: {  	vm0 =	vmmov $0xffff;
	[tilespmem:$0x1FFE0] =	vst v1;
	s10 =	simm.s32 $0xD400;
	[dreg:$0x7] =	wrdreg s11;
	s11 =	simm.s32 $0xF400  }
.LBB2_1:
0x13: {  	[dreg:$0xa] =	wrdreg s17  }
0x14: {  	s13 =	rddreg [dreg:$0x3]  }
0x15: {  	[tilespmem:s3], [sflag:$0x3] =	stream.linear.gather [hbm4b:s13+s3], $0x20, $0x38;
	[tilespmem:$0x10400] =	vst v63  }
0x16: {  	_ =	swait.ge [sflag:s19], $0x20  }
0x17: {  	[sflag:s19] =	ssyncset.done $0x0  }
0x18: {  	[sflag:s19] =	ssyncadd.s32 $0xFFFFFFE0  }
0x19: {  	v0 =	vld [tilespmem:$0x0];
	_ =	sdelay $0x2  }
0x1a: {  	v2 =	vld [tilespmem:$0x1FFD0]  }
0x1b: {  	v3 =	vld [tilespmem:$0x1FFE0]  }
0x1c: {  	v4 =	vld [tilespmem:$0x1FFF0];
	v1 =	vshll.u32 v0, $0x1  }
0x1d: {  	v0 =	vand.u32 $0x7, v0;
	v1 =	vand.u32 $0xFFFFFFF0, v1  }
0x1e: {  	v0 =	vor.u32 v0, v1  }
0x1f: {  	v1 =	vperm.xlane v0, v2;
	_ =	sdelay $0x1  }
0x20: {  	v0 =	vperm.xlane v0, v4;
	v1 =	vadd.s32 v3, v1;
	_ =	sdelay $0x1  }
0x21: {  	v0 =	vadd.s32 v3, v0;
	_ =	sdelay $0x2  }
0x22: {  	[tilespmem:s20], [sflag:$0x1] =	stream.indirect_vreg.gather [hbm4b:s1+s3], $0x80, v1, vm0, $0xb8;
	[tilespmem:$0x10400] =	vst v63  }
0x23: {  	s28 =	simm.s32 $0xC00  }
0x24: {  	[tilespmem:s28], [sflag:$0x1] =	stream.indirect_vreg.gather [hbm4b:s1+s3], $0x80, v0, vm0, $0xb8;
	[tilespmem:$0x10400] =	vst v63  }
0x25: {  	v0 =	vld [tilespmem:$0x10];
	_ =	sdelay $0x4  }
0x26: {  	v57 =	vshll.u32 v0, $0x1  }
0x27: {  	v0 =	vand.u32 $0x7, v0;
	v1 =	vand.u32 $0xFFFFFFF0, v57  }
0x28: {  	v0 =	vor.u32 v0, v1  }
0x29: {  	v1 =	vperm.xlane v0, v2;
	_ =	sdelay $0x1  }
0x2a: {  	v0 =	vperm.xlane v0, v4;
	v1 =	vadd.s32 v3, v1;
	_ =	sdelay $0x1  }
0x2b: {  	v0 =	vadd.s32 v3, v0;
	_ =	sdelay $0x1  }
0x2c: {  	s29 =	simm.s32 $0x1400  }
0x2d: {  	[tilespmem:s29], [sflag:$0x1] =	stream.indirect_vreg.gather [hbm4b:s1+s3], $0x80, v1, vm0, $0xb8;
	[tilespmem:$0x10400] =	vst v63  }
0x2e: {  	s17 =	simm.s32 $0x1C00  }
0x2f: {  	[tilespmem:s17], [sflag:$0x1] =	stream.indirect_vreg.gather [hbm4b:s1+s3], $0x80, v0, vm0, $0xb8;
	[tilespmem:$0x10400] =	vst v63  }
0x30: {  	s22 =	simm.s32 $0x80;
	s21 =	rddreg [dreg:$0x4]  }
0x31: {  	[tilespmem:s22], [sflag:$0x3] =	stream.linear.gather [hbm4b:s21+s3], $0x20, $0x38;
	[tilespmem:$0x10400] =	vst v63  }
0x32: {  	_ =	swait.ge [sflag:s19], $0x20  }
0x33: {  	[sflag:s19] =	ssyncset.done $0x0  }
0x34: {  	[sflag:s19] =	ssyncadd.s32 $0xFFFFFFE0  }
0x35: {  	v58 =	vld [tilespmem:$0x80];
	_ =	sdelay $0x4  }
0x36: {  	v59 =	vshll.u32 v58, $0x1  }
0x37: {  	v0 =	vand.u32 $0x7, v58;
	v1 =	vand.u32 $0xFFFFFFF0, v59  }
0x38: {  	v0 =	vor.u32 v0, v1  }
0x39: {  	v1 =	vperm.xlane v0, v2;
	_ =	sdelay $0x1  }
0x3a: {  	v0 =	vperm.xlane v0, v4;
	v1 =	vadd.s32 v3, v1;
	_ =	sdelay $0x1  }
0x3b: {  	v0 =	vadd.s32 v3, v0;
	_ =	sdelay $0x1  }
0x3c: {  	s23 =	simm.s32 $0x4400  }
0x3d: {  	[tilespmem:s23], [sflag:$0x1] =	stream.indirect_vreg.gather [hbm4b:s1+s3], $0x80, v1, vm0, $0xb8;
	[tilespmem:$0x10400] =	vst v63  }
0x3e: {  	s24 =	simm.s32 $0x4C00  }
0x3f: {  	[tilespmem:s24], [sflag:$0x1] =	stream.indirect_vreg.gather [hbm4b:s1+s3], $0x80, v0, vm0, $0xb8;
	[tilespmem:$0x10400] =	vst v63  }
0x40: {  	v0 =	vld [tilespmem:$0x90];
	_ =	sdelay $0x4  }
0x41: {  	v60 =	vshll.u32 v0, $0x1  }
0x42: {  	v0 =	vand.u32 $0x7, v0;
	v1 =	vand.u32 $0xFFFFFFF0, v60  }
0x43: {  	v0 =	vor.u32 v0, v1  }
0x44: {  	v1 =	vperm.xlane v0, v2;
	_ =	sdelay $0x1  }
0x45: {  	v0 =	vperm.xlane v0, v4;
	v1 =	vadd.s32 v3, v1;
	_ =	sdelay $0x1  }
0x46: {  	v0 =	vadd.s32 v3, v0;
	_ =	sdelay $0x1  }
0x47: {  	s25 =	simm.s32 $0x5400  }
0x48: {  	[tilespmem:s25], [sflag:$0x1] =	stream.indirect_vreg.gather [hbm4b:s1+s3], $0x80, v1, vm0, $0xb8;
	[tilespmem:$0x10400] =	vst v63  }
0x49: {  	s26 =	simm.s32 $0x5C00  }
0x4a: {  	[tilespmem:s26], [sflag:$0x1] =	stream.indirect_vreg.gather [hbm4b:s1+s3], $0x80, v0, vm0, $0xb8;
	[tilespmem:$0x10400] =	vst v63  }
0x4b: {  	s29 =	simm.s32 $0x100;
	s28 =	rddreg [dreg:$0x5]  }
0x4c: {  	[tilespmem:s29], [sflag:$0x3] =	stream.linear.gather [hbm4b:s28+s3], $0x20, $0x38;
	[tilespmem:$0x10400] =	vst v63  }
0x4d: {  	_ =	swait.ge [sflag:s19], $0x20  }
0x4e: {  	[sflag:s19] =	ssyncset.done $0x0  }
0x4f: {  	[sflag:s19] =	ssyncadd.s32 $0xFFFFFFE0  }
0x50: {  	v61 =	vld [tilespmem:$0x100];
	_ =	sdelay $0x4  }
0x51: {  	v62 =	vshll.u32 v61, $0x1  }
0x52: {  	v0 =	vand.u32 $0x7, v61;
	v1 =	vand.u32 $0xFFFFFFF0, v62  }
0x53: {  	v0 =	vor.u32 v0, v1  }
0x54: {  	v1 =	vperm.xlane v0, v2;
	_ =	sdelay $0x1  }
0x55: {  	v0 =	vperm.xlane v0, v4;
	v1 =	vadd.s32 v3, v1;
	_ =	sdelay $0x1  }
0x56: {  	v0 =	vadd.s32 v3, v0;
	_ =	sdelay $0x1  }
0x57: {  	s21 =	simm.s32 $0x8400  }
0x58: {  	[tilespmem:s21], [sflag:$0x1] =	stream.indirect_vreg.gather [hbm4b:s1+s3], $0x80, v1, vm0, $0xb8;
	[tilespmem:$0x10400] =	vst v63  }
0x59: {  	s22 =	simm.s32 $0x8C00  }
0x5a: {  	[tilespmem:s22], [sflag:$0x1] =	stream.indirect_vreg.gather [hbm4b:s1+s3], $0x80, v0, vm0, $0xb8;
	[tilespmem:$0x10400] =	vst v63  }
0x5b: {  	v0 =	vld [tilespmem:$0x110];
	_ =	sdelay $0x4  }
0x5c: {  	v63 =	vshll.u32 v0, $0x1  }
0x5d: {  	v0 =	vand.u32 $0x7, v0;
	v1 =	vand.u32 $0xFFFFFFF0, v63  }
0x5e: {  	v0 =	vor.u32 v0, v1  }
0x5f: {  	v1 =	vperm.xlane v0, v2;
	_ =	sdelay $0x1  }
0x60: {  	v0 =	vperm.xlane v0, v4;
	v1 =	vadd.s32 v3, v1;
	_ =	sdelay $0x1  }
0x61: {  	v0 =	vadd.s32 v3, v0;
	_ =	sdelay $0x1  }
0x62: {  	s23 =	simm.s32 $0x9400  }
0x63: {  	[tilespmem:s23], [sflag:$0x1] =	stream.indirect_vreg.gather [hbm4b:s1+s3], $0x80, v1, vm0, $0xb8;
	[tilespmem:$0x10400] =	vst v63  }
0x64: {  	s24 =	simm.s32 $0x9C00  }
0x65: {  	[tilespmem:s24], [sflag:$0x1] =	stream.indirect_vreg.gather [hbm4b:s1+s3], $0x80, v0, vm0, $0xb8;
	[tilespmem:$0x10400] =	vst v63  }
0x66: {  	s26 =	simm.s32 $0xC400;
	s25 =	rddreg [dreg:$0x6]  }
0x67: {  	[tilespmem:s26], [sflag:$0x3] =	stream.linear.gather [hbm4b:s25+s3], $0x1000, $0x38;
	[tilespmem:$0x10400] =	vst v63  }
0x68: {  	_ =	swait.ge [sflag:s19], $0x1000  }
0x69: {  	[sflag:s19] =	ssyncset.done $0x0  }
0x6a: {  	s29 =	simm.s32 $0xE400;
	s28 =	rddreg [dreg:$0x7];
	[sflag:s19] =	ssyncadd.s32 $0xFFFFF000  }
0x6b: {  	[tilespmem:s29], [sflag:$0x3] =	stream.linear.gather [hbm4b:s28+s3], $0x1000, $0x38;
	[tilespmem:$0x10400] =	vst v63  }
0x6c: {  	_ =	swait.ge [sflag:s19], $0x1000  }
0x6d: {  	[sflag:s19] =	ssyncset.done $0x0  }
0x6e: {  	s13 =	simm.s32 $0x0;
	[sflag:s19] =	ssyncadd.s32 $0xFFFFF000  }
.LBB2_2:
0x6f: {  	s21 =	sshll.u32 s13, $0x6  }
0x70: {  	s17 =	sor.u32 s18, s21  }
0x71: {  	s23 =	sshrl.u32 s17, $0x3  }
0x72: {  	s22 =	simm.s32 $0x0;
	s25 =	simm.s32 $0x200;
	s24 =	sadd.s32 s2, s23  }
0x73: {  	[tilespmem:s25], [sflag:$0x3] =	stream.linear.gather [hbm4b:s24+s22], $0x20, $0x38;
	[tilespmem:$0x10400] =	vst v63  }
0x74: {  	_ =	swait.ge [sflag:s19], $0x20  }
0x75: {  	[sflag:s19] =	ssyncset.done $0x0  }
0x76: {  	[sflag:s19] =	ssyncadd.s32 $0xFFFFFFE0  }
0x77: {  	v0 =	vld [tilespmem:$0x200];
	_ =	sdelay $0x2  }
0x78: {  	v2 =	vld [tilespmem:$0x1FFD0]  }
0x79: {  	v3 =	vld [tilespmem:$0x1FFE0]  }
0x7a: {  	v4 =	vld [tilespmem:$0x1FFF0];
	v1 =	vshll.u32 v0, $0x1  }
0x7b: {  	v0 =	vand.u32 $0x7, v0;
	v1 =	vand.u32 $0xFFFFFFF0, v1  }
0x7c: {  	v0 =	vor.u32 v0, v1  }
0x7d: {  	v1 =	vperm.xlane v0, v2;
	_ =	sdelay $0x1  }
0x7e: {  	v0 =	vperm.xlane v0, v4;
	v1 =	vadd.s32 v3, v1;
	_ =	sdelay $0x1  }
0x7f: {  	v0 =	vadd.s32 v3, v0;
	_ =	sdelay $0x2  }
0x80: {  	[tilespmem:s14], [sflag:$0x2] =	stream.indirect_vreg.gather [hbm4b:s1+s22], $0x80, v1, vm0, $0xb8;
	[tilespmem:$0x10400] =	vst v63  }
0x81: {  	s26 =	simm.s32 $0x2C00  }
0x82: {  	[tilespmem:s26], [sflag:$0x2] =	stream.indirect_vreg.gather [hbm4b:s1+s22], $0x80, v0, vm0, $0xb8;
	[tilespmem:$0x10400] =	vst v63  }
0x83: {  	v0 =	vld [tilespmem:$0x210];
	_ =	sdelay $0x4  }
0x84: {  	v1 =	vshll.u32 v0, $0x1  }
0x85: {  	v0 =	vand.u32 $0x7, v0;
	v1 =	vand.u32 $0xFFFFFFF0, v1  }
0x86: {  	v0 =	vor.u32 v0, v1  }
0x87: {  	v1 =	vperm.xlane v0, v2;
	_ =	sdelay $0x1  }
0x88: {  	v0 =	vperm.xlane v0, v4;
	v1 =	vadd.s32 v3, v1;
	_ =	sdelay $0x1  }
0x89: {  	v0 =	vadd.s32 v3, v0;
	_ =	sdelay $0x1  }
0x8a: {  	s28 =	simm.s32 $0x3400  }
0x8b: {  	[tilespmem:s28], [sflag:$0x2] =	stream.indirect_vreg.gather [hbm4b:s1+s22], $0x80, v1, vm0, $0xb8;
	[tilespmem:$0x10400] =	vst v63  }
0x8c: {  	s29 =	simm.s32 $0x3C00  }
0x8d: {  	[tilespmem:s29], [sflag:$0x2] =	stream.indirect_vreg.gather [hbm4b:s1+s22], $0x80, v0, vm0, $0xb8;
	[tilespmem:$0x10400] =	vst v63  }
0x8e: {  	s25 =	sadd.s32 s5, s23;
	s26 =	simm.s32 $0x280  }
0x8f: {  	[tilespmem:s26], [sflag:$0x3] =	stream.linear.gather [hbm4b:s25+s22], $0x20, $0x38;
	[tilespmem:$0x10400] =	vst v63  }
0x90: {  	_ =	swait.ge [sflag:s19], $0x20  }
0x91: {  	[sflag:s19] =	ssyncset.done $0x0  }
0x92: {  	[sflag:s19] =	ssyncadd.s32 $0xFFFFFFE0  }
0x93: {  	v0 =	vld [tilespmem:$0x280];
	_ =	sdelay $0x4  }
0x94: {  	v1 =	vshll.u32 v0, $0x1  }
0x95: {  	v0 =	vand.u32 $0x7, v0;
	v1 =	vand.u32 $0xFFFFFFF0, v1  }
0x96: {  	v0 =	vor.u32 v0, v1  }
0x97: {  	v1 =	vperm.xlane v0, v2;
	_ =	sdelay $0x1  }
0x98: {  	v0 =	vperm.xlane v0, v4;
	v1 =	vadd.s32 v3, v1;
	_ =	sdelay $0x1  }
0x99: {  	v0 =	vadd.s32 v3, v0;
	_ =	sdelay $0x1  }
0x9a: {  	s28 =	simm.s32 $0x6400  }
0x9b: {  	[tilespmem:s28], [sflag:$0x2] =	stream.indirect_vreg.gather [hbm4b:s1+s22], $0x80, v1, vm0, $0xb8;
	[tilespmem:$0x10400] =	vst v63  }
0x9c: {  	s29 =	simm.s32 $0x6C00  }
0x9d: {  	[tilespmem:s29], [sflag:$0x2] =	stream.indirect_vreg.gather [hbm4b:s1+s22], $0x80, v0, vm0, $0xb8;
	[tilespmem:$0x10400] =	vst v63  }
0x9e: {  	v0 =	vld [tilespmem:$0x290];
	_ =	sdelay $0x4  }
0x9f: {  	v1 =	vshll.u32 v0, $0x1  }
0xa0: {  	v0 =	vand.u32 $0x7, v0;
	v1 =	vand.u32 $0xFFFFFFF0, v1  }
0xa1: {  	v0 =	vor.u32 v0, v1  }
0xa2: {  	v1 =	vperm.xlane v0, v2;
	_ =	sdelay $0x1  }
0xa3: {  	v0 =	vperm.xlane v0, v4;
	v1 =	vadd.s32 v3, v1;
	_ =	sdelay $0x1  }
0xa4: {  	v0 =	vadd.s32 v3, v0;
	_ =	sdelay $0x1  }
0xa5: {  	s25 =	simm.s32 $0x7400  }
0xa6: {  	[tilespmem:s25], [sflag:$0x2] =	stream.indirect_vreg.gather [hbm4b:s1+s22], $0x80, v1, vm0, $0xb8;
	[tilespmem:$0x10400] =	vst v63  }
0xa7: {  	s26 =	simm.s32 $0x7C00  }
0xa8: {  	[tilespmem:s26], [sflag:$0x2] =	stream.indirect_vreg.gather [hbm4b:s1+s22], $0x80, v0, vm0, $0xb8;
	[tilespmem:$0x10400] =	vst v63  }
0xa9: {  	s23 =	sadd.s32 s6, s23;
	s28 =	simm.s32 $0x300  }
0xaa: {  	[tilespmem:s28], [sflag:$0x3] =	stream.linear.gather [hbm4b:s23+s22], $0x20, $0x38;
	[tilespmem:$0x10400] =	vst v63  }
0xab: {  	_ =	swait.ge [sflag:s19], $0x20  }
0xac: {  	[sflag:s19] =	ssyncset.done $0x0  }
0xad: {  	[sflag:s19] =	ssyncadd.s32 $0xFFFFFFE0  }
0xae: {  	v0 =	vld [tilespmem:$0x300];
	_ =	sdelay $0x4  }
0xaf: {  	v1 =	vshll.u32 v0, $0x1  }
0xb0: {  	v0 =	vand.u32 $0x7, v0;
	v1 =	vand.u32 $0xFFFFFFF0, v1  }
0xb1: {  	v0 =	vor.u32 v0, v1  }
0xb2: {  	v1 =	vperm.xlane v0, v2;
	_ =	sdelay $0x1  }
0xb3: {  	v0 =	vperm.xlane v0, v4;
	v1 =	vadd.s32 v3, v1;
	_ =	sdelay $0x1  }
0xb4: {  	v0 =	vadd.s32 v3, v0;
	_ =	sdelay $0x2  }
0xb5: {  	[tilespmem:s30], [sflag:$0x2] =	stream.indirect_vreg.gather [hbm4b:s1+s22], $0x80, v1, vm0, $0xb8;
	[tilespmem:$0x10400] =	vst v63  }
0xb6: {  	_ = 	snop  }
0xb7: {  	[tilespmem:s31], [sflag:$0x2] =	stream.indirect_vreg.gather [hbm4b:s1+s22], $0x80, v0, vm0, $0xb8;
	[tilespmem:$0x10400] =	vst v63  }
0xb8: {  	v0 =	vld [tilespmem:$0x310];
	_ =	sdelay $0x4  }
0xb9: {  	v1 =	vshll.u32 v0, $0x1  }
0xba: {  	v0 =	vand.u32 $0x7, v0;
	v1 =	vand.u32 $0xFFFFFFF0, v1  }
0xbb: {  	v0 =	vor.u32 v0, v1  }
0xbc: {  	v1 =	vperm.xlane v0, v2;
	_ =	sdelay $0x1  }
0xbd: {  	v0 =	vperm.xlane v0, v4;
	v1 =	vadd.s32 v3, v1;
	_ =	sdelay $0x1  }
0xbe: {  	v0 =	vadd.s32 v3, v0;
	_ =	sdelay $0x2  }
0xbf: {  	[tilespmem:s0], [sflag:$0x2] =	stream.indirect_vreg.gather [hbm4b:s1+s22], $0x80, v1, vm0, $0xb8;
	[tilespmem:$0x10400] =	vst v63  }
0xc0: {  	s29 =	sshll.u32 s17, $0x4  }
0xc1: {  	[tilespmem:s4], [sflag:$0x2] =	stream.indirect_vreg.gather [hbm4b:s1+s22], $0x80, v0, vm0, $0xb8;
	[tilespmem:$0x10400] =	vst v63  }
0xc2: {  	s25 =	sadd.s32 s7, s29  }
0xc3: {  	[tilespmem:s10], [sflag:$0x3] =	stream.linear.gather [hbm4b:s25+s22], $0x1000, $0x38;
	[tilespmem:$0x10400] =	vst v63  }
0xc4: {  	_ =	swait.ge [sflag:s19], $0x1000  }
0xc5: {  	[sflag:s19] =	ssyncset.done $0x0  }
0xc6: {  	s23 =	sadd.s32 s8, s29;
	[sflag:s19] =	ssyncadd.s32 $0xFFFFF000  }
0xc7: {  	[tilespmem:s11], [sflag:$0x3] =	stream.linear.gather [hbm4b:s23+s22], $0x1000, $0x38;
	[tilespmem:$0x10400] =	vst v63  }
0xc8: {  	_ =	swait.ge [sflag:s19], $0x1000  }
0xc9: {  	[sflag:s19] =	ssyncset.done $0x0  }
0xca: {  	[sflag:s19] =	ssyncadd.s32 $0xFFFFF000  }
0xcb: {  	_ =	swait.ge [sflag:s12], $0x2000  }
0xcc: {  	[sflag:s12] =	ssyncset.done $0x0  }
0xcd: {  	[sflag:s12] =	ssyncadd.s32 $0xFFFFE000  }
0xce: {  	_ =	swait.ge [sflag:s12], $0x2000  }
0xcf: {  	[sflag:s12] =	ssyncset.done $0x0  }
0xd0: {  	[sflag:s12] =	ssyncadd.s32 $0xFFFFE000  }
0xd1: {  	_ =	swait.ge [sflag:s12], $0x2000  }
0xd2: {  	s26 =	sand.u32 $0x1800, s22;
	s22 =	sand.u32 $0x380, s22;
	[sflag:s12] =	ssyncset.done $0x0  }
0xd3: {  	s25 =	sor.u32 s22, s26;
	[sflag:s12] =	ssyncadd.s32 $0xFFFFE000  }
0xd4: {  	v0 =	vld [tilespmem:s25+$0x8400]  }
0xd5: {  	v1 =	vld [tilespmem:s25+$0x8410]  }
0xd6: {  	v2 =	vld [tilespmem:s25+$0x8420]  }
0xd7: {  	v10 =	vld [tilespmem:s25+$0x8440]  }
0xd8: {  	v12 =	vld [tilespmem:s25+$0x8460]  }
0xd9: {  	v14 =	vld [tilespmem:s25+$0x8470]  }
0xda: {  	v16 =	vld [tilespmem:s25+$0x8800]  }
0xdb: {  	v17 =	vld [tilespmem:s25+$0x8810]  }
0xdc: {  	v19 =	vld [tilespmem:s25+$0x8820]  }
0xdd: {  	v20 =	vld [tilespmem:s25+$0x8830]  }
0xde: {  	v23 =	vld [tilespmem:s25+$0x8840]  }
0xdf: {  	v24 =	vld [tilespmem:s25+$0x8850]  }
0xe0: {  	v25 =	vld [tilespmem:s25+$0x8860]  }
0xe1: {  	v26 =	vld [tilespmem:s25+$0x8870]  }
0xe2: {  	v30 =	vld [tilespmem:s25+$0x4400];
	v44 =	vshll.u32 v0, $0x10;
	v46 =	vand.u32 $0xFFFF0000, v0  }
0xe3: {  	v31 =	vld [tilespmem:s25+$0x430];
	v4 =	vshll.u32 v1, $0x10;
	v7 =	vshll.u32 v2, $0x10;
	v6 =	vand.u32 $0xFFFF0000, v2  }
0xe4: {  	v33 =	vld [tilespmem:s25+$0x4430];
	v2 =	vshll.u32 v10, $0x10;
	v3 =	vand.u32 $0xFFFF0000, v10;
	v22 =	vshll.u32 v12, $0x10  }
0xe5: {  	v39 =	vld [tilespmem:s25+$0x450];
	v21 =	vand.u32 $0xFFFF0000, v12;
	v28 =	vshll.u32 v14, $0x10;
	v27 =	vand.u32 $0xFFFF0000, v14  }
0xe6: {  	v40 =	vld [tilespmem:s25+$0x4450];
	v32 =	vshll.u32 v16, $0x10;
	v29 =	vand.u32 $0xFFFF0000, v16;
	v36 =	vshll.u32 v17, $0x10  }
0xe7: {  	v42 =	vld [tilespmem:s25+$0x4870];
	v35 =	vand.u32 $0xFFFF0000, v17;
	v38 =	vshll.u32 v19, $0x10;
	v37 =	vand.u32 $0xFFFF0000, v19  }
0xe8: {  	v57 =	vld [tilespmem:s25+$0x400];
	v48 =	vshll.u32 v20, $0x10;
	v43 =	vand.u32 $0xFFFF0000, v20;
	v51 =	vshll.u32 v23, $0x10  }
0xe9: {  	v47 =	vld [tilespmem:s25+$0x870];
	v50 =	vand.u32 $0xFFFF0000, v23;
	v52 =	vshll.u32 v24, $0x10;
	v53 =	vand.u32 $0xFFFF0000, v24  }
0xea: {  	v12 =	vld [tilespmem:s25+$0x440];
	v54 =	vshll.u32 v25, $0x10;
	v55 =	vand.u32 $0xFFFF0000, v25;
	v41 =	vshll.u32 v30, $0x10  }
0xeb: {  	s28 =	simm.s32 $0xC400;
	v14 =	vld [tilespmem:s25+$0x4440];
	v45 =	vshll.u32 v26, $0x10;
	v49 =	vand.u32 $0xFFFF0000, v26;
	v56 =	vand.u32 $0xFFFF0000, v30  }
0xec: {  	v20 =	vshll.u32 v31, $0x10;
	v10 =	vld [tilespmem:s28+$0x0];
	v17 =	vand.u32 $0xFFFF0000, v31;
	v19 =	vshll.u32 v33, $0x10  }
0xed: {  	v16 =	vand.u32 $0xFFFF0000, v33;
	v34 =	vshll.u32 v39, $0x10;
	v30 =	vand.u32 $0xFFFF0000, v39  }
0xee: {  	s22 =	simm.s32 $0xE400;
	v33 =	vshll.u32 v40, $0x10;
	v31 =	vand.u32 $0xFFFF0000, v40;
	v39 =	vshll.u32 v42, $0x10  }
0xef: {  	v40 =	vand.u32 $0xFFFF0000, v42;
	v26 =	vshll.u32 v12, $0x10;
	v23 =	vand.u32 $0xFFFF0000, v12;
	v12 =	vld [tilespmem:s22+$0x0]  }
0xf0: {  	v60 =	vshll.u32 v47, $0x10;
	v47 =	vand.u32 $0xFFFF0000, v47;
	v25 =	vshll.u32 v14, $0x10  }
0xf1: {  	v58 =	vld [tilespmem:s25+$0x460];
	v24 =	vand.u32 $0xFFFF0000, v14;
	v14 =	vshll.u32 v57, $0x10;
	v47 =	vmul.f32 v47, v10  }
0xf2: {  	v9 =	vld [tilespmem:s25+$0x8430];
	v42 =	vsub.f32 $1.000000000e+00, v10;
	v34 =	vmul.f32 v34, v10;
	v30 =	vmul.f32 v30, v10  }
0xf3: {  	v11 =	vld [tilespmem:s25+$0x8450];
	v57 =	vand.u32 $0xFFFF0000, v57;
	v20 =	vmul.f32 v20, v10;
	v61 =	vmul.f32 v14, v10  }
0xf4: {  	v57 =	vmul.f32 v57, v10;
	v14 =	vsub.f32 v42, v12;
	v42 =	vmul.f32 v60, v10  }
0xf5: {  	v0 =	vand.u32 $0xFFFF0000, v1;
	v60 =	vmul.f32 v39, v12;
	v63 =	vmul.f32 v40, v12  }
0xf6: {  	v59 =	vld [tilespmem:s25+$0x4460];
	v39 =	vshll.u32 v58, $0x10;
	v40 =	vmul.f32 v41, v12;
	v56 =	vmul.f32 v56, v12  }
0xf7: {  	v13 =	vshll.u32 v9, $0x10;
	v31 =	vmul.f32 v31, v12;
	v39 =	vmul.f32 v39, v10  }
0xf8: {  	v18 =	vshll.u32 v11, $0x10;
	v45 =	vmul.f32 v45, v14;
	v49 =	vmul.f32 v49, v14  }
0xf9: {  	v15 =	vand.u32 $0xFFFF0000, v11;
	v44 =	vmul.f32 v44, v14;
	v46 =	vmul.f32 v46, v14  }
0xfa: {  	v58 =	vand.u32 $0xFFFF0000, v58;
	v54 =	vmul.f32 v54, v14;
	v55 =	vmul.f32 v55, v14  }
0xfb: {  	v62 =	vld [tilespmem:s25+$0x470];
	v41 =	vshll.u32 v59, $0x10;
	v52 =	vmul.f32 v52, v14;
	v53 =	vmul.f32 v53, v14  }
0xfc: {  	v59 =	vand.u32 $0xFFFF0000, v59;
	v51 =	vmul.f32 v51, v14;
	v50 =	vmul.f32 v50, v14  }
0xfd: {  	v60 =	vadd.f32 v60, v42;
	v48 =	vmul.f32 v48, v14;
	v43 =	vmul.f32 v43, v14  }
0xfe: {  	[tilespmem:$0x1FDF0] =	vst v0;
	v0 =	vld [tilespmem:s25+$0x860];
	v63 =	vadd.f32 v63, v47;
	v38 =	vmul.f32 v38, v14;
	v37 =	vmul.f32 v37, v14  }
0xff: {  	v40 =	vadd.f32 v40, v61;
	v36 =	vmul.f32 v36, v14;
	v35 =	vmul.f32 v35, v14  }
0x100: {  	v42 =	vld [tilespmem:s25+$0x4860];
	v47 =	vshll.u32 v62, $0x10;
	v32 =	vmul.f32 v32, v14;
	v29 =	vmul.f32 v29, v14  }
0x101: {  	v56 =	vadd.f32 v56, v57;
	v28 =	vmul.f32 v28, v14;
	v27 =	vmul.f32 v27, v14  }
0x102: {  	v61 =	vld [tilespmem:s25+$0x4470];
	v22 =	vmul.f32 v22, v14;
	v47 =	vmul.f32 v47, v10;
	v60 =	vadd.f32 v45, v60  }
0x103: {  	v45 =	vand.u32 $0xFFFF0000, v62;
	v62 =	vadd.f32 v49, v63;
	v63 =	vshll.u32 v0, $0x10  }
0x104: {  	v40 =	vadd.f32 v44, v40;
	v0 =	vand.u32 $0xFFFF0000, v0;
	v46 =	vadd.f32 v46, v56  }
0x105: {  	v63 =	vmul.f32 v63, v10;
	v0 =	vmul.f32 v0, v10;
	v57 =	vshll.u32 v42, $0x10  }
0x106: {  	v56 =	vld [tilespmem:s25+$0x850];
	v40 =	vadd.s32 $0x8000, v40;
	v46 =	vadd.s32 $0x8000, v46;
	v44 =	vmul.f32 v57, v12  }
0x107: {  	v49 =	vshll.u32 v61, $0x10;
	v42 =	vand.u32 $0xFFFF0000, v42;
	v40 =	vshrl.u32 v40, $0x10  }
0x108: {  	v46 =	vand.u32 $0xFFFF0000, v46;
	v42 =	vmul.f32 v42, v12;
	v57 =	vadd.f32 v44, v63;
	v63 =	vld [tilespmem:s25+$0x4850]  }
0x109: {  	v61 =	vand.u32 $0xFFFF0000, v61;
	v44 =	vadd.s32 $0x8000, v60;
	v60 =	vadd.s32 $0x8000, v62  }
0x10a: {  	v0 =	vadd.f32 v42, v0;
	v44 =	vshrl.u32 v44, $0x10;
	v60 =	vand.u32 $0xFFFF0000, v60  }
0x10b: {  	v46 =	vor.u32 v46, v40;
	v40 =	vshll.u32 v56, $0x10;
	v44 =	vor.u32 v60, v44;
	v60 =	vld [tilespmem:s25+$0x840]  }
0x10c: {  	v62 =	vld [tilespmem:s25+$0x4840];
	v42 =	vand.u32 $0xFFFF0000, v56;
	v40 =	vmul.f32 v40, v10;
	v0 =	vadd.f32 v55, v0  }
0x10d: {  	v42 =	vmul.f32 v42, v10;
	v54 =	vadd.f32 v54, v57;
	v56 =	vshll.u32 v63, $0x10  }
0x10e: {  	v0 =	vadd.s32 $0x8000, v0;
	v63 =	vand.u32 $0xFFFF0000, v63;
	v56 =	vmul.f32 v56, v12  }
0x10f: {  	v54 =	vadd.s32 $0x8000, v54;
	v0 =	vand.u32 $0xFFFF0000, v0;
	v55 =	vmul.f32 v63, v12;
	v63 =	vld [tilespmem:s25+$0x830]  }
0x110: {  	v57 =	vshll.u32 v60, $0x10;
	v60 =	vand.u32 $0xFFFF0000, v60;
	v40 =	vadd.f32 v56, v40  }
0x111: {  	v42 =	vadd.f32 v55, v42;
	v55 =	vshll.u32 v62, $0x10;
	v62 =	vand.u32 $0xFFFF0000, v62  }
0x112: {  	v55 =	vmul.f32 v55, v12;
	v40 =	vadd.f32 v52, v40;
	v52 =	vshrl.u32 v54, $0x10  }
0x113: {  	v54 =	vmul.f32 v57, v10;
	v57 =	vmul.f32 v62, v12;
	v42 =	vadd.f32 v53, v42  }
0x114: {  	v52 =	vor.u32 v0, v52;
	v0 =	vmul.f32 v60, v10;
	v60 =	vld [tilespmem:s25+$0x4830];
	v62 =	vand.u32 $0xFFFF0000, v63  }
0x115: {  	v54 =	vadd.f32 v55, v54;
	v55 =	vld [tilespmem:s25+$0x820];
	v40 =	vadd.s32 $0x8000, v40;
	v42 =	vadd.s32 $0x8000, v42  }
0x116: {  	v62 =	vmul.f32 v62, v10;
	v0 =	vadd.f32 v57, v0;
	v57 =	vshll.u32 v63, $0x10  }
0x117: {  	v40 =	vshrl.u32 v40, $0x10;
	v42 =	vand.u32 $0xFFFF0000, v42;
	v51 =	vadd.f32 v51, v54  }
0x118: {  	v40 =	vor.u32 v42, v40;
	v42 =	vld [tilespmem:s25+$0x4820];
	v57 =	vmul.f32 v57, v10;
	v0 =	vadd.f32 v50, v0  }
0x119: {  	v54 =	vshll.u32 v60, $0x10;
	v60 =	vand.u32 $0xFFFF0000, v60;
	v51 =	vadd.s32 $0x8000, v51  }
0x11a: {  	v54 =	vmul.f32 v54, v12;
	v50 =	vshll.u32 v55, $0x10;
	v60 =	vmul.f32 v60, v12  }
0x11b: {  	v56 =	vld [tilespmem:s25+$0x800];
	v55 =	vand.u32 $0xFFFF0000, v55;
	v0 =	vadd.s32 $0x8000, v0;
	v51 =	vshrl.u32 v51, $0x10  }
0x11c: {  	v0 =	vand.u32 $0xFFFF0000, v0;
	v50 =	vmul.f32 v50, v10;
	v54 =	vadd.f32 v54, v57;
	v57 =	vld [tilespmem:s25+$0x4800]  }
0x11d: {  	v55 =	vmul.f32 v55, v10;
	v60 =	vadd.f32 v60, v62;
	v62 =	vld [tilespmem:s25+$0x810];
	v63 =	vshll.u32 v42, $0x10  }
0x11e: {  	v0 =	vor.u32 v0, v51;
	v42 =	vand.u32 $0xFFFF0000, v42;
	v51 =	vmul.f32 v63, v12  }
0x11f: {  	v42 =	vmul.f32 v42, v12;
	v48 =	vadd.f32 v48, v54;
	v43 =	vadd.f32 v43, v60  }
0x120: {  	v53 =	vshll.u32 v56, $0x10;
	v56 =	vand.u32 $0xFFFF0000, v56;
	v54 =	vld [tilespmem:s25+$0x4810];
	v50 =	vadd.f32 v51, v50  }
0x121: {  	v42 =	vadd.f32 v42, v55;
	v48 =	vadd.s32 $0x8000, v48;
	v43 =	vadd.s32 $0x8000, v43  }
0x122: {  	v60 =	vshll.u32 v57, $0x10;
	v57 =	vand.u32 $0xFFFF0000, v57;
	v51 =	vshll.u32 v62, $0x10  }
0x123: {  	v62 =	vand.u32 $0xFFFF0000, v62;
	v48 =	vshrl.u32 v48, $0x10;
	v43 =	vand.u32 $0xFFFF0000, v43  }
0x124: {  	v38 =	vadd.f32 v38, v50;
	v37 =	vadd.f32 v37, v42;
	v51 =	vmul.f32 v51, v10  }
0x125: {  	v43 =	vor.u32 v43, v48;
	v55 =	vmul.f32 v62, v10;
	v63 =	vshll.u32 v54, $0x10  }
0x126: {  	v54 =	vand.u32 $0xFFFF0000, v54;
	v38 =	vadd.s32 $0x8000, v38;
	v37 =	vadd.s32 $0x8000, v37  }
0x127: {  	v63 =	vmul.f32 v63, v12;
	v62 =	vmul.f32 v54, v12;
	v38 =	vshrl.u32 v38, $0x10  }
0x128: {  	v37 =	vand.u32 $0xFFFF0000, v37;
	v54 =	vmul.f32 v56, v10;
	v56 =	vmul.f32 v49, v12  }
0x129: {  	v48 =	vadd.f32 v63, v51;
	v42 =	vadd.f32 v62, v55;
	v63 =	vmul.f32 v53, v10  }
0x12a: {  	v37 =	vor.u32 v37, v38;
	v53 =	vmul.f32 v60, v12;
	v55 =	vmul.f32 v57, v12  }
0x12b: {  	v57 =	vmul.f32 v45, v10;
	v36 =	vadd.f32 v36, v48;
	v35 =	vadd.f32 v35, v42  }
0x12c: {  	v60 =	vmul.f32 v61, v12;
	v38 =	vadd.f32 v53, v63;
	v42 =	vadd.f32 v55, v54  }
0x12d: {  	v61 =	vmul.f32 v41, v12;
	v62 =	vmul.f32 v58, v10;
	v36 =	vadd.s32 $0x8000, v36  }
0x12e: {  	v35 =	vadd.s32 $0x8000, v35;
	v32 =	vadd.f32 v32, v38;
	v29 =	vadd.f32 v29, v42  }
0x12f: {  	v38 =	vadd.f32 v60, v57;
	v36 =	vshrl.u32 v36, $0x10;
	v35 =	vand.u32 $0xFFFF0000, v35  }
0x130: {  	v63 =	vmul.f32 v59, v12;
	v35 =	vor.u32 v35, v36;
	v36 =	vadd.f32 v56, v47  }
0x131: {  	v32 =	vadd.s32 $0x8000, v32;
	v29 =	vadd.s32 $0x8000, v29;
	v27 =	vadd.f32 v27, v38  }
0x132: {  	v32 =	vshrl.u32 v32, $0x10;
	v29 =	vand.u32 $0xFFFF0000, v29;
	v28 =	vadd.f32 v28, v36  }
0x133: {  	v21 =	vmul.f32 v21, v14;
	v29 =	vor.u32 v29, v32;
	v32 =	vadd.f32 v61, v39  }
0x134: {  	v27 =	vadd.s32 $0x8000, v27;
	v36 =	vadd.f32 v63, v62;
	v28 =	vadd.s32 $0x8000, v28  }
0x135: {  	v5 =	vld [tilespmem:s25+$0x410];
	v27 =	vand.u32 $0xFFFF0000, v27;
	v22 =	vadd.f32 v22, v32;
	v28 =	vshrl.u32 v28, $0x10  }
0x136: {  	v8 =	vld [tilespmem:s25+$0x420];
	[tilespmem:s25+$0x400] =	vst v46;
	v21 =	vadd.f32 v21, v36;
	v27 =	vor.u32 v27, v28;
	v28 =	vmul.f32 v33, v12  }
0x137: {  	v26 =	vmul.f32 v26, v10;
	v18 =	vmul.f32 v18, v14;
	v30 =	vadd.f32 v31, v30;
	[tilespmem:s25+$0x870] =	vst v44  }
0x138: {  	[tilespmem:s25+$0x860] =	vst v52;
	v22 =	vadd.s32 $0x8000, v22;
	v21 =	vadd.s32 $0x8000, v21;
	v28 =	vadd.f32 v28, v34  }
0x139: {  	v15 =	vmul.f32 v15, v14;
	[tilespmem:s25+$0x850] =	vst v40;
	v22 =	vshrl.u32 v22, $0x10;
	v21 =	vand.u32 $0xFFFF0000, v21  }
0x13a: {  	[tilespmem:s25+$0x840] =	vst v0;
	v0 =	vadd.f32 v18, v28;
	v18 =	vor.u32 v21, v22;
	v21 =	vmul.f32 v25, v12  }
0x13b: {  	v15 =	vadd.f32 v15, v30;
	[tilespmem:s25+$0x830] =	vst v43;
	v22 =	vmul.f32 v23, v10;
	v23 =	vmul.f32 v24, v12  }
0x13c: {  	v9 =	vand.u32 $0xFFFF0000, v9;
	v2 =	vmul.f32 v2, v14;
	v3 =	vmul.f32 v3, v14;
	[tilespmem:s25+$0x820] =	vst v37  }
0x13d: {  	v15 =	vadd.s32 $0x8000, v15;
	[tilespmem:s25+$0x810] =	vst v35;
	v21 =	vadd.f32 v21, v26;
	v22 =	vadd.f32 v23, v22  }
0x13e: {  	v19 =	vmul.f32 v19, v12;
	v15 =	vand.u32 $0xFFFF0000, v15;
	[tilespmem:s25+$0x800] =	vst v29;
	v0 =	vadd.s32 $0x8000, v0  }
0x13f: {  	s24 =	simm.s32 $0x100;
	s29 =	simm.s32 $0x80;
	[tilespmem:s25+$0x470] =	vst v27;
	v23 =	vld [tilespmem:s25+$0x4420];
	v0 =	vshrl.u32 v0, $0x10;
	v2 =	vadd.f32 v2, v21;
	v3 =	vadd.f32 v3, v22  }
0x140: {  	s23 =	sand.u32 $0x380, s29;
	s26 =	sand.u32 $0x1800, s24;
	v13 =	vmul.f32 v13, v14;
	[tilespmem:s25+$0x460] =	vst v18;
	v0 =	vor.u32 v15, v0;
	v15 =	vmul.f32 v17, v10  }
0x141: {  	s23 =	sor.u32 s23, s26;
	[tilespmem:s25+$0x450] =	vst v0;
	v0 =	vmul.f32 v16, v12;
	v2 =	vadd.s32 $0x8000, v2;
	v3 =	vadd.s32 $0x8000, v3  }
0x142: {  	v16 =	vadd.f32 v19, v20;
	v17 =	vld [tilespmem:s23+$0x8400];
	v2 =	vshrl.u32 v2, $0x10;
	v3 =	vand.u32 $0xFFFF0000, v3  }
0x143: {  	v1 =	vshll.u32 v8, $0x10;
	v0 =	vadd.f32 v0, v15;
	v15 =	vld [tilespmem:s25+$0x4410];
	v2 =	vor.u32 v3, v2  }
0x144: {  	v8 =	vand.u32 $0xFFFF0000, v8;
	v3 =	vld [tilespmem:s23+$0x8410];
	[tilespmem:s25+$0x440] =	vst v2;
	v2 =	vadd.f32 v13, v16;
	v16 =	vand.u32 $0xFFFF0000, v23  }
0x145: {  	v11 =	vshll.u32 v5, $0x10;
	v8 =	vmul.f32 v8, v10;
	v16 =	vmul.f32 v16, v12  }
0x146: {  	v5 =	vand.u32 $0xFFFF0000, v5;
	v1 =	vmul.f32 v1, v10;
	v9 =	vmul.f32 v9, v14;
	v27 =	vld [tilespmem:s23+$0x870]  }
0x147: {  	v5 =	vmul.f32 v5, v10;
	v6 =	vmul.f32 v6, v14;
	v24 =	vld [tilespmem:s23+$0x860];
	v8 =	vadd.f32 v16, v8  }
0x148: {  	v7 =	vmul.f32 v7, v14;
	v18 =	vshll.u32 v23, $0x10;
	v0 =	vadd.f32 v9, v0;
	v9 =	vld [tilespmem:s23+$0x8420]  }
0x149: {  	v13 =	vmul.f32 v18, v12;
	v18 =	vld [tilespmem:s23+$0x8430];
	v6 =	vadd.f32 v6, v8;
	v8 =	vand.u32 $0xFFFF0000, v15  }
0x14a: {  	v19 =	vld [tilespmem:s23+$0x8440];
	v2 =	vadd.s32 $0x8000, v2;
	v0 =	vadd.s32 $0x8000, v0;
	v8 =	vmul.f32 v8, v12  }
0x14b: {  	v1 =	vadd.f32 v13, v1;
	v13 =	vld [tilespmem:s23+$0x8450];
	v2 =	vshrl.u32 v2, $0x10;
	v0 =	vand.u32 $0xFFFF0000, v0  }
0x14c: {  	v0 =	vor.u32 v0, v2;
	v5 =	vadd.f32 v8, v5;
	v8 =	vld [tilespmem:$0x1FDF0]  }
0x14d: {  	v11 =	vmul.f32 v11, v10;
	v16 =	vshll.u32 v15, $0x10;
	v2 =	vld [tilespmem:s23+$0x8460];
	[tilespmem:s25+$0x430] =	vst v0;
	v0 =	vadd.f32 v7, v1  }
0x14e: {  	v4 =	vmul.f32 v4, v14;
	v1 =	vmul.f32 v16, v12;
	v7 =	vld [tilespmem:s23+$0x8470]  }
0x14f: {  	v10 =	vld [tilespmem:s23+$0x8800];
	v15 =	vshll.u32 v19, $0x10;
	v0 =	vadd.s32 $0x8000, v0;
	v6 =	vadd.s32 $0x8000, v6  }
0x150: {  	v12 =	vld [tilespmem:s23+$0x8810];
	[tilespmem:$0x1FE00] =	vst v15;
	v15 =	vand.u32 $0xFFFF0000, v19;
	v0 =	vshrl.u32 v0, $0x10;
	v6 =	vand.u32 $0xFFFF0000, v6  }
0x151: {  	v1 =	vadd.f32 v1, v11;
	v11 =	vld [tilespmem:s23+$0x8820];
	[tilespmem:$0x1FE10] =	vst v15;
	v0 =	vor.u32 v6, v0;
	v8 =	vmul.f32 v8, v14  }
0x152: {  	v15 =	vshll.u32 v13, $0x10;
	v6 =	vld [tilespmem:s23+$0x8830];
	[tilespmem:s25+$0x420] =	vst v0  }
0x153: {  	v13 =	vand.u32 $0xFFFF0000, v13;
	v0 =	vadd.f32 v4, v1;
	v4 =	vld [tilespmem:s23+$0x8840];
	v1 =	vadd.f32 v8, v5  }
0x154: {  	[tilespmem:$0x1FE30] =	vst v13;
	v13 =	vld [tilespmem:s23+$0x450]  }
0x155: {  	v0 =	vadd.s32 $0x8000, v0;
	v14 =	vld [tilespmem:s23+$0x8870];
	v1 =	vadd.s32 $0x8000, v1  }
0x156: {  	v0 =	vshrl.u32 v0, $0x10;
	v5 =	vld [tilespmem:s23+$0x8850];
	v1 =	vand.u32 $0xFFFF0000, v1  }
0x157: {  	[tilespmem:$0x1FE20] =	vst v15;
	v8 =	vld [tilespmem:s23+$0x8860];
	v0 =	vor.u32 v1, v0  }
0x158: {  	v15 =	vshll.u32 v2, $0x10;
	v1 =	vld [tilespmem:s23+$0x4400];
	[tilespmem:s25+$0x410] =	vst v0  }
0x159: {  	v2 =	vand.u32 $0xFFFF0000, v2;
	[tilespmem:$0x1FE40] =	vst v15;
	v0 =	vld [tilespmem:s23+$0x410]  }
0x15a: {  	[tilespmem:$0x1FE50] =	vst v2;
	v2 =	vshll.u32 v7, $0x10;
	v47 =	vshll.u32 v11, $0x10;
	v46 =	vand.u32 $0xFFFF0000, v11;
	v11 =	vld [tilespmem:s23+$0x470]  }
0x15b: {  	v7 =	vand.u32 $0xFFFF0000, v7;
	[tilespmem:$0x1FE60] =	vst v2;
	v2 =	vld [tilespmem:s23+$0x4450]  }
0x15c: {  	v38 =	vshll.u32 v18, $0x10;
	v37 =	vand.u32 $0xFFFF0000, v18;
	[tilespmem:$0x1FE70] =	vst v7;
	v7 =	vshll.u32 v10, $0x10;
	v16 =	vld [tilespmem:s23+$0x4410]  }
0x15d: {  	[tilespmem:$0x1FE80] =	vst v7;
	v7 =	vand.u32 $0xFFFF0000, v10;
	v10 =	vld [tilespmem:s23+$0x460];
	v53 =	vshll.u32 v6, $0x10;
	v52 =	vand.u32 $0xFFFF0000, v6  }
0x15e: {  	[tilespmem:$0x1FE90] =	vst v7;
	v20 =	vld [tilespmem:s23+$0x420];
	v18 =	vshll.u32 v1, $0x10;
	v15 =	vand.u32 $0xFFFF0000, v1;
	v1 =	vshll.u32 v0, $0x10  }
0x15f: {  	v7 =	vshll.u32 v8, $0x10;
	v6 =	vand.u32 $0xFFFF0000, v8;
	v8 =	vld [tilespmem:s23+$0x800];
	v0 =	vand.u32 $0xFFFF0000, v0;
	[tilespmem:$0x1FEA0] =	vst v1  }
0x160: {  	v21 =	vld [tilespmem:s23+$0x4420];
	v39 =	vshll.u32 v2, $0x10;
	v2 =	vand.u32 $0xFFFF0000, v2;
	[tilespmem:$0x1FEB0] =	vst v0  }
0x161: {  	v63 =	vshll.u32 v17, $0x10;
	v62 =	vand.u32 $0xFFFF0000, v17;
	v17 =	vld [tilespmem:s23+$0x430];
	v1 =	vshll.u32 v16, $0x10;
	[tilespmem:$0x1FFC0] =	vst v2  }
0x162: {  	v34 =	vshll.u32 v3, $0x10;
	v33 =	vand.u32 $0xFFFF0000, v3;
	v3 =	vld [tilespmem:s23+$0x4430];
	[tilespmem:$0x1FEC0] =	vst v1;
	v1 =	vand.u32 $0xFFFF0000, v16  }
0x163: {  	v36 =	vshll.u32 v9, $0x10;
	v35 =	vand.u32 $0xFFFF0000, v9;
	v9 =	vld [tilespmem:s23+$0x440];
	v16 =	vand.u32 $0xFFFF0000, v20;
	[tilespmem:$0x1FED0] =	vst v1  }
0x164: {  	v22 =	vld [tilespmem:s23+$0x4440];
	v1 =	vshll.u32 v20, $0x10;
	[tilespmem:$0x1FEF0] =	vst v16  }
0x165: {  	v41 =	vshll.u32 v12, $0x10;
	v40 =	vand.u32 $0xFFFF0000, v12;
	v12 =	vld [tilespmem:s23+$0x4460];
	v16 =	vshll.u32 v21, $0x10;
	[tilespmem:$0x1FEE0] =	vst v1  }
0x166: {  	v59 =	vshll.u32 v4, $0x10;
	v23 =	vld [tilespmem:s23+$0x4470];
	v20 =	vshll.u32 v17, $0x10;
	[tilespmem:$0x1FF00] =	vst v16  }
0x167: {  	v58 =	vand.u32 $0xFFFF0000, v4;
	v50 =	vshll.u32 v11, $0x10;
	v0 =	vld [tilespmem:s23+$0x4800];
	v17 =	vand.u32 $0xFFFF0000, v17;
	[tilespmem:$0x1FF20] =	vst v20  }
0x168: {  	v48 =	vand.u32 $0xFFFF0000, v11;
	v19 =	vshll.u32 v14, $0x10;
	v1 =	vld [tilespmem:s23+$0x810];
	v16 =	vand.u32 $0xFFFF0000, v21;
	[tilespmem:$0x1FF30] =	vst v17  }
0x169: {  	v14 =	vand.u32 $0xFFFF0000, v14;
	v45 =	vshll.u32 v10, $0x10;
	v17 =	vshll.u32 v3, $0x10;
	v20 =	vld [tilespmem:s23+$0x830];
	[tilespmem:$0x1FF10] =	vst v16  }
0x16a: {  	v42 =	vand.u32 $0xFFFF0000, v10;
	v4 =	vshll.u32 v5, $0x10;
	v3 =	vand.u32 $0xFFFF0000, v3;
	v21 =	vld [tilespmem:s23+$0x4830];
	[tilespmem:$0x1FF40] =	vst v17  }
0x16b: {  	v5 =	vand.u32 $0xFFFF0000, v5;
	v56 =	vshll.u32 v8, $0x10;
	v16 =	vld [tilespmem:s23+$0x4810];
	[tilespmem:$0x1FF50] =	vst v3;
	v3 =	vshll.u32 v9, $0x10  }
0x16c: {  	v55 =	vand.u32 $0xFFFF0000, v8;
	v44 =	vshll.u32 v12, $0x10;
	v17 =	vld [tilespmem:s23+$0x820];
	[tilespmem:$0x1FF60] =	vst v3;
	v3 =	vand.u32 $0xFFFF0000, v9  }
0x16d: {  	v60 =	vld [tilespmem:s23+$0x4840];
	v43 =	vand.u32 $0xFFFF0000, v12;
	v51 =	vshll.u32 v23, $0x10;
	[tilespmem:$0x1FF70] =	vst v3;
	v3 =	vshll.u32 v22, $0x10  }
0x16e: {  	v49 =	vand.u32 $0xFFFF0000, v23;
	v9 =	vld [tilespmem:s23+$0x4820];
	v57 =	vshll.u32 v0, $0x10;
	[tilespmem:$0x1FF80] =	vst v3;
	v3 =	vand.u32 $0xFFFF0000, v22  }
0x16f: {  	v54 =	vand.u32 $0xFFFF0000, v0;
	v22 =	vld [tilespmem:s23+$0x840];
	[tilespmem:$0x1FF90] =	vst v3;
	v3 =	vshll.u32 v13, $0x10;
	v0 =	vand.u32 $0xFFFF0000, v1  }
0x170: {  	v61 =	vld [tilespmem:s23+$0x4850];
	v12 =	vand.u32 $0xFFFF0000, v21;
	[tilespmem:$0x1FFA0] =	vst v3;
	v3 =	vand.u32 $0xFFFF0000, v13;
	v2 =	vand.u32 $0xFFFF0000, v16  }
0x171: {  	v23 =	vld [tilespmem:s23+$0x850];
	v10 =	vshll.u32 v17, $0x10;
	v8 =	vand.u32 $0xFFFF0000, v17;
	v13 =	vand.u32 $0xFFFF0000, v20  }
0x172: {  	v26 =	vld [tilespmem:s23+$0x4870];
	v17 =	vshll.u32 v21, $0x10;
	[tilespmem:$0x1FFB0] =	vst v3;
	v3 =	vshll.u32 v1, $0x10;
	v1 =	vshll.u32 v16, $0x10  }
0x173: {  	s25 =	simm.s32 $0xC480;
	v25 =	vld [tilespmem:s23+$0x400];
	v11 =	vshll.u32 v9, $0x10;
	v9 =	vand.u32 $0xFFFF0000, v9;
	v16 =	vshll.u32 v20, $0x10  }
0x174: {  	s26 =	simm.s32 $0x100;
	v28 =	vld [tilespmem:s25+$0x0];
	v21 =	vshll.u32 v22, $0x10;
	v20 =	vand.u32 $0xFFFF0000, v22;
	v22 =	vshll.u32 v60, $0x10  }
.LBB2_3:
0x175: {  	_ = 	snop  }
0x176: {  	[tilespmem:$0x1FDC0] =	vst v35;
	v29 =	vand.u32 $0xFFFF0000, v60;
	v30 =	vshll.u32 v23, $0x10;
	v23 =	vand.u32 $0xFFFF0000, v23  }
0x177: {  	[tilespmem:$0x1FDD0] =	vst v34;
	v31 =	vshll.u32 v61, $0x10;
	v32 =	vand.u32 $0xFFFF0000, v61;
	v61 =	vshll.u32 v24, $0x10  }
0x178: {  	[tilespmem:$0x1FDE0] =	vst v33;
	s22 =	sadd.s32 $0x80, s22;
	v33 =	vld [tilespmem:s23+$0x4860];
	v24 =	vand.u32 $0xFFFF0000, v24;
	v34 =	vshll.u32 v26, $0x10;
	v35 =	vshll.u32 v25, $0x10  }
0x179: {  	v60 =	vld [tilespmem:s22+$0x0];
	v25 =	vand.u32 $0xFFFF0000, v25;
	v16 =	vmul.f32 v16, v28;
	v10 =	vmul.f32 v10, v28  }
0x17a: {  	[tilespmem:$0x1FDB0] =	vst v36;
	v36 =	vshll.u32 v27, $0x10;
	v8 =	vmul.f32 v8, v28;
	v3 =	vmul.f32 v3, v28  }
0x17b: {  	[tilespmem:$0x1FDA0] =	vst v37;
	v37 =	vsub.f32 $1.000000000e+00, v28;
	v35 =	vmul.f32 v35, v28;
	v25 =	vmul.f32 v25, v28  }
0x17c: {  	[tilespmem:$0x1FD90] =	vst v38;
	v27 =	vand.u32 $0xFFFF0000, v27;
	v38 =	vmul.f32 v61, v28;
	v24 =	vmul.f32 v24, v28  }
0x17d: {  	v26 =	vand.u32 $0xFFFF0000, v26;
	v36 =	vmul.f32 v36, v28;
	v27 =	vmul.f32 v27, v28  }
0x17e: {  	v61 =	vsub.f32 v37, v60;
	v34 =	vmul.f32 v34, v60;
	v37 =	vshll.u32 v33, $0x10  }
0x17f: {  	v26 =	vmul.f32 v26, v60;
	v18 =	vmul.f32 v18, v60;
	v33 =	vand.u32 $0xFFFF0000, v33  }
0x180: {  	v15 =	vmul.f32 v15, v60;
	v19 =	vmul.f32 v19, v61;
	v34 =	vadd.f32 v34, v36  }
0x181: {  	v26 =	vadd.f32 v26, v27;
	v14 =	vmul.f32 v14, v61;
	v18 =	vadd.f32 v18, v35  }
0x182: {  	v27 =	vmul.f32 v63, v61;
	v63 =	vmul.f32 v62, v61;
	v15 =	vadd.f32 v15, v25  }
0x183: {  	v25 =	vmul.f32 v37, v60;
	v7 =	vmul.f32 v7, v61;
	v19 =	vadd.f32 v19, v34  }
0x184: {  	v6 =	vmul.f32 v6, v61;
	v14 =	vadd.f32 v14, v26;
	v18 =	vadd.f32 v27, v18  }
0x185: {  	v26 =	vmul.f32 v33, v60;
	v15 =	vadd.f32 v63, v15;
	v25 =	vadd.f32 v25, v38  }
0x186: {  	v19 =	vadd.s32 $0x8000, v19;
	v14 =	vadd.s32 $0x8000, v14;
	v18 =	vadd.s32 $0x8000, v18  }
0x187: {  	v15 =	vadd.s32 $0x8000, v15;
	v19 =	vshrl.u32 v19, $0x10;
	v14 =	vand.u32 $0xFFFF0000, v14  }
0x188: {  	v7 =	vadd.f32 v7, v25;
	v14 =	vor.u32 v14, v19;
	v19 =	vadd.f32 v26, v24  }
0x189: {  	v18 =	vshrl.u32 v18, $0x10;
	[tilespmem:s23+$0x870] =	vst v14;
	v14 =	vand.u32 $0xFFFF0000, v15;
	v15 =	vmul.f32 v30, v28  }
0x18a: {  	v14 =	vor.u32 v14, v18;
	v18 =	vmul.f32 v31, v60;
	v6 =	vadd.f32 v6, v19  }
0x18b: {  	v4 =	vmul.f32 v4, v61;
	v7 =	vadd.s32 $0x8000, v7;
	[tilespmem:s23+$0x400] =	vst v14;
	v14 =	vmul.f32 v23, v28  }
0x18c: {  	v15 =	vadd.f32 v18, v15;
	v18 =	vmul.f32 v32, v60;
	v6 =	vadd.s32 $0x8000, v6  }
0x18d: {  	v5 =	vmul.f32 v5, v61;
	v7 =	vshrl.u32 v7, $0x10;
	v6 =	vand.u32 $0xFFFF0000, v6  }
0x18e: {  	v14 =	vadd.f32 v18, v14;
	v18 =	vmul.f32 v21, v28;
	v4 =	vadd.f32 v4, v15  }
0x18f: {  	v6 =	vor.u32 v6, v7;
	v7 =	vmul.f32 v22, v60;
	v15 =	vmul.f32 v20, v28  }
0x190: {  	v5 =	vadd.f32 v5, v14;
	v14 =	vmul.f32 v29, v60;
	v4 =	vadd.s32 $0x8000, v4  }
0x191: {  	[tilespmem:s23+$0x860] =	vst v6;
	v6 =	vmul.f32 v59, v61;
	v7 =	vadd.f32 v7, v18;
	v4 =	vshrl.u32 v4, $0x10  }
0x192: {  	v5 =	vadd.s32 $0x8000, v5;
	v14 =	vadd.f32 v14, v15;
	v15 =	vmul.f32 v58, v61  }
0x193: {  	v6 =	vadd.f32 v6, v7;
	v7 =	vmul.f32 v13, v28;
	v5 =	vand.u32 $0xFFFF0000, v5  }
0x194: {  	v4 =	vor.u32 v5, v4;
	v5 =	vmul.f32 v17, v60;
	v13 =	vadd.f32 v15, v14  }
0x195: {  	v0 =	vmul.f32 v0, v28;
	v12 =	vmul.f32 v12, v60;
	v6 =	vadd.s32 $0x8000, v6  }
0x196: {  	[tilespmem:s23+$0x850] =	vst v4;
	v4 =	vmul.f32 v53, v61;
	v5 =	vadd.f32 v5, v16;
	v13 =	vadd.s32 $0x8000, v13  }
0x197: {  	v9 =	vmul.f32 v9, v60;
	v6 =	vshrl.u32 v6, $0x10;
	v13 =	vand.u32 $0xFFFF0000, v13  }
0x198: {  	v4 =	vadd.f32 v4, v5;
	v5 =	vor.u32 v13, v6;
	v6 =	vmul.f32 v11, v60  }
0x199: {  	v1 =	vmul.f32 v1, v60;
	v2 =	vmul.f32 v2, v60;
	v8 =	vadd.f32 v9, v8  }
0x19a: {  	v9 =	vmul.f32 v46, v61;
	[tilespmem:s23+$0x840] =	vst v5;
	v5 =	vmul.f32 v47, v61;
	v6 =	vadd.f32 v6, v10  }
0x19b: {  	v1 =	vadd.f32 v1, v3;
	v7 =	vadd.f32 v12, v7;
	v12 =	vmul.f32 v52, v61  }
0x19c: {  	v5 =	vadd.f32 v5, v6;
	v6 =	vadd.f32 v9, v8  }
0x19d: {  	v0 =	vadd.f32 v2, v0;
	v7 =	vadd.f32 v12, v7  }
0x19e: {  	v2 =	vmul.f32 v40, v61;
	v5 =	vadd.s32 $0x8000, v5;
	v3 =	vadd.s32 $0x8000, v6  }
0x19f: {  	v7 =	vadd.s32 $0x8000, v7;
	v5 =	vshrl.u32 v5, $0x10;
	v3 =	vand.u32 $0xFFFF0000, v3  }
0x1a0: {  	v7 =	vand.u32 $0xFFFF0000, v7;
	v4 =	vadd.s32 $0x8000, v4;
	v3 =	vor.u32 v3, v5  }
0x1a1: {  	v4 =	vshrl.u32 v4, $0x10;
	v5 =	vmul.f32 v55, v28;
	[tilespmem:s23+$0x820] =	vst v3;
	v3 =	vmul.f32 v54, v60  }
0x1a2: {  	v0 =	vadd.f32 v2, v0;
	v2 =	vld [tilespmem:$0x1FE80];
	v4 =	vor.u32 v7, v4  }
0x1a3: {  	[tilespmem:s23+$0x830] =	vst v4;
	v4 =	vmul.f32 v41, v61;
	v3 =	vadd.f32 v3, v5;
	v5 =	vld [tilespmem:$0x1FE90];
	_ =	sdelay $0x1  }
0x1a4: {  	v6 =	vmul.f32 v56, v28;
	v1 =	vadd.f32 v4, v1;
	v4 =	vmul.f32 v57, v60  }
0x1a5: {  	v0 =	vadd.s32 $0x8000, v0  }
0x1a6: {  	v2 =	vmul.f32 v2, v61;
	v1 =	vadd.s32 $0x8000, v1;
	v4 =	vadd.f32 v4, v6  }
0x1a7: {  	v0 =	vand.u32 $0xFFFF0000, v0;
	v1 =	vshrl.u32 v1, $0x10;
	v5 =	vmul.f32 v5, v61  }
0x1a8: {  	v2 =	vadd.f32 v2, v4;
	v0 =	vor.u32 v0, v1  }
0x1a9: {  	v4 =	vmul.f32 v48, v28;
	v3 =	vadd.f32 v5, v3;
	v5 =	vmul.f32 v49, v60  }
0x1aa: {  	[tilespmem:s23+$0x810] =	vst v0;
	v0 =	vld [tilespmem:$0x1FE60]  }
0x1ab: {  	v4 =	vadd.f32 v5, v4;
	v5 =	vld [tilespmem:$0x1FE70];
	_ =	sdelay $0x1  }
0x1ac: {  	v6 =	vmul.f32 v50, v28;
	v1 =	vmul.f32 v51, v60  }
0x1ad: {  	v2 =	vadd.s32 $0x8000, v2  }
0x1ae: {  	v1 =	vadd.f32 v1, v6;
	v0 =	vmul.f32 v0, v61;
	v3 =	vadd.s32 $0x8000, v3  }
0x1af: {  	v2 =	vshrl.u32 v2, $0x10;
	v3 =	vand.u32 $0xFFFF0000, v3;
	v5 =	vmul.f32 v5, v61  }
0x1b0: {  	v0 =	vadd.f32 v0, v1;
	v1 =	vor.u32 v3, v2  }
0x1b1: {  	v3 =	vmul.f32 v42, v28;
	v4 =	vadd.f32 v5, v4;
	v5 =	vmul.f32 v43, v60;
	_ =	sdelay $0x1  }
0x1b2: {  	v3 =	vadd.f32 v5, v3;
	v5 =	vld [tilespmem:$0x1FE50];
	_ =	sdelay $0x3  }
0x1b3: {  	v0 =	vadd.s32 $0x8000, v0;
	v4 =	vadd.s32 $0x8000, v4  }
0x1b4: {  	v0 =	vshrl.u32 v0, $0x10;
	v4 =	vand.u32 $0xFFFF0000, v4;
	v5 =	vmul.f32 v5, v61  }
0x1b5: {  	v0 =	vor.u32 v4, v0;
	v4 =	vld [tilespmem:$0x1FFB0]  }
0x1b6: {  	v3 =	vadd.f32 v5, v3;
	v5 =	vld [tilespmem:$0x1FFC0];
	_ =	sdelay $0x1  }
0x1b7: {  	[tilespmem:s23+$0x800] =	vst v1;
	v1 =	vld [tilespmem:$0x1FE40];
	_ =	sdelay $0x1  }
0x1b8: {  	v6 =	vmul.f32 v45, v28;
	v2 =	vmul.f32 v44, v60  }
0x1b9: {  	v4 =	vmul.f32 v4, v28;
	v5 =	vmul.f32 v5, v60;
	_ =	sdelay $0x1  }
0x1ba: {  	v2 =	vadd.f32 v2, v6;
	v1 =	vmul.f32 v1, v61;
	v4 =	vadd.f32 v5, v4;
	v5 =	vld [tilespmem:$0x1FE30];
	_ =	sdelay $0x1  }
0x1bb: {  	v1 =	vadd.f32 v1, v2;
	_ =	sdelay $0x1  }
0x1bc: {  	v1 =	vadd.s32 $0x8000, v1;
	v3 =	vadd.s32 $0x8000, v3  }
0x1bd: {  	v6 =	vld [tilespmem:$0x1FFA0];
	v1 =	vshrl.u32 v1, $0x10;
	v3 =	vand.u32 $0xFFFF0000, v3;
	v5 =	vmul.f32 v5, v61  }
0x1be: {  	v1 =	vor.u32 v3, v1;
	v3 =	vld [tilespmem:$0x1FF70]  }
0x1bf: {  	v4 =	vadd.f32 v5, v4;
	v5 =	vld [tilespmem:$0x1FF90];
	_ =	sdelay $0x1  }
0x1c0: {  	[tilespmem:s23+$0x470] =	vst v0;
	v0 =	vld [tilespmem:$0x1FE20];
	_ =	sdelay $0x1  }
0x1c1: {  	v6 =	vmul.f32 v6, v28;
	v2 =	vmul.f32 v39, v60  }
0x1c2: {  	v3 =	vmul.f32 v3, v28;
	v5 =	vmul.f32 v5, v60;
	_ =	sdelay $0x1  }
0x1c3: {  	v2 =	vadd.f32 v2, v6;
	v0 =	vmul.f32 v0, v61;
	v3 =	vadd.f32 v5, v3;
	v5 =	vld [tilespmem:$0x1FE10];
	_ =	sdelay $0x1  }
0x1c4: {  	v8 =	vld [tilespmem:$0x1FEF0];
	v0 =	vadd.f32 v0, v2  }
0x1c5: {  	v9 =	vld [tilespmem:$0x1FF10]  }
0x1c6: {  	v6 =	vld [tilespmem:$0x1FF60];
	v0 =	vadd.s32 $0x8000, v0;
	v4 =	vadd.s32 $0x8000, v4  }
0x1c7: {  	v2 =	vld [tilespmem:$0x1FF80];
	v0 =	vshrl.u32 v0, $0x10;
	v4 =	vand.u32 $0xFFFF0000, v4;
	v5 =	vmul.f32 v5, v61  }
0x1c8: {  	v0 =	vor.u32 v4, v0;
	v4 =	vld [tilespmem:$0x1FF30]  }
0x1c9: {  	v3 =	vadd.f32 v5, v3;
	v5 =	vld [tilespmem:$0x1FF50]  }
0x1ca: {  	[tilespmem:s23+$0x460] =	vst v1;
	v1 =	vld [tilespmem:$0x1FE00];
	_ =	sdelay $0x1  }
0x1cb: {  	v8 =	vmul.f32 v8, v28  }
0x1cc: {  	v14 =	vld [tilespmem:$0x1FED0];
	v6 =	vmul.f32 v6, v28;
	v2 =	vmul.f32 v2, v60  }
0x1cd: {  	v13 =	vld [tilespmem:$0x1FEB0];
	v4 =	vmul.f32 v4, v28;
	v5 =	vmul.f32 v5, v60  }
0x1ce: {  	v7 =	vld [tilespmem:$0x1FEE0];
	v9 =	vmul.f32 v9, v60;
	v1 =	vmul.f32 v1, v61;
	v2 =	vadd.f32 v2, v6  }
0x1cf: {  	v4 =	vadd.f32 v5, v4;
	v5 =	vld [tilespmem:$0x1FDA0]  }
0x1d0: {  	v8 =	vadd.f32 v9, v8;
	v9 =	vld [tilespmem:$0x1FDC0];
	v1 =	vadd.f32 v1, v2  }
0x1d1: {  	v6 =	vld [tilespmem:$0x1FF20]  }
0x1d2: {  	v2 =	vld [tilespmem:$0x1FF40];
	v1 =	vadd.s32 $0x8000, v1;
	v3 =	vadd.s32 $0x8000, v3  }
0x1d3: {  	v1 =	vshrl.u32 v1, $0x10;
	[tilespmem:s23+$0x450] =	vst v0;
	v0 =	vld [tilespmem:$0x1FD90];
	v3 =	vand.u32 $0xFFFF0000, v3  }
0x1d4: {  	v1 =	vor.u32 v3, v1;
	v3 =	vld [tilespmem:$0x1FF00];
	v5 =	vmul.f32 v5, v61  }
0x1d5: {  	v14 =	vmul.f32 v14, v60  }
0x1d6: {  	v13 =	vmul.f32 v13, v28;
	v9 =	vmul.f32 v9, v61;
	v4 =	vadd.f32 v5, v4;
	v5 =	vld [tilespmem:$0x1FDB0]  }
0x1d7: {  	s24 =	sadd.s32 $0x100, s24;
	v12 =	vld [tilespmem:$0x1FEA0];
	v6 =	vmul.f32 v6, v28;
	v2 =	vmul.f32 v2, v60  }
0x1d8: {  	s29 =	sand.u32 $0x380, s26;
	s28 =	sand.u32 $0x1800, s24;
	v13 =	vadd.f32 v14, v13;
	v14 =	vld [tilespmem:$0x1FDE0];
	v7 =	vmul.f32 v7, v28;
	v8 =	vadd.f32 v9, v8  }
0x1d9: {  	s28 =	sor.u32 s29, s28;
	v9 =	vld [tilespmem:$0x1FDD0];
	v2 =	vadd.f32 v2, v6;
	v0 =	vmul.f32 v0, v61;
	v3 =	vmul.f32 v3, v60  }
0x1da: {  	v6 =	vld [tilespmem:s28+$0x8400]  }
0x1db: {  	v0 =	vadd.f32 v0, v2;
	v2 =	vld [tilespmem:s28+$0x8410];
	[tilespmem:s23+$0x440] =	vst v1;
	v3 =	vadd.f32 v3, v7;
	v5 =	vmul.f32 v5, v61  }
0x1dc: {  	v1 =	vld [tilespmem:s28+$0x8420]  }
0x1dd: {  	v3 =	vadd.f32 v5, v3;
	v5 =	vld [tilespmem:$0x1FEC0]  }
0x1de: {  	v0 =	vadd.s32 $0x8000, v0;
	v10 =	vld [tilespmem:s28+$0x8430];
	v4 =	vadd.s32 $0x8000, v4  }
0x1df: {  	v0 =	vshrl.u32 v0, $0x10;
	v11 =	vld [tilespmem:s28+$0x8450];
	v4 =	vand.u32 $0xFFFF0000, v4  }
0x1e0: {  	v7 =	vld [tilespmem:s28+$0x8440];
	v0 =	vor.u32 v4, v0  }
0x1e1: {  	v4 =	vld [tilespmem:s28+$0x8460];
	[tilespmem:s23+$0x430] =	vst v0  }
0x1e2: {  	v12 =	vmul.f32 v12, v28;
	v8 =	vadd.s32 $0x8000, v8;
	v0 =	vld [tilespmem:s28+$0x8470];
	v5 =	vmul.f32 v5, v60  }
0x1e3: {  	v14 =	vmul.f32 v14, v61;
	v8 =	vand.u32 $0xFFFF0000, v8;
	v15 =	vld [tilespmem:s28+$0x8800];
	v3 =	vadd.s32 $0x8000, v3  }
0x1e4: {  	v9 =	vmul.f32 v9, v61;
	v16 =	vld [tilespmem:s28+$0x8820];
	v3 =	vshrl.u32 v3, $0x10;
	v5 =	vadd.f32 v5, v12  }
0x1e5: {  	v3 =	vor.u32 v8, v3;
	v8 =	vld [tilespmem:s28+$0x8830]  }
0x1e6: {  	v12 =	vld [tilespmem:s28+$0x8810];
	[tilespmem:s23+$0x420] =	vst v3;
	v5 =	vadd.f32 v9, v5;
	v9 =	vadd.f32 v14, v13  }
0x1e7: {  	v3 =	vld [tilespmem:s28+$0x8840]  }
0x1e8: {  	v17 =	vld [tilespmem:s28+$0x8870];
	v5 =	vadd.s32 $0x8000, v5;
	v9 =	vadd.s32 $0x8000, v9  }
0x1e9: {  	v13 =	vld [tilespmem:s28+$0x8850];
	v5 =	vshrl.u32 v5, $0x10;
	v9 =	vand.u32 $0xFFFF0000, v9  }
0x1ea: {  	v14 =	vld [tilespmem:s28+$0x8860];
	v5 =	vor.u32 v9, v5  }
0x1eb: {  	v9 =	vld [tilespmem:s28+$0x4400];
	[tilespmem:s23+$0x410] =	vst v5;
	s23 =	smov.u32 s28;
	v5 =	vshll.u32 v7, $0x10  }
0x1ec: {  	v20 =	vld [tilespmem:s23+$0x410];
	[tilespmem:$0x1FE00] =	vst v5;
	v5 =	vand.u32 $0xFFFF0000, v7  }
0x1ed: {  	v63 =	vshll.u32 v6, $0x10;
	v62 =	vand.u32 $0xFFFF0000, v6;
	v21 =	vld [tilespmem:s23+$0x4410];
	[tilespmem:$0x1FE10] =	vst v5;
	v5 =	vshll.u32 v11, $0x10  }
0x1ee: {  	v34 =	vshll.u32 v2, $0x10;
	v33 =	vand.u32 $0xFFFF0000, v2;
	v22 =	vld [tilespmem:s23+$0x420];
	[tilespmem:$0x1FE20] =	vst v5;
	v5 =	vand.u32 $0xFFFF0000, v11  }
0x1ef: {  	v36 =	vshll.u32 v1, $0x10;
	v35 =	vand.u32 $0xFFFF0000, v1;
	v23 =	vld [tilespmem:s23+$0x4420];
	[tilespmem:$0x1FE30] =	vst v5;
	v5 =	vshll.u32 v4, $0x10  }
0x1f0: {  	v38 =	vshll.u32 v10, $0x10;
	v37 =	vand.u32 $0xFFFF0000, v10;
	v24 =	vld [tilespmem:s23+$0x430];
	v4 =	vand.u32 $0xFFFF0000, v4;
	[tilespmem:$0x1FE40] =	vst v5  }
0x1f1: {  	v47 =	vshll.u32 v16, $0x10;
	v46 =	vand.u32 $0xFFFF0000, v16;
	v1 =	vld [tilespmem:s23+$0x4430];
	[tilespmem:$0x1FE50] =	vst v4;
	v4 =	vshll.u32 v0, $0x10  }
0x1f2: {  	v53 =	vshll.u32 v8, $0x10;
	v52 =	vand.u32 $0xFFFF0000, v8;
	v2 =	vld [tilespmem:s23+$0x440];
	v0 =	vand.u32 $0xFFFF0000, v0;
	[tilespmem:$0x1FE60] =	vst v4  }
0x1f3: {  	v41 =	vshll.u32 v12, $0x10;
	v40 =	vand.u32 $0xFFFF0000, v12;
	v10 =	vld [tilespmem:s23+$0x4440];
	[tilespmem:$0x1FE70] =	vst v0;
	v0 =	vshll.u32 v15, $0x10  }
0x1f4: {  	v19 =	vshll.u32 v17, $0x10;
	v6 =	vand.u32 $0xFFFF0000, v14;
	v25 =	vld [tilespmem:s23+$0x4450];
	v16 =	vshll.u32 v21, $0x10;
	[tilespmem:$0x1FE80] =	vst v0  }
0x1f5: {  	v12 =	vld [tilespmem:s23+$0x4460];
	v7 =	vshll.u32 v14, $0x10;
	v14 =	vand.u32 $0xFFFF0000, v17;
	v17 =	vand.u32 $0xFFFF0000, v22;
	[tilespmem:$0x1FEC0] =	vst v16  }
0x1f6: {  	v59 =	vshll.u32 v3, $0x10;
	v58 =	vand.u32 $0xFFFF0000, v3;
	v8 =	vld [tilespmem:s23+$0x470];
	v0 =	vand.u32 $0xFFFF0000, v15;
	[tilespmem:$0x1FEF0] =	vst v17  }
0x1f7: {  	v3 =	vld [tilespmem:s23+$0x4470];
	v18 =	vshll.u32 v9, $0x10;
	v15 =	vand.u32 $0xFFFF0000, v9;
	v9 =	vshll.u32 v20, $0x10;
	[tilespmem:$0x1FE90] =	vst v0  }
0x1f8: {  	v27 =	vld [tilespmem:s23+$0x4830];
	v16 =	vand.u32 $0xFFFF0000, v21;
	[tilespmem:$0x1FEA0] =	vst v9  }
0x1f9: {  	v29 =	vld [tilespmem:s23+$0x840];
	v17 =	vshll.u32 v23, $0x10;
	[tilespmem:$0x1FED0] =	vst v16  }
0x1fa: {  	v60 =	vld [tilespmem:s23+$0x4840];
	v9 =	vand.u32 $0xFFFF0000, v20;
	[tilespmem:$0x1FF00] =	vst v17  }
0x1fb: {  	v5 =	vand.u32 $0xFFFF0000, v13;
	v4 =	vshll.u32 v13, $0x10;
	v13 =	vld [tilespmem:s23+$0x800];
	v16 =	vshll.u32 v22, $0x10;
	[tilespmem:$0x1FEB0] =	vst v9  }
0x1fc: {  	v21 =	vld [tilespmem:s23+$0x4820];
	v17 =	vand.u32 $0xFFFF0000, v23;
	[tilespmem:$0x1FEE0] =	vst v16  }
0x1fd: {  	v0 =	vld [tilespmem:s23+$0x460];
	v20 =	vshll.u32 v24, $0x10;
	[tilespmem:$0x1FF10] =	vst v17  }
0x1fe: {  	v39 =	vshll.u32 v25, $0x10;
	v22 =	vld [tilespmem:s23+$0x830];
	[tilespmem:$0x1FF20] =	vst v20;
	v20 =	vand.u32 $0xFFFF0000, v24  }
0x1ff: {  	v44 =	vshll.u32 v12, $0x10;
	v43 =	vand.u32 $0xFFFF0000, v12;
	v9 =	vld [tilespmem:s23+$0x4800];
	[tilespmem:$0x1FF30] =	vst v20;
	v20 =	vshll.u32 v1, $0x10  }
0x200: {  	v50 =	vshll.u32 v8, $0x10;
	v48 =	vand.u32 $0xFFFF0000, v8;
	v16 =	vld [tilespmem:s23+$0x810];
	v1 =	vand.u32 $0xFFFF0000, v1;
	[tilespmem:$0x1FF40] =	vst v20  }
0x201: {  	v51 =	vshll.u32 v3, $0x10;
	v49 =	vand.u32 $0xFFFF0000, v3;
	v17 =	vld [tilespmem:s23+$0x4810];
	[tilespmem:$0x1FF50] =	vst v1;
	v1 =	vshll.u32 v2, $0x10  }
0x202: {  	v11 =	vld [tilespmem:s23+$0x450];
	v12 =	vand.u32 $0xFFFF0000, v27;
	v56 =	vshll.u32 v13, $0x10;
	[tilespmem:$0x1FF60] =	vst v1;
	v1 =	vand.u32 $0xFFFF0000, v2  }
0x203: {  	v20 =	vld [tilespmem:s23+$0x820];
	v55 =	vand.u32 $0xFFFF0000, v13;
	[tilespmem:$0x1FF70] =	vst v1;
	v1 =	vshll.u32 v10, $0x10;
	v45 =	vshll.u32 v0, $0x10  }
0x204: {  	v61 =	vld [tilespmem:s23+$0x4850];
	v42 =	vand.u32 $0xFFFF0000, v0;
	v13 =	vand.u32 $0xFFFF0000, v22;
	[tilespmem:$0x1FF80] =	vst v1;
	v1 =	vand.u32 $0xFFFF0000, v10  }
0x205: {  	p0 =	sne.s32 s26, $0xF80;
	s25 =	sadd.s32 $0x80, s25;
	v26 =	vld [tilespmem:s23+$0x4870];
	v57 =	vshll.u32 v9, $0x10;
	v54 =	vand.u32 $0xFFFF0000, v9;
	v3 =	vshll.u32 v16, $0x10  }
.Ltmp0:
0x206: {  	v28 =	vld [tilespmem:s25+$0x0];
	v0 =	vand.u32 $0xFFFF0000, v16;
	v2 =	vand.u32 $0xFFFF0000, v17;
	v9 =	vand.u32 $0xFFFF0000, v21;
	(pc) =	sbr.rel @p0 .LBB2_3-.Ltmp0, $4  }
0x207: {  	v23 =	vld [tilespmem:s23+$0x850];
	v16 =	vshll.u32 v22, $0x10;
	v22 =	vshll.u32 v60, $0x10;
	[tilespmem:$0x1FF90] =	vst v1;
	v1 =	vshll.u32 v11, $0x10  }
0x208: {  	v24 =	vld [tilespmem:s23+$0x860];
	[tilespmem:$0x1FFA0] =	vst v1;
	v1 =	vand.u32 $0xFFFF0000, v11;
	v10 =	vshll.u32 v20, $0x10;
	v8 =	vand.u32 $0xFFFF0000, v20  }
0x209: {  	v11 =	vshll.u32 v21, $0x10;
	v21 =	vshll.u32 v29, $0x10;
	[tilespmem:$0x1FFB0] =	vst v1;
	v1 =	vand.u32 $0xFFFF0000, v25;
	v25 =	vld [tilespmem:s23+$0x400]  }
0x20a: {  	s26 =	sadd.s32 $0x80, s26;
	v20 =	vand.u32 $0xFFFF0000, v29;
	[tilespmem:$0x1FFC0] =	vst v1;
	v1 =	vshll.u32 v17, $0x10;
	v17 =	vshll.u32 v27, $0x10;
	v27 =	vld [tilespmem:s23+$0x870]  }
0x20b: {  	s22 =	sadd.s32 $0x80, s22  }
0x20c: {  	v31 =	vld [tilespmem:s22+$0x0];
	_ =	sdelay $0x1  }
0x20d: {  	v29 =	vshll.u32 v26, $0x10;
	v32 =	vand.u32 $0xFFFF0000, v26;
	v21 =	vmul.f32 v21, v28  }
0x20e: {  	v26 =	vsub.f32 $1.000000000e+00, v28;
	v20 =	vmul.f32 v20, v28;
	v16 =	vmul.f32 v16, v28  }
0x20f: {  	v13 =	vmul.f32 v13, v28;
	v10 =	vmul.f32 v10, v28;
	v30 =	vshll.u32 v27, $0x10  }
0x210: {  	[tilespmem:$0x1FD60] =	vst v32;
	v32 =	vshll.u32 v25, $0x10;
	v30 =	vmul.f32 v30, v28;
	v29 =	vmul.f32 v29, v31  }
0x211: {  	v8 =	vmul.f32 v8, v28;
	v32 =	vmul.f32 v32, v28;
	v26 =	vsub.f32 v26, v31  }
0x212: {  	v3 =	vmul.f32 v3, v28;
	v0 =	vmul.f32 v0, v28;
	v29 =	vadd.f32 v29, v30;
	v30 =	vld [tilespmem:$0x1FD60]  }
0x213: {  	v19 =	vmul.f32 v19, v26;
	v14 =	vmul.f32 v14, v26  }
0x214: {  	v63 =	vmul.f32 v63, v26;
	v7 =	vmul.f32 v7, v26  }
0x215: {  	[tilespmem:$0x1FD70] =	vst v32;
	v32 =	vmov v31;
	v6 =	vmul.f32 v6, v26;
	v4 =	vmul.f32 v4, v26  }
0x216: {  	v27 =	vand.u32 $0xFFFF0000, v27;
	v5 =	vmul.f32 v5, v26;
	v18 =	vmul.f32 v18, v32  }
0x217: {  	[tilespmem:$0x1FD80] =	vst v29;
	v29 =	vmul.f32 v27, v28;
	v27 =	vand.u32 $0xFFFF0000, v25;
	v25 =	vmovc v32;
	v31 =	vmul.f32 v30, v31  }
0x218: {  	v27 =	vmul.f32 v27, v28;
	v15 =	vmul.f32 v15, v25  }
0x219: {  	v22 =	vmul.f32 v22, v25;
	v17 =	vmul.f32 v17, v25;
	v32 =	vadd.f32 v31, v29;
	v29 =	vld [tilespmem:$0x1FD70]  }
0x21a: {  	v12 =	vmul.f32 v12, v25;
	v11 =	vmul.f32 v11, v25  }
0x21b: {  	v9 =	vmul.f32 v9, v25;
	v1 =	vmul.f32 v1, v25;
	v30 =	vld [tilespmem:s23+$0x4860];
	v15 =	vadd.f32 v15, v27  }
0x21c: {  	v2 =	vmul.f32 v2, v25;
	v16 =	vadd.f32 v17, v16;
	v12 =	vadd.f32 v12, v13  }
0x21d: {  	v27 =	vmul.f32 v62, v26;
	v10 =	vadd.f32 v11, v10;
	v8 =	vadd.f32 v9, v8  }
0x21e: {  	v1 =	vadd.f32 v1, v3;
	v31 =	vshll.u32 v23, $0x10;
	v18 =	vadd.f32 v18, v29;
	v29 =	vld [tilespmem:$0x1FD80]  }
0x21f: {  	v0 =	vadd.f32 v2, v0;
	v23 =	vand.u32 $0xFFFF0000, v23;
	v31 =	vmul.f32 v31, v28  }
0x220: {  	v14 =	vadd.f32 v14, v32;
	v62 =	vshll.u32 v30, $0x10;
	v30 =	vand.u32 $0xFFFF0000, v30  }
0x221: {  	v15 =	vadd.f32 v27, v15;
	v23 =	vmul.f32 v23, v28;
	v27 =	vmul.f32 v30, v25  }
0x222: {  	v14 =	vadd.s32 $0x8000, v14;
	v18 =	vadd.f32 v63, v18;
	v63 =	vand.u32 $0xFFFF0000, v24  }
0x223: {  	v19 =	vadd.f32 v19, v29;
	v29 =	vshll.u32 v24, $0x10;
	v24 =	vmul.f32 v63, v28  }
0x224: {  	v62 =	vmul.f32 v62, v25;
	v14 =	vand.u32 $0xFFFF0000, v14;
	v32 =	vmul.f32 v29, v28  }
0x225: {  	v63 =	vand.u32 $0xFFFF0000, v61;
	v24 =	vadd.f32 v27, v24;
	v27 =	vmovc v26;
	v26 =	vmul.f32 v42, v28  }
0x226: {  	v32 =	vadd.f32 v62, v32;
	v62 =	vshll.u32 v61, $0x10;
	v61 =	vmul.f32 v63, v25  }
0x227: {  	v59 =	vmul.f32 v59, v27;
	v29 =	vmul.f32 v62, v25;
	v62 =	vand.u32 $0xFFFF0000, v60  }
0x228: {  	v6 =	vadd.f32 v6, v24;
	v60 =	vmul.f32 v58, v27;
	v58 =	vmul.f32 v50, v28  }
0x229: {  	v42 =	vld [tilespmem:$0x1FFA0];
	v7 =	vadd.f32 v7, v32;
	v23 =	vadd.f32 v61, v23;
	v63 =	vmul.f32 v62, v25  }
0x22a: {  	v32 =	vadd.s32 $0x8000, v19;
	v29 =	vadd.f32 v29, v31;
	v31 =	vadd.f32 v22, v21  }
0x22b: {  	v21 =	vmul.f32 v53, v27;
	v22 =	vmul.f32 v52, v27;
	v6 =	vadd.s32 $0x8000, v6  }
0x22c: {  	v23 =	vadd.f32 v5, v23;
	v20 =	vadd.f32 v63, v20;
	v63 =	vadd.s32 $0x8000, v18  }
0x22d: {  	v7 =	vadd.s32 $0x8000, v7;
	v18 =	vmul.f32 v47, v27;
	v47 =	vmul.f32 v54, v25  }
0x22e: {  	v6 =	vand.u32 $0xFFFF0000, v6;
	v19 =	vmul.f32 v42, v28;
	v42 =	vmul.f32 v36, v27  }
0x22f: {  	v30 =	vadd.f32 v4, v29;
	v4 =	vshrl.u32 v32, $0x10;
	v61 =	vadd.f32 v59, v31  }
0x230: {  	v5 =	vshrl.u32 v63, $0x10;
	v24 =	vadd.f32 v21, v16;
	v31 =	vmul.f32 v41, v27  }
0x231: {  	v12 =	vadd.f32 v22, v12;
	v32 =	vmul.f32 v40, v27;
	v40 =	vmul.f32 v56, v28  }
0x232: {  	v7 =	vshrl.u32 v7, $0x10;
	v41 =	vmul.f32 v57, v25;
	v59 =	vmul.f32 v51, v25  }
0x233: {  	v4 =	vor.u32 v14, v4;
	v62 =	vadd.f32 v60, v20;
	v20 =	vadd.s32 $0x8000, v15  }
0x234: {  	v6 =	vor.u32 v6, v7;
	v21 =	vadd.f32 v18, v10;
	v60 =	vmul.f32 v48, v28  }
0x235: {  	v13 =	vand.u32 $0xFFFF0000, v20;
	v20 =	vmul.f32 v46, v27;
	v29 =	vadd.s32 $0x8000, v30  }
0x236: {  	v30 =	vadd.s32 $0x8000, v23;
	v46 =	vmul.f32 v55, v28;
	v1 =	vadd.f32 v31, v1  }
0x237: {  	v0 =	vadd.f32 v32, v0;
	v52 =	vadd.f32 v41, v40;
	v54 =	vadd.s32 $0x8000, v61  }
0x238: {  	v61 =	vmul.f32 v49, v25;
	v23 =	vmul.f32 v45, v28;
	v12 =	vadd.s32 $0x8000, v12  }
0x239: {  	v5 =	vor.u32 v13, v5;
	v2 =	vshrl.u32 v29, $0x10;
	v3 =	vand.u32 $0xFFFF0000, v30  }
0x23a: {  	v56 =	vld [tilespmem:$0x1FE80];
	v55 =	vadd.s32 $0x8000, v62;
	v10 =	vshrl.u32 v54, $0x10;
	v62 =	vadd.f32 v59, v58  }
0x23b: {  	v57 =	vld [tilespmem:$0x1FE90];
	v13 =	vadd.s32 $0x8000, v24;
	v24 =	vmul.f32 v44, v25;
	v29 =	vmul.f32 v43, v25  }
0x23c: {  	v50 =	vld [tilespmem:$0x1FF60];
	v12 =	vand.u32 $0xFFFF0000, v12;
	v7 =	vadd.s32 $0x8000, v21;
	v43 =	vmul.f32 v39, v25  }
0x23d: {  	v51 =	vld [tilespmem:$0x1FF80];
	v8 =	vadd.f32 v20, v8;
	v2 =	vor.u32 v3, v2;
	v53 =	vadd.f32 v47, v46  }
0x23e: {  	v22 =	vld [tilespmem:$0x1FE60];
	v11 =	vand.u32 $0xFFFF0000, v55;
	v63 =	vadd.f32 v61, v60;
	v13 =	vshrl.u32 v13, $0x10  }
0x23f: {  	v32 =	vld [tilespmem:$0x1FE70];
	v7 =	vshrl.u32 v7, $0x10;
	v1 =	vadd.s32 $0x8000, v1;
	v0 =	vadd.s32 $0x8000, v0  }
0x240: {  	v40 =	vld [tilespmem:$0x1FE40];
	v14 =	vmul.f32 v56, v27;
	v15 =	vmul.f32 v57, v27;
	v10 =	vor.u32 v11, v10  }
0x241: {  	v41 =	vld [tilespmem:$0x1FE50];
	v12 =	vor.u32 v12, v13;
	v30 =	vadd.f32 v24, v23;
	v31 =	vadd.f32 v29, v26  }
0x242: {  	v48 =	vld [tilespmem:$0x1FE20];
	v46 =	vadd.f32 v43, v19;
	v19 =	vmul.f32 v50, v28;
	v20 =	vmul.f32 v51, v25  }
0x243: {  	v49 =	vld [tilespmem:$0x1FFC0];
	v1 =	vshrl.u32 v1, $0x10;
	v0 =	vand.u32 $0xFFFF0000, v0;
	v29 =	vmul.f32 v38, v27  }
0x244: {  	v47 =	vld [tilespmem:$0x1FFB0];
	v51 =	vmul.f32 v35, v27;
	v8 =	vadd.s32 $0x8000, v8;
	v0 =	vor.u32 v0, v1  }
0x245: {  	v56 =	vld [tilespmem:$0x1FE00];
	v9 =	vadd.f32 v15, v53;
	v15 =	vmul.f32 v22, v27;
	v16 =	vmul.f32 v32, v27  }
0x246: {  	v57 =	vld [tilespmem:$0x1FF90];
	v3 =	vadd.f32 v14, v52;
	v17 =	vmul.f32 v40, v27;
	v18 =	vmul.f32 v41, v27  }
0x247: {  	v54 =	vld [tilespmem:$0x1FE30];
	v8 =	vand.u32 $0xFFFF0000, v8;
	v53 =	vadd.f32 v20, v19;
	v11 =	vadd.f32 v15, v62  }
0x248: {  	v55 =	vld [tilespmem:$0x1FF70];
	v7 =	vor.u32 v8, v7;
	v44 =	vadd.f32 v16, v63;
	v13 =	vadd.f32 v17, v30  }
0x249: {  	v59 =	vld [tilespmem:$0x1FE10];
	v45 =	vadd.f32 v18, v31;
	v16 =	vmul.f32 v47, v28;
	v17 =	vmul.f32 v48, v27  }
0x24a: {  	v39 =	vld [tilespmem:$0x1FEF0];
	v18 =	vmul.f32 v49, v25;
	v3 =	vadd.s32 $0x8000, v3;
	v30 =	vmul.f32 v37, v27  }
0x24b: {  	v61 =	vld [tilespmem:$0x1FF40];
	v9 =	vadd.s32 $0x8000, v9;
	v19 =	vmul.f32 v56, v27;
	v20 =	vmul.f32 v57, v25  }
0x24c: {  	v41 =	vld [tilespmem:$0x1FEB0];
	v3 =	vshrl.u32 v3, $0x10;
	v9 =	vand.u32 $0xFFFF0000, v9;
	v16 =	vadd.f32 v18, v16  }
0x24d: {  	v60 =	vld [tilespmem:$0x1FF20];
	v52 =	vadd.f32 v17, v46;
	v17 =	vmul.f32 v54, v27;
	v18 =	vmul.f32 v55, v28  }
0x24e: {  	v32 =	vld [tilespmem:$0x1FF00];
	v3 =	vor.u32 v9, v3;
	v11 =	vadd.s32 $0x8000, v11;
	v8 =	vadd.s32 $0x8000, v44  }
0x24f: {  	v62 =	vld [tilespmem:$0x1FF30];
	v13 =	vadd.s32 $0x8000, v13;
	v14 =	vadd.s32 $0x8000, v45;
	v15 =	vadd.f32 v19, v53  }
0x250: {  	v63 =	vld [tilespmem:$0x1FF50];
	v11 =	vshrl.u32 v11, $0x10;
	v19 =	vmul.f32 v61, v25;
	v8 =	vand.u32 $0xFFFF0000, v8  }
0x251: {  	[tilespmem:s23+$0x400] =	vst v5;
	v40 =	vld [tilespmem:$0x1FEA0];
	v13 =	vshrl.u32 v13, $0x10;
	v14 =	vand.u32 $0xFFFF0000, v14;
	v5 =	vmul.f32 v41, v28  }
0x252: {  	v31 =	vld [tilespmem:$0x1FEE0];
	v53 =	vmul.f32 v33, v27;
	v16 =	vadd.f32 v17, v16;
	v58 =	vadd.f32 v20, v18  }
0x253: {  	v44 =	vld [tilespmem:$0x1FF10];
	v17 =	vmul.f32 v59, v27;
	v18 =	vmul.f32 v60, v28;
	v8 =	vor.u32 v8, v11  }
0x254: {  	v46 =	vld [tilespmem:$0x1FED0];
	v13 =	vor.u32 v14, v13;
	v1 =	vadd.s32 $0x8000, v52;
	v52 =	vmul.f32 v34, v27  }
0x255: {  	v20 =	vmul.f32 v62, v28;
	v21 =	vmul.f32 v63, v25;
	v1 =	vshrl.u32 v1, $0x10  }
0x256: {  	v45 =	vld [tilespmem:$0x1FEC0];
	v49 =	vadd.s32 $0x8000, v15;
	v9 =	vadd.f32 v17, v58;
	v24 =	vadd.f32 v19, v18  }
0x257: {  	[tilespmem:s23+$0x870] =	vst v4;
	v17 =	vmul.f32 v39, v28;
	v18 =	vmul.f32 v40, v28;
	v43 =	vadd.s32 $0x8000, v16  }
0x258: {  	[tilespmem:s23+$0x860] =	vst v6;
	v26 =	vadd.f32 v21, v20;
	v20 =	vmul.f32 v31, v28;
	v21 =	vmul.f32 v32, v25  }
0x259: {  	[tilespmem:s23+$0x850] =	vst v2;
	v16 =	vmul.f32 v44, v25;
	v2 =	vmul.f32 v46, v25;
	v6 =	vand.u32 $0xFFFF0000, v43  }
0x25a: {  	[tilespmem:s23+$0x840] =	vst v10;
	v11 =	vadd.f32 v29, v24;
	v1 =	vor.u32 v6, v1;
	v50 =	vadd.s32 $0x8000, v9  }
0x25b: {  	[tilespmem:s23+$0x830] =	vst v12;
	v38 =	vadd.f32 v21, v20;
	v20 =	vmul.f32 v45, v25;
	v47 =	vadd.f32 v16, v17  }
0x25c: {  	[tilespmem:s23+$0x820] =	vst v7;
	v2 =	vadd.f32 v2, v5;
	v5 =	vshrl.u32 v49, $0x10;
	v7 =	vand.u32 $0xFFFF0000, v50  }
0x25d: {  	[tilespmem:s23+$0x810] =	vst v0;
	v37 =	vadd.f32 v30, v26;
	v54 =	vor.u32 v7, v5;
	v4 =	vadd.f32 v42, v38  }
0x25e: {  	[tilespmem:s23+$0x800] =	vst v3;
	v57 =	vadd.s32 $0x8000, v11;
	v48 =	vadd.f32 v20, v18;
	v55 =	vadd.f32 v51, v47  }
0x25f: {  	[tilespmem:s23+$0x470] =	vst v8;
	v0 =	vadd.f32 v53, v2;
	v58 =	vadd.s32 $0x8000, v37;
	v2 =	vshrl.u32 v57, $0x10  }
0x260: {  	[tilespmem:s23+$0x460] =	vst v13;
	v7 =	vand.u32 $0xFFFF0000, v58;
	v56 =	vadd.f32 v52, v48;
	v4 =	vadd.s32 $0x8000, v4  }
0x261: {  	[tilespmem:s23+$0x450] =	vst v1;
	v59 =	vor.u32 v7, v2;
	v60 =	vadd.s32 $0x8000, v55;
	v0 =	vadd.s32 $0x8000, v0  }
0x262: {  	[tilespmem:s23+$0x440] =	vst v54;
	v4 =	vshrl.u32 v4, $0x10;
	v2 =	vand.u32 $0xFFFF0000, v60;
	v61 =	vadd.s32 $0x8000, v56  }
0x263: {  	[tilespmem:s23+$0x430] =	vst v59;
	v0 =	vand.u32 $0xFFFF0000, v0;
	v62 =	vor.u32 v2, v4;
	v63 =	vshrl.u32 v61, $0x10  }
0x264: {  	s29 =	sshll.u32 s13, $0xB;
	p0 =	seq.s32 s13, $0x1F;
	[tilespmem:s23+$0x420] =	vst v62;
	v0 =	vor.u32 v0, v63  }
.Ltmp1:
0x265: {  	s22 =	sadd.s32 s29, s15;
	[tilespmem:s23+$0x410] =	vst v0;
	(pc) =	sbr.rel @p0 .LBB2_6-.Ltmp1, $4  }
0x266: {  	[hbm4b:s22+s3] =	stream.linear.scatter [tilespmem:s20], [sflag:$0x3], $0x2000, $0x38;
	[tilespmem:$0x10400] =	vst v63  }
0x267: {  	_ =	swait.ge [sflag:s19], $0x2000  }
0x268: {  	[sflag:s19] =	ssyncset.done $0x0  }
0x269: {  	[sflag:s19] =	ssyncadd.s32 $0xFFFFE000  }
0x26a: {  	s22 =	rddreg [dreg:$0x8]  }
0x26b: {  	s21 =	sadd.s32 s21, s22  }
0x26c: {  	s22 =	sshrl.u32 s21, $0x3  }
0x26d: {  	s23 =	sadd.s32 s2, s22  }
0x26e: {  	[tilespmem:s3], [sflag:$0x3] =	stream.linear.gather [hbm4b:s23+s3], $0x20, $0x38;
	[tilespmem:$0x10400] =	vst v63  }
0x26f: {  	_ =	swait.ge [sflag:s19], $0x20  }
0x270: {  	[sflag:s19] =	ssyncset.done $0x0  }
0x271: {  	[sflag:s19] =	ssyncadd.s32 $0xFFFFFFE0  }
0x272: {  	v0 =	vld [tilespmem:$0x0];
	_ =	sdelay $0x2  }
0x273: {  	v2 =	vld [tilespmem:$0x1FFD0]  }
0x274: {  	v3 =	vld [tilespmem:$0x1FFE0]  }
0x275: {  	v4 =	vld [tilespmem:$0x1FFF0];
	v1 =	vshll.u32 v0, $0x1  }
0x276: {  	v0 =	vand.u32 $0x7, v0;
	v1 =	vand.u32 $0xFFFFFFF0, v1  }
0x277: {  	v0 =	vor.u32 v0, v1  }
0x278: {  	v1 =	vperm.xlane v0, v2;
	_ =	sdelay $0x1  }
0x279: {  	v0 =	vperm.xlane v0, v4;
	v1 =	vadd.s32 v3, v1;
	_ =	sdelay $0x1  }
0x27a: {  	v0 =	vadd.s32 v3, v0;
	_ =	sdelay $0x2  }
0x27b: {  	[tilespmem:s20], [sflag:$0x1] =	stream.indirect_vreg.gather [hbm4b:s1+s3], $0x80, v1, vm0, $0xb8;
	[tilespmem:$0x10400] =	vst v63  }
0x27c: {  	s24 =	simm.s32 $0xC00  }
0x27d: {  	[tilespmem:s24], [sflag:$0x1] =	stream.indirect_vreg.gather [hbm4b:s1+s3], $0x80, v0, vm0, $0xb8;
	[tilespmem:$0x10400] =	vst v63  }
0x27e: {  	v0 =	vld [tilespmem:$0x10];
	_ =	sdelay $0x4  }
0x27f: {  	v57 =	vshll.u32 v0, $0x1  }
0x280: {  	v0 =	vand.u32 $0x7, v0;
	v1 =	vand.u32 $0xFFFFFFF0, v57  }
0x281: {  	v0 =	vor.u32 v0, v1  }
0x282: {  	v1 =	vperm.xlane v0, v2;
	_ =	sdelay $0x1  }
0x283: {  	v0 =	vperm.xlane v0, v4;
	v1 =	vadd.s32 v3, v1;
	_ =	sdelay $0x1  }
0x284: {  	v0 =	vadd.s32 v3, v0;
	_ =	sdelay $0x1  }
0x285: {  	s25 =	simm.s32 $0x1400  }
0x286: {  	[tilespmem:s25], [sflag:$0x1] =	stream.indirect_vreg.gather [hbm4b:s1+s3], $0x80, v1, vm0, $0xb8;
	[tilespmem:$0x10400] =	vst v63  }
0x287: {  	s26 =	simm.s32 $0x1C00  }
0x288: {  	[tilespmem:s26], [sflag:$0x1] =	stream.indirect_vreg.gather [hbm4b:s1+s3], $0x80, v0, vm0, $0xb8;
	[tilespmem:$0x10400] =	vst v63  }
0x289: {  	s28 =	sadd.s32 s5, s22;
	s24 =	simm.s32 $0x80  }
0x28a: {  	[tilespmem:s24], [sflag:$0x3] =	stream.linear.gather [hbm4b:s28+s3], $0x20, $0x38;
	[tilespmem:$0x10400] =	vst v63  }
0x28b: {  	_ =	swait.ge [sflag:s19], $0x20  }
0x28c: {  	[sflag:s19] =	ssyncset.done $0x0  }
0x28d: {  	[sflag:s19] =	ssyncadd.s32 $0xFFFFFFE0  }
0x28e: {  	v58 =	vld [tilespmem:$0x80];
	_ =	sdelay $0x4  }
0x28f: {  	v59 =	vshll.u32 v58, $0x1  }
0x290: {  	v0 =	vand.u32 $0x7, v58;
	v1 =	vand.u32 $0xFFFFFFF0, v59  }
0x291: {  	v0 =	vor.u32 v0, v1  }
0x292: {  	v1 =	vperm.xlane v0, v2;
	_ =	sdelay $0x1  }
0x293: {  	v0 =	vperm.xlane v0, v4;
	v1 =	vadd.s32 v3, v1;
	_ =	sdelay $0x1  }
0x294: {  	v0 =	vadd.s32 v3, v0;
	_ =	sdelay $0x1  }
0x295: {  	s29 =	simm.s32 $0x4400  }
0x296: {  	[tilespmem:s29], [sflag:$0x1] =	stream.indirect_vreg.gather [hbm4b:s1+s3], $0x80, v1, vm0, $0xb8;
	[tilespmem:$0x10400] =	vst v63  }
0x297: {  	s24 =	simm.s32 $0x4C00  }
0x298: {  	[tilespmem:s24], [sflag:$0x1] =	stream.indirect_vreg.gather [hbm4b:s1+s3], $0x80, v0, vm0, $0xb8;
	[tilespmem:$0x10400] =	vst v63  }
0x299: {  	v0 =	vld [tilespmem:$0x90];
	_ =	sdelay $0x4  }
0x29a: {  	v60 =	vshll.u32 v0, $0x1  }
0x29b: {  	v0 =	vand.u32 $0x7, v0;
	v1 =	vand.u32 $0xFFFFFFF0, v60  }
0x29c: {  	v0 =	vor.u32 v0, v1  }
0x29d: {  	v1 =	vperm.xlane v0, v2;
	_ =	sdelay $0x1  }
0x29e: {  	v0 =	vperm.xlane v0, v4;
	v1 =	vadd.s32 v3, v1;
	_ =	sdelay $0x1  }
0x29f: {  	v0 =	vadd.s32 v3, v0;
	_ =	sdelay $0x1  }
0x2a0: {  	s25 =	simm.s32 $0x5400  }
0x2a1: {  	[tilespmem:s25], [sflag:$0x1] =	stream.indirect_vreg.gather [hbm4b:s1+s3], $0x80, v1, vm0, $0xb8;
	[tilespmem:$0x10400] =	vst v63  }
0x2a2: {  	s26 =	simm.s32 $0x5C00  }
0x2a3: {  	[tilespmem:s26], [sflag:$0x1] =	stream.indirect_vreg.gather [hbm4b:s1+s3], $0x80, v0, vm0, $0xb8;
	[tilespmem:$0x10400] =	vst v63  }
0x2a4: {  	s22 =	sadd.s32 s6, s22;
	s28 =	simm.s32 $0x100  }
0x2a5: {  	[tilespmem:s28], [sflag:$0x3] =	stream.linear.gather [hbm4b:s22+s3], $0x20, $0x38;
	[tilespmem:$0x10400] =	vst v63  }
0x2a6: {  	_ =	swait.ge [sflag:s19], $0x20  }
0x2a7: {  	[sflag:s19] =	ssyncset.done $0x0  }
0x2a8: {  	[sflag:s19] =	ssyncadd.s32 $0xFFFFFFE0  }
0x2a9: {  	v61 =	vld [tilespmem:$0x100];
	_ =	sdelay $0x4  }
0x2aa: {  	v62 =	vshll.u32 v61, $0x1  }
0x2ab: {  	v0 =	vand.u32 $0x7, v61;
	v1 =	vand.u32 $0xFFFFFFF0, v62  }
0x2ac: {  	v0 =	vor.u32 v0, v1  }
0x2ad: {  	v1 =	vperm.xlane v0, v2;
	_ =	sdelay $0x1  }
0x2ae: {  	v0 =	vperm.xlane v0, v4;
	v1 =	vadd.s32 v3, v1;
	_ =	sdelay $0x1  }
0x2af: {  	v0 =	vadd.s32 v3, v0;
	_ =	sdelay $0x1  }
0x2b0: {  	s29 =	simm.s32 $0x8400  }
0x2b1: {  	[tilespmem:s29], [sflag:$0x1] =	stream.indirect_vreg.gather [hbm4b:s1+s3], $0x80, v1, vm0, $0xb8;
	[tilespmem:$0x10400] =	vst v63  }
0x2b2: {  	s23 =	simm.s32 $0x8C00  }
0x2b3: {  	[tilespmem:s23], [sflag:$0x1] =	stream.indirect_vreg.gather [hbm4b:s1+s3], $0x80, v0, vm0, $0xb8;
	[tilespmem:$0x10400] =	vst v63  }
0x2b4: {  	v0 =	vld [tilespmem:$0x110];
	_ =	sdelay $0x4  }
0x2b5: {  	v63 =	vshll.u32 v0, $0x1  }
0x2b6: {  	v0 =	vand.u32 $0x7, v0;
	v1 =	vand.u32 $0xFFFFFFF0, v63  }
0x2b7: {  	v0 =	vor.u32 v0, v1  }
0x2b8: {  	v1 =	vperm.xlane v0, v2;
	_ =	sdelay $0x1  }
0x2b9: {  	v0 =	vperm.xlane v0, v4;
	v1 =	vadd.s32 v3, v1;
	_ =	sdelay $0x1  }
0x2ba: {  	v0 =	vadd.s32 v3, v0;
	_ =	sdelay $0x1  }
0x2bb: {  	s24 =	simm.s32 $0x9400  }
0x2bc: {  	[tilespmem:s24], [sflag:$0x1] =	stream.indirect_vreg.gather [hbm4b:s1+s3], $0x80, v1, vm0, $0xb8;
	[tilespmem:$0x10400] =	vst v63  }
0x2bd: {  	s21 =	sshll.u32 s21, $0x4;
	s25 =	simm.s32 $0x9C00  }
0x2be: {  	[tilespmem:s25], [sflag:$0x1] =	stream.indirect_vreg.gather [hbm4b:s1+s3], $0x80, v0, vm0, $0xb8;
	[tilespmem:$0x10400] =	vst v63  }
0x2bf: {  	s26 =	sadd.s32 s7, s21;
	s28 =	simm.s32 $0xC400  }
0x2c0: {  	[tilespmem:s28], [sflag:$0x3] =	stream.linear.gather [hbm4b:s26+s3], $0x1000, $0x38;
	[tilespmem:$0x10400] =	vst v63  }
0x2c1: {  	_ =	swait.ge [sflag:s19], $0x1000  }
0x2c2: {  	[sflag:s19] =	ssyncset.done $0x0  }
0x2c3: {  	s21 =	sadd.s32 s8, s21;
	s29 =	simm.s32 $0xE400;
	[sflag:s19] =	ssyncadd.s32 $0xFFFFF000  }
0x2c4: {  	[tilespmem:s29], [sflag:$0x3] =	stream.linear.gather [hbm4b:s21+s3], $0x1000, $0x38;
	[tilespmem:$0x10400] =	vst v63  }
0x2c5: {  	_ =	swait.ge [sflag:s19], $0x1000  }
0x2c6: {  	[sflag:s19] =	ssyncset.done $0x0  }
0x2c7: {  	[sflag:s19] =	ssyncadd.s32 $0xFFFFF000  }
.LBB2_6:
0x2c8: {  	_ =	swait.ge [sflag:s16], $0x2000  }
0x2c9: {  	[sflag:s16] =	ssyncset.done $0x0  }
0x2ca: {  	[sflag:s16] =	ssyncadd.s32 $0xFFFFE000  }
0x2cb: {  	_ =	swait.ge [sflag:s16], $0x2000  }
0x2cc: {  	[sflag:s16] =	ssyncset.done $0x0  }
0x2cd: {  	[sflag:s16] =	ssyncadd.s32 $0xFFFFE000  }
0x2ce: {  	s21 =	simm.s32 $0x0;
	_ =	swait.ge [sflag:s16], $0x2000  }
0x2cf: {  	s22 =	sand.u32 $0x1800, s21;
	s21 =	sand.u32 $0x380, s21;
	[sflag:s16] =	ssyncset.done $0x0  }
0x2d0: {  	s24 =	sor.u32 s21, s22;
	[sflag:s16] =	ssyncadd.s32 $0xFFFFE000  }
0x2d1: {  	v0 =	vld [tilespmem:s24+$0xA400]  }
0x2d2: {  	v1 =	vld [tilespmem:s24+$0xA410]  }
0x2d3: {  	v2 =	vld [tilespmem:s24+$0xA420]  }
0x2d4: {  	v10 =	vld [tilespmem:s24+$0xA440]  }
0x2d5: {  	v12 =	vld [tilespmem:s24+$0xA460]  }
0x2d6: {  	v14 =	vld [tilespmem:s24+$0xA470]  }
0x2d7: {  	v16 =	vld [tilespmem:s24+$0xA800]  }
0x2d8: {  	v17 =	vld [tilespmem:s24+$0xA810]  }
0x2d9: {  	v19 =	vld [tilespmem:s24+$0xA820]  }
0x2da: {  	v20 =	vld [tilespmem:s24+$0xA830]  }
0x2db: {  	v23 =	vld [tilespmem:s24+$0xA840]  }
0x2dc: {  	v24 =	vld [tilespmem:s24+$0xA850]  }
0x2dd: {  	v25 =	vld [tilespmem:s24+$0xA860]  }
0x2de: {  	v26 =	vld [tilespmem:s24+$0xA870]  }
0x2df: {  	v30 =	vld [tilespmem:s24+$0x6400];
	v44 =	vshll.u32 v0, $0x10;
	v46 =	vand.u32 $0xFFFF0000, v0  }
0x2e0: {  	v31 =	vld [tilespmem:s24+$0x2430];
	v4 =	vshll.u32 v1, $0x10;
	v7 =	vshll.u32 v2, $0x10;
	v6 =	vand.u32 $0xFFFF0000, v2  }
0x2e1: {  	v33 =	vld [tilespmem:s24+$0x6430];
	v2 =	vshll.u32 v10, $0x10;
	v3 =	vand.u32 $0xFFFF0000, v10;
	v22 =	vshll.u32 v12, $0x10  }
0x2e2: {  	v39 =	vld [tilespmem:s24+$0x2450];
	v21 =	vand.u32 $0xFFFF0000, v12;
	v28 =	vshll.u32 v14, $0x10;
	v27 =	vand.u32 $0xFFFF0000, v14  }
0x2e3: {  	v40 =	vld [tilespmem:s24+$0x6450];
	v32 =	vshll.u32 v16, $0x10;
	v29 =	vand.u32 $0xFFFF0000, v16;
	v36 =	vshll.u32 v17, $0x10  }
0x2e4: {  	v42 =	vld [tilespmem:s24+$0x6870];
	v35 =	vand.u32 $0xFFFF0000, v17;
	v38 =	vshll.u32 v19, $0x10;
	v37 =	vand.u32 $0xFFFF0000, v19  }
0x2e5: {  	v57 =	vld [tilespmem:s24+$0x2400];
	v48 =	vshll.u32 v20, $0x10;
	v43 =	vand.u32 $0xFFFF0000, v20;
	v51 =	vshll.u32 v23, $0x10  }
0x2e6: {  	v47 =	vld [tilespmem:s24+$0x2870];
	v50 =	vand.u32 $0xFFFF0000, v23;
	v52 =	vshll.u32 v24, $0x10;
	v53 =	vand.u32 $0xFFFF0000, v24  }
0x2e7: {  	v12 =	vld [tilespmem:s24+$0x2440];
	v54 =	vshll.u32 v25, $0x10;
	v55 =	vand.u32 $0xFFFF0000, v25;
	v41 =	vshll.u32 v30, $0x10  }
0x2e8: {  	s28 =	simm.s32 $0xD400;
	v14 =	vld [tilespmem:s24+$0x6440];
	v45 =	vshll.u32 v26, $0x10;
	v49 =	vand.u32 $0xFFFF0000, v26;
	v56 =	vand.u32 $0xFFFF0000, v30  }
0x2e9: {  	v20 =	vshll.u32 v31, $0x10;
	v10 =	vld [tilespmem:s28+$0x0];
	v17 =	vand.u32 $0xFFFF0000, v31;
	v19 =	vshll.u32 v33, $0x10  }
0x2ea: {  	v16 =	vand.u32 $0xFFFF0000, v33;
	v34 =	vshll.u32 v39, $0x10;
	v30 =	vand.u32 $0xFFFF0000, v39  }
0x2eb: {  	s21 =	simm.s32 $0xF400;
	v33 =	vshll.u32 v40, $0x10;
	v31 =	vand.u32 $0xFFFF0000, v40;
	v39 =	vshll.u32 v42, $0x10  }
0x2ec: {  	v40 =	vand.u32 $0xFFFF0000, v42;
	v26 =	vshll.u32 v12, $0x10;
	v23 =	vand.u32 $0xFFFF0000, v12;
	v12 =	vld [tilespmem:s21+$0x0]  }
0x2ed: {  	v60 =	vshll.u32 v47, $0x10;
	v47 =	vand.u32 $0xFFFF0000, v47;
	v25 =	vshll.u32 v14, $0x10  }
0x2ee: {  	v58 =	vld [tilespmem:s24+$0x2460];
	v24 =	vand.u32 $0xFFFF0000, v14;
	v14 =	vshll.u32 v57, $0x10;
	v47 =	vmul.f32 v47, v10  }
0x2ef: {  	v9 =	vld [tilespmem:s24+$0xA430];
	v42 =	vsub.f32 $1.000000000e+00, v10;
	v34 =	vmul.f32 v34, v10;
	v30 =	vmul.f32 v30, v10  }
0x2f0: {  	v11 =	vld [tilespmem:s24+$0xA450];
	v57 =	vand.u32 $0xFFFF0000, v57;
	v20 =	vmul.f32 v20, v10;
	v61 =	vmul.f32 v14, v10  }
0x2f1: {  	v57 =	vmul.f32 v57, v10;
	v14 =	vsub.f32 v42, v12;
	v42 =	vmul.f32 v60, v10  }
0x2f2: {  	v0 =	vand.u32 $0xFFFF0000, v1;
	v60 =	vmul.f32 v39, v12;
	v63 =	vmul.f32 v40, v12  }
0x2f3: {  	v59 =	vld [tilespmem:s24+$0x6460];
	v39 =	vshll.u32 v58, $0x10;
	v40 =	vmul.f32 v41, v12;
	v56 =	vmul.f32 v56, v12  }
0x2f4: {  	v13 =	vshll.u32 v9, $0x10;
	v31 =	vmul.f32 v31, v12;
	v39 =	vmul.f32 v39, v10  }
0x2f5: {  	v18 =	vshll.u32 v11, $0x10;
	v45 =	vmul.f32 v45, v14;
	v49 =	vmul.f32 v49, v14  }
0x2f6: {  	v15 =	vand.u32 $0xFFFF0000, v11;
	v44 =	vmul.f32 v44, v14;
	v46 =	vmul.f32 v46, v14  }
0x2f7: {  	v58 =	vand.u32 $0xFFFF0000, v58;
	v54 =	vmul.f32 v54, v14;
	v55 =	vmul.f32 v55, v14  }
0x2f8: {  	v62 =	vld [tilespmem:s24+$0x2470];
	v41 =	vshll.u32 v59, $0x10;
	v52 =	vmul.f32 v52, v14;
	v53 =	vmul.f32 v53, v14  }
0x2f9: {  	v59 =	vand.u32 $0xFFFF0000, v59;
	v51 =	vmul.f32 v51, v14;
	v50 =	vmul.f32 v50, v14  }
0x2fa: {  	v60 =	vadd.f32 v60, v42;
	v48 =	vmul.f32 v48, v14;
	v43 =	vmul.f32 v43, v14  }
0x2fb: {  	[tilespmem:$0x1FB80] =	vst v0;
	v0 =	vld [tilespmem:s24+$0x2860];
	v63 =	vadd.f32 v63, v47;
	v38 =	vmul.f32 v38, v14;
	v37 =	vmul.f32 v37, v14  }
0x2fc: {  	v40 =	vadd.f32 v40, v61;
	v36 =	vmul.f32 v36, v14;
	v35 =	vmul.f32 v35, v14  }
0x2fd: {  	v42 =	vld [tilespmem:s24+$0x6860];
	v47 =	vshll.u32 v62, $0x10;
	v32 =	vmul.f32 v32, v14;
	v29 =	vmul.f32 v29, v14  }
0x2fe: {  	v56 =	vadd.f32 v56, v57;
	v28 =	vmul.f32 v28, v14;
	v27 =	vmul.f32 v27, v14  }
0x2ff: {  	v61 =	vld [tilespmem:s24+$0x6470];
	v22 =	vmul.f32 v22, v14;
	v47 =	vmul.f32 v47, v10;
	v60 =	vadd.f32 v45, v60  }
0x300: {  	v45 =	vand.u32 $0xFFFF0000, v62;
	v62 =	vadd.f32 v49, v63;
	v63 =	vshll.u32 v0, $0x10  }
0x301: {  	v40 =	vadd.f32 v44, v40;
	v0 =	vand.u32 $0xFFFF0000, v0;
	v46 =	vadd.f32 v46, v56  }
0x302: {  	v63 =	vmul.f32 v63, v10;
	v0 =	vmul.f32 v0, v10;
	v57 =	vshll.u32 v42, $0x10  }
0x303: {  	v56 =	vld [tilespmem:s24+$0x2850];
	v40 =	vadd.s32 $0x8000, v40;
	v46 =	vadd.s32 $0x8000, v46;
	v44 =	vmul.f32 v57, v12  }
0x304: {  	v49 =	vshll.u32 v61, $0x10;
	v42 =	vand.u32 $0xFFFF0000, v42;
	v40 =	vshrl.u32 v40, $0x10  }
0x305: {  	v46 =	vand.u32 $0xFFFF0000, v46;
	v42 =	vmul.f32 v42, v12;
	v57 =	vadd.f32 v44, v63;
	v63 =	vld [tilespmem:s24+$0x6850]  }
0x306: {  	v61 =	vand.u32 $0xFFFF0000, v61;
	v44 =	vadd.s32 $0x8000, v60;
	v60 =	vadd.s32 $0x8000, v62  }
0x307: {  	v0 =	vadd.f32 v42, v0;
	v44 =	vshrl.u32 v44, $0x10;
	v60 =	vand.u32 $0xFFFF0000, v60  }
0x308: {  	v46 =	vor.u32 v46, v40;
	v40 =	vshll.u32 v56, $0x10;
	v44 =	vor.u32 v60, v44;
	v60 =	vld [tilespmem:s24+$0x2840]  }
0x309: {  	v62 =	vld [tilespmem:s24+$0x6840];
	v42 =	vand.u32 $0xFFFF0000, v56;
	v40 =	vmul.f32 v40, v10;
	v0 =	vadd.f32 v55, v0  }
0x30a: {  	v42 =	vmul.f32 v42, v10;
	v54 =	vadd.f32 v54, v57;
	v56 =	vshll.u32 v63, $0x10  }
0x30b: {  	v0 =	vadd.s32 $0x8000, v0;
	v63 =	vand.u32 $0xFFFF0000, v63;
	v56 =	vmul.f32 v56, v12  }
0x30c: {  	v54 =	vadd.s32 $0x8000, v54;
	v0 =	vand.u32 $0xFFFF0000, v0;
	v55 =	vmul.f32 v63, v12;
	v63 =	vld [tilespmem:s24+$0x2830]  }
0x30d: {  	v57 =	vshll.u32 v60, $0x10;
	v60 =	vand.u32 $0xFFFF0000, v60;
	v40 =	vadd.f32 v56, v40  }
0x30e: {  	v42 =	vadd.f32 v55, v42;
	v55 =	vshll.u32 v62, $0x10;
	v62 =	vand.u32 $0xFFFF0000, v62  }
0x30f: {  	v55 =	vmul.f32 v55, v12;
	v40 =	vadd.f32 v52, v40;
	v52 =	vshrl.u32 v54, $0x10  }
0x310: {  	v54 =	vmul.f32 v57, v10;
	v57 =	vmul.f32 v62, v12;
	v42 =	vadd.f32 v53, v42  }
0x311: {  	v52 =	vor.u32 v0, v52;
	v0 =	vmul.f32 v60, v10;
	v60 =	vld [tilespmem:s24+$0x6830];
	v62 =	vand.u32 $0xFFFF0000, v63  }
0x312: {  	v54 =	vadd.f32 v55, v54;
	v55 =	vld [tilespmem:s24+$0x2820];
	v40 =	vadd.s32 $0x8000, v40;
	v42 =	vadd.s32 $0x8000, v42  }
0x313: {  	v62 =	vmul.f32 v62, v10;
	v0 =	vadd.f32 v57, v0;
	v57 =	vshll.u32 v63, $0x10  }
0x314: {  	v40 =	vshrl.u32 v40, $0x10;
	v42 =	vand.u32 $0xFFFF0000, v42;
	v51 =	vadd.f32 v51, v54  }
0x315: {  	v40 =	vor.u32 v42, v40;
	v42 =	vld [tilespmem:s24+$0x6820];
	v57 =	vmul.f32 v57, v10;
	v0 =	vadd.f32 v50, v0  }
0x316: {  	v54 =	vshll.u32 v60, $0x10;
	v60 =	vand.u32 $0xFFFF0000, v60;
	v51 =	vadd.s32 $0x8000, v51  }
0x317: {  	v54 =	vmul.f32 v54, v12;
	v50 =	vshll.u32 v55, $0x10;
	v60 =	vmul.f32 v60, v12  }
0x318: {  	v56 =	vld [tilespmem:s24+$0x2800];
	v55 =	vand.u32 $0xFFFF0000, v55;
	v0 =	vadd.s32 $0x8000, v0;
	v51 =	vshrl.u32 v51, $0x10  }
0x319: {  	v0 =	vand.u32 $0xFFFF0000, v0;
	v50 =	vmul.f32 v50, v10;
	v54 =	vadd.f32 v54, v57;
	v57 =	vld [tilespmem:s24+$0x6800]  }
0x31a: {  	v55 =	vmul.f32 v55, v10;
	v60 =	vadd.f32 v60, v62;
	v62 =	vld [tilespmem:s24+$0x2810];
	v63 =	vshll.u32 v42, $0x10  }
0x31b: {  	v0 =	vor.u32 v0, v51;
	v42 =	vand.u32 $0xFFFF0000, v42;
	v51 =	vmul.f32 v63, v12  }
0x31c: {  	v42 =	vmul.f32 v42, v12;
	v48 =	vadd.f32 v48, v54;
	v43 =	vadd.f32 v43, v60  }
0x31d: {  	v53 =	vshll.u32 v56, $0x10;
	v56 =	vand.u32 $0xFFFF0000, v56;
	v54 =	vld [tilespmem:s24+$0x6810];
	v50 =	vadd.f32 v51, v50  }
0x31e: {  	v42 =	vadd.f32 v42, v55;
	v48 =	vadd.s32 $0x8000, v48;
	v43 =	vadd.s32 $0x8000, v43  }
0x31f: {  	v60 =	vshll.u32 v57, $0x10;
	v57 =	vand.u32 $0xFFFF0000, v57;
	v51 =	vshll.u32 v62, $0x10  }
0x320: {  	v62 =	vand.u32 $0xFFFF0000, v62;
	v48 =	vshrl.u32 v48, $0x10;
	v43 =	vand.u32 $0xFFFF0000, v43  }
0x321: {  	v38 =	vadd.f32 v38, v50;
	v37 =	vadd.f32 v37, v42;
	v51 =	vmul.f32 v51, v10  }
0x322: {  	v43 =	vor.u32 v43, v48;
	v55 =	vmul.f32 v62, v10;
	v63 =	vshll.u32 v54, $0x10  }
0x323: {  	v54 =	vand.u32 $0xFFFF0000, v54;
	v38 =	vadd.s32 $0x8000, v38;
	v37 =	vadd.s32 $0x8000, v37  }
0x324: {  	v63 =	vmul.f32 v63, v12;
	v62 =	vmul.f32 v54, v12;
	v38 =	vshrl.u32 v38, $0x10  }
0x325: {  	v37 =	vand.u32 $0xFFFF0000, v37;
	v54 =	vmul.f32 v56, v10;
	v56 =	vmul.f32 v49, v12  }
0x326: {  	v48 =	vadd.f32 v63, v51;
	v42 =	vadd.f32 v62, v55;
	v63 =	vmul.f32 v53, v10  }
0x327: {  	v37 =	vor.u32 v37, v38;
	v53 =	vmul.f32 v60, v12;
	v55 =	vmul.f32 v57, v12  }
0x328: {  	v57 =	vmul.f32 v45, v10;
	v36 =	vadd.f32 v36, v48;
	v35 =	vadd.f32 v35, v42  }
0x329: {  	v60 =	vmul.f32 v61, v12;
	v38 =	vadd.f32 v53, v63;
	v42 =	vadd.f32 v55, v54  }
0x32a: {  	v61 =	vmul.f32 v41, v12;
	v62 =	vmul.f32 v58, v10;
	v36 =	vadd.s32 $0x8000, v36  }
0x32b: {  	v35 =	vadd.s32 $0x8000, v35;
	v32 =	vadd.f32 v32, v38;
	v29 =	vadd.f32 v29, v42  }
0x32c: {  	v38 =	vadd.f32 v60, v57;
	v36 =	vshrl.u32 v36, $0x10;
	v35 =	vand.u32 $0xFFFF0000, v35  }
0x32d: {  	v63 =	vmul.f32 v59, v12;
	v35 =	vor.u32 v35, v36;
	v36 =	vadd.f32 v56, v47  }
0x32e: {  	v32 =	vadd.s32 $0x8000, v32;
	v29 =	vadd.s32 $0x8000, v29;
	v27 =	vadd.f32 v27, v38  }
0x32f: {  	v32 =	vshrl.u32 v32, $0x10;
	v29 =	vand.u32 $0xFFFF0000, v29;
	v28 =	vadd.f32 v28, v36  }
0x330: {  	v21 =	vmul.f32 v21, v14;
	v29 =	vor.u32 v29, v32;
	v32 =	vadd.f32 v61, v39  }
0x331: {  	v27 =	vadd.s32 $0x8000, v27;
	v36 =	vadd.f32 v63, v62;
	v28 =	vadd.s32 $0x8000, v28  }
0x332: {  	v5 =	vld [tilespmem:s24+$0x2410];
	v27 =	vand.u32 $0xFFFF0000, v27;
	v22 =	vadd.f32 v22, v32;
	v28 =	vshrl.u32 v28, $0x10  }
0x333: {  	v8 =	vld [tilespmem:s24+$0x2420];
	[tilespmem:s24+$0x2400] =	vst v46;
	v21 =	vadd.f32 v21, v36;
	v27 =	vor.u32 v27, v28;
	v28 =	vmul.f32 v33, v12  }
0x334: {  	v26 =	vmul.f32 v26, v10;
	v18 =	vmul.f32 v18, v14;
	v30 =	vadd.f32 v31, v30;
	[tilespmem:s24+$0x2870] =	vst v44  }
0x335: {  	[tilespmem:s24+$0x2860] =	vst v52;
	v22 =	vadd.s32 $0x8000, v22;
	v21 =	vadd.s32 $0x8000, v21;
	v28 =	vadd.f32 v28, v34  }
0x336: {  	v15 =	vmul.f32 v15, v14;
	[tilespmem:s24+$0x2850] =	vst v40;
	v22 =	vshrl.u32 v22, $0x10;
	v21 =	vand.u32 $0xFFFF0000, v21  }
0x337: {  	[tilespmem:s24+$0x2840] =	vst v0;
	v0 =	vadd.f32 v18, v28;
	v18 =	vor.u32 v21, v22;
	v21 =	vmul.f32 v25, v12  }
0x338: {  	v15 =	vadd.f32 v15, v30;
	[tilespmem:s24+$0x2830] =	vst v43;
	v22 =	vmul.f32 v23, v10;
	v23 =	vmul.f32 v24, v12  }
0x339: {  	v9 =	vand.u32 $0xFFFF0000, v9;
	v2 =	vmul.f32 v2, v14;
	v3 =	vmul.f32 v3, v14;
	[tilespmem:s24+$0x2820] =	vst v37  }
0x33a: {  	v15 =	vadd.s32 $0x8000, v15;
	[tilespmem:s24+$0x2810] =	vst v35;
	v21 =	vadd.f32 v21, v26;
	v22 =	vadd.f32 v23, v22  }
0x33b: {  	v19 =	vmul.f32 v19, v12;
	v15 =	vand.u32 $0xFFFF0000, v15;
	[tilespmem:s24+$0x2800] =	vst v29;
	v0 =	vadd.s32 $0x8000, v0  }
0x33c: {  	s29 =	simm.s32 $0x80;
	s23 =	simm.s32 $0x100;
	[tilespmem:s24+$0x2470] =	vst v27;
	v23 =	vld [tilespmem:s24+$0x6420];
	v0 =	vshrl.u32 v0, $0x10;
	v2 =	vadd.f32 v2, v21;
	v3 =	vadd.f32 v3, v22  }
0x33d: {  	s25 =	sand.u32 $0x1800, s23;
	s22 =	sand.u32 $0x380, s29;
	v13 =	vmul.f32 v13, v14;
	[tilespmem:s24+$0x2460] =	vst v18;
	v0 =	vor.u32 v15, v0;
	v15 =	vmul.f32 v17, v10  }
0x33e: {  	s22 =	sor.u32 s22, s25;
	[tilespmem:s24+$0x2450] =	vst v0;
	v0 =	vmul.f32 v16, v12;
	v2 =	vadd.s32 $0x8000, v2;
	v3 =	vadd.s32 $0x8000, v3  }
0x33f: {  	v16 =	vadd.f32 v19, v20;
	v17 =	vld [tilespmem:s22+$0xA400];
	v2 =	vshrl.u32 v2, $0x10;
	v3 =	vand.u32 $0xFFFF0000, v3  }
0x340: {  	v1 =	vshll.u32 v8, $0x10;
	v0 =	vadd.f32 v0, v15;
	v15 =	vld [tilespmem:s24+$0x6410];
	v2 =	vor.u32 v3, v2  }
0x341: {  	v8 =	vand.u32 $0xFFFF0000, v8;
	v3 =	vld [tilespmem:s22+$0xA410];
	[tilespmem:s24+$0x2440] =	vst v2;
	v2 =	vadd.f32 v13, v16;
	v16 =	vand.u32 $0xFFFF0000, v23  }
0x342: {  	v11 =	vshll.u32 v5, $0x10;
	v8 =	vmul.f32 v8, v10;
	v16 =	vmul.f32 v16, v12  }
0x343: {  	v5 =	vand.u32 $0xFFFF0000, v5;
	v1 =	vmul.f32 v1, v10;
	v9 =	vmul.f32 v9, v14;
	v27 =	vld [tilespmem:s22+$0x2870]  }
0x344: {  	v5 =	vmul.f32 v5, v10;
	v6 =	vmul.f32 v6, v14;
	v24 =	vld [tilespmem:s22+$0x2860];
	v8 =	vadd.f32 v16, v8  }
0x345: {  	v7 =	vmul.f32 v7, v14;
	v18 =	vshll.u32 v23, $0x10;
	v0 =	vadd.f32 v9, v0;
	v9 =	vld [tilespmem:s22+$0xA420]  }
0x346: {  	v13 =	vmul.f32 v18, v12;
	v18 =	vld [tilespmem:s22+$0xA430];
	v6 =	vadd.f32 v6, v8;
	v8 =	vand.u32 $0xFFFF0000, v15  }
0x347: {  	v19 =	vld [tilespmem:s22+$0xA440];
	v2 =	vadd.s32 $0x8000, v2;
	v0 =	vadd.s32 $0x8000, v0;
	v8 =	vmul.f32 v8, v12  }
0x348: {  	v1 =	vadd.f32 v13, v1;
	v13 =	vld [tilespmem:s22+$0xA450];
	v2 =	vshrl.u32 v2, $0x10;
	v0 =	vand.u32 $0xFFFF0000, v0  }
0x349: {  	v0 =	vor.u32 v0, v2;
	v5 =	vadd.f32 v8, v5;
	v8 =	vld [tilespmem:$0x1FB80]  }
0x34a: {  	v11 =	vmul.f32 v11, v10;
	v16 =	vshll.u32 v15, $0x10;
	v2 =	vld [tilespmem:s22+$0xA460];
	[tilespmem:s24+$0x2430] =	vst v0;
	v0 =	vadd.f32 v7, v1  }
0x34b: {  	v4 =	vmul.f32 v4, v14;
	v1 =	vmul.f32 v16, v12;
	v7 =	vld [tilespmem:s22+$0xA470]  }
0x34c: {  	v10 =	vld [tilespmem:s22+$0xA800];
	v15 =	vshll.u32 v19, $0x10;
	v0 =	vadd.s32 $0x8000, v0;
	v6 =	vadd.s32 $0x8000, v6  }
0x34d: {  	v12 =	vld [tilespmem:s22+$0xA810];
	[tilespmem:$0x1FB90] =	vst v15;
	v15 =	vand.u32 $0xFFFF0000, v19;
	v0 =	vshrl.u32 v0, $0x10;
	v6 =	vand.u32 $0xFFFF0000, v6  }
0x34e: {  	v1 =	vadd.f32 v1, v11;
	v11 =	vld [tilespmem:s22+$0xA820];
	[tilespmem:$0x1FBA0] =	vst v15;
	v0 =	vor.u32 v6, v0;
	v8 =	vmul.f32 v8, v14  }
0x34f: {  	v15 =	vshll.u32 v13, $0x10;
	v6 =	vld [tilespmem:s22+$0xA830];
	[tilespmem:s24+$0x2420] =	vst v0  }
0x350: {  	v13 =	vand.u32 $0xFFFF0000, v13;
	v0 =	vadd.f32 v4, v1;
	v4 =	vld [tilespmem:s22+$0xA840];
	v1 =	vadd.f32 v8, v5  }
0x351: {  	[tilespmem:$0x1FBC0] =	vst v13;
	v13 =	vld [tilespmem:s22+$0x2450]  }
0x352: {  	v0 =	vadd.s32 $0x8000, v0;
	v14 =	vld [tilespmem:s22+$0xA870];
	v1 =	vadd.s32 $0x8000, v1  }
0x353: {  	v0 =	vshrl.u32 v0, $0x10;
	v5 =	vld [tilespmem:s22+$0xA850];
	v1 =	vand.u32 $0xFFFF0000, v1  }
0x354: {  	[tilespmem:$0x1FBB0] =	vst v15;
	v8 =	vld [tilespmem:s22+$0xA860];
	v0 =	vor.u32 v1, v0  }
0x355: {  	v15 =	vshll.u32 v2, $0x10;
	v1 =	vld [tilespmem:s22+$0x6400];
	[tilespmem:s24+$0x2410] =	vst v0  }
0x356: {  	v2 =	vand.u32 $0xFFFF0000, v2;
	[tilespmem:$0x1FBD0] =	vst v15;
	v0 =	vld [tilespmem:s22+$0x2410]  }
0x357: {  	[tilespmem:$0x1FBE0] =	vst v2;
	v2 =	vshll.u32 v7, $0x10;
	v47 =	vshll.u32 v11, $0x10;
	v46 =	vand.u32 $0xFFFF0000, v11;
	v11 =	vld [tilespmem:s22+$0x2470]  }
0x358: {  	v7 =	vand.u32 $0xFFFF0000, v7;
	[tilespmem:$0x1FBF0] =	vst v2;
	v2 =	vld [tilespmem:s22+$0x6450]  }
0x359: {  	v38 =	vshll.u32 v18, $0x10;
	v37 =	vand.u32 $0xFFFF0000, v18;
	[tilespmem:$0x1FC00] =	vst v7;
	v7 =	vshll.u32 v10, $0x10;
	v16 =	vld [tilespmem:s22+$0x6410]  }
0x35a: {  	[tilespmem:$0x1FC10] =	vst v7;
	v7 =	vand.u32 $0xFFFF0000, v10;
	v10 =	vld [tilespmem:s22+$0x2460];
	v53 =	vshll.u32 v6, $0x10;
	v52 =	vand.u32 $0xFFFF0000, v6  }
0x35b: {  	[tilespmem:$0x1FC20] =	vst v7;
	v20 =	vld [tilespmem:s22+$0x2420];
	v18 =	vshll.u32 v1, $0x10;
	v15 =	vand.u32 $0xFFFF0000, v1;
	v1 =	vshll.u32 v0, $0x10  }
0x35c: {  	v7 =	vshll.u32 v8, $0x10;
	v6 =	vand.u32 $0xFFFF0000, v8;
	v8 =	vld [tilespmem:s22+$0x2800];
	v0 =	vand.u32 $0xFFFF0000, v0;
	[tilespmem:$0x1FC30] =	vst v1  }
0x35d: {  	v21 =	vld [tilespmem:s22+$0x6420];
	v39 =	vshll.u32 v2, $0x10;
	v2 =	vand.u32 $0xFFFF0000, v2;
	[tilespmem:$0x1FC40] =	vst v0  }
0x35e: {  	v63 =	vshll.u32 v17, $0x10;
	v62 =	vand.u32 $0xFFFF0000, v17;
	v17 =	vld [tilespmem:s22+$0x2430];
	v1 =	vshll.u32 v16, $0x10;
	[tilespmem:$0x1FD50] =	vst v2  }
0x35f: {  	v34 =	vshll.u32 v3, $0x10;
	v33 =	vand.u32 $0xFFFF0000, v3;
	v3 =	vld [tilespmem:s22+$0x6430];
	[tilespmem:$0x1FC50] =	vst v1;
	v1 =	vand.u32 $0xFFFF0000, v16  }
0x360: {  	v36 =	vshll.u32 v9, $0x10;
	v35 =	vand.u32 $0xFFFF0000, v9;
	v9 =	vld [tilespmem:s22+$0x2440];
	v16 =	vand.u32 $0xFFFF0000, v20;
	[tilespmem:$0x1FC60] =	vst v1  }
0x361: {  	v22 =	vld [tilespmem:s22+$0x6440];
	v1 =	vshll.u32 v20, $0x10;
	[tilespmem:$0x1FC80] =	vst v16  }
0x362: {  	v41 =	vshll.u32 v12, $0x10;
	v40 =	vand.u32 $0xFFFF0000, v12;
	v12 =	vld [tilespmem:s22+$0x6460];
	v16 =	vshll.u32 v21, $0x10;
	[tilespmem:$0x1FC70] =	vst v1  }
0x363: {  	v59 =	vshll.u32 v4, $0x10;
	v23 =	vld [tilespmem:s22+$0x6470];
	v20 =	vshll.u32 v17, $0x10;
	[tilespmem:$0x1FC90] =	vst v16  }
0x364: {  	v58 =	vand.u32 $0xFFFF0000, v4;
	v50 =	vshll.u32 v11, $0x10;
	v0 =	vld [tilespmem:s22+$0x6800];
	v17 =	vand.u32 $0xFFFF0000, v17;
	[tilespmem:$0x1FCB0] =	vst v20  }
0x365: {  	v48 =	vand.u32 $0xFFFF0000, v11;
	v19 =	vshll.u32 v14, $0x10;
	v1 =	vld [tilespmem:s22+$0x2810];
	v16 =	vand.u32 $0xFFFF0000, v21;
	[tilespmem:$0x1FCC0] =	vst v17  }
0x366: {  	v14 =	vand.u32 $0xFFFF0000, v14;
	v45 =	vshll.u32 v10, $0x10;
	v17 =	vshll.u32 v3, $0x10;
	v20 =	vld [tilespmem:s22+$0x2830];
	[tilespmem:$0x1FCA0] =	vst v16  }
0x367: {  	v42 =	vand.u32 $0xFFFF0000, v10;
	v4 =	vshll.u32 v5, $0x10;
	v3 =	vand.u32 $0xFFFF0000, v3;
	v21 =	vld [tilespmem:s22+$0x6830];
	[tilespmem:$0x1FCD0] =	vst v17  }
0x368: {  	v5 =	vand.u32 $0xFFFF0000, v5;
	v56 =	vshll.u32 v8, $0x10;
	v16 =	vld [tilespmem:s22+$0x6810];
	[tilespmem:$0x1FCE0] =	vst v3;
	v3 =	vshll.u32 v9, $0x10  }
0x369: {  	v55 =	vand.u32 $0xFFFF0000, v8;
	v44 =	vshll.u32 v12, $0x10;
	v17 =	vld [tilespmem:s22+$0x2820];
	[tilespmem:$0x1FCF0] =	vst v3;
	v3 =	vand.u32 $0xFFFF0000, v9  }
0x36a: {  	v60 =	vld [tilespmem:s22+$0x6840];
	v43 =	vand.u32 $0xFFFF0000, v12;
	v51 =	vshll.u32 v23, $0x10;
	[tilespmem:$0x1FD00] =	vst v3;
	v3 =	vshll.u32 v22, $0x10  }
0x36b: {  	v49 =	vand.u32 $0xFFFF0000, v23;
	v9 =	vld [tilespmem:s22+$0x6820];
	v57 =	vshll.u32 v0, $0x10;
	[tilespmem:$0x1FD10] =	vst v3;
	v3 =	vand.u32 $0xFFFF0000, v22  }
0x36c: {  	v54 =	vand.u32 $0xFFFF0000, v0;
	v22 =	vld [tilespmem:s22+$0x2840];
	[tilespmem:$0x1FD20] =	vst v3;
	v3 =	vshll.u32 v13, $0x10;
	v0 =	vand.u32 $0xFFFF0000, v1  }
0x36d: {  	v61 =	vld [tilespmem:s22+$0x6850];
	v12 =	vand.u32 $0xFFFF0000, v21;
	[tilespmem:$0x1FD30] =	vst v3;
	v3 =	vand.u32 $0xFFFF0000, v13;
	v2 =	vand.u32 $0xFFFF0000, v16  }
0x36e: {  	v23 =	vld [tilespmem:s22+$0x2850];
	v10 =	vshll.u32 v17, $0x10;
	v8 =	vand.u32 $0xFFFF0000, v17;
	v13 =	vand.u32 $0xFFFF0000, v20  }
0x36f: {  	v26 =	vld [tilespmem:s22+$0x6870];
	v17 =	vshll.u32 v21, $0x10;
	[tilespmem:$0x1FD40] =	vst v3;
	v3 =	vshll.u32 v1, $0x10;
	v1 =	vshll.u32 v16, $0x10  }
0x370: {  	s24 =	simm.s32 $0xD480;
	v25 =	vld [tilespmem:s22+$0x2400];
	v11 =	vshll.u32 v9, $0x10;
	v9 =	vand.u32 $0xFFFF0000, v9;
	v16 =	vshll.u32 v20, $0x10  }
0x371: {  	s25 =	simm.s32 $0x100;
	v28 =	vld [tilespmem:s24+$0x0];
	v21 =	vshll.u32 v22, $0x10;
	v20 =	vand.u32 $0xFFFF0000, v22;
	v22 =	vshll.u32 v60, $0x10  }
.LBB2_7:
0x372: {  	_ = 	snop  }
0x373: {  	[tilespmem:$0x1FB50] =	vst v35;
	v29 =	vand.u32 $0xFFFF0000, v60;
	v30 =	vshll.u32 v23, $0x10;
	v23 =	vand.u32 $0xFFFF0000, v23  }
0x374: {  	[tilespmem:$0x1FB60] =	vst v34;
	v31 =	vshll.u32 v61, $0x10;
	v32 =	vand.u32 $0xFFFF0000, v61;
	v61 =	vshll.u32 v24, $0x10  }
0x375: {  	[tilespmem:$0x1FB70] =	vst v33;
	s21 =	sadd.s32 $0x80, s21;
	v33 =	vld [tilespmem:s22+$0x6860];
	v24 =	vand.u32 $0xFFFF0000, v24;
	v34 =	vshll.u32 v26, $0x10;
	v35 =	vshll.u32 v25, $0x10  }
0x376: {  	v60 =	vld [tilespmem:s21+$0x0];
	v25 =	vand.u32 $0xFFFF0000, v25;
	v16 =	vmul.f32 v16, v28;
	v10 =	vmul.f32 v10, v28  }
0x377: {  	[tilespmem:$0x1FB40] =	vst v36;
	v36 =	vshll.u32 v27, $0x10;
	v8 =	vmul.f32 v8, v28;
	v3 =	vmul.f32 v3, v28  }
0x378: {  	[tilespmem:$0x1FB30] =	vst v37;
	v37 =	vsub.f32 $1.000000000e+00, v28;
	v35 =	vmul.f32 v35, v28;
	v25 =	vmul.f32 v25, v28  }
0x379: {  	[tilespmem:$0x1FB20] =	vst v38;
	v27 =	vand.u32 $0xFFFF0000, v27;
	v38 =	vmul.f32 v61, v28;
	v24 =	vmul.f32 v24, v28  }
0x37a: {  	v26 =	vand.u32 $0xFFFF0000, v26;
	v36 =	vmul.f32 v36, v28;
	v27 =	vmul.f32 v27, v28  }
0x37b: {  	v61 =	vsub.f32 v37, v60;
	v34 =	vmul.f32 v34, v60;
	v37 =	vshll.u32 v33, $0x10  }
0x37c: {  	v26 =	vmul.f32 v26, v60;
	v18 =	vmul.f32 v18, v60;
	v33 =	vand.u32 $0xFFFF0000, v33  }
0x37d: {  	v15 =	vmul.f32 v15, v60;
	v19 =	vmul.f32 v19, v61;
	v34 =	vadd.f32 v34, v36  }
0x37e: {  	v26 =	vadd.f32 v26, v27;
	v14 =	vmul.f32 v14, v61;
	v18 =	vadd.f32 v18, v35  }
0x37f: {  	v27 =	vmul.f32 v63, v61;
	v63 =	vmul.f32 v62, v61;
	v15 =	vadd.f32 v15, v25  }
0x380: {  	v25 =	vmul.f32 v37, v60;
	v7 =	vmul.f32 v7, v61;
	v19 =	vadd.f32 v19, v34  }
0x381: {  	v6 =	vmul.f32 v6, v61;
	v14 =	vadd.f32 v14, v26;
	v18 =	vadd.f32 v27, v18  }
0x382: {  	v26 =	vmul.f32 v33, v60;
	v15 =	vadd.f32 v63, v15;
	v25 =	vadd.f32 v25, v38  }
0x383: {  	v19 =	vadd.s32 $0x8000, v19;
	v14 =	vadd.s32 $0x8000, v14;
	v18 =	vadd.s32 $0x8000, v18  }
0x384: {  	v15 =	vadd.s32 $0x8000, v15;
	v19 =	vshrl.u32 v19, $0x10;
	v14 =	vand.u32 $0xFFFF0000, v14  }
0x385: {  	v7 =	vadd.f32 v7, v25;
	v14 =	vor.u32 v14, v19;
	v19 =	vadd.f32 v26, v24  }
0x386: {  	v18 =	vshrl.u32 v18, $0x10;
	[tilespmem:s22+$0x2870] =	vst v14;
	v14 =	vand.u32 $0xFFFF0000, v15;
	v15 =	vmul.f32 v30, v28  }
0x387: {  	v14 =	vor.u32 v14, v18;
	v18 =	vmul.f32 v31, v60;
	v6 =	vadd.f32 v6, v19  }
0x388: {  	v4 =	vmul.f32 v4, v61;
	v7 =	vadd.s32 $0x8000, v7;
	[tilespmem:s22+$0x2400] =	vst v14;
	v14 =	vmul.f32 v23, v28  }
0x389: {  	v15 =	vadd.f32 v18, v15;
	v18 =	vmul.f32 v32, v60;
	v6 =	vadd.s32 $0x8000, v6  }
0x38a: {  	v5 =	vmul.f32 v5, v61;
	v7 =	vshrl.u32 v7, $0x10;
	v6 =	vand.u32 $0xFFFF0000, v6  }
0x38b: {  	v14 =	vadd.f32 v18, v14;
	v18 =	vmul.f32 v21, v28;
	v4 =	vadd.f32 v4, v15  }
0x38c: {  	v6 =	vor.u32 v6, v7;
	v7 =	vmul.f32 v22, v60;
	v15 =	vmul.f32 v20, v28  }
0x38d: {  	v5 =	vadd.f32 v5, v14;
	v14 =	vmul.f32 v29, v60;
	v4 =	vadd.s32 $0x8000, v4  }
0x38e: {  	[tilespmem:s22+$0x2860] =	vst v6;
	v6 =	vmul.f32 v59, v61;
	v7 =	vadd.f32 v7, v18;
	v4 =	vshrl.u32 v4, $0x10  }
0x38f: {  	v5 =	vadd.s32 $0x8000, v5;
	v14 =	vadd.f32 v14, v15;
	v15 =	vmul.f32 v58, v61  }
0x390: {  	v6 =	vadd.f32 v6, v7;
	v7 =	vmul.f32 v13, v28;
	v5 =	vand.u32 $0xFFFF0000, v5  }
0x391: {  	v4 =	vor.u32 v5, v4;
	v5 =	vmul.f32 v17, v60;
	v13 =	vadd.f32 v15, v14  }
0x392: {  	v0 =	vmul.f32 v0, v28;
	v12 =	vmul.f32 v12, v60;
	v6 =	vadd.s32 $0x8000, v6  }
0x393: {  	[tilespmem:s22+$0x2850] =	vst v4;
	v4 =	vmul.f32 v53, v61;
	v5 =	vadd.f32 v5, v16;
	v13 =	vadd.s32 $0x8000, v13  }
0x394: {  	v9 =	vmul.f32 v9, v60;
	v6 =	vshrl.u32 v6, $0x10;
	v13 =	vand.u32 $0xFFFF0000, v13  }
0x395: {  	v4 =	vadd.f32 v4, v5;
	v5 =	vor.u32 v13, v6;
	v6 =	vmul.f32 v11, v60  }
0x396: {  	v1 =	vmul.f32 v1, v60;
	v2 =	vmul.f32 v2, v60;
	v8 =	vadd.f32 v9, v8  }
0x397: {  	v9 =	vmul.f32 v46, v61;
	[tilespmem:s22+$0x2840] =	vst v5;
	v5 =	vmul.f32 v47, v61;
	v6 =	vadd.f32 v6, v10  }
0x398: {  	v1 =	vadd.f32 v1, v3;
	v7 =	vadd.f32 v12, v7;
	v12 =	vmul.f32 v52, v61  }
0x399: {  	v5 =	vadd.f32 v5, v6;
	v6 =	vadd.f32 v9, v8  }
0x39a: {  	v0 =	vadd.f32 v2, v0;
	v7 =	vadd.f32 v12, v7  }
0x39b: {  	v2 =	vmul.f32 v40, v61;
	v5 =	vadd.s32 $0x8000, v5;
	v3 =	vadd.s32 $0x8000, v6  }
0x39c: {  	v7 =	vadd.s32 $0x8000, v7;
	v5 =	vshrl.u32 v5, $0x10;
	v3 =	vand.u32 $0xFFFF0000, v3  }
0x39d: {  	v7 =	vand.u32 $0xFFFF0000, v7;
	v4 =	vadd.s32 $0x8000, v4;
	v3 =	vor.u32 v3, v5  }
0x39e: {  	v4 =	vshrl.u32 v4, $0x10;
	v5 =	vmul.f32 v55, v28;
	[tilespmem:s22+$0x2820] =	vst v3;
	v3 =	vmul.f32 v54, v60  }
0x39f: {  	v0 =	vadd.f32 v2, v0;
	v2 =	vld [tilespmem:$0x1FC10];
	v4 =	vor.u32 v7, v4  }
0x3a0: {  	[tilespmem:s22+$0x2830] =	vst v4;
	v4 =	vmul.f32 v41, v61;
	v3 =	vadd.f32 v3, v5;
	v5 =	vld [tilespmem:$0x1FC20];
	_ =	sdelay $0x1  }
0x3a1: {  	v6 =	vmul.f32 v56, v28;
	v1 =	vadd.f32 v4, v1;
	v4 =	vmul.f32 v57, v60  }
0x3a2: {  	v0 =	vadd.s32 $0x8000, v0  }
0x3a3: {  	v2 =	vmul.f32 v2, v61;
	v1 =	vadd.s32 $0x8000, v1;
	v4 =	vadd.f32 v4, v6  }
0x3a4: {  	v0 =	vand.u32 $0xFFFF0000, v0;
	v1 =	vshrl.u32 v1, $0x10;
	v5 =	vmul.f32 v5, v61  }
0x3a5: {  	v2 =	vadd.f32 v2, v4;
	v0 =	vor.u32 v0, v1  }
0x3a6: {  	v4 =	vmul.f32 v48, v28;
	v3 =	vadd.f32 v5, v3;
	v5 =	vmul.f32 v49, v60  }
0x3a7: {  	[tilespmem:s22+$0x2810] =	vst v0;
	v0 =	vld [tilespmem:$0x1FBF0]  }
0x3a8: {  	v4 =	vadd.f32 v5, v4;
	v5 =	vld [tilespmem:$0x1FC00];
	_ =	sdelay $0x1  }
0x3a9: {  	v6 =	vmul.f32 v50, v28;
	v1 =	vmul.f32 v51, v60  }
0x3aa: {  	v2 =	vadd.s32 $0x8000, v2  }
0x3ab: {  	v1 =	vadd.f32 v1, v6;
	v0 =	vmul.f32 v0, v61;
	v3 =	vadd.s32 $0x8000, v3  }
0x3ac: {  	v2 =	vshrl.u32 v2, $0x10;
	v3 =	vand.u32 $0xFFFF0000, v3;
	v5 =	vmul.f32 v5, v61  }
0x3ad: {  	v0 =	vadd.f32 v0, v1;
	v1 =	vor.u32 v3, v2  }
0x3ae: {  	v3 =	vmul.f32 v42, v28;
	v4 =	vadd.f32 v5, v4;
	v5 =	vmul.f32 v43, v60;
	_ =	sdelay $0x1  }
0x3af: {  	v3 =	vadd.f32 v5, v3;
	v5 =	vld [tilespmem:$0x1FBE0];
	_ =	sdelay $0x3  }
0x3b0: {  	v0 =	vadd.s32 $0x8000, v0;
	v4 =	vadd.s32 $0x8000, v4  }
0x3b1: {  	v0 =	vshrl.u32 v0, $0x10;
	v4 =	vand.u32 $0xFFFF0000, v4;
	v5 =	vmul.f32 v5, v61  }
0x3b2: {  	v0 =	vor.u32 v4, v0;
	v4 =	vld [tilespmem:$0x1FD40]  }
0x3b3: {  	v3 =	vadd.f32 v5, v3;
	v5 =	vld [tilespmem:$0x1FD50];
	_ =	sdelay $0x1  }
0x3b4: {  	[tilespmem:s22+$0x2800] =	vst v1;
	v1 =	vld [tilespmem:$0x1FBD0];
	_ =	sdelay $0x1  }
0x3b5: {  	v6 =	vmul.f32 v45, v28;
	v2 =	vmul.f32 v44, v60  }
0x3b6: {  	v4 =	vmul.f32 v4, v28;
	v5 =	vmul.f32 v5, v60;
	_ =	sdelay $0x1  }
0x3b7: {  	v2 =	vadd.f32 v2, v6;
	v1 =	vmul.f32 v1, v61;
	v4 =	vadd.f32 v5, v4;
	v5 =	vld [tilespmem:$0x1FBC0];
	_ =	sdelay $0x1  }
0x3b8: {  	v1 =	vadd.f32 v1, v2;
	_ =	sdelay $0x1  }
0x3b9: {  	v1 =	vadd.s32 $0x8000, v1;
	v3 =	vadd.s32 $0x8000, v3  }
0x3ba: {  	v6 =	vld [tilespmem:$0x1FD30];
	v1 =	vshrl.u32 v1, $0x10;
	v3 =	vand.u32 $0xFFFF0000, v3;
	v5 =	vmul.f32 v5, v61  }
0x3bb: {  	v1 =	vor.u32 v3, v1;
	v3 =	vld [tilespmem:$0x1FD00]  }
0x3bc: {  	v4 =	vadd.f32 v5, v4;
	v5 =	vld [tilespmem:$0x1FD20];
	_ =	sdelay $0x1  }
0x3bd: {  	[tilespmem:s22+$0x2470] =	vst v0;
	v0 =	vld [tilespmem:$0x1FBB0];
	_ =	sdelay $0x1  }
0x3be: {  	v6 =	vmul.f32 v6, v28;
	v2 =	vmul.f32 v39, v60  }
0x3bf: {  	v3 =	vmul.f32 v3, v28;
	v5 =	vmul.f32 v5, v60;
	_ =	sdelay $0x1  }
0x3c0: {  	v2 =	vadd.f32 v2, v6;
	v0 =	vmul.f32 v0, v61;
	v3 =	vadd.f32 v5, v3;
	v5 =	vld [tilespmem:$0x1FBA0];
	_ =	sdelay $0x1  }
0x3c1: {  	v8 =	vld [tilespmem:$0x1FC80];
	v0 =	vadd.f32 v0, v2  }
0x3c2: {  	v9 =	vld [tilespmem:$0x1FCA0]  }
0x3c3: {  	v6 =	vld [tilespmem:$0x1FCF0];
	v0 =	vadd.s32 $0x8000, v0;
	v4 =	vadd.s32 $0x8000, v4  }
0x3c4: {  	v2 =	vld [tilespmem:$0x1FD10];
	v0 =	vshrl.u32 v0, $0x10;
	v4 =	vand.u32 $0xFFFF0000, v4;
	v5 =	vmul.f32 v5, v61  }
0x3c5: {  	v0 =	vor.u32 v4, v0;
	v4 =	vld [tilespmem:$0x1FCC0]  }
0x3c6: {  	v3 =	vadd.f32 v5, v3;
	v5 =	vld [tilespmem:$0x1FCE0]  }
0x3c7: {  	[tilespmem:s22+$0x2460] =	vst v1;
	v1 =	vld [tilespmem:$0x1FB90];
	_ =	sdelay $0x1  }
0x3c8: {  	v8 =	vmul.f32 v8, v28  }
0x3c9: {  	v14 =	vld [tilespmem:$0x1FC60];
	v6 =	vmul.f32 v6, v28;
	v2 =	vmul.f32 v2, v60  }
0x3ca: {  	v13 =	vld [tilespmem:$0x1FC40];
	v4 =	vmul.f32 v4, v28;
	v5 =	vmul.f32 v5, v60  }
0x3cb: {  	v7 =	vld [tilespmem:$0x1FC70];
	v9 =	vmul.f32 v9, v60;
	v1 =	vmul.f32 v1, v61;
	v2 =	vadd.f32 v2, v6  }
0x3cc: {  	v4 =	vadd.f32 v5, v4;
	v5 =	vld [tilespmem:$0x1FB30]  }
0x3cd: {  	v8 =	vadd.f32 v9, v8;
	v9 =	vld [tilespmem:$0x1FB50];
	v1 =	vadd.f32 v1, v2  }
0x3ce: {  	v6 =	vld [tilespmem:$0x1FCB0]  }
0x3cf: {  	v2 =	vld [tilespmem:$0x1FCD0];
	v1 =	vadd.s32 $0x8000, v1;
	v3 =	vadd.s32 $0x8000, v3  }
0x3d0: {  	v1 =	vshrl.u32 v1, $0x10;
	[tilespmem:s22+$0x2450] =	vst v0;
	v0 =	vld [tilespmem:$0x1FB20];
	v3 =	vand.u32 $0xFFFF0000, v3  }
0x3d1: {  	v1 =	vor.u32 v3, v1;
	v3 =	vld [tilespmem:$0x1FC90];
	v5 =	vmul.f32 v5, v61  }
0x3d2: {  	v14 =	vmul.f32 v14, v60  }
0x3d3: {  	v13 =	vmul.f32 v13, v28;
	v9 =	vmul.f32 v9, v61;
	v4 =	vadd.f32 v5, v4;
	v5 =	vld [tilespmem:$0x1FB40]  }
0x3d4: {  	s23 =	sadd.s32 $0x100, s23;
	v12 =	vld [tilespmem:$0x1FC30];
	v6 =	vmul.f32 v6, v28;
	v2 =	vmul.f32 v2, v60  }
0x3d5: {  	s28 =	sand.u32 $0x380, s25;
	s26 =	sand.u32 $0x1800, s23;
	v13 =	vadd.f32 v14, v13;
	v14 =	vld [tilespmem:$0x1FB70];
	v7 =	vmul.f32 v7, v28;
	v8 =	vadd.f32 v9, v8  }
0x3d6: {  	s26 =	sor.u32 s28, s26;
	v9 =	vld [tilespmem:$0x1FB60];
	v2 =	vadd.f32 v2, v6;
	v0 =	vmul.f32 v0, v61;
	v3 =	vmul.f32 v3, v60  }
0x3d7: {  	v6 =	vld [tilespmem:s26+$0xA400]  }
0x3d8: {  	v0 =	vadd.f32 v0, v2;
	v2 =	vld [tilespmem:s26+$0xA410];
	[tilespmem:s22+$0x2440] =	vst v1;
	v3 =	vadd.f32 v3, v7;
	v5 =	vmul.f32 v5, v61  }
0x3d9: {  	v1 =	vld [tilespmem:s26+$0xA420]  }
0x3da: {  	v3 =	vadd.f32 v5, v3;
	v5 =	vld [tilespmem:$0x1FC50]  }
0x3db: {  	v0 =	vadd.s32 $0x8000, v0;
	v10 =	vld [tilespmem:s26+$0xA430];
	v4 =	vadd.s32 $0x8000, v4  }
0x3dc: {  	v0 =	vshrl.u32 v0, $0x10;
	v11 =	vld [tilespmem:s26+$0xA450];
	v4 =	vand.u32 $0xFFFF0000, v4  }
0x3dd: {  	v7 =	vld [tilespmem:s26+$0xA440];
	v0 =	vor.u32 v4, v0  }
0x3de: {  	v4 =	vld [tilespmem:s26+$0xA460];
	[tilespmem:s22+$0x2430] =	vst v0  }
0x3df: {  	v12 =	vmul.f32 v12, v28;
	v8 =	vadd.s32 $0x8000, v8;
	v0 =	vld [tilespmem:s26+$0xA470];
	v5 =	vmul.f32 v5, v60  }
0x3e0: {  	v14 =	vmul.f32 v14, v61;
	v8 =	vand.u32 $0xFFFF0000, v8;
	v15 =	vld [tilespmem:s26+$0xA800];
	v3 =	vadd.s32 $0x8000, v3  }
0x3e1: {  	v9 =	vmul.f32 v9, v61;
	v16 =	vld [tilespmem:s26+$0xA820];
	v3 =	vshrl.u32 v3, $0x10;
	v5 =	vadd.f32 v5, v12  }
0x3e2: {  	v3 =	vor.u32 v8, v3;
	v8 =	vld [tilespmem:s26+$0xA830]  }
0x3e3: {  	v12 =	vld [tilespmem:s26+$0xA810];
	[tilespmem:s22+$0x2420] =	vst v3;
	v5 =	vadd.f32 v9, v5;
	v9 =	vadd.f32 v14, v13  }
0x3e4: {  	v3 =	vld [tilespmem:s26+$0xA840]  }
0x3e5: {  	v17 =	vld [tilespmem:s26+$0xA870];
	v5 =	vadd.s32 $0x8000, v5;
	v9 =	vadd.s32 $0x8000, v9  }
0x3e6: {  	v13 =	vld [tilespmem:s26+$0xA850];
	v5 =	vshrl.u32 v5, $0x10;
	v9 =	vand.u32 $0xFFFF0000, v9  }
0x3e7: {  	v14 =	vld [tilespmem:s26+$0xA860];
	v5 =	vor.u32 v9, v5  }
0x3e8: {  	v9 =	vld [tilespmem:s26+$0x6400];
	[tilespmem:s22+$0x2410] =	vst v5;
	s22 =	smov.u32 s26;
	v5 =	vshll.u32 v7, $0x10  }
0x3e9: {  	v20 =	vld [tilespmem:s22+$0x2410];
	[tilespmem:$0x1FB90] =	vst v5;
	v5 =	vand.u32 $0xFFFF0000, v7  }
0x3ea: {  	v63 =	vshll.u32 v6, $0x10;
	v62 =	vand.u32 $0xFFFF0000, v6;
	v21 =	vld [tilespmem:s22+$0x6410];
	[tilespmem:$0x1FBA0] =	vst v5;
	v5 =	vshll.u32 v11, $0x10  }
0x3eb: {  	v34 =	vshll.u32 v2, $0x10;
	v33 =	vand.u32 $0xFFFF0000, v2;
	v22 =	vld [tilespmem:s22+$0x2420];
	[tilespmem:$0x1FBB0] =	vst v5;
	v5 =	vand.u32 $0xFFFF0000, v11  }
0x3ec: {  	v36 =	vshll.u32 v1, $0x10;
	v35 =	vand.u32 $0xFFFF0000, v1;
	v23 =	vld [tilespmem:s22+$0x6420];
	[tilespmem:$0x1FBC0] =	vst v5;
	v5 =	vshll.u32 v4, $0x10  }
0x3ed: {  	v38 =	vshll.u32 v10, $0x10;
	v37 =	vand.u32 $0xFFFF0000, v10;
	v24 =	vld [tilespmem:s22+$0x2430];
	v4 =	vand.u32 $0xFFFF0000, v4;
	[tilespmem:$0x1FBD0] =	vst v5  }
0x3ee: {  	v47 =	vshll.u32 v16, $0x10;
	v46 =	vand.u32 $0xFFFF0000, v16;
	v1 =	vld [tilespmem:s22+$0x6430];
	[tilespmem:$0x1FBE0] =	vst v4;
	v4 =	vshll.u32 v0, $0x10  }
0x3ef: {  	v53 =	vshll.u32 v8, $0x10;
	v52 =	vand.u32 $0xFFFF0000, v8;
	v2 =	vld [tilespmem:s22+$0x2440];
	v0 =	vand.u32 $0xFFFF0000, v0;
	[tilespmem:$0x1FBF0] =	vst v4  }
0x3f0: {  	v41 =	vshll.u32 v12, $0x10;
	v40 =	vand.u32 $0xFFFF0000, v12;
	v10 =	vld [tilespmem:s22+$0x6440];
	[tilespmem:$0x1FC00] =	vst v0;
	v0 =	vshll.u32 v15, $0x10  }
0x3f1: {  	v19 =	vshll.u32 v17, $0x10;
	v6 =	vand.u32 $0xFFFF0000, v14;
	v25 =	vld [tilespmem:s22+$0x6450];
	v16 =	vshll.u32 v21, $0x10;
	[tilespmem:$0x1FC10] =	vst v0  }
0x3f2: {  	v12 =	vld [tilespmem:s22+$0x6460];
	v7 =	vshll.u32 v14, $0x10;
	v14 =	vand.u32 $0xFFFF0000, v17;
	v17 =	vand.u32 $0xFFFF0000, v22;
	[tilespmem:$0x1FC50] =	vst v16  }
0x3f3: {  	v59 =	vshll.u32 v3, $0x10;
	v58 =	vand.u32 $0xFFFF0000, v3;
	v8 =	vld [tilespmem:s22+$0x2470];
	v0 =	vand.u32 $0xFFFF0000, v15;
	[tilespmem:$0x1FC80] =	vst v17  }
0x3f4: {  	v3 =	vld [tilespmem:s22+$0x6470];
	v18 =	vshll.u32 v9, $0x10;
	v15 =	vand.u32 $0xFFFF0000, v9;
	v9 =	vshll.u32 v20, $0x10;
	[tilespmem:$0x1FC20] =	vst v0  }
0x3f5: {  	v27 =	vld [tilespmem:s22+$0x6830];
	v16 =	vand.u32 $0xFFFF0000, v21;
	[tilespmem:$0x1FC30] =	vst v9  }
0x3f6: {  	v29 =	vld [tilespmem:s22+$0x2840];
	v17 =	vshll.u32 v23, $0x10;
	[tilespmem:$0x1FC60] =	vst v16  }
0x3f7: {  	v60 =	vld [tilespmem:s22+$0x6840];
	v9 =	vand.u32 $0xFFFF0000, v20;
	[tilespmem:$0x1FC90] =	vst v17  }
0x3f8: {  	v5 =	vand.u32 $0xFFFF0000, v13;
	v4 =	vshll.u32 v13, $0x10;
	v13 =	vld [tilespmem:s22+$0x2800];
	v16 =	vshll.u32 v22, $0x10;
	[tilespmem:$0x1FC40] =	vst v9  }
0x3f9: {  	v21 =	vld [tilespmem:s22+$0x6820];
	v17 =	vand.u32 $0xFFFF0000, v23;
	[tilespmem:$0x1FC70] =	vst v16  }
0x3fa: {  	v0 =	vld [tilespmem:s22+$0x2460];
	v20 =	vshll.u32 v24, $0x10;
	[tilespmem:$0x1FCA0] =	vst v17  }
0x3fb: {  	v39 =	vshll.u32 v25, $0x10;
	v22 =	vld [tilespmem:s22+$0x2830];
	[tilespmem:$0x1FCB0] =	vst v20;
	v20 =	vand.u32 $0xFFFF0000, v24  }
0x3fc: {  	v44 =	vshll.u32 v12, $0x10;
	v43 =	vand.u32 $0xFFFF0000, v12;
	v9 =	vld [tilespmem:s22+$0x6800];
	[tilespmem:$0x1FCC0] =	vst v20;
	v20 =	vshll.u32 v1, $0x10  }
0x3fd: {  	v50 =	vshll.u32 v8, $0x10;
	v48 =	vand.u32 $0xFFFF0000, v8;
	v16 =	vld [tilespmem:s22+$0x2810];
	v1 =	vand.u32 $0xFFFF0000, v1;
	[tilespmem:$0x1FCD0] =	vst v20  }
0x3fe: {  	v51 =	vshll.u32 v3, $0x10;
	v49 =	vand.u32 $0xFFFF0000, v3;
	v17 =	vld [tilespmem:s22+$0x6810];
	[tilespmem:$0x1FCE0] =	vst v1;
	v1 =	vshll.u32 v2, $0x10  }
0x3ff: {  	v11 =	vld [tilespmem:s22+$0x2450];
	v12 =	vand.u32 $0xFFFF0000, v27;
	v56 =	vshll.u32 v13, $0x10;
	[tilespmem:$0x1FCF0] =	vst v1;
	v1 =	vand.u32 $0xFFFF0000, v2  }
0x400: {  	v20 =	vld [tilespmem:s22+$0x2820];
	v55 =	vand.u32 $0xFFFF0000, v13;
	[tilespmem:$0x1FD00] =	vst v1;
	v1 =	vshll.u32 v10, $0x10;
	v45 =	vshll.u32 v0, $0x10  }
0x401: {  	v61 =	vld [tilespmem:s22+$0x6850];
	v42 =	vand.u32 $0xFFFF0000, v0;
	v13 =	vand.u32 $0xFFFF0000, v22;
	[tilespmem:$0x1FD10] =	vst v1;
	v1 =	vand.u32 $0xFFFF0000, v10  }
0x402: {  	p0 =	sne.s32 s25, $0xF80;
	s24 =	sadd.s32 $0x80, s24;
	v26 =	vld [tilespmem:s22+$0x6870];
	v57 =	vshll.u32 v9, $0x10;
	v54 =	vand.u32 $0xFFFF0000, v9;
	v3 =	vshll.u32 v16, $0x10  }
.Ltmp2:
0x403: {  	v28 =	vld [tilespmem:s24+$0x0];
	v0 =	vand.u32 $0xFFFF0000, v16;
	v2 =	vand.u32 $0xFFFF0000, v17;
	v9 =	vand.u32 $0xFFFF0000, v21;
	(pc) =	sbr.rel @p0 .LBB2_7-.Ltmp2, $4  }
0x404: {  	v23 =	vld [tilespmem:s22+$0x2850];
	v16 =	vshll.u32 v22, $0x10;
	v22 =	vshll.u32 v60, $0x10;
	[tilespmem:$0x1FD20] =	vst v1;
	v1 =	vshll.u32 v11, $0x10  }
0x405: {  	v24 =	vld [tilespmem:s22+$0x2860];
	[tilespmem:$0x1FD30] =	vst v1;
	v1 =	vand.u32 $0xFFFF0000, v11;
	v10 =	vshll.u32 v20, $0x10;
	v8 =	vand.u32 $0xFFFF0000, v20  }
0x406: {  	v11 =	vshll.u32 v21, $0x10;
	v21 =	vshll.u32 v29, $0x10;
	[tilespmem:$0x1FD40] =	vst v1;
	v1 =	vand.u32 $0xFFFF0000, v25;
	v25 =	vld [tilespmem:s22+$0x2400]  }
0x407: {  	s25 =	sadd.s32 $0x80, s25;
	v20 =	vand.u32 $0xFFFF0000, v29;
	[tilespmem:$0x1FD50] =	vst v1;
	v1 =	vshll.u32 v17, $0x10;
	v17 =	vshll.u32 v27, $0x10;
	v27 =	vld [tilespmem:s22+$0x2870]  }
0x408: {  	s21 =	sadd.s32 $0x80, s21  }
0x409: {  	v31 =	vld [tilespmem:s21+$0x0];
	_ =	sdelay $0x1  }
0x40a: {  	v29 =	vshll.u32 v26, $0x10;
	v32 =	vand.u32 $0xFFFF0000, v26;
	v21 =	vmul.f32 v21, v28  }
0x40b: {  	v26 =	vsub.f32 $1.000000000e+00, v28;
	v20 =	vmul.f32 v20, v28;
	v16 =	vmul.f32 v16, v28  }
0x40c: {  	v13 =	vmul.f32 v13, v28;
	v10 =	vmul.f32 v10, v28;
	v30 =	vshll.u32 v27, $0x10  }
0x40d: {  	[tilespmem:$0x1FAF0] =	vst v32;
	v32 =	vshll.u32 v25, $0x10;
	v30 =	vmul.f32 v30, v28;
	v29 =	vmul.f32 v29, v31  }
0x40e: {  	v8 =	vmul.f32 v8, v28;
	v32 =	vmul.f32 v32, v28;
	v26 =	vsub.f32 v26, v31  }
0x40f: {  	v3 =	vmul.f32 v3, v28;
	v0 =	vmul.f32 v0, v28;
	v29 =	vadd.f32 v29, v30;
	v30 =	vld [tilespmem:$0x1FAF0]  }
0x410: {  	v19 =	vmul.f32 v19, v26;
	v14 =	vmul.f32 v14, v26  }
0x411: {  	v63 =	vmul.f32 v63, v26;
	v7 =	vmul.f32 v7, v26  }
0x412: {  	[tilespmem:$0x1FB00] =	vst v32;
	v32 =	vmov v31;
	v6 =	vmul.f32 v6, v26;
	v4 =	vmul.f32 v4, v26  }
0x413: {  	v27 =	vand.u32 $0xFFFF0000, v27;
	v5 =	vmul.f32 v5, v26;
	v18 =	vmul.f32 v18, v32  }
0x414: {  	[tilespmem:$0x1FB10] =	vst v29;
	v29 =	vmul.f32 v27, v28;
	v27 =	vand.u32 $0xFFFF0000, v25;
	v25 =	vmovc v32;
	v31 =	vmul.f32 v30, v31  }
0x415: {  	v27 =	vmul.f32 v27, v28;
	v15 =	vmul.f32 v15, v25  }
0x416: {  	v22 =	vmul.f32 v22, v25;
	v17 =	vmul.f32 v17, v25;
	v32 =	vadd.f32 v31, v29;
	v29 =	vld [tilespmem:$0x1FB00]  }
0x417: {  	v12 =	vmul.f32 v12, v25;
	v11 =	vmul.f32 v11, v25  }
0x418: {  	v9 =	vmul.f32 v9, v25;
	v1 =	vmul.f32 v1, v25;
	v30 =	vld [tilespmem:s22+$0x6860];
	v15 =	vadd.f32 v15, v27  }
0x419: {  	v2 =	vmul.f32 v2, v25;
	v16 =	vadd.f32 v17, v16;
	v12 =	vadd.f32 v12, v13  }
0x41a: {  	v27 =	vmul.f32 v62, v26;
	v10 =	vadd.f32 v11, v10;
	v8 =	vadd.f32 v9, v8  }
0x41b: {  	v1 =	vadd.f32 v1, v3;
	v31 =	vshll.u32 v23, $0x10;
	v18 =	vadd.f32 v18, v29;
	v29 =	vld [tilespmem:$0x1FB10]  }
0x41c: {  	v0 =	vadd.f32 v2, v0;
	v23 =	vand.u32 $0xFFFF0000, v23;
	v31 =	vmul.f32 v31, v28  }
0x41d: {  	v14 =	vadd.f32 v14, v32;
	v62 =	vshll.u32 v30, $0x10;
	v30 =	vand.u32 $0xFFFF0000, v30  }
0x41e: {  	v15 =	vadd.f32 v27, v15;
	v23 =	vmul.f32 v23, v28;
	v27 =	vmul.f32 v30, v25  }
0x41f: {  	v14 =	vadd.s32 $0x8000, v14;
	v18 =	vadd.f32 v63, v18;
	v63 =	vand.u32 $0xFFFF0000, v24  }
0x420: {  	v19 =	vadd.f32 v19, v29;
	v29 =	vshll.u32 v24, $0x10;
	v24 =	vmul.f32 v63, v28  }
0x421: {  	v62 =	vmul.f32 v62, v25;
	v14 =	vand.u32 $0xFFFF0000, v14;
	v32 =	vmul.f32 v29, v28  }
0x422: {  	v63 =	vand.u32 $0xFFFF0000, v61;
	v24 =	vadd.f32 v27, v24;
	v27 =	vmovc v26;
	v26 =	vmul.f32 v42, v28  }
0x423: {  	v32 =	vadd.f32 v62, v32;
	v62 =	vshll.u32 v61, $0x10;
	v61 =	vmul.f32 v63, v25  }
0x424: {  	v59 =	vmul.f32 v59, v27;
	v29 =	vmul.f32 v62, v25;
	v62 =	vand.u32 $0xFFFF0000, v60  }
0x425: {  	v6 =	vadd.f32 v6, v24;
	v60 =	vmul.f32 v58, v27;
	v58 =	vmul.f32 v50, v28  }
0x426: {  	v42 =	vld [tilespmem:$0x1FD30];
	v7 =	vadd.f32 v7, v32;
	v23 =	vadd.f32 v61, v23;
	v63 =	vmul.f32 v62, v25  }
0x427: {  	v32 =	vadd.s32 $0x8000, v19;
	v29 =	vadd.f32 v29, v31;
	v31 =	vadd.f32 v22, v21  }
0x428: {  	v21 =	vmul.f32 v53, v27;
	v22 =	vmul.f32 v52, v27;
	v6 =	vadd.s32 $0x8000, v6  }
0x429: {  	v23 =	vadd.f32 v5, v23;
	v20 =	vadd.f32 v63, v20;
	v63 =	vadd.s32 $0x8000, v18  }
0x42a: {  	v7 =	vadd.s32 $0x8000, v7;
	v18 =	vmul.f32 v47, v27;
	v47 =	vmul.f32 v54, v25  }
0x42b: {  	v6 =	vand.u32 $0xFFFF0000, v6;
	v19 =	vmul.f32 v42, v28;
	v42 =	vmul.f32 v36, v27  }
0x42c: {  	v30 =	vadd.f32 v4, v29;
	v4 =	vshrl.u32 v32, $0x10;
	v61 =	vadd.f32 v59, v31  }
0x42d: {  	v5 =	vshrl.u32 v63, $0x10;
	v24 =	vadd.f32 v21, v16;
	v31 =	vmul.f32 v41, v27  }
0x42e: {  	v12 =	vadd.f32 v22, v12;
	v32 =	vmul.f32 v40, v27;
	v40 =	vmul.f32 v56, v28  }
0x42f: {  	v7 =	vshrl.u32 v7, $0x10;
	v41 =	vmul.f32 v57, v25;
	v59 =	vmul.f32 v51, v25  }
0x430: {  	v4 =	vor.u32 v14, v4;
	v62 =	vadd.f32 v60, v20;
	v20 =	vadd.s32 $0x8000, v15  }
0x431: {  	v6 =	vor.u32 v6, v7;
	v21 =	vadd.f32 v18, v10;
	v60 =	vmul.f32 v48, v28  }
0x432: {  	v13 =	vand.u32 $0xFFFF0000, v20;
	v20 =	vmul.f32 v46, v27;
	v29 =	vadd.s32 $0x8000, v30  }
0x433: {  	v30 =	vadd.s32 $0x8000, v23;
	v46 =	vmul.f32 v55, v28;
	v1 =	vadd.f32 v31, v1  }
0x434: {  	v0 =	vadd.f32 v32, v0;
	v52 =	vadd.f32 v41, v40;
	v54 =	vadd.s32 $0x8000, v61  }
0x435: {  	v61 =	vmul.f32 v49, v25;
	v23 =	vmul.f32 v45, v28;
	v12 =	vadd.s32 $0x8000, v12  }
0x436: {  	v5 =	vor.u32 v13, v5;
	v2 =	vshrl.u32 v29, $0x10;
	v3 =	vand.u32 $0xFFFF0000, v30  }
0x437: {  	v56 =	vld [tilespmem:$0x1FC10];
	v55 =	vadd.s32 $0x8000, v62;
	v10 =	vshrl.u32 v54, $0x10;
	v62 =	vadd.f32 v59, v58  }
0x438: {  	v57 =	vld [tilespmem:$0x1FC20];
	v13 =	vadd.s32 $0x8000, v24;
	v24 =	vmul.f32 v44, v25;
	v29 =	vmul.f32 v43, v25  }
0x439: {  	v50 =	vld [tilespmem:$0x1FCF0];
	v12 =	vand.u32 $0xFFFF0000, v12;
	v7 =	vadd.s32 $0x8000, v21;
	v43 =	vmul.f32 v39, v25  }
0x43a: {  	v51 =	vld [tilespmem:$0x1FD10];
	v8 =	vadd.f32 v20, v8;
	v2 =	vor.u32 v3, v2;
	v53 =	vadd.f32 v47, v46  }
0x43b: {  	v22 =	vld [tilespmem:$0x1FBF0];
	v11 =	vand.u32 $0xFFFF0000, v55;
	v63 =	vadd.f32 v61, v60;
	v13 =	vshrl.u32 v13, $0x10  }
0x43c: {  	v32 =	vld [tilespmem:$0x1FC00];
	v7 =	vshrl.u32 v7, $0x10;
	v1 =	vadd.s32 $0x8000, v1;
	v0 =	vadd.s32 $0x8000, v0  }
0x43d: {  	v40 =	vld [tilespmem:$0x1FBD0];
	v14 =	vmul.f32 v56, v27;
	v15 =	vmul.f32 v57, v27;
	v10 =	vor.u32 v11, v10  }
0x43e: {  	v41 =	vld [tilespmem:$0x1FBE0];
	v12 =	vor.u32 v12, v13;
	v30 =	vadd.f32 v24, v23;
	v31 =	vadd.f32 v29, v26  }
0x43f: {  	v48 =	vld [tilespmem:$0x1FBB0];
	v46 =	vadd.f32 v43, v19;
	v19 =	vmul.f32 v50, v28;
	v20 =	vmul.f32 v51, v25  }
0x440: {  	v49 =	vld [tilespmem:$0x1FD50];
	v1 =	vshrl.u32 v1, $0x10;
	v0 =	vand.u32 $0xFFFF0000, v0;
	v29 =	vmul.f32 v38, v27  }
0x441: {  	v47 =	vld [tilespmem:$0x1FD40];
	v51 =	vmul.f32 v35, v27;
	v8 =	vadd.s32 $0x8000, v8;
	v0 =	vor.u32 v0, v1  }
0x442: {  	v56 =	vld [tilespmem:$0x1FB90];
	v9 =	vadd.f32 v15, v53;
	v15 =	vmul.f32 v22, v27;
	v16 =	vmul.f32 v32, v27  }
0x443: {  	v57 =	vld [tilespmem:$0x1FD20];
	v3 =	vadd.f32 v14, v52;
	v17 =	vmul.f32 v40, v27;
	v18 =	vmul.f32 v41, v27  }
0x444: {  	v54 =	vld [tilespmem:$0x1FBC0];
	v8 =	vand.u32 $0xFFFF0000, v8;
	v53 =	vadd.f32 v20, v19;
	v11 =	vadd.f32 v15, v62  }
0x445: {  	v55 =	vld [tilespmem:$0x1FD00];
	v7 =	vor.u32 v8, v7;
	v44 =	vadd.f32 v16, v63;
	v13 =	vadd.f32 v17, v30  }
0x446: {  	v59 =	vld [tilespmem:$0x1FBA0];
	v45 =	vadd.f32 v18, v31;
	v16 =	vmul.f32 v47, v28;
	v17 =	vmul.f32 v48, v27  }
0x447: {  	v39 =	vld [tilespmem:$0x1FC80];
	v18 =	vmul.f32 v49, v25;
	v3 =	vadd.s32 $0x8000, v3;
	v30 =	vmul.f32 v37, v27  }
0x448: {  	v61 =	vld [tilespmem:$0x1FCD0];
	v9 =	vadd.s32 $0x8000, v9;
	v19 =	vmul.f32 v56, v27;
	v20 =	vmul.f32 v57, v25  }
0x449: {  	v41 =	vld [tilespmem:$0x1FC40];
	v3 =	vshrl.u32 v3, $0x10;
	v9 =	vand.u32 $0xFFFF0000, v9;
	v16 =	vadd.f32 v18, v16  }
0x44a: {  	v60 =	vld [tilespmem:$0x1FCB0];
	v52 =	vadd.f32 v17, v46;
	v17 =	vmul.f32 v54, v27;
	v18 =	vmul.f32 v55, v28  }
0x44b: {  	v32 =	vld [tilespmem:$0x1FC90];
	v3 =	vor.u32 v9, v3;
	v11 =	vadd.s32 $0x8000, v11;
	v8 =	vadd.s32 $0x8000, v44  }
0x44c: {  	v62 =	vld [tilespmem:$0x1FCC0];
	v13 =	vadd.s32 $0x8000, v13;
	v14 =	vadd.s32 $0x8000, v45;
	v15 =	vadd.f32 v19, v53  }
0x44d: {  	v63 =	vld [tilespmem:$0x1FCE0];
	v11 =	vshrl.u32 v11, $0x10;
	v19 =	vmul.f32 v61, v25;
	v8 =	vand.u32 $0xFFFF0000, v8  }
0x44e: {  	[tilespmem:s22+$0x2400] =	vst v5;
	v40 =	vld [tilespmem:$0x1FC30];
	v13 =	vshrl.u32 v13, $0x10;
	v14 =	vand.u32 $0xFFFF0000, v14;
	v5 =	vmul.f32 v41, v28  }
0x44f: {  	v31 =	vld [tilespmem:$0x1FC70];
	v53 =	vmul.f32 v33, v27;
	v16 =	vadd.f32 v17, v16;
	v58 =	vadd.f32 v20, v18  }
0x450: {  	v44 =	vld [tilespmem:$0x1FCA0];
	v17 =	vmul.f32 v59, v27;
	v18 =	vmul.f32 v60, v28;
	v8 =	vor.u32 v8, v11  }
0x451: {  	v46 =	vld [tilespmem:$0x1FC60];
	v13 =	vor.u32 v14, v13;
	v1 =	vadd.s32 $0x8000, v52;
	v52 =	vmul.f32 v34, v27  }
0x452: {  	v20 =	vmul.f32 v62, v28;
	v21 =	vmul.f32 v63, v25;
	v1 =	vshrl.u32 v1, $0x10  }
0x453: {  	v45 =	vld [tilespmem:$0x1FC50];
	v49 =	vadd.s32 $0x8000, v15;
	v9 =	vadd.f32 v17, v58;
	v24 =	vadd.f32 v19, v18  }
0x454: {  	[tilespmem:s22+$0x2870] =	vst v4;
	v17 =	vmul.f32 v39, v28;
	v18 =	vmul.f32 v40, v28;
	v43 =	vadd.s32 $0x8000, v16  }
0x455: {  	[tilespmem:s22+$0x2860] =	vst v6;
	v26 =	vadd.f32 v21, v20;
	v20 =	vmul.f32 v31, v28;
	v21 =	vmul.f32 v32, v25  }
0x456: {  	[tilespmem:s22+$0x2850] =	vst v2;
	v16 =	vmul.f32 v44, v25;
	v2 =	vmul.f32 v46, v25;
	v6 =	vand.u32 $0xFFFF0000, v43  }
0x457: {  	[tilespmem:s22+$0x2840] =	vst v10;
	v11 =	vadd.f32 v29, v24;
	v1 =	vor.u32 v6, v1;
	v50 =	vadd.s32 $0x8000, v9  }
0x458: {  	[tilespmem:s22+$0x2830] =	vst v12;
	v38 =	vadd.f32 v21, v20;
	v20 =	vmul.f32 v45, v25;
	v47 =	vadd.f32 v16, v17  }
0x459: {  	[tilespmem:s22+$0x2820] =	vst v7;
	v2 =	vadd.f32 v2, v5;
	v5 =	vshrl.u32 v49, $0x10;
	v7 =	vand.u32 $0xFFFF0000, v50  }
0x45a: {  	[tilespmem:s22+$0x2810] =	vst v0;
	v37 =	vadd.f32 v30, v26;
	v54 =	vor.u32 v7, v5;
	v4 =	vadd.f32 v42, v38  }
0x45b: {  	[tilespmem:s22+$0x2800] =	vst v3;
	v57 =	vadd.s32 $0x8000, v11;
	v48 =	vadd.f32 v20, v18;
	v55 =	vadd.f32 v51, v47  }
0x45c: {  	[tilespmem:s22+$0x2470] =	vst v8;
	v0 =	vadd.f32 v53, v2;
	v58 =	vadd.s32 $0x8000, v37;
	v2 =	vshrl.u32 v57, $0x10  }
0x45d: {  	[tilespmem:s22+$0x2460] =	vst v13;
	v7 =	vand.u32 $0xFFFF0000, v58;
	v56 =	vadd.f32 v52, v48;
	v4 =	vadd.s32 $0x8000, v4  }
0x45e: {  	[tilespmem:s22+$0x2450] =	vst v1;
	v59 =	vor.u32 v7, v2;
	v60 =	vadd.s32 $0x8000, v55;
	v0 =	vadd.s32 $0x8000, v0  }
0x45f: {  	[tilespmem:s22+$0x2440] =	vst v54;
	v4 =	vshrl.u32 v4, $0x10;
	v2 =	vand.u32 $0xFFFF0000, v60;
	v61 =	vadd.s32 $0x8000, v56  }
0x460: {  	s13 =	sadd.s32 $0x1, s13;
	[tilespmem:s22+$0x2430] =	vst v59;
	v0 =	vand.u32 $0xFFFF0000, v0;
	v62 =	vor.u32 v2, v4;
	v63 =	vshrl.u32 v61, $0x10  }
0x461: {  	s17 =	sshll.u32 s17, $0x5;
	p0 =	sne.s32 s13, $0x20;
	[tilespmem:s22+$0x2420] =	vst v62;
	v0 =	vor.u32 v0, v63  }
.Ltmp3:
0x462: {  	s17 =	sadd.s32 s9, s17;
	[tilespmem:s22+$0x2410] =	vst v0;
	(pc) =	sbr.rel @p0 .LBB2_2-.Ltmp3, $4  }
0x463: {  	[hbm4b:s17+s3] =	stream.linear.scatter [tilespmem:s14], [sflag:$0x3], $0x2000, $0x38;
	[tilespmem:$0x10400] =	vst v63  }
0x464: {  	_ =	swait.ge [sflag:s19], $0x2000  }
0x465: {  	[sflag:s19] =	ssyncset.done $0x0  }
0x466: {  	[sflag:s19] =	ssyncadd.s32 $0xFFFFE000  }
0x467: {  	s17 =	rddreg [dreg:$0xa]  }
0x468: {  	s13 =	rddreg [dreg:$0x9];
	s17 =	sadd.s32 $0x1, s17  }
0x469: {  	p0 =	sne.s32 s17, s13  }
.Ltmp4:
0x46a: {  	_ = 	snop;
	(pc) =	sbr.rel @p0 .LBB2_1-.Ltmp4, $1  }
0x46b: {  	_ =	sdelay $0x3  }
0x46c: {  	_ =	sfence.sel $0x180000  }
0x46d: {  	[bflag:$0x0] =	sbarrier.arrive $0xFFFF  }
0x46e: {  	_ =	strace $0x90000047  }
0x46f: {  	s0 =	stileid.u32;
	[bflag:$0x2] =	sbarrier.arrive $0xFFFF  }
0x470: {  	p0 =	sne.s32 s0, $0x0;
	s0 =	rddreg [dreg:$0x2]  }
0x471: {  	s0 =	sadd.s32 @!p0 $0x100000, s0  }
0x472: {  	[sflag:s0] =	ssyncadd.tile.s32 @!p0 $0x1;
	_ =	shalt  }
.Lfunc_end2:
_tile_overlayer_lowered:
.L_overlay_start_2:
0x473: {  	(tag) =	ssettag $0x2  }
0x474: {  	s0 =	rddreg [dreg:$0x0];
	s2 =	stileid.u32  }
0x475: {  	s1 =	rddreg [dreg:$0x1];
	p0 =	sne.s32 s2, $0x0  }
0x476: {  	s3 =	rddreg [dreg:$0x2];
	[bflag:$0x3] =	sbarrier.arrive $0xFFFF;
	s2 =	simm.s32 @!p0 $0x1C03  }
0x477: {  	[timem:s3], [sflag:s2] =	dma.local @!p0 [hbm:s0], s1  }
0x478: {  	s0 =	simm.s32 @!p0 $0x3  }
0x479: {  	_ =	swait.ge @!p0 [sflag:s0], s1  }
0x47a: {  	s1 =	ssub.s32 @!p0 $0x0, s1;
	[sflag:s0] =	ssyncset.done @!p0 $0x0  }
0x47b: {  	[sflag:s0] =	ssyncadd.s32 @!p0 s1  }
0x47c: {  	[bflag:$0x3] =	sbarrier.arrive $0xFFFF  }
0x47d: {  	_ =	shalt  }

</sc_bundles>
